<compile_context>
chip_gen: v7x
topology: tpu7x:2x2x1
jax: 0.10.2.dev20260603
libtpu: 0.0.44.dev20260713+nightly
codegen_flags: <defaults>
</compile_context>

<pallas_src>
import jax
import jax.numpy as jnp
from jax import lax
from jax.experimental import pallas as pl
from jax.experimental.pallas import tpu as pltpu
from jax.experimental.pallas import tpu_sc as plsc

N = 10000
NP = 10240
E = 160000
NC = 2
NS = 16
CHUNK = 128
K1 = 80
K2 = 40
G = 8
EP = NS * K1 * CHUNK
ZROWS = NP // NS

_mesh = plsc.VectorSubcoreMesh(core_axis_name="c", subcore_axis_name="s",
                               num_cores=NC, num_subcores=NS)


def _sc_pass1_body(xs, gidx4, dsti2, z128, ones128, agg_out, deg_out,
                   acc, idx_v, dst_v, rows_a, rows_b,
                   sem0, sem1, sem2, sem3):
    c = lax.axis_index("c")
    s = lax.axis_index("s")
    w = c * NS + s
    pltpu.sync_copy(z128, acc.at[pl.ds(s * ZROWS, ZROWS)])
    pltpu.sync_copy(ones128, rows_a)
    plsc.subcore_barrier()

    def dgroup(gi, carry):
        pltpu.sync_copy(dsti2.at[w, pl.ds(gi * G, G)], dst_v)
        descs = [pltpu.async_copy(rows_a, acc.at[dst_v.at[j]], sem0,
                                  add=True) for j in range(G)]
        for d in descs:
            d.wait()
        return carry

    lax.fori_loop(0, K2 // G, dgroup, 0)
    plsc.subcore_barrier()
    pltpu.sync_copy(acc.at[pl.ds(s * ZROWS, ZROWS)],
                    deg_out.at[pl.ds(c * NP + s * ZROWS, ZROWS)])
    pltpu.sync_copy(z128, acc.at[pl.ds(s * ZROWS, ZROWS)])
    plsc.subcore_barrier()

    bufs = (rows_a, rows_b)
    sems = (sem0, sem1, sem2, sem3)
    for half in range(2):
        r = 2 * s + half

        def group(gi, carry, r=r):
            pltpu.sync_copy(gidx4.at[c, r, pl.ds(gi * G, G)], idx_v)
            pltpu.sync_copy(dsti2.at[r, pl.ds(gi * G, G)], dst_v)

            def fire(j, p):
                return [pltpu.async_copy(xs.at[idx_v.at[j, pl.ds(h * 64, 64)]],
                                         bufs[p].at[pl.ds(h * 64, 64)],
                                         sems[2 * p + h]) for h in range(2)]

            d = [fire(0, 0), None]
            for j in range(G):
                p = j % 2
                if j + 1 < G:
                    d[1 - p] = fire(j + 1, 1 - p)
                d[p][0].wait()
                d[p][1].wait()
                pltpu.sync_copy(bufs[p], acc.at[dst_v.at[j]], add=True)
            return carry

        lax.fori_loop(0, K2 // G, group, 0)
    plsc.subcore_barrier()
    pltpu.sync_copy(acc.at[pl.ds(s * ZROWS, ZROWS)],
                    agg_out.at[pl.ds(c * NP + s * ZROWS, ZROWS)])


def _sc_pass2_body(qs, gidx2, dsti2, z128, agg_out,
                   acc, idx_v, dst_v, rows_a, rows_b,
                   sem0, sem1, sem2, sem3):
    c = lax.axis_index("c")
    s = lax.axis_index("s")
    w = c * NS + s
    pltpu.sync_copy(z128, acc.at[pl.ds(s * ZROWS, ZROWS)])
    plsc.subcore_barrier()
    bufs = (rows_a, rows_b)
    sems = (sem0, sem1, sem2, sem3)

    def group(gi, carry):
        pltpu.sync_copy(gidx2.at[w, pl.ds(gi * G, G)], idx_v)
        pltpu.sync_copy(dsti2.at[w, pl.ds(gi * G, G)], dst_v)

        def fire(j, p):
            return [pltpu.async_copy(qs.at[idx_v.at[j, pl.ds(h * 64, 64)]],
                                     bufs[p].at[pl.ds(h * 64, 64)],
                                     sems[2 * p + h]) for h in range(2)]

        d = [fire(0, 0), None]
        for j in range(G):
            p = j % 2
            if j + 1 < G:
                d[1 - p] = fire(j + 1, 1 - p)
            d[p][0].wait()
            d[p][1].wait()
            pltpu.sync_copy(bufs[p], acc.at[dst_v.at[j]], add=True)
        return carry

    lax.fori_loop(0, K2 // G, group, 0)
    plsc.subcore_barrier()
    pltpu.sync_copy(acc.at[pl.ds(s * ZROWS, ZROWS)],
                    agg_out.at[pl.ds(c * NP + s * ZROWS, ZROWS)])


_sc_pass1 = pl.kernel(
    _sc_pass1_body,
    out_type=[jax.ShapeDtypeStruct((NC * NP, 128), jnp.float32),
              jax.ShapeDtypeStruct((NC * NP, 128), jnp.float32)],
    mesh=_mesh,
    scratch_types=[
        pltpu.VMEM_SHARED((NP, 128), jnp.float32),
        pltpu.VMEM((G, CHUNK), jnp.int32),
        pltpu.VMEM((G, CHUNK), jnp.int32),
        pltpu.VMEM((CHUNK, 128), jnp.float32),
        pltpu.VMEM((CHUNK, 128), jnp.float32),
        pltpu.SemaphoreType.DMA,
        pltpu.SemaphoreType.DMA,
        pltpu.SemaphoreType.DMA,
        pltpu.SemaphoreType.DMA,
    ],
)

_sc_pass2 = pl.kernel(
    _sc_pass2_body,
    out_type=jax.ShapeDtypeStruct((NC * NP, 128), jnp.float32),
    mesh=_mesh,
    scratch_types=[
        pltpu.VMEM_SHARED((NP, 128), jnp.float32),
        pltpu.VMEM((G, CHUNK), jnp.int32),
        pltpu.VMEM((G, CHUNK), jnp.int32),
        pltpu.VMEM((CHUNK, 128), jnp.float32),
        pltpu.VMEM((CHUNK, 128), jnp.float32),
        pltpu.SemaphoreType.DMA,
        pltpu.SemaphoreType.DMA,
        pltpu.SemaphoreType.DMA,
        pltpu.SemaphoreType.DMA,
    ],
)


_RB = 1024


def _tc_pre_body(x, wr1, b1, wl2, wr2, wc, b2, bc,
                 r1_out, wl2c_out, wr2c_out, bc2_out):
    r1_out[...] = (jnp.dot(x[...], wr1[...], preferred_element_type=jnp.float32)
                   + b1[...])

    @pl.when(pl.program_id(0) == 0)
    def _():
        wl2c_out[...] = jnp.dot(wl2[...], wc[...],
                                preferred_element_type=jnp.float32)
        wr2c_out[...] = jnp.dot(wr2[...], wc[...],
                                preferred_element_type=jnp.float32)
        bc2_out[...] = (jnp.dot(b2[...], wc[...],
                                preferred_element_type=jnp.float32) + bc[...])


def _tc_mid_body(agg_a, agg_b, deg_a, deg_b, r1, wl1, wl2c, wr2c, bc2,
                 q2_out, r2_out):
    deg = (jnp.max(deg_a[...], axis=1, keepdims=True)
           + jnp.max(deg_b[...], axis=1, keepdims=True))
    inv = 1.0 / jnp.maximum(deg, 1.0)
    h = (jnp.dot(agg_a[...] * inv, wl1[0:128, :],
                 preferred_element_type=jnp.float32)
         + jnp.dot(agg_b[...] * inv, wl1[128:256, :],
                   preferred_element_type=jnp.float32)
         + r1[...])
    h = jnp.maximum(h, 0.0)
    q2_out[...] = jnp.dot(h, wl2c[...], preferred_element_type=jnp.float32)
    r2_out[...] = (jnp.dot(h, wr2c[...], preferred_element_type=jnp.float32)
                   + bc2[...])


def _tc_fin_body(aggq_a, aggq_b, deg_a, deg_b, r2, out):
    deg = (jnp.max(deg_a[...], axis=1, keepdims=True)
           + jnp.max(deg_b[...], axis=1, keepdims=True))
    inv = 1.0 / jnp.maximum(deg, 1.0)
    out[...] = (aggq_a[...] + aggq_b[...]) * inv + r2[...]


def _full(shape):
    return pl.BlockSpec(shape, lambda i: (0,) * len(shape))


def _rows(width, off=0):
    return pl.BlockSpec((_RB, width), lambda i, o=off: (i + o, 0))


def _tc_pre(x, wr1, b1, wl2, wr2, wc, b2, bc):
    return pl.pallas_call(
        _tc_pre_body,
        grid=(NP // _RB,),
        in_specs=[_rows(256), _full((256, 256)), _full((1, 256)),
                  _full((256, 256)), _full((256, 256)), _full((256, 128)),
                  _full((1, 256)), _full((1, 128))],
        out_specs=[_rows(256), _full((256, 128)), _full((256, 128)),
                   _full((1, 128))],
        out_shape=[jax.ShapeDtypeStruct((NP, 256), jnp.float32),
                   jax.ShapeDtypeStruct((256, 128), jnp.float32),
                   jax.ShapeDtypeStruct((256, 128), jnp.float32),
                   jax.ShapeDtypeStruct((1, 128), jnp.float32)],
    )(x, wr1, b1, wl2, wr2, wc, b2, bc)


def _tc_mid(agg, deg, r1, wl1, wl2c, wr2c, bc2):
    nb = NP // _RB
    return pl.pallas_call(
        _tc_mid_body,
        grid=(nb,),
        in_specs=[_rows(128), _rows(128, nb), _rows(128), _rows(128, nb),
                  _rows(256), _full((256, 256)), _full((256, 128)),
                  _full((256, 128)), _full((1, 128))],
        out_specs=[_rows(128), _rows(128)],
        out_shape=[jax.ShapeDtypeStruct((NP, 128), jnp.float32),
                   jax.ShapeDtypeStruct((NP, 128), jnp.float32)],
    )(agg, agg, deg, deg, r1, wl1, wl2c, wr2c, bc2)


def _tc_fin(aggq, deg, r2):
    nb = NP // _RB
    return pl.pallas_call(
        _tc_fin_body,
        grid=(nb,),
        in_specs=[_rows(128), _rows(128, nb), _rows(128), _rows(128, nb),
                  _rows(128)],
        out_specs=_rows(128),
        out_shape=jax.ShapeDtypeStruct((NP, 128), jnp.float32),
    )(aggq, aggq, deg, deg, r2)


@jax.jit
def kernel(x, edge_index, Wl1, b1, Wr1, Wl2, b2, Wr2, Wc, bc):
    src = edge_index[0].astype(jnp.int32)
    dst = edge_index[1].astype(jnp.int32)
    pad = EP - E
    src_p = jnp.concatenate([src, jnp.zeros((pad,), jnp.int32)])
    dst_p = jnp.concatenate([dst, jnp.full((pad,), N, jnp.int32)])
    g = src_p.reshape(NC * NS, K2, CHUNK) * 2
    gidx4 = jnp.stack([g, g + 1], axis=0)
    gidx2 = src_p.reshape(NC * NS, K2, CHUNK)
    dsti2 = dst_p.reshape(NC * NS, K2, CHUNK)

    z128 = jnp.zeros((ZROWS, 128), jnp.float32)
    ones128 = jnp.ones((CHUNK, 128), jnp.float32)

    xp = jnp.concatenate([x, jnp.zeros((NP - N, 256), jnp.float32)])
    xs = xp.reshape(NC * NP, 128)
    agg, deg = _sc_pass1(xs, gidx4, dsti2, z128, ones128)

    r1, wl2c, wr2c, bc2 = _tc_pre(xp, Wr1, b1.reshape(1, 256), Wl2, Wr2, Wc,
                                  b2.reshape(1, 256), bc.reshape(1, 128))

    q2, r2 = _tc_mid(agg, deg, r1, Wl1, wl2c, wr2c, bc2)

    aggq = _sc_pass2(q2, gidx2, dsti2, z128)

    return _tc_fin(aggq, deg, r2)[:N]

# --- scband reference (transcript-rebuilt; emitter-appended) ---
"""Pipeline reference for scband-graph-sagewrapper-54039278518559 (READ-ONLY COPY).

The authoritative reference and input builder live on the scoring server;
editing this copy changes nothing except your own understanding.
"""

import jax, jax.numpy as jnp
import numpy as np

N_NODES = 10000
N_EDGES = 160000
D_IN = 256
D_HID = 256
D_OUT = 128


def setup_inputs(seed: int = 0) -> dict:
    key = jax.random.key(seed)
    ks = jax.random.split(key, 12)
    x = jax.random.normal(ks[0], (N_NODES, D_IN), dtype=jnp.float32)
    edge_index = jax.random.randint(ks[1], (2, N_EDGES), 0, N_NODES, dtype=jnp.int64)
    s = 0.05
    Wl1 = jax.random.normal(ks[2], (D_IN, D_HID), dtype=jnp.float32) * s
    b1 = jax.random.normal(ks[3], (D_HID,), dtype=jnp.float32) * s
    Wr1 = jax.random.normal(ks[4], (D_IN, D_HID), dtype=jnp.float32) * s
    Wl2 = jax.random.normal(ks[5], (D_HID, D_HID), dtype=jnp.float32) * s
    b2 = jax.random.normal(ks[6], (D_HID,), dtype=jnp.float32) * s
    Wr2 = jax.random.normal(ks[7], (D_HID, D_HID), dtype=jnp.float32) * s
    Wc = jax.random.normal(ks[8], (D_HID, D_OUT), dtype=jnp.float32) * s
    bc = jax.random.normal(ks[9], (D_OUT,), dtype=jnp.float32) * s
    return {"x": x, "edge_index": edge_index, "Wl1": Wl1, "b1": b1, "Wr1": Wr1,
            "Wl2": Wl2, "b2": b2, "Wr2": Wr2, "Wc": Wc, "bc": bc}


def _sage_conv(x, src, dst, n_nodes, Wl, b, Wr):
    # PyG SAGEConv with aggr='mean': out = lin_l(mean_{j->i} x_j) + lin_r(x_i)
    msgs = x[src]
    agg = jax.ops.segment_sum(msgs, dst, num_segments=n_nodes)
    deg = jax.ops.segment_sum(jnp.ones((src.shape[0],), dtype=x.dtype), dst, num_segments=n_nodes)
    agg = agg / jnp.maximum(deg, 1.0)[:, None]
    return agg @ Wl + b + x @ Wr


def reference(x, edge_index, Wl1, b1, Wr1, Wl2, b2, Wr2, Wc, bc):
    src = edge_index[0]
    dst = edge_index[1]
    n = x.shape[0]
    # GraphSAGE (BasicGNN, jk=None): conv1 -> relu -> dropout -> conv2 (no act on last)
    h = _sage_conv(x, src, dst, n, Wl1, b1, Wr1)
    h = jax.nn.relu(h)
    # dropout p=0.0 -> identity
    h = _sage_conv(h, src, dst, n, Wl2, b2, Wr2)
    # wrapper dropout p=0.0 -> identity, then classifier
    out = h @ Wc + bc
    return out

if __name__ == "__main__":
    import jax
    _d = setup_inputs()
    print(jax.jit(kernel)(*tuple(_d.values())))

</pallas_src>

<mosaic_0001>
#map = affine_map<(d0, d1) -> (0, 0)>
#map1 = affine_map<(d0, d1) -> (0, 0, 0)>
module attributes {stable_mosaic.version = 14 : i64} {
  func.func @_sc_pass2_body(%arg0: i32, %arg1: i32, %arg2: memref<10240x128xf32, #tpu.memory_space<hbm>>, %arg3: memref<32x40x128xi32, #tpu.memory_space<hbm>>, %arg4: memref<32x40x128xi32, #tpu.memory_space<hbm>>, %arg5: memref<640x128xf32, #tpu.memory_space<hbm>>, %arg6: memref<20480x128xf32, #tpu.memory_space<hbm>>, %arg7: memref<10240x128xf32, #tpu.memory_space<vmem_shared>>, %arg8: memref<8x128xi32, #tpu.memory_space<vmem>>, %arg9: memref<8x128xi32, #tpu.memory_space<vmem>>, %arg10: memref<128x128xf32, #tpu.memory_space<vmem>>, %arg11: memref<128x128xf32, #tpu.memory_space<vmem>>, %arg12: memref<!tpu.dma_semaphore, #tpu.memory_space<semaphore_mem>>, %arg13: memref<!tpu.dma_semaphore, #tpu.memory_space<semaphore_mem>>, %arg14: memref<!tpu.dma_semaphore, #tpu.memory_space<semaphore_mem>>, %arg15: memref<!tpu.dma_semaphore, #tpu.memory_space<semaphore_mem>>) attributes {dimension_semantics = [#tpu.dimension_semantics<core_parallel>, #tpu.dimension_semantics<subcore_parallel>], iteration_bounds = array<i64: 2, 16>, scalar_prefetch = 0 : i64, scratch_operands = 9 : i64, tpu.core_type = #tpu.core_type<sc_vector_subcore>, window_params = [{transform_indices = #map}, {transform_indices = #map1}, {transform_indices = #map1}, {transform_indices = #map}, {transform_indices = #map}]} {
    %mul3A = arith.constant 16 : i32
    %mul3A_0 = arith.muli %arg0, %mul3A : i32
    %add3A = arith.addi %mul3A_0, %arg1 : i32
    %mul3A_1 = arith.constant 640 : i32
    %mul3A_2 = arith.muli %arg1, %mul3A_1 : i32
    "tpu.region"() ({
      %run_scoped3A = tpu.sem_alloc : memref<!tpu.dma_semaphore, #tpu.memory_space<semaphore_mem>>
      %dma_start3A = arith.constant 0 : i32
      %dma_start3A_16 = tpu.memref_slice %arg7[%mul3A_2, %dma_start3A] : memref<10240x128xf32, #tpu.memory_space<vmem_shared>> -> memref<640x128xf32, #tpu.memory_space<vmem_shared>>
      tpu.enqueue_dma source(%arg5 : memref<640x128xf32, #tpu.memory_space<hbm>>) target(%dma_start3A_16 : memref<640x128xf32, #tpu.memory_space<vmem_shared>>) target_semaphore(%run_scoped3A : memref<!tpu.dma_semaphore, #tpu.memory_space<semaphore_mem>>)
      %dma_wait3A = arith.constant 0 : i32
      %dma_wait3A_17 = tpu.memref_slice %arg7[%mul3A_2, %dma_wait3A] : memref<10240x128xf32, #tpu.memory_space<vmem_shared>> -> memref<640x128xf32, #tpu.memory_space<vmem_shared>>
      tpu.wait_dma2 semaphore(%run_scoped3A : memref<!tpu.dma_semaphore, #tpu.memory_space<semaphore_mem>>) src(%arg5 : memref<640x128xf32, #tpu.memory_space<hbm>>) dst(%dma_wait3A_17 : memref<640x128xf32, #tpu.memory_space<vmem_shared>>)
      tpu.yield
    }) : () -> ()
    %barrier3A = arith.constant 0 : index
    tpu.barrier barrier_id(%barrier3A)
    %scan3A = arith.constant 0 : i32
    %scan3A_3 = arith.constant 0 : i32
    %scan3A_4 = arith.constant 5 : i32
    %scan3A_5 = arith.addi %scan3A_3, %scan3A_4 : i32
    %scan3A_6 = arith.constant 1 : i32
    scf.for %scan3A_16 = %scan3A_3 to %scan3A_5 step %scan3A_6  : i32 {
      %mul3A_17 = arith.constant 8 : i32
      %mul3A_18 = arith.muli %scan3A_16, %mul3A_17 : i32
      "tpu.region"() ({
        %run_scoped3A_346 = tpu.sem_alloc : memref<!tpu.dma_semaphore, #tpu.memory_space<semaphore_mem>>
        %dma_start3A_347 = arith.constant 0 : i32
        %dma_start3A_348 = tpu.memref_slice %arg3[%add3A, %mul3A_18, %dma_start3A_347] : memref<32x40x128xi32, #tpu.memory_space<hbm>> -> memref<1x8x128xi32, #tpu.memory_space<hbm>>
        %dma_start3A_349 = tpu.memref_squeeze %dma_start3A_348 : memref<1x8x128xi32, #tpu.memory_space<hbm>> -> memref<8x128xi32, #tpu.memory_space<hbm>>
        %dma_start3A_350 = arith.constant 0 : i32
        %dma_start3A_351 = tpu.memref_slice %arg3[%add3A, %mul3A_18, %dma_start3A_350] : memref<32x40x128xi32, #tpu.memory_space<hbm>> -> memref<1x8x128xi32, #tpu.memory_space<hbm>>
        %dma_start3A_352 = tpu.memref_squeeze %dma_start3A_351 : memref<1x8x128xi32, #tpu.memory_space<hbm>> -> memref<8x128xi32, #tpu.memory_space<hbm>>
        tpu.enqueue_dma source(%dma_start3A_352 : memref<8x128xi32, #tpu.memory_space<hbm>>) target(%arg8 : memref<8x128xi32, #tpu.memory_space<vmem>>) target_semaphore(%run_scoped3A_346 : memref<!tpu.dma_semaphore, #tpu.memory_space<semaphore_mem>>)
        %dma_wait3A_353 = arith.constant 0 : i32
        %dma_wait3A_354 = tpu.memref_slice %arg3[%add3A, %mul3A_18, %dma_wait3A_353] : memref<32x40x128xi32, #tpu.memory_space<hbm>> -> memref<1x8x128xi32, #tpu.memory_space<hbm>>
        %dma_wait3A_355 = tpu.memref_squeeze %dma_wait3A_354 : memref<1x8x128xi32, #tpu.memory_space<hbm>> -> memref<8x128xi32, #tpu.memory_space<hbm>>
        %dma_wait3A_356 = arith.constant 0 : i32
        %dma_wait3A_357 = tpu.memref_slice %arg3[%add3A, %mul3A_18, %dma_wait3A_356] : memref<32x40x128xi32, #tpu.memory_space<hbm>> -> memref<1x8x128xi32, #tpu.memory_space<hbm>>
        %dma_wait3A_358 = tpu.memref_squeeze %dma_wait3A_357 : memref<1x8x128xi32, #tpu.memory_space<hbm>> -> memref<8x128xi32, #tpu.memory_space<hbm>>
        tpu.wait_dma2 semaphore(%run_scoped3A_346 : memref<!tpu.dma_semaphore, #tpu.memory_space<semaphore_mem>>) src(%dma_wait3A_358 : memref<8x128xi32, #tpu.memory_space<hbm>>) dst(%arg8 : memref<8x128xi32, #tpu.memory_space<vmem>>)
        tpu.yield
      }) : () -> ()
      %mul3A_19 = arith.constant 8 : i32
      %mul3A_20 = arith.muli %scan3A_16, %mul3A_19 : i32
      "tpu.region"() ({
        %run_scoped3A_346 = tpu.sem_alloc : memref<!tpu.dma_semaphore, #tpu.memory_space<semaphore_mem>>
        %dma_start3A_347 = arith.constant 0 : i32
        %dma_start3A_348 = tpu.memref_slice %arg4[%add3A, %mul3A_20, %dma_start3A_347] : memref<32x40x128xi32, #tpu.memory_space<hbm>> -> memref<1x8x128xi32, #tpu.memory_space<hbm>>
        %dma_start3A_349 = tpu.memref_squeeze %dma_start3A_348 : memref<1x8x128xi32, #tpu.memory_space<hbm>> -> memref<8x128xi32, #tpu.memory_space<hbm>>
        %dma_start3A_350 = arith.constant 0 : i32
        %dma_start3A_351 = tpu.memref_slice %arg4[%add3A, %mul3A_20, %dma_start3A_350] : memref<32x40x128xi32, #tpu.memory_space<hbm>> -> memref<1x8x128xi32, #tpu.memory_space<hbm>>
        %dma_start3A_352 = tpu.memref_squeeze %dma_start3A_351 : memref<1x8x128xi32, #tpu.memory_space<hbm>> -> memref<8x128xi32, #tpu.memory_space<hbm>>
        tpu.enqueue_dma source(%dma_start3A_352 : memref<8x128xi32, #tpu.memory_space<hbm>>) target(%arg9 : memref<8x128xi32, #tpu.memory_space<vmem>>) target_semaphore(%run_scoped3A_346 : memref<!tpu.dma_semaphore, #tpu.memory_space<semaphore_mem>>)
        %dma_wait3A_353 = arith.constant 0 : i32
        %dma_wait3A_354 = tpu.memref_slice %arg4[%add3A, %mul3A_20, %dma_wait3A_353] : memref<32x40x128xi32, #tpu.memory_space<hbm>> -> memref<1x8x128xi32, #tpu.memory_space<hbm>>
        %dma_wait3A_355 = tpu.memref_squeeze %dma_wait3A_354 : memref<1x8x128xi32, #tpu.memory_space<hbm>> -> memref<8x128xi32, #tpu.memory_space<hbm>>
        %dma_wait3A_356 = arith.constant 0 : i32
        %dma_wait3A_357 = tpu.memref_slice %arg4[%add3A, %mul3A_20, %dma_wait3A_356] : memref<32x40x128xi32, #tpu.memory_space<hbm>> -> memref<1x8x128xi32, #tpu.memory_space<hbm>>
        %dma_wait3A_358 = tpu.memref_squeeze %dma_wait3A_357 : memref<1x8x128xi32, #tpu.memory_space<hbm>> -> memref<8x128xi32, #tpu.memory_space<hbm>>
        tpu.wait_dma2 semaphore(%run_scoped3A_346 : memref<!tpu.dma_semaphore, #tpu.memory_space<semaphore_mem>>) src(%dma_wait3A_358 : memref<8x128xi32, #tpu.memory_space<hbm>>) dst(%arg9 : memref<8x128xi32, #tpu.memory_space<vmem>>)
        tpu.yield
      }) : () -> ()
      %dma_start3A = arith.constant 0 : i32
      %dma_start3A_21 = arith.constant 0 : i32
      %dma_start3A_22 = arith.constant 0 : i32
      %dma_start3A_23 = tpu.memref_slice %arg10[%dma_start3A_21, %dma_start3A_22] : memref<128x128xf32, #tpu.memory_space<vmem>> -> memref<64x128xf32, #tpu.memory_space<vmem>>
      %dma_start3A_24 = arith.constant 0 : i32
      %dma_start3A_25 = tpu.memref_slice %arg8[%dma_start3A, %dma_start3A_24] : memref<8x128xi32, #tpu.memory_space<vmem>> -> memref<1x64xi32, #tpu.memory_space<vmem>>
      %dma_start3A_26 = tpu.memref_squeeze %dma_start3A_25 : memref<1x64xi32, #tpu.memory_space<vmem>> -> memref<64xi32, #tpu.memory_space<vmem>>
      %dma_start3A_27 = arith.constant 0 : i32
      %dma_start3A_28 = arith.constant 0 : i32
      %dma_start3A_29 = tpu.memref_slice %arg2[%dma_start3A_27, %dma_start3A_28] : memref<10240x128xf32, #tpu.memory_space<hbm>> -> memref<10240x128xf32, #tpu.memory_space<hbm>>
      tpu.enqueue_indirect_dma source(%dma_start3A_29 : memref<10240x128xf32, #tpu.memory_space<hbm>>) target(%dma_start3A_23 : memref<64x128xf32, #tpu.memory_space<vmem>>) offsets(%dma_start3A_26 : memref<64xi32, #tpu.memory_space<vmem>>) semaphore(%arg12 : memref<!tpu.dma_semaphore, #tpu.memory_space<semaphore_mem>>)
      %dma_start3A_30 = arith.constant 0 : i32
      %dma_start3A_31 = arith.constant 64 : i32
      %dma_start3A_32 = arith.constant 0 : i32
      %dma_start3A_33 = tpu.memref_slice %arg10[%dma_start3A_31, %dma_start3A_32] : memref<128x128xf32, #tpu.memory_space<vmem>> -> memref<64x128xf32, #tpu.memory_space<vmem>>
      %dma_start3A_34 = arith.constant 64 : i32
      %dma_start3A_35 = tpu.memref_slice %arg8[%dma_start3A_30, %dma_start3A_34] : memref<8x128xi32, #tpu.memory_space<vmem>> -> memref<1x64xi32, #tpu.memory_space<vmem>>
      %dma_start3A_36 = tpu.memref_squeeze %dma_start3A_35 : memref<1x64xi32, #tpu.memory_space<vmem>> -> memref<64xi32, #tpu.memory_space<vmem>>
      %dma_start3A_37 = arith.constant 0 : i32
      %dma_start3A_38 = arith.constant 0 : i32
      %dma_start3A_39 = tpu.memref_slice %arg2[%dma_start3A_37, %dma_start3A_38] : memref<10240x128xf32, #tpu.memory_space<hbm>> -> memref<10240x128xf32, #tpu.memory_space<hbm>>
      tpu.enqueue_indirect_dma source(%dma_start3A_39 : memref<10240x128xf32, #tpu.memory_space<hbm>>) target(%dma_start3A_33 : memref<64x128xf32, #tpu.memory_space<vmem>>) offsets(%dma_start3A_36 : memref<64xi32, #tpu.memory_space<vmem>>) semaphore(%arg13 : memref<!tpu.dma_semaphore, #tpu.memory_space<semaphore_mem>>)
      %dma_start3A_40 = arith.constant 1 : i32
      %dma_start3A_41 = arith.constant 0 : i32
      %dma_start3A_42 = arith.constant 0 : i32
      %dma_start3A_43 = tpu.memref_slice %arg11[%dma_start3A_41, %dma_start3A_42] : memref<128x128xf32, #tpu.memory_space<vmem>> -> memref<64x128xf32, #tpu.memory_space<vmem>>
      %dma_start3A_44 = arith.constant 0 : i32
      %dma_start3A_45 = tpu.memref_slice %arg8[%dma_start3A_40, %dma_start3A_44] : memref<8x128xi32, #tpu.memory_space<vmem>> -> memref<1x64xi32, #tpu.memory_space<vmem>>
      %dma_start3A_46 = tpu.memref_squeeze %dma_start3A_45 : memref<1x64xi32, #tpu.memory_space<vmem>> -> memref<64xi32, #tpu.memory_space<vmem>>
      %dma_start3A_47 = arith.constant 0 : i32
      %dma_start3A_48 = arith.constant 0 : i32
      %dma_start3A_49 = tpu.memref_slice %arg2[%dma_start3A_47, %dma_start3A_48] : memref<10240x128xf32, #tpu.memory_space<hbm>> -> memref<10240x128xf32, #tpu.memory_space<hbm>>
      tpu.enqueue_indirect_dma source(%dma_start3A_49 : memref<10240x128xf32, #tpu.memory_space<hbm>>) target(%dma_start3A_43 : memref<64x128xf32, #tpu.memory_space<vmem>>) offsets(%dma_start3A_46 : memref<64xi32, #tpu.memory_space<vmem>>) semaphore(%arg14 : memref<!tpu.dma_semaphore, #tpu.memory_space<semaphore_mem>>)
      %dma_start3A_50 = arith.constant 1 : i32
      %dma_start3A_51 = arith.constant 64 : i32
      %dma_start3A_52 = arith.constant 0 : i32
      %dma_start3A_53 = tpu.memref_slice %arg11[%dma_start3A_51, %dma_start3A_52] : memref<128x128xf32, #tpu.memory_space<vmem>> -> memref<64x128xf32, #tpu.memory_space<vmem>>
      %dma_start3A_54 = arith.constant 64 : i32
      %dma_start3A_55 = tpu.memref_slice %arg8[%dma_start3A_50, %dma_start3A_54] : memref<8x128xi32, #tpu.memory_space<vmem>> -> memref<1x64xi32, #tpu.memory_space<vmem>>
      %dma_start3A_56 = tpu.memref_squeeze %dma_start3A_55 : memref<1x64xi32, #tpu.memory_space<vmem>> -> memref<64xi32, #tpu.memory_space<vmem>>
      %dma_start3A_57 = arith.constant 0 : i32
      %dma_start3A_58 = arith.constant 0 : i32
      %dma_start3A_59 = tpu.memref_slice %arg2[%dma_start3A_57, %dma_start3A_58] : memref<10240x128xf32, #tpu.memory_space<hbm>> -> memref<10240x128xf32, #tpu.memory_space<hbm>>
      tpu.enqueue_indirect_dma source(%dma_start3A_59 : memref<10240x128xf32, #tpu.memory_space<hbm>>) target(%dma_start3A_53 : memref<64x128xf32, #tpu.memory_space<vmem>>) offsets(%dma_start3A_56 : memref<64xi32, #tpu.memory_space<vmem>>) semaphore(%arg15 : memref<!tpu.dma_semaphore, #tpu.memory_space<semaphore_mem>>)
      %dma_wait3A = arith.constant 0 : i32
      %dma_wait3A_60 = arith.constant 0 : i32
      %dma_wait3A_61 = arith.constant 0 : i32
      %dma_wait3A_62 = tpu.memref_slice %arg10[%dma_wait3A_60, %dma_wait3A_61] : memref<128x128xf32, #tpu.memory_space<vmem>> -> memref<64x128xf32, #tpu.memory_space<vmem>>
      %dma_wait3A_63 = arith.constant 0 : i32
      %dma_wait3A_64 = tpu.memref_slice %arg8[%dma_wait3A, %dma_wait3A_63] : memref<8x128xi32, #tpu.memory_space<vmem>> -> memref<1x64xi32, #tpu.memory_space<vmem>>
      %dma_wait3A_65 = tpu.memref_squeeze %dma_wait3A_64 : memref<1x64xi32, #tpu.memory_space<vmem>> -> memref<64xi32, #tpu.memory_space<vmem>>
      %dma_wait3A_66 = arith.constant 0 : i32
      %dma_wait3A_67 = arith.constant 0 : i32
      %dma_wait3A_68 = tpu.memref_slice %arg2[%dma_wait3A_66, %dma_wait3A_67] : memref<10240x128xf32, #tpu.memory_space<hbm>> -> memref<10240x128xf32, #tpu.memory_space<hbm>>
      tpu.wait_indirect_dma semaphore(%arg12 : memref<!tpu.dma_semaphore, #tpu.memory_space<semaphore_mem>>) src(%dma_wait3A_68 : memref<10240x128xf32, #tpu.memory_space<hbm>>) dst(%dma_wait3A_62 : memref<64x128xf32, #tpu.memory_space<vmem>>)
      %dma_wait3A_69 = arith.constant 0 : i32
      %dma_wait3A_70 = arith.constant 64 : i32
      %dma_wait3A_71 = arith.constant 0 : i32
      %dma_wait3A_72 = tpu.memref_slice %arg10[%dma_wait3A_70, %dma_wait3A_71] : memref<128x128xf32, #tpu.memory_space<vmem>> -> memref<64x128xf32, #tpu.memory_space<vmem>>
      %dma_wait3A_73 = arith.constant 64 : i32
      %dma_wait3A_74 = tpu.memref_slice %arg8[%dma_wait3A_69, %dma_wait3A_73] : memref<8x128xi32, #tpu.memory_space<vmem>> -> memref<1x64xi32, #tpu.memory_space<vmem>>
      %dma_wait3A_75 = tpu.memref_squeeze %dma_wait3A_74 : memref<1x64xi32, #tpu.memory_space<vmem>> -> memref<64xi32, #tpu.memory_space<vmem>>
      %dma_wait3A_76 = arith.constant 0 : i32
      %dma_wait3A_77 = arith.constant 0 : i32
      %dma_wait3A_78 = tpu.memref_slice %arg2[%dma_wait3A_76, %dma_wait3A_77] : memref<10240x128xf32, #tpu.memory_space<hbm>> -> memref<10240x128xf32, #tpu.memory_space<hbm>>
      tpu.wait_indirect_dma semaphore(%arg13 : memref<!tpu.dma_semaphore, #tpu.memory_space<semaphore_mem>>) src(%dma_wait3A_78 : memref<10240x128xf32, #tpu.memory_space<hbm>>) dst(%dma_wait3A_72 : memref<64x128xf32, #tpu.memory_space<vmem>>)
      %run_scoped3A = arith.constant 0 : i32
      "tpu.region"() ({
        %run_scoped3A_346 = tpu.sem_alloc : memref<!tpu.dma_semaphore, #tpu.memory_space<semaphore_mem>>
        %dma_start3A_347 = arith.constant 0 : i32
        %dma_start3A_348 = tpu.memref_slice %arg9[%run_scoped3A, %dma_start3A_347] : memref<8x128xi32, #tpu.memory_space<vmem>> -> memref<1x128xi32, #tpu.memory_space<vmem>>
        %dma_start3A_349 = tpu.memref_squeeze %dma_start3A_348 : memref<1x128xi32, #tpu.memory_space<vmem>> -> memref<128xi32, #tpu.memory_space<vmem>>
        %dma_start3A_350 = arith.constant 0 : i32
        %dma_start3A_351 = arith.constant 0 : i32
        %dma_start3A_352 = tpu.memref_slice %arg7[%dma_start3A_350, %dma_start3A_351] : memref<10240x128xf32, #tpu.memory_space<vmem_shared>> -> memref<10240x128xf32, #tpu.memory_space<vmem_shared>>
        tpu.enqueue_indirect_dma source(%arg10 : memref<128x128xf32, #tpu.memory_space<vmem>>) target(%dma_start3A_352 : memref<10240x128xf32, #tpu.memory_space<vmem_shared>>) offsets(%dma_start3A_349 : memref<128xi32, #tpu.memory_space<vmem>>) semaphore(%run_scoped3A_346 : memref<!tpu.dma_semaphore, #tpu.memory_space<semaphore_mem>>) {add = true}
        %dma_wait3A_353 = arith.constant 0 : i32
        %dma_wait3A_354 = tpu.memref_slice %arg9[%run_scoped3A, %dma_wait3A_353] : memref<8x128xi32, #tpu.memory_space<vmem>> -> memref<1x128xi32, #tpu.memory_space<vmem>>
        %dma_wait3A_355 = tpu.memref_squeeze %dma_wait3A_354 : memref<1x128xi32, #tpu.memory_space<vmem>> -> memref<128xi32, #tpu.memory_space<vmem>>
        %dma_wait3A_356 = arith.constant 0 : i32
        %dma_wait3A_357 = arith.constant 0 : i32
        %dma_wait3A_358 = tpu.memref_slice %arg7[%dma_wait3A_356, %dma_wait3A_357] : memref<10240x128xf32, #tpu.memory_space<vmem_shared>> -> memref<10240x128xf32, #tpu.memory_space<vmem_shared>>
        tpu.wait_indirect_dma semaphore(%run_scoped3A_346 : memref<!tpu.dma_semaphore, #tpu.memory_space<semaphore_mem>>) src(%arg10 : memref<128x128xf32, #tpu.memory_space<vmem>>) dst(%dma_wait3A_358 : memref<10240x128xf32, #tpu.memory_space<vmem_shared>>)
        tpu.yield
      }) : () -> ()
      %dma_start3A_79 = arith.constant 2 : i32
      %dma_start3A_80 = arith.constant 0 : i32
      %dma_start3A_81 = arith.constant 0 : i32
      %dma_start3A_82 = tpu.memref_slice %arg10[%dma_start3A_80, %dma_start3A_81] : memref<128x128xf32, #tpu.memory_space<vmem>> -> memref<64x128xf32, #tpu.memory_space<vmem>>
      %dma_start3A_83 = arith.constant 0 : i32
      %dma_start3A_84 = tpu.memref_slice %arg8[%dma_start3A_79, %dma_start3A_83] : memref<8x128xi32, #tpu.memory_space<vmem>> -> memref<1x64xi32, #tpu.memory_space<vmem>>
      %dma_start3A_85 = tpu.memref_squeeze %dma_start3A_84 : memref<1x64xi32, #tpu.memory_space<vmem>> -> memref<64xi32, #tpu.memory_space<vmem>>
      %dma_start3A_86 = arith.constant 0 : i32
      %dma_start3A_87 = arith.constant 0 : i32
      %dma_start3A_88 = tpu.memref_slice %arg2[%dma_start3A_86, %dma_start3A_87] : memref<10240x128xf32, #tpu.memory_space<hbm>> -> memref<10240x128xf32, #tpu.memory_space<hbm>>
      tpu.enqueue_indirect_dma source(%dma_start3A_88 : memref<10240x128xf32, #tpu.memory_space<hbm>>) target(%dma_start3A_82 : memref<64x128xf32, #tpu.memory_space<vmem>>) offsets(%dma_start3A_85 : memref<64xi32, #tpu.memory_space<vmem>>) semaphore(%arg12 : memref<!tpu.dma_semaphore, #tpu.memory_space<semaphore_mem>>)
      %dma_start3A_89 = arith.constant 2 : i32
      %dma_start3A_90 = arith.constant 64 : i32
      %dma_start3A_91 = arith.constant 0 : i32
      %dma_start3A_92 = tpu.memref_slice %arg10[%dma_start3A_90, %dma_start3A_91] : memref<128x128xf32, #tpu.memory_space<vmem>> -> memref<64x128xf32, #tpu.memory_space<vmem>>
      %dma_start3A_93 = arith.constant 64 : i32
      %dma_start3A_94 = tpu.memref_slice %arg8[%dma_start3A_89, %dma_start3A_93] : memref<8x128xi32, #tpu.memory_space<vmem>> -> memref<1x64xi32, #tpu.memory_space<vmem>>
      %dma_start3A_95 = tpu.memref_squeeze %dma_start3A_94 : memref<1x64xi32, #tpu.memory_space<vmem>> -> memref<64xi32, #tpu.memory_space<vmem>>
      %dma_start3A_96 = arith.constant 0 : i32
      %dma_start3A_97 = arith.constant 0 : i32
      %dma_start3A_98 = tpu.memref_slice %arg2[%dma_start3A_96, %dma_start3A_97] : memref<10240x128xf32, #tpu.memory_space<hbm>> -> memref<10240x128xf32, #tpu.memory_space<hbm>>
      tpu.enqueue_indirect_dma source(%dma_start3A_98 : memref<10240x128xf32, #tpu.memory_space<hbm>>) target(%dma_start3A_92 : memref<64x128xf32, #tpu.memory_space<vmem>>) offsets(%dma_start3A_95 : memref<64xi32, #tpu.memory_space<vmem>>) semaphore(%arg13 : memref<!tpu.dma_semaphore, #tpu.memory_space<semaphore_mem>>)
      %dma_wait3A_99 = arith.constant 1 : i32
      %dma_wait3A_100 = arith.constant 0 : i32
      %dma_wait3A_101 = arith.constant 0 : i32
      %dma_wait3A_102 = tpu.memref_slice %arg11[%dma_wait3A_100, %dma_wait3A_101] : memref<128x128xf32, #tpu.memory_space<vmem>> -> memref<64x128xf32, #tpu.memory_space<vmem>>
      %dma_wait3A_103 = arith.constant 0 : i32
      %dma_wait3A_104 = tpu.memref_slice %arg8[%dma_wait3A_99, %dma_wait3A_103] : memref<8x128xi32, #tpu.memory_space<vmem>> -> memref<1x64xi32, #tpu.memory_space<vmem>>
      %dma_wait3A_105 = tpu.memref_squeeze %dma_wait3A_104 : memref<1x64xi32, #tpu.memory_space<vmem>> -> memref<64xi32, #tpu.memory_space<vmem>>
      %dma_wait3A_106 = arith.constant 0 : i32
      %dma_wait3A_107 = arith.constant 0 : i32
      %dma_wait3A_108 = tpu.memref_slice %arg2[%dma_wait3A_106, %dma_wait3A_107] : memref<10240x128xf32, #tpu.memory_space<hbm>> -> memref<10240x128xf32, #tpu.memory_space<hbm>>
      tpu.wait_indirect_dma semaphore(%arg14 : memref<!tpu.dma_semaphore, #tpu.memory_space<semaphore_mem>>) src(%dma_wait3A_108 : memref<10240x128xf32, #tpu.memory_space<hbm>>) dst(%dma_wait3A_102 : memref<64x128xf32, #tpu.memory_space<vmem>>)
      %dma_wait3A_109 = arith.constant 1 : i32
      %dma_wait3A_110 = arith.constant 64 : i32
      %dma_wait3A_111 = arith.constant 0 : i32
      %dma_wait3A_112 = tpu.memref_slice %arg11[%dma_wait3A_110, %dma_wait3A_111] : memref<128x128xf32, #tpu.memory_space<vmem>> -> memref<64x128xf32, #tpu.memory_space<vmem>>
      %dma_wait3A_113 = arith.constant 64 : i32
      %dma_wait3A_114 = tpu.memref_slice %arg8[%dma_wait3A_109, %dma_wait3A_113] : memref<8x128xi32, #tpu.memory_space<vmem>> -> memref<1x64xi32, #tpu.memory_space<vmem>>
      %dma_wait3A_115 = tpu.memref_squeeze %dma_wait3A_114 : memref<1x64xi32, #tpu.memory_space<vmem>> -> memref<64xi32, #tpu.memory_space<vmem>>
      %dma_wait3A_116 = arith.constant 0 : i32
      %dma_wait3A_117 = arith.constant 0 : i32
      %dma_wait3A_118 = tpu.memref_slice %arg2[%dma_wait3A_116, %dma_wait3A_117] : memref<10240x128xf32, #tpu.memory_space<hbm>> -> memref<10240x128xf32, #tpu.memory_space<hbm>>
      tpu.wait_indirect_dma semaphore(%arg15 : memref<!tpu.dma_semaphore, #tpu.memory_space<semaphore_mem>>) src(%dma_wait3A_118 : memref<10240x128xf32, #tpu.memory_space<hbm>>) dst(%dma_wait3A_112 : memref<64x128xf32, #tpu.memory_space<vmem>>)
      %run_scoped3A_119 = arith.constant 1 : i32
      "tpu.region"() ({
        %run_scoped3A_346 = tpu.sem_alloc : memref<!tpu.dma_semaphore, #tpu.memory_space<semaphore_mem>>
        %dma_start3A_347 = arith.constant 0 : i32
        %dma_start3A_348 = tpu.memref_slice %arg9[%run_scoped3A_119, %dma_start3A_347] : memref<8x128xi32, #tpu.memory_space<vmem>> -> memref<1x128xi32, #tpu.memory_space<vmem>>
        %dma_start3A_349 = tpu.memref_squeeze %dma_start3A_348 : memref<1x128xi32, #tpu.memory_space<vmem>> -> memref<128xi32, #tpu.memory_space<vmem>>
        %dma_start3A_350 = arith.constant 0 : i32
        %dma_start3A_351 = arith.constant 0 : i32
        %dma_start3A_352 = tpu.memref_slice %arg7[%dma_start3A_350, %dma_start3A_351] : memref<10240x128xf32, #tpu.memory_space<vmem_shared>> -> memref<10240x128xf32, #tpu.memory_space<vmem_shared>>
        tpu.enqueue_indirect_dma source(%arg11 : memref<128x128xf32, #tpu.memory_space<vmem>>) target(%dma_start3A_352 : memref<10240x128xf32, #tpu.memory_space<vmem_shared>>) offsets(%dma_start3A_349 : memref<128xi32, #tpu.memory_space<vmem>>) semaphore(%run_scoped3A_346 : memref<!tpu.dma_semaphore, #tpu.memory_space<semaphore_mem>>) {add = true}
        %dma_wait3A_353 = arith.constant 0 : i32
        %dma_wait3A_354 = tpu.memref_slice %arg9[%run_scoped3A_119, %dma_wait3A_353] : memref<8x128xi32, #tpu.memory_space<vmem>> -> memref<1x128xi32, #tpu.memory_space<vmem>>
        %dma_wait3A_355 = tpu.memref_squeeze %dma_wait3A_354 : memref<1x128xi32, #tpu.memory_space<vmem>> -> memref<128xi32, #tpu.memory_space<vmem>>
        %dma_wait3A_356 = arith.constant 0 : i32
        %dma_wait3A_357 = arith.constant 0 : i32
        %dma_wait3A_358 = tpu.memref_slice %arg7[%dma_wait3A_356, %dma_wait3A_357] : memref<10240x128xf32, #tpu.memory_space<vmem_shared>> -> memref<10240x128xf32, #tpu.memory_space<vmem_shared>>
        tpu.wait_indirect_dma semaphore(%run_scoped3A_346 : memref<!tpu.dma_semaphore, #tpu.memory_space<semaphore_mem>>) src(%arg11 : memref<128x128xf32, #tpu.memory_space<vmem>>) dst(%dma_wait3A_358 : memref<10240x128xf32, #tpu.memory_space<vmem_shared>>)
        tpu.yield
      }) : () -> ()
      %dma_start3A_120 = arith.constant 3 : i32
      %dma_start3A_121 = arith.constant 0 : i32
      %dma_start3A_122 = arith.constant 0 : i32
      %dma_start3A_123 = tpu.memref_slice %arg11[%dma_start3A_121, %dma_start3A_122] : memref<128x128xf32, #tpu.memory_space<vmem>> -> memref<64x128xf32, #tpu.memory_space<vmem>>
      %dma_start3A_124 = arith.constant 0 : i32
      %dma_start3A_125 = tpu.memref_slice %arg8[%dma_start3A_120, %dma_start3A_124] : memref<8x128xi32, #tpu.memory_space<vmem>> -> memref<1x64xi32, #tpu.memory_space<vmem>>
      %dma_start3A_126 = tpu.memref_squeeze %dma_start3A_125 : memref<1x64xi32, #tpu.memory_space<vmem>> -> memref<64xi32, #tpu.memory_space<vmem>>
      %dma_start3A_127 = arith.constant 0 : i32
      %dma_start3A_128 = arith.constant 0 : i32
      %dma_start3A_129 = tpu.memref_slice %arg2[%dma_start3A_127, %dma_start3A_128] : memref<10240x128xf32, #tpu.memory_space<hbm>> -> memref<10240x128xf32, #tpu.memory_space<hbm>>
      tpu.enqueue_indirect_dma source(%dma_start3A_129 : memref<10240x128xf32, #tpu.memory_space<hbm>>) target(%dma_start3A_123 : memref<64x128xf32, #tpu.memory_space<vmem>>) offsets(%dma_start3A_126 : memref<64xi32, #tpu.memory_space<vmem>>) semaphore(%arg14 : memref<!tpu.dma_semaphore, #tpu.memory_space<semaphore_mem>>)
      %dma_start3A_130 = arith.constant 3 : i32
      %dma_start3A_131 = arith.constant 64 : i32
      %dma_start3A_132 = arith.constant 0 : i32
      %dma_start3A_133 = tpu.memref_slice %arg11[%dma_start3A_131, %dma_start3A_132] : memref<128x128xf32, #tpu.memory_space<vmem>> -> memref<64x128xf32, #tpu.memory_space<vmem>>
      %dma_start3A_134 = arith.constant 64 : i32
      %dma_start3A_135 = tpu.memref_slice %arg8[%dma_start3A_130, %dma_start3A_134] : memref<8x128xi32, #tpu.memory_space<vmem>> -> memref<1x64xi32, #tpu.memory_space<vmem>>
      %dma_start3A_136 = tpu.memref_squeeze %dma_start3A_135 : memref<1x64xi32, #tpu.memory_space<vmem>> -> memref<64xi32, #tpu.memory_space<vmem>>
      %dma_start3A_137 = arith.constant 0 : i32
      %dma_start3A_138 = arith.constant 0 : i32
      %dma_start3A_139 = tpu.memref_slice %arg2[%dma_start3A_137, %dma_start3A_138] : memref<10240x128xf32, #tpu.memory_space<hbm>> -> memref<10240x128xf32, #tpu.memory_space<hbm>>
      tpu.enqueue_indirect_dma source(%dma_start3A_139 : memref<10240x128xf32, #tpu.memory_space<hbm>>) target(%dma_start3A_133 : memref<64x128xf32, #tpu.memory_space<vmem>>) offsets(%dma_start3A_136 : memref<64xi32, #tpu.memory_space<vmem>>) semaphore(%arg15 : memref<!tpu.dma_semaphore, #tpu.memory_space<semaphore_mem>>)
      %dma_wait3A_140 = arith.constant 2 : i32
      %dma_wait3A_141 = arith.constant 0 : i32
      %dma_wait3A_142 = arith.constant 0 : i32
      %dma_wait3A_143 = tpu.memref_slice %arg10[%dma_wait3A_141, %dma_wait3A_142] : memref<128x128xf32, #tpu.memory_space<vmem>> -> memref<64x128xf32, #tpu.memory_space<vmem>>
      %dma_wait3A_144 = arith.constant 0 : i32
      %dma_wait3A_145 = tpu.memref_slice %arg8[%dma_wait3A_140, %dma_wait3A_144] : memref<8x128xi32, #tpu.memory_space<vmem>> -> memref<1x64xi32, #tpu.memory_space<vmem>>
      %dma_wait3A_146 = tpu.memref_squeeze %dma_wait3A_145 : memref<1x64xi32, #tpu.memory_space<vmem>> -> memref<64xi32, #tpu.memory_space<vmem>>
      %dma_wait3A_147 = arith.constant 0 : i32
      %dma_wait3A_148 = arith.constant 0 : i32
      %dma_wait3A_149 = tpu.memref_slice %arg2[%dma_wait3A_147, %dma_wait3A_148] : memref<10240x128xf32, #tpu.memory_space<hbm>> -> memref<10240x128xf32, #tpu.memory_space<hbm>>
      tpu.wait_indirect_dma semaphore(%arg12 : memref<!tpu.dma_semaphore, #tpu.memory_space<semaphore_mem>>) src(%dma_wait3A_149 : memref<10240x128xf32, #tpu.memory_space<hbm>>) dst(%dma_wait3A_143 : memref<64x128xf32, #tpu.memory_space<vmem>>)
      %dma_wait3A_150 = arith.constant 2 : i32
      %dma_wait3A_151 = arith.constant 64 : i32
      %dma_wait3A_152 = arith.constant 0 : i32
      %dma_wait3A_153 = tpu.memref_slice %arg10[%dma_wait3A_151, %dma_wait3A_152] : memref<128x128xf32, #tpu.memory_space<vmem>> -> memref<64x128xf32, #tpu.memory_space<vmem>>
      %dma_wait3A_154 = arith.constant 64 : i32
      %dma_wait3A_155 = tpu.memref_slice %arg8[%dma_wait3A_150, %dma_wait3A_154] : memref<8x128xi32, #tpu.memory_space<vmem>> -> memref<1x64xi32, #tpu.memory_space<vmem>>
      %dma_wait3A_156 = tpu.memref_squeeze %dma_wait3A_155 : memref<1x64xi32, #tpu.memory_space<vmem>> -> memref<64xi32, #tpu.memory_space<vmem>>
      %dma_wait3A_157 = arith.constant 0 : i32
      %dma_wait3A_158 = arith.constant 0 : i32
      %dma_wait3A_159 = tpu.memref_slice %arg2[%dma_wait3A_157, %dma_wait3A_158] : memref<10240x128xf32, #tpu.memory_space<hbm>> -> memref<10240x128xf32, #tpu.memory_space<hbm>>
      tpu.wait_indirect_dma semaphore(%arg13 : memref<!tpu.dma_semaphore, #tpu.memory_space<semaphore_mem>>) src(%dma_wait3A_159 : memref<10240x128xf32, #tpu.memory_space<hbm>>) dst(%dma_wait3A_153 : memref<64x128xf32, #tpu.memory_space<vmem>>)
      %run_scoped3A_160 = arith.constant 2 : i32
      "tpu.region"() ({
        %run_scoped3A_346 = tpu.sem_alloc : memref<!tpu.dma_semaphore, #tpu.memory_space<semaphore_mem>>
        %dma_start3A_347 = arith.constant 0 : i32
        %dma_start3A_348 = tpu.memref_slice %arg9[%run_scoped3A_160, %dma_start3A_347] : memref<8x128xi32, #tpu.memory_space<vmem>> -> memref<1x128xi32, #tpu.memory_space<vmem>>
        %dma_start3A_349 = tpu.memref_squeeze %dma_start3A_348 : memref<1x128xi32, #tpu.memory_space<vmem>> -> memref<128xi32, #tpu.memory_space<vmem>>
        %dma_start3A_350 = arith.constant 0 : i32
        %dma_start3A_351 = arith.constant 0 : i32
        %dma_start3A_352 = tpu.memref_slice %arg7[%dma_start3A_350, %dma_start3A_351] : memref<10240x128xf32, #tpu.memory_space<vmem_shared>> -> memref<10240x128xf32, #tpu.memory_space<vmem_shared>>
        tpu.enqueue_indirect_dma source(%arg10 : memref<128x128xf32, #tpu.memory_space<vmem>>) target(%dma_start3A_352 : memref<10240x128xf32, #tpu.memory_space<vmem_shared>>) offsets(%dma_start3A_349 : memref<128xi32, #tpu.memory_space<vmem>>) semaphore(%run_scoped3A_346 : memref<!tpu.dma_semaphore, #tpu.memory_space<semaphore_mem>>) {add = true}
        %dma_wait3A_353 = arith.constant 0 : i32
        %dma_wait3A_354 = tpu.memref_slice %arg9[%run_scoped3A_160, %dma_wait3A_353] : memref<8x128xi32, #tpu.memory_space<vmem>> -> memref<1x128xi32, #tpu.memory_space<vmem>>
        %dma_wait3A_355 = tpu.memref_squeeze %dma_wait3A_354 : memref<1x128xi32, #tpu.memory_space<vmem>> -> memref<128xi32, #tpu.memory_space<vmem>>
        %dma_wait3A_356 = arith.constant 0 : i32
        %dma_wait3A_357 = arith.constant 0 : i32
        %dma_wait3A_358 = tpu.memref_slice %arg7[%dma_wait3A_356, %dma_wait3A_357] : memref<10240x128xf32, #tpu.memory_space<vmem_shared>> -> memref<10240x128xf32, #tpu.memory_space<vmem_shared>>
        tpu.wait_indirect_dma semaphore(%run_scoped3A_346 : memref<!tpu.dma_semaphore, #tpu.memory_space<semaphore_mem>>) src(%arg10 : memref<128x128xf32, #tpu.memory_space<vmem>>) dst(%dma_wait3A_358 : memref<10240x128xf32, #tpu.memory_space<vmem_shared>>)
        tpu.yield
      }) : () -> ()
      %dma_start3A_161 = arith.constant 4 : i32
      %dma_start3A_162 = arith.constant 0 : i32
      %dma_start3A_163 = arith.constant 0 : i32
      %dma_start3A_164 = tpu.memref_slice %arg10[%dma_start3A_162, %dma_start3A_163] : memref<128x128xf32, #tpu.memory_space<vmem>> -> memref<64x128xf32, #tpu.memory_space<vmem>>
      %dma_start3A_165 = arith.constant 0 : i32
      %dma_start3A_166 = tpu.memref_slice %arg8[%dma_start3A_161, %dma_start3A_165] : memref<8x128xi32, #tpu.memory_space<vmem>> -> memref<1x64xi32, #tpu.memory_space<vmem>>
      %dma_start3A_167 = tpu.memref_squeeze %dma_start3A_166 : memref<1x64xi32, #tpu.memory_space<vmem>> -> memref<64xi32, #tpu.memory_space<vmem>>
      %dma_start3A_168 = arith.constant 0 : i32
      %dma_start3A_169 = arith.constant 0 : i32
      %dma_start3A_170 = tpu.memref_slice %arg2[%dma_start3A_168, %dma_start3A_169] : memref<10240x128xf32, #tpu.memory_space<hbm>> -> memref<10240x128xf32, #tpu.memory_space<hbm>>
      tpu.enqueue_indirect_dma source(%dma_start3A_170 : memref<10240x128xf32, #tpu.memory_space<hbm>>) target(%dma_start3A_164 : memref<64x128xf32, #tpu.memory_space<vmem>>) offsets(%dma_start3A_167 : memref<64xi32, #tpu.memory_space<vmem>>) semaphore(%arg12 : memref<!tpu.dma_semaphore, #tpu.memory_space<semaphore_mem>>)
      %dma_start3A_171 = arith.constant 4 : i32
      %dma_start3A_172 = arith.constant 64 : i32
      %dma_start3A_173 = arith.constant 0 : i32
      %dma_start3A_174 = tpu.memref_slice %arg10[%dma_start3A_172, %dma_start3A_173] : memref<128x128xf32, #tpu.memory_space<vmem>> -> memref<64x128xf32, #tpu.memory_space<vmem>>
      %dma_start3A_175 = arith.constant 64 : i32
      %dma_start3A_176 = tpu.memref_slice %arg8[%dma_start3A_171, %dma_start3A_175] : memref<8x128xi32, #tpu.memory_space<vmem>> -> memref<1x64xi32, #tpu.memory_space<vmem>>
      %dma_start3A_177 = tpu.memref_squeeze %dma_start3A_176 : memref<1x64xi32, #tpu.memory_space<vmem>> -> memref<64xi32, #tpu.memory_space<vmem>>
      %dma_start3A_178 = arith.constant 0 : i32
      %dma_start3A_179 = arith.constant 0 : i32
      %dma_start3A_180 = tpu.memref_slice %arg2[%dma_start3A_178, %dma_start3A_179] : memref<10240x128xf32, #tpu.memory_space<hbm>> -> memref<10240x128xf32, #tpu.memory_space<hbm>>
      tpu.enqueue_indirect_dma source(%dma_start3A_180 : memref<10240x128xf32, #tpu.memory_space<hbm>>) target(%dma_start3A_174 : memref<64x128xf32, #tpu.memory_space<vmem>>) offsets(%dma_start3A_177 : memref<64xi32, #tpu.memory_space<vmem>>) semaphore(%arg13 : memref<!tpu.dma_semaphore, #tpu.memory_space<semaphore_mem>>)
      %dma_wait3A_181 = arith.constant 3 : i32
      %dma_wait3A_182 = arith.constant 0 : i32
      %dma_wait3A_183 = arith.constant 0 : i32
      %dma_wait3A_184 = tpu.memref_slice %arg11[%dma_wait3A_182, %dma_wait3A_183] : memref<128x128xf32, #tpu.memory_space<vmem>> -> memref<64x128xf32, #tpu.memory_space<vmem>>
      %dma_wait3A_185 = arith.constant 0 : i32
      %dma_wait3A_186 = tpu.memref_slice %arg8[%dma_wait3A_181, %dma_wait3A_185] : memref<8x128xi32, #tpu.memory_space<vmem>> -> memref<1x64xi32, #tpu.memory_space<vmem>>
      %dma_wait3A_187 = tpu.memref_squeeze %dma_wait3A_186 : memref<1x64xi32, #tpu.memory_space<vmem>> -> memref<64xi32, #tpu.memory_space<vmem>>
      %dma_wait3A_188 = arith.constant 0 : i32
      %dma_wait3A_189 = arith.constant 0 : i32
      %dma_wait3A_190 = tpu.memref_slice %arg2[%dma_wait3A_188, %dma_wait3A_189] : memref<10240x128xf32, #tpu.memory_space<hbm>> -> memref<10240x128xf32, #tpu.memory_space<hbm>>
      tpu.wait_indirect_dma semaphore(%arg14 : memref<!tpu.dma_semaphore, #tpu.memory_space<semaphore_mem>>) src(%dma_wait3A_190 : memref<10240x128xf32, #tpu.memory_space<hbm>>) dst(%dma_wait3A_184 : memref<64x128xf32, #tpu.memory_space<vmem>>)
      %dma_wait3A_191 = arith.constant 3 : i32
      %dma_wait3A_192 = arith.constant 64 : i32
      %dma_wait3A_193 = arith.constant 0 : i32
      %dma_wait3A_194 = tpu.memref_slice %arg11[%dma_wait3A_192, %dma_wait3A_193] : memref<128x128xf32, #tpu.memory_space<vmem>> -> memref<64x128xf32, #tpu.memory_space<vmem>>
      %dma_wait3A_195 = arith.constant 64 : i32
      %dma_wait3A_196 = tpu.memref_slice %arg8[%dma_wait3A_191, %dma_wait3A_195] : memref<8x128xi32, #tpu.memory_space<vmem>> -> memref<1x64xi32, #tpu.memory_space<vmem>>
      %dma_wait3A_197 = tpu.memref_squeeze %dma_wait3A_196 : memref<1x64xi32, #tpu.memory_space<vmem>> -> memref<64xi32, #tpu.memory_space<vmem>>
      %dma_wait3A_198 = arith.constant 0 : i32
      %dma_wait3A_199 = arith.constant 0 : i32
      %dma_wait3A_200 = tpu.memref_slice %arg2[%dma_wait3A_198, %dma_wait3A_199] : memref<10240x128xf32, #tpu.memory_space<hbm>> -> memref<10240x128xf32, #tpu.memory_space<hbm>>
      tpu.wait_indirect_dma semaphore(%arg15 : memref<!tpu.dma_semaphore, #tpu.memory_space<semaphore_mem>>) src(%dma_wait3A_200 : memref<10240x128xf32, #tpu.memory_space<hbm>>) dst(%dma_wait3A_194 : memref<64x128xf32, #tpu.memory_space<vmem>>)
      %run_scoped3A_201 = arith.constant 3 : i32
      "tpu.region"() ({
        %run_scoped3A_346 = tpu.sem_alloc : memref<!tpu.dma_semaphore, #tpu.memory_space<semaphore_mem>>
        %dma_start3A_347 = arith.constant 0 : i32
        %dma_start3A_348 = tpu.memref_slice %arg9[%run_scoped3A_201, %dma_start3A_347] : memref<8x128xi32, #tpu.memory_space<vmem>> -> memref<1x128xi32, #tpu.memory_space<vmem>>
        %dma_start3A_349 = tpu.memref_squeeze %dma_start3A_348 : memref<1x128xi32, #tpu.memory_space<vmem>> -> memref<128xi32, #tpu.memory_space<vmem>>
        %dma_start3A_350 = arith.constant 0 : i32
        %dma_start3A_351 = arith.constant 0 : i32
        %dma_start3A_352 = tpu.memref_slice %arg7[%dma_start3A_350, %dma_start3A_351] : memref<10240x128xf32, #tpu.memory_space<vmem_shared>> -> memref<10240x128xf32, #tpu.memory_space<vmem_shared>>
        tpu.enqueue_indirect_dma source(%arg11 : memref<128x128xf32, #tpu.memory_space<vmem>>) target(%dma_start3A_352 : memref<10240x128xf32, #tpu.memory_space<vmem_shared>>) offsets(%dma_start3A_349 : memref<128xi32, #tpu.memory_space<vmem>>) semaphore(%run_scoped3A_346 : memref<!tpu.dma_semaphore, #tpu.memory_space<semaphore_mem>>) {add = true}
        %dma_wait3A_353 = arith.constant 0 : i32
        %dma_wait3A_354 = tpu.memref_slice %arg9[%run_scoped3A_201, %dma_wait3A_353] : memref<8x128xi32, #tpu.memory_space<vmem>> -> memref<1x128xi32, #tpu.memory_space<vmem>>
        %dma_wait3A_355 = tpu.memref_squeeze %dma_wait3A_354 : memref<1x128xi32, #tpu.memory_space<vmem>> -> memref<128xi32, #tpu.memory_space<vmem>>
        %dma_wait3A_356 = arith.constant 0 : i32
        %dma_wait3A_357 = arith.constant 0 : i32
        %dma_wait3A_358 = tpu.memref_slice %arg7[%dma_wait3A_356, %dma_wait3A_357] : memref<10240x128xf32, #tpu.memory_space<vmem_shared>> -> memref<10240x128xf32, #tpu.memory_space<vmem_shared>>
        tpu.wait_indirect_dma semaphore(%run_scoped3A_346 : memref<!tpu.dma_semaphore, #tpu.memory_space<semaphore_mem>>) src(%arg11 : memref<128x128xf32, #tpu.memory_space<vmem>>) dst(%dma_wait3A_358 : memref<10240x128xf32, #tpu.memory_space<vmem_shared>>)
        tpu.yield
      }) : () -> ()
      %dma_start3A_202 = arith.constant 5 : i32
      %dma_start3A_203 = arith.constant 0 : i32
      %dma_start3A_204 = arith.constant 0 : i32
      %dma_start3A_205 = tpu.memref_slice %arg11[%dma_start3A_203, %dma_start3A_204] : memref<128x128xf32, #tpu.memory_space<vmem>> -> memref<64x128xf32, #tpu.memory_space<vmem>>
      %dma_start3A_206 = arith.constant 0 : i32
      %dma_start3A_207 = tpu.memref_slice %arg8[%dma_start3A_202, %dma_start3A_206] : memref<8x128xi32, #tpu.memory_space<vmem>> -> memref<1x64xi32, #tpu.memory_space<vmem>>
      %dma_start3A_208 = tpu.memref_squeeze %dma_start3A_207 : memref<1x64xi32, #tpu.memory_space<vmem>> -> memref<64xi32, #tpu.memory_space<vmem>>
      %dma_start3A_209 = arith.constant 0 : i32
      %dma_start3A_210 = arith.constant 0 : i32
      %dma_start3A_211 = tpu.memref_slice %arg2[%dma_start3A_209, %dma_start3A_210] : memref<10240x128xf32, #tpu.memory_space<hbm>> -> memref<10240x128xf32, #tpu.memory_space<hbm>>
      tpu.enqueue_indirect_dma source(%dma_start3A_211 : memref<10240x128xf32, #tpu.memory_space<hbm>>) target(%dma_start3A_205 : memref<64x128xf32, #tpu.memory_space<vmem>>) offsets(%dma_start3A_208 : memref<64xi32, #tpu.memory_space<vmem>>) semaphore(%arg14 : memref<!tpu.dma_semaphore, #tpu.memory_space<semaphore_mem>>)
      %dma_start3A_212 = arith.constant 5 : i32
      %dma_start3A_213 = arith.constant 64 : i32
      %dma_start3A_214 = arith.constant 0 : i32
      %dma_start3A_215 = tpu.memref_slice %arg11[%dma_start3A_213, %dma_start3A_214] : memref<128x128xf32, #tpu.memory_space<vmem>> -> memref<64x128xf32, #tpu.memory_space<vmem>>
      %dma_start3A_216 = arith.constant 64 : i32
      %dma_start3A_217 = tpu.memref_slice %arg8[%dma_start3A_212, %dma_start3A_216] : memref<8x128xi32, #tpu.memory_space<vmem>> -> memref<1x64xi32, #tpu.memory_space<vmem>>
      %dma_start3A_218 = tpu.memref_squeeze %dma_start3A_217 : memref<1x64xi32, #tpu.memory_space<vmem>> -> memref<64xi32, #tpu.memory_space<vmem>>
      %dma_start3A_219 = arith.constant 0 : i32
      %dma_start3A_220 = arith.constant 0 : i32
      %dma_start3A_221 = tpu.memref_slice %arg2[%dma_start3A_219, %dma_start3A_220] : memref<10240x128xf32, #tpu.memory_space<hbm>> -> memref<10240x128xf32, #tpu.memory_space<hbm>>
      tpu.enqueue_indirect_dma source(%dma_start3A_221 : memref<10240x128xf32, #tpu.memory_space<hbm>>) target(%dma_start3A_215 : memref<64x128xf32, #tpu.memory_space<vmem>>) offsets(%dma_start3A_218 : memref<64xi32, #tpu.memory_space<vmem>>) semaphore(%arg15 : memref<!tpu.dma_semaphore, #tpu.memory_space<semaphore_mem>>)
      %dma_wait3A_222 = arith.constant 4 : i32
      %dma_wait3A_223 = arith.constant 0 : i32
      %dma_wait3A_224 = arith.constant 0 : i32
      %dma_wait3A_225 = tpu.memref_slice %arg10[%dma_wait3A_223, %dma_wait3A_224] : memref<128x128xf32, #tpu.memory_space<vmem>> -> memref<64x128xf32, #tpu.memory_space<vmem>>
      %dma_wait3A_226 = arith.constant 0 : i32
      %dma_wait3A_227 = tpu.memref_slice %arg8[%dma_wait3A_222, %dma_wait3A_226] : memref<8x128xi32, #tpu.memory_space<vmem>> -> memref<1x64xi32, #tpu.memory_space<vmem>>
      %dma_wait3A_228 = tpu.memref_squeeze %dma_wait3A_227 : memref<1x64xi32, #tpu.memory_space<vmem>> -> memref<64xi32, #tpu.memory_space<vmem>>
      %dma_wait3A_229 = arith.constant 0 : i32
      %dma_wait3A_230 = arith.constant 0 : i32
      %dma_wait3A_231 = tpu.memref_slice %arg2[%dma_wait3A_229, %dma_wait3A_230] : memref<10240x128xf32, #tpu.memory_space<hbm>> -> memref<10240x128xf32, #tpu.memory_space<hbm>>
      tpu.wait_indirect_dma semaphore(%arg12 : memref<!tpu.dma_semaphore, #tpu.memory_space<semaphore_mem>>) src(%dma_wait3A_231 : memref<10240x128xf32, #tpu.memory_space<hbm>>) dst(%dma_wait3A_225 : memref<64x128xf32, #tpu.memory_space<vmem>>)
      %dma_wait3A_232 = arith.constant 4 : i32
      %dma_wait3A_233 = arith.constant 64 : i32
      %dma_wait3A_234 = arith.constant 0 : i32
      %dma_wait3A_235 = tpu.memref_slice %arg10[%dma_wait3A_233, %dma_wait3A_234] : memref<128x128xf32, #tpu.memory_space<vmem>> -> memref<64x128xf32, #tpu.memory_space<vmem>>
      %dma_wait3A_236 = arith.constant 64 : i32
      %dma_wait3A_237 = tpu.memref_slice %arg8[%dma_wait3A_232, %dma_wait3A_236] : memref<8x128xi32, #tpu.memory_space<vmem>> -> memref<1x64xi32, #tpu.memory_space<vmem>>
      %dma_wait3A_238 = tpu.memref_squeeze %dma_wait3A_237 : memref<1x64xi32, #tpu.memory_space<vmem>> -> memref<64xi32, #tpu.memory_space<vmem>>
      %dma_wait3A_239 = arith.constant 0 : i32
      %dma_wait3A_240 = arith.constant 0 : i32
      %dma_wait3A_241 = tpu.memref_slice %arg2[%dma_wait3A_239, %dma_wait3A_240] : memref<10240x128xf32, #tpu.memory_space<hbm>> -> memref<10240x128xf32, #tpu.memory_space<hbm>>
      tpu.wait_indirect_dma semaphore(%arg13 : memref<!tpu.dma_semaphore, #tpu.memory_space<semaphore_mem>>) src(%dma_wait3A_241 : memref<10240x128xf32, #tpu.memory_space<hbm>>) dst(%dma_wait3A_235 : memref<64x128xf32, #tpu.memory_space<vmem>>)
      %run_scoped3A_242 = arith.constant 4 : i32
      "tpu.region"() ({
        %run_scoped3A_346 = tpu.sem_alloc : memref<!tpu.dma_semaphore, #tpu.memory_space<semaphore_mem>>
        %dma_start3A_347 = arith.constant 0 : i32
        %dma_start3A_348 = tpu.memref_slice %arg9[%run_scoped3A_242, %dma_start3A_347] : memref<8x128xi32, #tpu.memory_space<vmem>> -> memref<1x128xi32, #tpu.memory_space<vmem>>
        %dma_start3A_349 = tpu.memref_squeeze %dma_start3A_348 : memref<1x128xi32, #tpu.memory_space<vmem>> -> memref<128xi32, #tpu.memory_space<vmem>>
        %dma_start3A_350 = arith.constant 0 : i32
        %dma_start3A_351 = arith.constant 0 : i32
        %dma_start3A_352 = tpu.memref_slice %arg7[%dma_start3A_350, %dma_start3A_351] : memref<10240x128xf32, #tpu.memory_space<vmem_shared>> -> memref<10240x128xf32, #tpu.memory_space<vmem_shared>>
        tpu.enqueue_indirect_dma source(%arg10 : memref<128x128xf32, #tpu.memory_space<vmem>>) target(%dma_start3A_352 : memref<10240x128xf32, #tpu.memory_space<vmem_shared>>) offsets(%dma_start3A_349 : memref<128xi32, #tpu.memory_space<vmem>>) semaphore(%run_scoped3A_346 : memref<!tpu.dma_semaphore, #tpu.memory_space<semaphore_mem>>) {add = true}
        %dma_wait3A_353 = arith.constant 0 : i32
        %dma_wait3A_354 = tpu.memref_slice %arg9[%run_scoped3A_242, %dma_wait3A_353] : memref<8x128xi32, #tpu.memory_space<vmem>> -> memref<1x128xi32, #tpu.memory_space<vmem>>
        %dma_wait3A_355 = tpu.memref_squeeze %dma_wait3A_354 : memref<1x128xi32, #tpu.memory_space<vmem>> -> memref<128xi32, #tpu.memory_space<vmem>>
        %dma_wait3A_356 = arith.constant 0 : i32
        %dma_wait3A_357 = arith.constant 0 : i32
        %dma_wait3A_358 = tpu.memref_slice %arg7[%dma_wait3A_356, %dma_wait3A_357] : memref<10240x128xf32, #tpu.memory_space<vmem_shared>> -> memref<10240x128xf32, #tpu.memory_space<vmem_shared>>
        tpu.wait_indirect_dma semaphore(%run_scoped3A_346 : memref<!tpu.dma_semaphore, #tpu.memory_space<semaphore_mem>>) src(%arg10 : memref<128x128xf32, #tpu.memory_space<vmem>>) dst(%dma_wait3A_358 : memref<10240x128xf32, #tpu.memory_space<vmem_shared>>)
        tpu.yield
      }) : () -> ()
      %dma_start3A_243 = arith.constant 6 : i32
      %dma_start3A_244 = arith.constant 0 : i32
      %dma_start3A_245 = arith.constant 0 : i32
      %dma_start3A_246 = tpu.memref_slice %arg10[%dma_start3A_244, %dma_start3A_245] : memref<128x128xf32, #tpu.memory_space<vmem>> -> memref<64x128xf32, #tpu.memory_space<vmem>>
      %dma_start3A_247 = arith.constant 0 : i32
      %dma_start3A_248 = tpu.memref_slice %arg8[%dma_start3A_243, %dma_start3A_247] : memref<8x128xi32, #tpu.memory_space<vmem>> -> memref<1x64xi32, #tpu.memory_space<vmem>>
      %dma_start3A_249 = tpu.memref_squeeze %dma_start3A_248 : memref<1x64xi32, #tpu.memory_space<vmem>> -> memref<64xi32, #tpu.memory_space<vmem>>
      %dma_start3A_250 = arith.constant 0 : i32
      %dma_start3A_251 = arith.constant 0 : i32
      %dma_start3A_252 = tpu.memref_slice %arg2[%dma_start3A_250, %dma_start3A_251] : memref<10240x128xf32, #tpu.memory_space<hbm>> -> memref<10240x128xf32, #tpu.memory_space<hbm>>
      tpu.enqueue_indirect_dma source(%dma_start3A_252 : memref<10240x128xf32, #tpu.memory_space<hbm>>) target(%dma_start3A_246 : memref<64x128xf32, #tpu.memory_space<vmem>>) offsets(%dma_start3A_249 : memref<64xi32, #tpu.memory_space<vmem>>) semaphore(%arg12 : memref<!tpu.dma_semaphore, #tpu.memory_space<semaphore_mem>>)
      %dma_start3A_253 = arith.constant 6 : i32
      %dma_start3A_254 = arith.constant 64 : i32
      %dma_start3A_255 = arith.constant 0 : i32
      %dma_start3A_256 = tpu.memref_slice %arg10[%dma_start3A_254, %dma_start3A_255] : memref<128x128xf32, #tpu.memory_space<vmem>> -> memref<64x128xf32, #tpu.memory_space<vmem>>
      %dma_start3A_257 = arith.constant 64 : i32
      %dma_start3A_258 = tpu.memref_slice %arg8[%dma_start3A_253, %dma_start3A_257] : memref<8x128xi32, #tpu.memory_space<vmem>> -> memref<1x64xi32, #tpu.memory_space<vmem>>
      %dma_start3A_259 = tpu.memref_squeeze %dma_start3A_258 : memref<1x64xi32, #tpu.memory_space<vmem>> -> memref<64xi32, #tpu.memory_space<vmem>>
      %dma_start3A_260 = arith.constant 0 : i32
      %dma_start3A_261 = arith.constant 0 : i32
      %dma_start3A_262 = tpu.memref_slice %arg2[%dma_start3A_260, %dma_start3A_261] : memref<10240x128xf32, #tpu.memory_space<hbm>> -> memref<10240x128xf32, #tpu.memory_space<hbm>>
      tpu.enqueue_indirect_dma source(%dma_start3A_262 : memref<10240x128xf32, #tpu.memory_space<hbm>>) target(%dma_start3A_256 : memref<64x128xf32, #tpu.memory_space<vmem>>) offsets(%dma_start3A_259 : memref<64xi32, #tpu.memory_space<vmem>>) semaphore(%arg13 : memref<!tpu.dma_semaphore, #tpu.memory_space<semaphore_mem>>)
      %dma_wait3A_263 = arith.constant 5 : i32
      %dma_wait3A_264 = arith.constant 0 : i32
      %dma_wait3A_265 = arith.constant 0 : i32
      %dma_wait3A_266 = tpu.memref_slice %arg11[%dma_wait3A_264, %dma_wait3A_265] : memref<128x128xf32, #tpu.memory_space<vmem>> -> memref<64x128xf32, #tpu.memory_space<vmem>>
      %dma_wait3A_267 = arith.constant 0 : i32
      %dma_wait3A_268 = tpu.memref_slice %arg8[%dma_wait3A_263, %dma_wait3A_267] : memref<8x128xi32, #tpu.memory_space<vmem>> -> memref<1x64xi32, #tpu.memory_space<vmem>>
      %dma_wait3A_269 = tpu.memref_squeeze %dma_wait3A_268 : memref<1x64xi32, #tpu.memory_space<vmem>> -> memref<64xi32, #tpu.memory_space<vmem>>
      %dma_wait3A_270 = arith.constant 0 : i32
      %dma_wait3A_271 = arith.constant 0 : i32
      %dma_wait3A_272 = tpu.memref_slice %arg2[%dma_wait3A_270, %dma_wait3A_271] : memref<10240x128xf32, #tpu.memory_space<hbm>> -> memref<10240x128xf32, #tpu.memory_space<hbm>>
      tpu.wait_indirect_dma semaphore(%arg14 : memref<!tpu.dma_semaphore, #tpu.memory_space<semaphore_mem>>) src(%dma_wait3A_272 : memref<10240x128xf32, #tpu.memory_space<hbm>>) dst(%dma_wait3A_266 : memref<64x128xf32, #tpu.memory_space<vmem>>)
      %dma_wait3A_273 = arith.constant 5 : i32
      %dma_wait3A_274 = arith.constant 64 : i32
      %dma_wait3A_275 = arith.constant 0 : i32
      %dma_wait3A_276 = tpu.memref_slice %arg11[%dma_wait3A_274, %dma_wait3A_275] : memref<128x128xf32, #tpu.memory_space<vmem>> -> memref<64x128xf32, #tpu.memory_space<vmem>>
      %dma_wait3A_277 = arith.constant 64 : i32
      %dma_wait3A_278 = tpu.memref_slice %arg8[%dma_wait3A_273, %dma_wait3A_277] : memref<8x128xi32, #tpu.memory_space<vmem>> -> memref<1x64xi32, #tpu.memory_space<vmem>>
      %dma_wait3A_279 = tpu.memref_squeeze %dma_wait3A_278 : memref<1x64xi32, #tpu.memory_space<vmem>> -> memref<64xi32, #tpu.memory_space<vmem>>
      %dma_wait3A_280 = arith.constant 0 : i32
      %dma_wait3A_281 = arith.constant 0 : i32
      %dma_wait3A_282 = tpu.memref_slice %arg2[%dma_wait3A_280, %dma_wait3A_281] : memref<10240x128xf32, #tpu.memory_space<hbm>> -> memref<10240x128xf32, #tpu.memory_space<hbm>>
      tpu.wait_indirect_dma semaphore(%arg15 : memref<!tpu.dma_semaphore, #tpu.memory_space<semaphore_mem>>) src(%dma_wait3A_282 : memref<10240x128xf32, #tpu.memory_space<hbm>>) dst(%dma_wait3A_276 : memref<64x128xf32, #tpu.memory_space<vmem>>)
      %run_scoped3A_283 = arith.constant 5 : i32
      "tpu.region"() ({
        %run_scoped3A_346 = tpu.sem_alloc : memref<!tpu.dma_semaphore, #tpu.memory_space<semaphore_mem>>
        %dma_start3A_347 = arith.constant 0 : i32
        %dma_start3A_348 = tpu.memref_slice %arg9[%run_scoped3A_283, %dma_start3A_347] : memref<8x128xi32, #tpu.memory_space<vmem>> -> memref<1x128xi32, #tpu.memory_space<vmem>>
        %dma_start3A_349 = tpu.memref_squeeze %dma_start3A_348 : memref<1x128xi32, #tpu.memory_space<vmem>> -> memref<128xi32, #tpu.memory_space<vmem>>
        %dma_start3A_350 = arith.constant 0 : i32
        %dma_start3A_351 = arith.constant 0 : i32
        %dma_start3A_352 = tpu.memref_slice %arg7[%dma_start3A_350, %dma_start3A_351] : memref<10240x128xf32, #tpu.memory_space<vmem_shared>> -> memref<10240x128xf32, #tpu.memory_space<vmem_shared>>
        tpu.enqueue_indirect_dma source(%arg11 : memref<128x128xf32, #tpu.memory_space<vmem>>) target(%dma_start3A_352 : memref<10240x128xf32, #tpu.memory_space<vmem_shared>>) offsets(%dma_start3A_349 : memref<128xi32, #tpu.memory_space<vmem>>) semaphore(%run_scoped3A_346 : memref<!tpu.dma_semaphore, #tpu.memory_space<semaphore_mem>>) {add = true}
        %dma_wait3A_353 = arith.constant 0 : i32
        %dma_wait3A_354 = tpu.memref_slice %arg9[%run_scoped3A_283, %dma_wait3A_353] : memref<8x128xi32, #tpu.memory_space<vmem>> -> memref<1x128xi32, #tpu.memory_space<vmem>>
        %dma_wait3A_355 = tpu.memref_squeeze %dma_wait3A_354 : memref<1x128xi32, #tpu.memory_space<vmem>> -> memref<128xi32, #tpu.memory_space<vmem>>
        %dma_wait3A_356 = arith.constant 0 : i32
        %dma_wait3A_357 = arith.constant 0 : i32
        %dma_wait3A_358 = tpu.memref_slice %arg7[%dma_wait3A_356, %dma_wait3A_357] : memref<10240x128xf32, #tpu.memory_space<vmem_shared>> -> memref<10240x128xf32, #tpu.memory_space<vmem_shared>>
        tpu.wait_indirect_dma semaphore(%run_scoped3A_346 : memref<!tpu.dma_semaphore, #tpu.memory_space<semaphore_mem>>) src(%arg11 : memref<128x128xf32, #tpu.memory_space<vmem>>) dst(%dma_wait3A_358 : memref<10240x128xf32, #tpu.memory_space<vmem_shared>>)
        tpu.yield
      }) : () -> ()
      %dma_start3A_284 = arith.constant 7 : i32
      %dma_start3A_285 = arith.constant 0 : i32
      %dma_start3A_286 = arith.constant 0 : i32
      %dma_start3A_287 = tpu.memref_slice %arg11[%dma_start3A_285, %dma_start3A_286] : memref<128x128xf32, #tpu.memory_space<vmem>> -> memref<64x128xf32, #tpu.memory_space<vmem>>
      %dma_start3A_288 = arith.constant 0 : i32
      %dma_start3A_289 = tpu.memref_slice %arg8[%dma_start3A_284, %dma_start3A_288] : memref<8x128xi32, #tpu.memory_space<vmem>> -> memref<1x64xi32, #tpu.memory_space<vmem>>
      %dma_start3A_290 = tpu.memref_squeeze %dma_start3A_289 : memref<1x64xi32, #tpu.memory_space<vmem>> -> memref<64xi32, #tpu.memory_space<vmem>>
      %dma_start3A_291 = arith.constant 0 : i32
      %dma_start3A_292 = arith.constant 0 : i32
      %dma_start3A_293 = tpu.memref_slice %arg2[%dma_start3A_291, %dma_start3A_292] : memref<10240x128xf32, #tpu.memory_space<hbm>> -> memref<10240x128xf32, #tpu.memory_space<hbm>>
      tpu.enqueue_indirect_dma source(%dma_start3A_293 : memref<10240x128xf32, #tpu.memory_space<hbm>>) target(%dma_start3A_287 : memref<64x128xf32, #tpu.memory_space<vmem>>) offsets(%dma_start3A_290 : memref<64xi32, #tpu.memory_space<vmem>>) semaphore(%arg14 : memref<!tpu.dma_semaphore, #tpu.memory_space<semaphore_mem>>)
      %dma_start3A_294 = arith.constant 7 : i32
      %dma_start3A_295 = arith.constant 64 : i32
      %dma_start3A_296 = arith.constant 0 : i32
      %dma_start3A_297 = tpu.memref_slice %arg11[%dma_start3A_295, %dma_start3A_296] : memref<128x128xf32, #tpu.memory_space<vmem>> -> memref<64x128xf32, #tpu.memory_space<vmem>>
      %dma_start3A_298 = arith.constant 64 : i32
      %dma_start3A_299 = tpu.memref_slice %arg8[%dma_start3A_294, %dma_start3A_298] : memref<8x128xi32, #tpu.memory_space<vmem>> -> memref<1x64xi32, #tpu.memory_space<vmem>>
      %dma_start3A_300 = tpu.memref_squeeze %dma_start3A_299 : memref<1x64xi32, #tpu.memory_space<vmem>> -> memref<64xi32, #tpu.memory_space<vmem>>
      %dma_start3A_301 = arith.constant 0 : i32
      %dma_start3A_302 = arith.constant 0 : i32
      %dma_start3A_303 = tpu.memref_slice %arg2[%dma_start3A_301, %dma_start3A_302] : memref<10240x128xf32, #tpu.memory_space<hbm>> -> memref<10240x128xf32, #tpu.memory_space<hbm>>
      tpu.enqueue_indirect_dma source(%dma_start3A_303 : memref<10240x128xf32, #tpu.memory_space<hbm>>) target(%dma_start3A_297 : memref<64x128xf32, #tpu.memory_space<vmem>>) offsets(%dma_start3A_300 : memref<64xi32, #tpu.memory_space<vmem>>) semaphore(%arg15 : memref<!tpu.dma_semaphore, #tpu.memory_space<semaphore_mem>>)
      %dma_wait3A_304 = arith.constant 6 : i32
      %dma_wait3A_305 = arith.constant 0 : i32
      %dma_wait3A_306 = arith.constant 0 : i32
      %dma_wait3A_307 = tpu.memref_slice %arg10[%dma_wait3A_305, %dma_wait3A_306] : memref<128x128xf32, #tpu.memory_space<vmem>> -> memref<64x128xf32, #tpu.memory_space<vmem>>
      %dma_wait3A_308 = arith.constant 0 : i32
      %dma_wait3A_309 = tpu.memref_slice %arg8[%dma_wait3A_304, %dma_wait3A_308] : memref<8x128xi32, #tpu.memory_space<vmem>> -> memref<1x64xi32, #tpu.memory_space<vmem>>
      %dma_wait3A_310 = tpu.memref_squeeze %dma_wait3A_309 : memref<1x64xi32, #tpu.memory_space<vmem>> -> memref<64xi32, #tpu.memory_space<vmem>>
      %dma_wait3A_311 = arith.constant 0 : i32
      %dma_wait3A_312 = arith.constant 0 : i32
      %dma_wait3A_313 = tpu.memref_slice %arg2[%dma_wait3A_311, %dma_wait3A_312] : memref<10240x128xf32, #tpu.memory_space<hbm>> -> memref<10240x128xf32, #tpu.memory_space<hbm>>
      tpu.wait_indirect_dma semaphore(%arg12 : memref<!tpu.dma_semaphore, #tpu.memory_space<semaphore_mem>>) src(%dma_wait3A_313 : memref<10240x128xf32, #tpu.memory_space<hbm>>) dst(%dma_wait3A_307 : memref<64x128xf32, #tpu.memory_space<vmem>>)
      %dma_wait3A_314 = arith.constant 6 : i32
      %dma_wait3A_315 = arith.constant 64 : i32
      %dma_wait3A_316 = arith.constant 0 : i32
      %dma_wait3A_317 = tpu.memref_slice %arg10[%dma_wait3A_315, %dma_wait3A_316] : memref<128x128xf32, #tpu.memory_space<vmem>> -> memref<64x128xf32, #tpu.memory_space<vmem>>
      %dma_wait3A_318 = arith.constant 64 : i32
      %dma_wait3A_319 = tpu.memref_slice %arg8[%dma_wait3A_314, %dma_wait3A_318] : memref<8x128xi32, #tpu.memory_space<vmem>> -> memref<1x64xi32, #tpu.memory_space<vmem>>
      %dma_wait3A_320 = tpu.memref_squeeze %dma_wait3A_319 : memref<1x64xi32, #tpu.memory_space<vmem>> -> memref<64xi32, #tpu.memory_space<vmem>>
      %dma_wait3A_321 = arith.constant 0 : i32
      %dma_wait3A_322 = arith.constant 0 : i32
      %dma_wait3A_323 = tpu.memref_slice %arg2[%dma_wait3A_321, %dma_wait3A_322] : memref<10240x128xf32, #tpu.memory_space<hbm>> -> memref<10240x128xf32, #tpu.memory_space<hbm>>
      tpu.wait_indirect_dma semaphore(%arg13 : memref<!tpu.dma_semaphore, #tpu.memory_space<semaphore_mem>>) src(%dma_wait3A_323 : memref<10240x128xf32, #tpu.memory_space<hbm>>) dst(%dma_wait3A_317 : memref<64x128xf32, #tpu.memory_space<vmem>>)
      %run_scoped3A_324 = arith.constant 6 : i32
      "tpu.region"() ({
        %run_scoped3A_346 = tpu.sem_alloc : memref<!tpu.dma_semaphore, #tpu.memory_space<semaphore_mem>>
        %dma_start3A_347 = arith.constant 0 : i32
        %dma_start3A_348 = tpu.memref_slice %arg9[%run_scoped3A_324, %dma_start3A_347] : memref<8x128xi32, #tpu.memory_space<vmem>> -> memref<1x128xi32, #tpu.memory_space<vmem>>
        %dma_start3A_349 = tpu.memref_squeeze %dma_start3A_348 : memref<1x128xi32, #tpu.memory_space<vmem>> -> memref<128xi32, #tpu.memory_space<vmem>>
        %dma_start3A_350 = arith.constant 0 : i32
        %dma_start3A_351 = arith.constant 0 : i32
        %dma_start3A_352 = tpu.memref_slice %arg7[%dma_start3A_350, %dma_start3A_351] : memref<10240x128xf32, #tpu.memory_space<vmem_shared>> -> memref<10240x128xf32, #tpu.memory_space<vmem_shared>>
        tpu.enqueue_indirect_dma source(%arg10 : memref<128x128xf32, #tpu.memory_space<vmem>>) target(%dma_start3A_352 : memref<10240x128xf32, #tpu.memory_space<vmem_shared>>) offsets(%dma_start3A_349 : memref<128xi32, #tpu.memory_space<vmem>>) semaphore(%run_scoped3A_346 : memref<!tpu.dma_semaphore, #tpu.memory_space<semaphore_mem>>) {add = true}
        %dma_wait3A_353 = arith.constant 0 : i32
        %dma_wait3A_354 = tpu.memref_slice %arg9[%run_scoped3A_324, %dma_wait3A_353] : memref<8x128xi32, #tpu.memory_space<vmem>> -> memref<1x128xi32, #tpu.memory_space<vmem>>
        %dma_wait3A_355 = tpu.memref_squeeze %dma_wait3A_354 : memref<1x128xi32, #tpu.memory_space<vmem>> -> memref<128xi32, #tpu.memory_space<vmem>>
        %dma_wait3A_356 = arith.constant 0 : i32
        %dma_wait3A_357 = arith.constant 0 : i32
        %dma_wait3A_358 = tpu.memref_slice %arg7[%dma_wait3A_356, %dma_wait3A_357] : memref<10240x128xf32, #tpu.memory_space<vmem_shared>> -> memref<10240x128xf32, #tpu.memory_space<vmem_shared>>
        tpu.wait_indirect_dma semaphore(%run_scoped3A_346 : memref<!tpu.dma_semaphore, #tpu.memory_space<semaphore_mem>>) src(%arg10 : memref<128x128xf32, #tpu.memory_space<vmem>>) dst(%dma_wait3A_358 : memref<10240x128xf32, #tpu.memory_space<vmem_shared>>)
        tpu.yield
      }) : () -> ()
      %dma_wait3A_325 = arith.constant 7 : i32
      %dma_wait3A_326 = arith.constant 0 : i32
      %dma_wait3A_327 = arith.constant 0 : i32
      %dma_wait3A_328 = tpu.memref_slice %arg11[%dma_wait3A_326, %dma_wait3A_327] : memref<128x128xf32, #tpu.memory_space<vmem>> -> memref<64x128xf32, #tpu.memory_space<vmem>>
      %dma_wait3A_329 = arith.constant 0 : i32
      %dma_wait3A_330 = tpu.memref_slice %arg8[%dma_wait3A_325, %dma_wait3A_329] : memref<8x128xi32, #tpu.memory_space<vmem>> -> memref<1x64xi32, #tpu.memory_space<vmem>>
      %dma_wait3A_331 = tpu.memref_squeeze %dma_wait3A_330 : memref<1x64xi32, #tpu.memory_space<vmem>> -> memref<64xi32, #tpu.memory_space<vmem>>
      %dma_wait3A_332 = arith.constant 0 : i32
      %dma_wait3A_333 = arith.constant 0 : i32
      %dma_wait3A_334 = tpu.memref_slice %arg2[%dma_wait3A_332, %dma_wait3A_333] : memref<10240x128xf32, #tpu.memory_space<hbm>> -> memref<10240x128xf32, #tpu.memory_space<hbm>>
      tpu.wait_indirect_dma semaphore(%arg14 : memref<!tpu.dma_semaphore, #tpu.memory_space<semaphore_mem>>) src(%dma_wait3A_334 : memref<10240x128xf32, #tpu.memory_space<hbm>>) dst(%dma_wait3A_328 : memref<64x128xf32, #tpu.memory_space<vmem>>)
      %dma_wait3A_335 = arith.constant 7 : i32
      %dma_wait3A_336 = arith.constant 64 : i32
      %dma_wait3A_337 = arith.constant 0 : i32
      %dma_wait3A_338 = tpu.memref_slice %arg11[%dma_wait3A_336, %dma_wait3A_337] : memref<128x128xf32, #tpu.memory_space<vmem>> -> memref<64x128xf32, #tpu.memory_space<vmem>>
      %dma_wait3A_339 = arith.constant 64 : i32
      %dma_wait3A_340 = tpu.memref_slice %arg8[%dma_wait3A_335, %dma_wait3A_339] : memref<8x128xi32, #tpu.memory_space<vmem>> -> memref<1x64xi32, #tpu.memory_space<vmem>>
      %dma_wait3A_341 = tpu.memref_squeeze %dma_wait3A_340 : memref<1x64xi32, #tpu.memory_space<vmem>> -> memref<64xi32, #tpu.memory_space<vmem>>
      %dma_wait3A_342 = arith.constant 0 : i32
      %dma_wait3A_343 = arith.constant 0 : i32
      %dma_wait3A_344 = tpu.memref_slice %arg2[%dma_wait3A_342, %dma_wait3A_343] : memref<10240x128xf32, #tpu.memory_space<hbm>> -> memref<10240x128xf32, #tpu.memory_space<hbm>>
      tpu.wait_indirect_dma semaphore(%arg15 : memref<!tpu.dma_semaphore, #tpu.memory_space<semaphore_mem>>) src(%dma_wait3A_344 : memref<10240x128xf32, #tpu.memory_space<hbm>>) dst(%dma_wait3A_338 : memref<64x128xf32, #tpu.memory_space<vmem>>)
      %run_scoped3A_345 = arith.constant 7 : i32
      "tpu.region"() ({
        %run_scoped3A_346 = tpu.sem_alloc : memref<!tpu.dma_semaphore, #tpu.memory_space<semaphore_mem>>
        %dma_start3A_347 = arith.constant 0 : i32
        %dma_start3A_348 = tpu.memref_slice %arg9[%run_scoped3A_345, %dma_start3A_347] : memref<8x128xi32, #tpu.memory_space<vmem>> -> memref<1x128xi32, #tpu.memory_space<vmem>>
        %dma_start3A_349 = tpu.memref_squeeze %dma_start3A_348 : memref<1x128xi32, #tpu.memory_space<vmem>> -> memref<128xi32, #tpu.memory_space<vmem>>
        %dma_start3A_350 = arith.constant 0 : i32
        %dma_start3A_351 = arith.constant 0 : i32
        %dma_start3A_352 = tpu.memref_slice %arg7[%dma_start3A_350, %dma_start3A_351] : memref<10240x128xf32, #tpu.memory_space<vmem_shared>> -> memref<10240x128xf32, #tpu.memory_space<vmem_shared>>
        tpu.enqueue_indirect_dma source(%arg11 : memref<128x128xf32, #tpu.memory_space<vmem>>) target(%dma_start3A_352 : memref<10240x128xf32, #tpu.memory_space<vmem_shared>>) offsets(%dma_start3A_349 : memref<128xi32, #tpu.memory_space<vmem>>) semaphore(%run_scoped3A_346 : memref<!tpu.dma_semaphore, #tpu.memory_space<semaphore_mem>>) {add = true}
        %dma_wait3A_353 = arith.constant 0 : i32
        %dma_wait3A_354 = tpu.memref_slice %arg9[%run_scoped3A_345, %dma_wait3A_353] : memref<8x128xi32, #tpu.memory_space<vmem>> -> memref<1x128xi32, #tpu.memory_space<vmem>>
        %dma_wait3A_355 = tpu.memref_squeeze %dma_wait3A_354 : memref<1x128xi32, #tpu.memory_space<vmem>> -> memref<128xi32, #tpu.memory_space<vmem>>
        %dma_wait3A_356 = arith.constant 0 : i32
        %dma_wait3A_357 = arith.constant 0 : i32
        %dma_wait3A_358 = tpu.memref_slice %arg7[%dma_wait3A_356, %dma_wait3A_357] : memref<10240x128xf32, #tpu.memory_space<vmem_shared>> -> memref<10240x128xf32, #tpu.memory_space<vmem_shared>>
        tpu.wait_indirect_dma semaphore(%run_scoped3A_346 : memref<!tpu.dma_semaphore, #tpu.memory_space<semaphore_mem>>) src(%arg11 : memref<128x128xf32, #tpu.memory_space<vmem>>) dst(%dma_wait3A_358 : memref<10240x128xf32, #tpu.memory_space<vmem_shared>>)
        tpu.yield
      }) : () -> ()
    }
    %scan3A_7 = arith.constant 5 : i32
    %barrier3A_8 = arith.constant 0 : index
    tpu.barrier barrier_id(%barrier3A_8)
    %mul3A_9 = arith.constant 640 : i32
    %mul3A_10 = arith.muli %arg1, %mul3A_9 : i32
    %mul3A_11 = arith.constant 10240 : i32
    %mul3A_12 = arith.muli %arg0, %mul3A_11 : i32
    %mul3A_13 = arith.constant 640 : i32
    %mul3A_14 = arith.muli %arg1, %mul3A_13 : i32
    %add3A_15 = arith.addi %mul3A_12, %mul3A_14 : i32
    "tpu.region"() ({
      %run_scoped3A = tpu.sem_alloc : memref<!tpu.dma_semaphore, #tpu.memory_space<semaphore_mem>>
      %dma_start3A = arith.constant 0 : i32
      %dma_start3A_16 = tpu.memref_slice %arg6[%add3A_15, %dma_start3A] : memref<20480x128xf32, #tpu.memory_space<hbm>> -> memref<640x128xf32, #tpu.memory_space<hbm>>
      %dma_start3A_17 = arith.constant 0 : i32
      %dma_start3A_18 = tpu.memref_slice %arg7[%mul3A_10, %dma_start3A_17] : memref<10240x128xf32, #tpu.memory_space<vmem_shared>> -> memref<640x128xf32, #tpu.memory_space<vmem_shared>>
      tpu.enqueue_dma source(%dma_start3A_18 : memref<640x128xf32, #tpu.memory_space<vmem_shared>>) target(%dma_start3A_16 : memref<640x128xf32, #tpu.memory_space<hbm>>) target_semaphore(%run_scoped3A : memref<!tpu.dma_semaphore, #tpu.memory_space<semaphore_mem>>)
      %dma_wait3A = arith.constant 0 : i32
      %dma_wait3A_19 = tpu.memref_slice %arg6[%add3A_15, %dma_wait3A] : memref<20480x128xf32, #tpu.memory_space<hbm>> -> memref<640x128xf32, #tpu.memory_space<hbm>>
      %dma_wait3A_20 = arith.constant 0 : i32
      %dma_wait3A_21 = tpu.memref_slice %arg7[%mul3A_10, %dma_wait3A_20] : memref<10240x128xf32, #tpu.memory_space<vmem_shared>> -> memref<640x128xf32, #tpu.memory_space<vmem_shared>>
      tpu.wait_dma2 semaphore(%run_scoped3A : memref<!tpu.dma_semaphore, #tpu.memory_space<semaphore_mem>>) src(%dma_wait3A_21 : memref<640x128xf32, #tpu.memory_space<vmem_shared>>) dst(%dma_wait3A_19 : memref<640x128xf32, #tpu.memory_space<hbm>>)
      tpu.yield
    }) : () -> ()
    return
  }
}

#map = affine_map<(d0, d1) -> (0, 0)>
#map1 = affine_map<(d0, d1) -> (0, 0, 0, 0)>
#map2 = affine_map<(d0, d1) -> (0, 0, 0)>
module attributes {stable_mosaic.version = 14 : i64} {
  func.func @_sc_pass1_body(%arg0: i32, %arg1: i32, %arg2: memref<20480x128xf32, #tpu.memory_space<hbm>>, %arg3: memref<2x32x40x128xi32, #tpu.memory_space<hbm>>, %arg4: memref<32x40x128xi32, #tpu.memory_space<hbm>>, %arg5: memref<640x128xf32, #tpu.memory_space<hbm>>, %arg6: memref<128x128xf32, #tpu.memory_space<hbm>>, %arg7: memref<20480x128xf32, #tpu.memory_space<hbm>>, %arg8: memref<20480x128xf32, #tpu.memory_space<hbm>>, %arg9: memref<10240x128xf32, #tpu.memory_space<vmem_shared>>, %arg10: memref<8x128xi32, #tpu.memory_space<vmem>>, %arg11: memref<8x128xi32, #tpu.memory_space<vmem>>, %arg12: memref<128x128xf32, #tpu.memory_space<vmem>>, %arg13: memref<128x128xf32, #tpu.memory_space<vmem>>, %arg14: memref<!tpu.dma_semaphore, #tpu.memory_space<semaphore_mem>>, %arg15: memref<!tpu.dma_semaphore, #tpu.memory_space<semaphore_mem>>, %arg16: memref<!tpu.dma_semaphore, #tpu.memory_space<semaphore_mem>>, %arg17: memref<!tpu.dma_semaphore, #tpu.memory_space<semaphore_mem>>) attributes {dimension_semantics = [#tpu.dimension_semantics<core_parallel>, #tpu.dimension_semantics<subcore_parallel>], iteration_bounds = array<i64: 2, 16>, scalar_prefetch = 0 : i64, scratch_operands = 9 : i64, tpu.core_type = #tpu.core_type<sc_vector_subcore>, window_params = [{transform_indices = #map}, {transform_indices = #map1}, {transform_indices = #map2}, {transform_indices = #map}, {transform_indices = #map}, {transform_indices = #map}, {transform_indices = #map}]} {
    %mul3A = arith.constant 16 : i32
    %mul3A_0 = arith.muli %arg0, %mul3A : i32
    %add3A = arith.addi %mul3A_0, %arg1 : i32
    %mul3A_1 = arith.constant 640 : i32
    %mul3A_2 = arith.muli %arg1, %mul3A_1 : i32
    "tpu.region"() ({
      %run_scoped3A = tpu.sem_alloc : memref<!tpu.dma_semaphore, #tpu.memory_space<semaphore_mem>>
      %dma_start3A = arith.constant 0 : i32
      %dma_start3A_47 = tpu.memref_slice %arg9[%mul3A_2, %dma_start3A] : memref<10240x128xf32, #tpu.memory_space<vmem_shared>> -> memref<640x128xf32, #tpu.memory_space<vmem_shared>>
      tpu.enqueue_dma source(%arg5 : memref<640x128xf32, #tpu.memory_space<hbm>>) target(%dma_start3A_47 : memref<640x128xf32, #tpu.memory_space<vmem_shared>>) target_semaphore(%run_scoped3A : memref<!tpu.dma_semaphore, #tpu.memory_space<semaphore_mem>>)
      %dma_wait3A = arith.constant 0 : i32
      %dma_wait3A_48 = tpu.memref_slice %arg9[%mul3A_2, %dma_wait3A] : memref<10240x128xf32, #tpu.memory_space<vmem_shared>> -> memref<640x128xf32, #tpu.memory_space<vmem_shared>>
      tpu.wait_dma2 semaphore(%run_scoped3A : memref<!tpu.dma_semaphore, #tpu.memory_space<semaphore_mem>>) src(%arg5 : memref<640x128xf32, #tpu.memory_space<hbm>>) dst(%dma_wait3A_48 : memref<640x128xf32, #tpu.memory_space<vmem_shared>>)
      tpu.yield
    }) : () -> ()
    "tpu.region"() ({
      %run_scoped3A = tpu.sem_alloc : memref<!tpu.dma_semaphore, #tpu.memory_space<semaphore_mem>>
      tpu.enqueue_dma source(%arg6 : memref<128x128xf32, #tpu.memory_space<hbm>>) target(%arg12 : memref<128x128xf32, #tpu.memory_space<vmem>>) target_semaphore(%run_scoped3A : memref<!tpu.dma_semaphore, #tpu.memory_space<semaphore_mem>>)
      tpu.wait_dma2 semaphore(%run_scoped3A : memref<!tpu.dma_semaphore, #tpu.memory_space<semaphore_mem>>) src(%arg6 : memref<128x128xf32, #tpu.memory_space<hbm>>) dst(%arg12 : memref<128x128xf32, #tpu.memory_space<vmem>>)
      tpu.yield
    }) : () -> ()
    %barrier3A = arith.constant 0 : index
    tpu.barrier barrier_id(%barrier3A)
    %scan3A = arith.constant 0 : i32
    %scan3A_3 = arith.constant 0 : i32
    %scan3A_4 = arith.constant 5 : i32
    %scan3A_5 = arith.addi %scan3A_3, %scan3A_4 : i32
    %scan3A_6 = arith.constant 1 : i32
    scf.for %scan3A_47 = %scan3A_3 to %scan3A_5 step %scan3A_6  : i32 {
      %mul3A_48 = arith.constant 8 : i32
      %mul3A_49 = arith.muli %scan3A_47, %mul3A_48 : i32
      "tpu.region"() ({
        %run_scoped3A = tpu.sem_alloc : memref<!tpu.dma_semaphore, #tpu.memory_space<semaphore_mem>>
        %dma_start3A_160 = arith.constant 0 : i32
        %dma_start3A_161 = tpu.memref_slice %arg4[%add3A, %mul3A_49, %dma_start3A_160] : memref<32x40x128xi32, #tpu.memory_space<hbm>> -> memref<1x8x128xi32, #tpu.memory_space<hbm>>
        %dma_start3A_162 = tpu.memref_squeeze %dma_start3A_161 : memref<1x8x128xi32, #tpu.memory_space<hbm>> -> memref<8x128xi32, #tpu.memory_space<hbm>>
        %dma_start3A_163 = arith.constant 0 : i32
        %dma_start3A_164 = tpu.memref_slice %arg4[%add3A, %mul3A_49, %dma_start3A_163] : memref<32x40x128xi32, #tpu.memory_space<hbm>> -> memref<1x8x128xi32, #tpu.memory_space<hbm>>
        %dma_start3A_165 = tpu.memref_squeeze %dma_start3A_164 : memref<1x8x128xi32, #tpu.memory_space<hbm>> -> memref<8x128xi32, #tpu.memory_space<hbm>>
        tpu.enqueue_dma source(%dma_start3A_165 : memref<8x128xi32, #tpu.memory_space<hbm>>) target(%arg11 : memref<8x128xi32, #tpu.memory_space<vmem>>) target_semaphore(%run_scoped3A : memref<!tpu.dma_semaphore, #tpu.memory_space<semaphore_mem>>)
        %dma_wait3A_166 = arith.constant 0 : i32
        %dma_wait3A_167 = tpu.memref_slice %arg4[%add3A, %mul3A_49, %dma_wait3A_166] : memref<32x40x128xi32, #tpu.memory_space<hbm>> -> memref<1x8x128xi32, #tpu.memory_space<hbm>>
        %dma_wait3A_168 = tpu.memref_squeeze %dma_wait3A_167 : memref<1x8x128xi32, #tpu.memory_space<hbm>> -> memref<8x128xi32, #tpu.memory_space<hbm>>
        %dma_wait3A_169 = arith.constant 0 : i32
        %dma_wait3A_170 = tpu.memref_slice %arg4[%add3A, %mul3A_49, %dma_wait3A_169] : memref<32x40x128xi32, #tpu.memory_space<hbm>> -> memref<1x8x128xi32, #tpu.memory_space<hbm>>
        %dma_wait3A_171 = tpu.memref_squeeze %dma_wait3A_170 : memref<1x8x128xi32, #tpu.memory_space<hbm>> -> memref<8x128xi32, #tpu.memory_space<hbm>>
        tpu.wait_dma2 semaphore(%run_scoped3A : memref<!tpu.dma_semaphore, #tpu.memory_space<semaphore_mem>>) src(%dma_wait3A_171 : memref<8x128xi32, #tpu.memory_space<hbm>>) dst(%arg11 : memref<8x128xi32, #tpu.memory_space<vmem>>)
        tpu.yield
      }) : () -> ()
      %dma_start3A = arith.constant 0 : i32
      %dma_start3A_50 = arith.constant 0 : i32
      %dma_start3A_51 = tpu.memref_slice %arg11[%dma_start3A, %dma_start3A_50] : memref<8x128xi32, #tpu.memory_space<vmem>> -> memref<1x128xi32, #tpu.memory_space<vmem>>
      %dma_start3A_52 = tpu.memref_squeeze %dma_start3A_51 : memref<1x128xi32, #tpu.memory_space<vmem>> -> memref<128xi32, #tpu.memory_space<vmem>>
      %dma_start3A_53 = arith.constant 0 : i32
      %dma_start3A_54 = arith.constant 0 : i32
      %dma_start3A_55 = tpu.memref_slice %arg9[%dma_start3A_53, %dma_start3A_54] : memref<10240x128xf32, #tpu.memory_space<vmem_shared>> -> memref<10240x128xf32, #tpu.memory_space<vmem_shared>>
      tpu.enqueue_indirect_dma source(%arg12 : memref<128x128xf32, #tpu.memory_space<vmem>>) target(%dma_start3A_55 : memref<10240x128xf32, #tpu.memory_space<vmem_shared>>) offsets(%dma_start3A_52 : memref<128xi32, #tpu.memory_space<vmem>>) semaphore(%arg14 : memref<!tpu.dma_semaphore, #tpu.memory_space<semaphore_mem>>) {add = true}
      %dma_start3A_56 = arith.constant 1 : i32
      %dma_start3A_57 = arith.constant 0 : i32
      %dma_start3A_58 = tpu.memref_slice %arg11[%dma_start3A_56, %dma_start3A_57] : memref<8x128xi32, #tpu.memory_space<vmem>> -> memref<1x128xi32, #tpu.memory_space<vmem>>
      %dma_start3A_59 = tpu.memref_squeeze %dma_start3A_58 : memref<1x128xi32, #tpu.memory_space<vmem>> -> memref<128xi32, #tpu.memory_space<vmem>>
      %dma_start3A_60 = arith.constant 0 : i32
      %dma_start3A_61 = arith.constant 0 : i32
      %dma_start3A_62 = tpu.memref_slice %arg9[%dma_start3A_60, %dma_start3A_61] : memref<10240x128xf32, #tpu.memory_space<vmem_shared>> -> memref<10240x128xf32, #tpu.memory_space<vmem_shared>>
      tpu.enqueue_indirect_dma source(%arg12 : memref<128x128xf32, #tpu.memory_space<vmem>>) target(%dma_start3A_62 : memref<10240x128xf32, #tpu.memory_space<vmem_shared>>) offsets(%dma_start3A_59 : memref<128xi32, #tpu.memory_space<vmem>>) semaphore(%arg14 : memref<!tpu.dma_semaphore, #tpu.memory_space<semaphore_mem>>) {add = true}
      %dma_start3A_63 = arith.constant 2 : i32
      %dma_start3A_64 = arith.constant 0 : i32
      %dma_start3A_65 = tpu.memref_slice %arg11[%dma_start3A_63, %dma_start3A_64] : memref<8x128xi32, #tpu.memory_space<vmem>> -> memref<1x128xi32, #tpu.memory_space<vmem>>
      %dma_start3A_66 = tpu.memref_squeeze %dma_start3A_65 : memref<1x128xi32, #tpu.memory_space<vmem>> -> memref<128xi32, #tpu.memory_space<vmem>>
      %dma_start3A_67 = arith.constant 0 : i32
      %dma_start3A_68 = arith.constant 0 : i32
      %dma_start3A_69 = tpu.memref_slice %arg9[%dma_start3A_67, %dma_start3A_68] : memref<10240x128xf32, #tpu.memory_space<vmem_shared>> -> memref<10240x128xf32, #tpu.memory_space<vmem_shared>>
      tpu.enqueue_indirect_dma source(%arg12 : memref<128x128xf32, #tpu.memory_space<vmem>>) target(%dma_start3A_69 : memref<10240x128xf32, #tpu.memory_space<vmem_shared>>) offsets(%dma_start3A_66 : memref<128xi32, #tpu.memory_space<vmem>>) semaphore(%arg14 : memref<!tpu.dma_semaphore, #tpu.memory_space<semaphore_mem>>) {add = true}
      %dma_start3A_70 = arith.constant 3 : i32
      %dma_start3A_71 = arith.constant 0 : i32
      %dma_start3A_72 = tpu.memref_slice %arg11[%dma_start3A_70, %dma_start3A_71] : memref<8x128xi32, #tpu.memory_space<vmem>> -> memref<1x128xi32, #tpu.memory_space<vmem>>
      %dma_start3A_73 = tpu.memref_squeeze %dma_start3A_72 : memref<1x128xi32, #tpu.memory_space<vmem>> -> memref<128xi32, #tpu.memory_space<vmem>>
      %dma_start3A_74 = arith.constant 0 : i32
      %dma_start3A_75 = arith.constant 0 : i32
      %dma_start3A_76 = tpu.memref_slice %arg9[%dma_start3A_74, %dma_start3A_75] : memref<10240x128xf32, #tpu.memory_space<vmem_shared>> -> memref<10240x128xf32, #tpu.memory_space<vmem_shared>>
      tpu.enqueue_indirect_dma source(%arg12 : memref<128x128xf32, #tpu.memory_space<vmem>>) target(%dma_start3A_76 : memref<10240x128xf32, #tpu.memory_space<vmem_shared>>) offsets(%dma_start3A_73 : memref<128xi32, #tpu.memory_space<vmem>>) semaphore(%arg14 : memref<!tpu.dma_semaphore, #tpu.memory_space<semaphore_mem>>) {add = true}
      %dma_start3A_77 = arith.constant 4 : i32
      %dma_start3A_78 = arith.constant 0 : i32
      %dma_start3A_79 = tpu.memref_slice %arg11[%dma_start3A_77, %dma_start3A_78] : memref<8x128xi32, #tpu.memory_space<vmem>> -> memref<1x128xi32, #tpu.memory_space<vmem>>
      %dma_start3A_80 = tpu.memref_squeeze %dma_start3A_79 : memref<1x128xi32, #tpu.memory_space<vmem>> -> memref<128xi32, #tpu.memory_space<vmem>>
      %dma_start3A_81 = arith.constant 0 : i32
      %dma_start3A_82 = arith.constant 0 : i32
      %dma_start3A_83 = tpu.memref_slice %arg9[%dma_start3A_81, %dma_start3A_82] : memref<10240x128xf32, #tpu.memory_space<vmem_shared>> -> memref<10240x128xf32, #tpu.memory_space<vmem_shared>>
      tpu.enqueue_indirect_dma source(%arg12 : memref<128x128xf32, #tpu.memory_space<vmem>>) target(%dma_start3A_83 : memref<10240x128xf32, #tpu.memory_space<vmem_shared>>) offsets(%dma_start3A_80 : memref<128xi32, #tpu.memory_space<vmem>>) semaphore(%arg14 : memref<!tpu.dma_semaphore, #tpu.memory_space<semaphore_mem>>) {add = true}
      %dma_start3A_84 = arith.constant 5 : i32
      %dma_start3A_85 = arith.constant 0 : i32
      %dma_start3A_86 = tpu.memref_slice %arg11[%dma_start3A_84, %dma_start3A_85] : memref<8x128xi32, #tpu.memory_space<vmem>> -> memref<1x128xi32, #tpu.memory_space<vmem>>
      %dma_start3A_87 = tpu.memref_squeeze %dma_start3A_86 : memref<1x128xi32, #tpu.memory_space<vmem>> -> memref<128xi32, #tpu.memory_space<vmem>>
      %dma_start3A_88 = arith.constant 0 : i32
      %dma_start3A_89 = arith.constant 0 : i32
      %dma_start3A_90 = tpu.memref_slice %arg9[%dma_start3A_88, %dma_start3A_89] : memref<10240x128xf32, #tpu.memory_space<vmem_shared>> -> memref<10240x128xf32, #tpu.memory_space<vmem_shared>>
      tpu.enqueue_indirect_dma source(%arg12 : memref<128x128xf32, #tpu.memory_space<vmem>>) target(%dma_start3A_90 : memref<10240x128xf32, #tpu.memory_space<vmem_shared>>) offsets(%dma_start3A_87 : memref<128xi32, #tpu.memory_space<vmem>>) semaphore(%arg14 : memref<!tpu.dma_semaphore, #tpu.memory_space<semaphore_mem>>) {add = true}
      %dma_start3A_91 = arith.constant 6 : i32
      %dma_start3A_92 = arith.constant 0 : i32
      %dma_start3A_93 = tpu.memref_slice %arg11[%dma_start3A_91, %dma_start3A_92] : memref<8x128xi32, #tpu.memory_space<vmem>> -> memref<1x128xi32, #tpu.memory_space<vmem>>
      %dma_start3A_94 = tpu.memref_squeeze %dma_start3A_93 : memref<1x128xi32, #tpu.memory_space<vmem>> -> memref<128xi32, #tpu.memory_space<vmem>>
      %dma_start3A_95 = arith.constant 0 : i32
      %dma_start3A_96 = arith.constant 0 : i32
      %dma_start3A_97 = tpu.memref_slice %arg9[%dma_start3A_95, %dma_start3A_96] : memref<10240x128xf32, #tpu.memory_space<vmem_shared>> -> memref<10240x128xf32, #tpu.memory_space<vmem_shared>>
      tpu.enqueue_indirect_dma source(%arg12 : memref<128x128xf32, #tpu.memory_space<vmem>>) target(%dma_start3A_97 : memref<10240x128xf32, #tpu.memory_space<vmem_shared>>) offsets(%dma_start3A_94 : memref<128xi32, #tpu.memory_space<vmem>>) semaphore(%arg14 : memref<!tpu.dma_semaphore, #tpu.memory_space<semaphore_mem>>) {add = true}
      %dma_start3A_98 = arith.constant 7 : i32
      %dma_start3A_99 = arith.constant 0 : i32
      %dma_start3A_100 = tpu.memref_slice %arg11[%dma_start3A_98, %dma_start3A_99] : memref<8x128xi32, #tpu.memory_space<vmem>> -> memref<1x128xi32, #tpu.memory_space<vmem>>
      %dma_start3A_101 = tpu.memref_squeeze %dma_start3A_100 : memref<1x128xi32, #tpu.memory_space<vmem>> -> memref<128xi32, #tpu.memory_space<vmem>>
      %dma_start3A_102 = arith.constant 0 : i32
      %dma_start3A_103 = arith.constant 0 : i32
      %dma_start3A_104 = tpu.memref_slice %arg9[%dma_start3A_102, %dma_start3A_103] : memref<10240x128xf32, #tpu.memory_space<vmem_shared>> -> memref<10240x128xf32, #tpu.memory_space<vmem_shared>>
      tpu.enqueue_indirect_dma source(%arg12 : memref<128x128xf32, #tpu.memory_space<vmem>>) target(%dma_start3A_104 : memref<10240x128xf32, #tpu.memory_space<vmem_shared>>) offsets(%dma_start3A_101 : memref<128xi32, #tpu.memory_space<vmem>>) semaphore(%arg14 : memref<!tpu.dma_semaphore, #tpu.memory_space<semaphore_mem>>) {add = true}
      %dma_wait3A = arith.constant 0 : i32
      %dma_wait3A_105 = arith.constant 0 : i32
      %dma_wait3A_106 = tpu.memref_slice %arg11[%dma_wait3A, %dma_wait3A_105] : memref<8x128xi32, #tpu.memory_space<vmem>> -> memref<1x128xi32, #tpu.memory_space<vmem>>
      %dma_wait3A_107 = tpu.memref_squeeze %dma_wait3A_106 : memref<1x128xi32, #tpu.memory_space<vmem>> -> memref<128xi32, #tpu.memory_space<vmem>>
      %dma_wait3A_108 = arith.constant 0 : i32
      %dma_wait3A_109 = arith.constant 0 : i32
      %dma_wait3A_110 = tpu.memref_slice %arg9[%dma_wait3A_108, %dma_wait3A_109] : memref<10240x128xf32, #tpu.memory_space<vmem_shared>> -> memref<10240x128xf32, #tpu.memory_space<vmem_shared>>
      tpu.wait_indirect_dma semaphore(%arg14 : memref<!tpu.dma_semaphore, #tpu.memory_space<semaphore_mem>>) src(%arg12 : memref<128x128xf32, #tpu.memory_space<vmem>>) dst(%dma_wait3A_110 : memref<10240x128xf32, #tpu.memory_space<vmem_shared>>)
      %dma_wait3A_111 = arith.constant 1 : i32
      %dma_wait3A_112 = arith.constant 0 : i32
      %dma_wait3A_113 = tpu.memref_slice %arg11[%dma_wait3A_111, %dma_wait3A_112] : memref<8x128xi32, #tpu.memory_space<vmem>> -> memref<1x128xi32, #tpu.memory_space<vmem>>
      %dma_wait3A_114 = tpu.memref_squeeze %dma_wait3A_113 : memref<1x128xi32, #tpu.memory_space<vmem>> -> memref<128xi32, #tpu.memory_space<vmem>>
      %dma_wait3A_115 = arith.constant 0 : i32
      %dma_wait3A_116 = arith.constant 0 : i32
      %dma_wait3A_117 = tpu.memref_slice %arg9[%dma_wait3A_115, %dma_wait3A_116] : memref<10240x128xf32, #tpu.memory_space<vmem_shared>> -> memref<10240x128xf32, #tpu.memory_space<vmem_shared>>
      tpu.wait_indirect_dma semaphore(%arg14 : memref<!tpu.dma_semaphore, #tpu.memory_space<semaphore_mem>>) src(%arg12 : memref<128x128xf32, #tpu.memory_space<vmem>>) dst(%dma_wait3A_117 : memref<10240x128xf32, #tpu.memory_space<vmem_shared>>)
      %dma_wait3A_118 = arith.constant 2 : i32
      %dma_wait3A_119 = arith.constant 0 : i32
      %dma_wait3A_120 = tpu.memref_slice %arg11[%dma_wait3A_118, %dma_wait3A_119] : memref<8x128xi32, #tpu.memory_space<vmem>> -> memref<1x128xi32, #tpu.memory_space<vmem>>
      %dma_wait3A_121 = tpu.memref_squeeze %dma_wait3A_120 : memref<1x128xi32, #tpu.memory_space<vmem>> -> memref<128xi32, #tpu.memory_space<vmem>>
      %dma_wait3A_122 = arith.constant 0 : i32
      %dma_wait3A_123 = arith.constant 0 : i32
      %dma_wait3A_124 = tpu.memref_slice %arg9[%dma_wait3A_122, %dma_wait3A_123] : memref<10240x128xf32, #tpu.memory_space<vmem_shared>> -> memref<10240x128xf32, #tpu.memory_space<vmem_shared>>
      tpu.wait_indirect_dma semaphore(%arg14 : memref<!tpu.dma_semaphore, #tpu.memory_space<semaphore_mem>>) src(%arg12 : memref<128x128xf32, #tpu.memory_space<vmem>>) dst(%dma_wait3A_124 : memref<10240x128xf32, #tpu.memory_space<vmem_shared>>)
      %dma_wait3A_125 = arith.constant 3 : i32
      %dma_wait3A_126 = arith.constant 0 : i32
      %dma_wait3A_127 = tpu.memref_slice %arg11[%dma_wait3A_125, %dma_wait3A_126] : memref<8x128xi32, #tpu.memory_space<vmem>> -> memref<1x128xi32, #tpu.memory_space<vmem>>
      %dma_wait3A_128 = tpu.memref_squeeze %dma_wait3A_127 : memref<1x128xi32, #tpu.memory_space<vmem>> -> memref<128xi32, #tpu.memory_space<vmem>>
      %dma_wait3A_129 = arith.constant 0 : i32
      %dma_wait3A_130 = arith.constant 0 : i32
      %dma_wait3A_131 = tpu.memref_slice %arg9[%dma_wait3A_129, %dma_wait3A_130] : memref<10240x128xf32, #tpu.memory_space<vmem_shared>> -> memref<10240x128xf32, #tpu.memory_space<vmem_shared>>
      tpu.wait_indirect_dma semaphore(%arg14 : memref<!tpu.dma_semaphore, #tpu.memory_space<semaphore_mem>>) src(%arg12 : memref<128x128xf32, #tpu.memory_space<vmem>>) dst(%dma_wait3A_131 : memref<10240x128xf32, #tpu.memory_space<vmem_shared>>)
      %dma_wait3A_132 = arith.constant 4 : i32
      %dma_wait3A_133 = arith.constant 0 : i32
      %dma_wait3A_134 = tpu.memref_slice %arg11[%dma_wait3A_132, %dma_wait3A_133] : memref<8x128xi32, #tpu.memory_space<vmem>> -> memref<1x128xi32, #tpu.memory_space<vmem>>
      %dma_wait3A_135 = tpu.memref_squeeze %dma_wait3A_134 : memref<1x128xi32, #tpu.memory_space<vmem>> -> memref<128xi32, #tpu.memory_space<vmem>>
      %dma_wait3A_136 = arith.constant 0 : i32
      %dma_wait3A_137 = arith.constant 0 : i32
      %dma_wait3A_138 = tpu.memref_slice %arg9[%dma_wait3A_136, %dma_wait3A_137] : memref<10240x128xf32, #tpu.memory_space<vmem_shared>> -> memref<10240x128xf32, #tpu.memory_space<vmem_shared>>
      tpu.wait_indirect_dma semaphore(%arg14 : memref<!tpu.dma_semaphore, #tpu.memory_space<semaphore_mem>>) src(%arg12 : memref<128x128xf32, #tpu.memory_space<vmem>>) dst(%dma_wait3A_138 : memref<10240x128xf32, #tpu.memory_space<vmem_shared>>)
      %dma_wait3A_139 = arith.constant 5 : i32
      %dma_wait3A_140 = arith.constant 0 : i32
      %dma_wait3A_141 = tpu.memref_slice %arg11[%dma_wait3A_139, %dma_wait3A_140] : memref<8x128xi32, #tpu.memory_space<vmem>> -> memref<1x128xi32, #tpu.memory_space<vmem>>
      %dma_wait3A_142 = tpu.memref_squeeze %dma_wait3A_141 : memref<1x128xi32, #tpu.memory_space<vmem>> -> memref<128xi32, #tpu.memory_space<vmem>>
      %dma_wait3A_143 = arith.constant 0 : i32
      %dma_wait3A_144 = arith.constant 0 : i32
      %dma_wait3A_145 = tpu.memref_slice %arg9[%dma_wait3A_143, %dma_wait3A_144] : memref<10240x128xf32, #tpu.memory_space<vmem_shared>> -> memref<10240x128xf32, #tpu.memory_space<vmem_shared>>
      tpu.wait_indirect_dma semaphore(%arg14 : memref<!tpu.dma_semaphore, #tpu.memory_space<semaphore_mem>>) src(%arg12 : memref<128x128xf32, #tpu.memory_space<vmem>>) dst(%dma_wait3A_145 : memref<10240x128xf32, #tpu.memory_space<vmem_shared>>)
      %dma_wait3A_146 = arith.constant 6 : i32
      %dma_wait3A_147 = arith.constant 0 : i32
      %dma_wait3A_148 = tpu.memref_slice %arg11[%dma_wait3A_146, %dma_wait3A_147] : memref<8x128xi32, #tpu.memory_space<vmem>> -> memref<1x128xi32, #tpu.memory_space<vmem>>
      %dma_wait3A_149 = tpu.memref_squeeze %dma_wait3A_148 : memref<1x128xi32, #tpu.memory_space<vmem>> -> memref<128xi32, #tpu.memory_space<vmem>>
      %dma_wait3A_150 = arith.constant 0 : i32
      %dma_wait3A_151 = arith.constant 0 : i32
      %dma_wait3A_152 = tpu.memref_slice %arg9[%dma_wait3A_150, %dma_wait3A_151] : memref<10240x128xf32, #tpu.memory_space<vmem_shared>> -> memref<10240x128xf32, #tpu.memory_space<vmem_shared>>
      tpu.wait_indirect_dma semaphore(%arg14 : memref<!tpu.dma_semaphore, #tpu.memory_space<semaphore_mem>>) src(%arg12 : memref<128x128xf32, #tpu.memory_space<vmem>>) dst(%dma_wait3A_152 : memref<10240x128xf32, #tpu.memory_space<vmem_shared>>)
      %dma_wait3A_153 = arith.constant 7 : i32
      %dma_wait3A_154 = arith.constant 0 : i32
      %dma_wait3A_155 = tpu.memref_slice %arg11[%dma_wait3A_153, %dma_wait3A_154] : memref<8x128xi32, #tpu.memory_space<vmem>> -> memref<1x128xi32, #tpu.memory_space<vmem>>
      %dma_wait3A_156 = tpu.memref_squeeze %dma_wait3A_155 : memref<1x128xi32, #tpu.memory_space<vmem>> -> memref<128xi32, #tpu.memory_space<vmem>>
      %dma_wait3A_157 = arith.constant 0 : i32
      %dma_wait3A_158 = arith.constant 0 : i32
      %dma_wait3A_159 = tpu.memref_slice %arg9[%dma_wait3A_157, %dma_wait3A_158] : memref<10240x128xf32, #tpu.memory_space<vmem_shared>> -> memref<10240x128xf32, #tpu.memory_space<vmem_shared>>
      tpu.wait_indirect_dma semaphore(%arg14 : memref<!tpu.dma_semaphore, #tpu.memory_space<semaphore_mem>>) src(%arg12 : memref<128x128xf32, #tpu.memory_space<vmem>>) dst(%dma_wait3A_159 : memref<10240x128xf32, #tpu.memory_space<vmem_shared>>)
    }
    %scan3A_7 = arith.constant 5 : i32
    %barrier3A_8 = arith.constant 0 : index
    tpu.barrier barrier_id(%barrier3A_8)
    %mul3A_9 = arith.constant 640 : i32
    %mul3A_10 = arith.muli %arg1, %mul3A_9 : i32
    %mul3A_11 = arith.constant 10240 : i32
    %mul3A_12 = arith.muli %arg0, %mul3A_11 : i32
    %mul3A_13 = arith.constant 640 : i32
    %mul3A_14 = arith.muli %arg1, %mul3A_13 : i32
    %add3A_15 = arith.addi %mul3A_12, %mul3A_14 : i32
    "tpu.region"() ({
      %run_scoped3A = tpu.sem_alloc : memref<!tpu.dma_semaphore, #tpu.memory_space<semaphore_mem>>
      %dma_start3A = arith.constant 0 : i32
      %dma_start3A_47 = tpu.memref_slice %arg8[%add3A_15, %dma_start3A] : memref<20480x128xf32, #tpu.memory_space<hbm>> -> memref<640x128xf32, #tpu.memory_space<hbm>>
      %dma_start3A_48 = arith.constant 0 : i32
      %dma_start3A_49 = tpu.memref_slice %arg9[%mul3A_10, %dma_start3A_48] : memref<10240x128xf32, #tpu.memory_space<vmem_shared>> -> memref<640x128xf32, #tpu.memory_space<vmem_shared>>
      tpu.enqueue_dma source(%dma_start3A_49 : memref<640x128xf32, #tpu.memory_space<vmem_shared>>) target(%dma_start3A_47 : memref<640x128xf32, #tpu.memory_space<hbm>>) target_semaphore(%run_scoped3A : memref<!tpu.dma_semaphore, #tpu.memory_space<semaphore_mem>>)
      %dma_wait3A = arith.constant 0 : i32
      %dma_wait3A_50 = tpu.memref_slice %arg8[%add3A_15, %dma_wait3A] : memref<20480x128xf32, #tpu.memory_space<hbm>> -> memref<640x128xf32, #tpu.memory_space<hbm>>
      %dma_wait3A_51 = arith.constant 0 : i32
      %dma_wait3A_52 = tpu.memref_slice %arg9[%mul3A_10, %dma_wait3A_51] : memref<10240x128xf32, #tpu.memory_space<vmem_shared>> -> memref<640x128xf32, #tpu.memory_space<vmem_shared>>
      tpu.wait_dma2 semaphore(%run_scoped3A : memref<!tpu.dma_semaphore, #tpu.memory_space<semaphore_mem>>) src(%dma_wait3A_52 : memref<640x128xf32, #tpu.memory_space<vmem_shared>>) dst(%dma_wait3A_50 : memref<640x128xf32, #tpu.memory_space<hbm>>)
      tpu.yield
    }) : () -> ()
    %mul3A_16 = arith.constant 640 : i32
    %mul3A_17 = arith.muli %arg1, %mul3A_16 : i32
    "tpu.region"() ({
      %run_scoped3A = tpu.sem_alloc : memref<!tpu.dma_semaphore, #tpu.memory_space<semaphore_mem>>
      %dma_start3A = arith.constant 0 : i32
      %dma_start3A_47 = tpu.memref_slice %arg9[%mul3A_17, %dma_start3A] : memref<10240x128xf32, #tpu.memory_space<vmem_shared>> -> memref<640x128xf32, #tpu.memory_space<vmem_shared>>
      tpu.enqueue_dma source(%arg5 : memref<640x128xf32, #tpu.memory_space<hbm>>) target(%dma_start3A_47 : memref<640x128xf32, #tpu.memory_space<vmem_shared>>) target_semaphore(%run_scoped3A : memref<!tpu.dma_semaphore, #tpu.memory_space<semaphore_mem>>)
      %dma_wait3A = arith.constant 0 : i32
      %dma_wait3A_48 = tpu.memref_slice %arg9[%mul3A_17, %dma_wait3A] : memref<10240x128xf32, #tpu.memory_space<vmem_shared>> -> memref<640x128xf32, #tpu.memory_space<vmem_shared>>
      tpu.wait_dma2 semaphore(%run_scoped3A : memref<!tpu.dma_semaphore, #tpu.memory_space<semaphore_mem>>) src(%arg5 : memref<640x128xf32, #tpu.memory_space<hbm>>) dst(%dma_wait3A_48 : memref<640x128xf32, #tpu.memory_space<vmem_shared>>)
      tpu.yield
    }) : () -> ()
    %barrier3A_18 = arith.constant 0 : index
    tpu.barrier barrier_id(%barrier3A_18)
    %mul3A_19 = arith.constant 2 : i32
    %mul3A_20 = arith.muli %mul3A_19, %arg1 : i32
    %add3A_21 = arith.constant 0 : i32
    %add3A_22 = arith.addi %mul3A_20, %add3A_21 : i32
    %scan3A_23 = arith.constant 0 : i32
    %scan3A_24 = arith.constant 0 : i32
    %scan3A_25 = arith.constant 5 : i32
    %scan3A_26 = arith.addi %scan3A_24, %scan3A_25 : i32
    %scan3A_27 = arith.constant 1 : i32
    scf.for %scan3A_47 = %scan3A_24 to %scan3A_26 step %scan3A_27  : i32 {
      %mul3A_48 = arith.constant 8 : i32
      %mul3A_49 = arith.muli %scan3A_47, %mul3A_48 : i32
      "tpu.region"() ({
        %run_scoped3A_377 = tpu.sem_alloc : memref<!tpu.dma_semaphore, #tpu.memory_space<semaphore_mem>>
        %dma_start3A_378 = arith.constant 0 : i32
        %dma_start3A_379 = tpu.memref_slice %arg3[%arg0, %add3A_22, %mul3A_49, %dma_start3A_378] : memref<2x32x40x128xi32, #tpu.memory_space<hbm>> -> memref<1x1x8x128xi32, #tpu.memory_space<hbm>>
        %dma_start3A_380 = tpu.memref_squeeze %dma_start3A_379 : memref<1x1x8x128xi32, #tpu.memory_space<hbm>> -> memref<8x128xi32, #tpu.memory_space<hbm>>
        %dma_start3A_381 = arith.constant 0 : i32
        %dma_start3A_382 = tpu.memref_slice %arg3[%arg0, %add3A_22, %mul3A_49, %dma_start3A_381] : memref<2x32x40x128xi32, #tpu.memory_space<hbm>> -> memref<1x1x8x128xi32, #tpu.memory_space<hbm>>
        %dma_start3A_383 = tpu.memref_squeeze %dma_start3A_382 : memref<1x1x8x128xi32, #tpu.memory_space<hbm>> -> memref<8x128xi32, #tpu.memory_space<hbm>>
        tpu.enqueue_dma source(%dma_start3A_383 : memref<8x128xi32, #tpu.memory_space<hbm>>) target(%arg10 : memref<8x128xi32, #tpu.memory_space<vmem>>) target_semaphore(%run_scoped3A_377 : memref<!tpu.dma_semaphore, #tpu.memory_space<semaphore_mem>>)
        %dma_wait3A_384 = arith.constant 0 : i32
        %dma_wait3A_385 = tpu.memref_slice %arg3[%arg0, %add3A_22, %mul3A_49, %dma_wait3A_384] : memref<2x32x40x128xi32, #tpu.memory_space<hbm>> -> memref<1x1x8x128xi32, #tpu.memory_space<hbm>>
        %dma_wait3A_386 = tpu.memref_squeeze %dma_wait3A_385 : memref<1x1x8x128xi32, #tpu.memory_space<hbm>> -> memref<8x128xi32, #tpu.memory_space<hbm>>
        %dma_wait3A_387 = arith.constant 0 : i32
        %dma_wait3A_388 = tpu.memref_slice %arg3[%arg0, %add3A_22, %mul3A_49, %dma_wait3A_387] : memref<2x32x40x128xi32, #tpu.memory_space<hbm>> -> memref<1x1x8x128xi32, #tpu.memory_space<hbm>>
        %dma_wait3A_389 = tpu.memref_squeeze %dma_wait3A_388 : memref<1x1x8x128xi32, #tpu.memory_space<hbm>> -> memref<8x128xi32, #tpu.memory_space<hbm>>
        tpu.wait_dma2 semaphore(%run_scoped3A_377 : memref<!tpu.dma_semaphore, #tpu.memory_space<semaphore_mem>>) src(%dma_wait3A_389 : memref<8x128xi32, #tpu.memory_space<hbm>>) dst(%arg10 : memref<8x128xi32, #tpu.memory_space<vmem>>)
        tpu.yield
      }) : () -> ()
      %mul3A_50 = arith.constant 8 : i32
      %mul3A_51 = arith.muli %scan3A_47, %mul3A_50 : i32
      "tpu.region"() ({
        %run_scoped3A_377 = tpu.sem_alloc : memref<!tpu.dma_semaphore, #tpu.memory_space<semaphore_mem>>
        %dma_start3A_378 = arith.constant 0 : i32
        %dma_start3A_379 = tpu.memref_slice %arg4[%add3A_22, %mul3A_51, %dma_start3A_378] : memref<32x40x128xi32, #tpu.memory_space<hbm>> -> memref<1x8x128xi32, #tpu.memory_space<hbm>>
        %dma_start3A_380 = tpu.memref_squeeze %dma_start3A_379 : memref<1x8x128xi32, #tpu.memory_space<hbm>> -> memref<8x128xi32, #tpu.memory_space<hbm>>
        %dma_start3A_381 = arith.constant 0 : i32
        %dma_start3A_382 = tpu.memref_slice %arg4[%add3A_22, %mul3A_51, %dma_start3A_381] : memref<32x40x128xi32, #tpu.memory_space<hbm>> -> memref<1x8x128xi32, #tpu.memory_space<hbm>>
        %dma_start3A_383 = tpu.memref_squeeze %dma_start3A_382 : memref<1x8x128xi32, #tpu.memory_space<hbm>> -> memref<8x128xi32, #tpu.memory_space<hbm>>
        tpu.enqueue_dma source(%dma_start3A_383 : memref<8x128xi32, #tpu.memory_space<hbm>>) target(%arg11 : memref<8x128xi32, #tpu.memory_space<vmem>>) target_semaphore(%run_scoped3A_377 : memref<!tpu.dma_semaphore, #tpu.memory_space<semaphore_mem>>)
        %dma_wait3A_384 = arith.constant 0 : i32
        %dma_wait3A_385 = tpu.memref_slice %arg4[%add3A_22, %mul3A_51, %dma_wait3A_384] : memref<32x40x128xi32, #tpu.memory_space<hbm>> -> memref<1x8x128xi32, #tpu.memory_space<hbm>>
        %dma_wait3A_386 = tpu.memref_squeeze %dma_wait3A_385 : memref<1x8x128xi32, #tpu.memory_space<hbm>> -> memref<8x128xi32, #tpu.memory_space<hbm>>
        %dma_wait3A_387 = arith.constant 0 : i32
        %dma_wait3A_388 = tpu.memref_slice %arg4[%add3A_22, %mul3A_51, %dma_wait3A_387] : memref<32x40x128xi32, #tpu.memory_space<hbm>> -> memref<1x8x128xi32, #tpu.memory_space<hbm>>
        %dma_wait3A_389 = tpu.memref_squeeze %dma_wait3A_388 : memref<1x8x128xi32, #tpu.memory_space<hbm>> -> memref<8x128xi32, #tpu.memory_space<hbm>>
        tpu.wait_dma2 semaphore(%run_scoped3A_377 : memref<!tpu.dma_semaphore, #tpu.memory_space<semaphore_mem>>) src(%dma_wait3A_389 : memref<8x128xi32, #tpu.memory_space<hbm>>) dst(%arg11 : memref<8x128xi32, #tpu.memory_space<vmem>>)
        tpu.yield
      }) : () -> ()
      %dma_start3A = arith.constant 0 : i32
      %dma_start3A_52 = arith.constant 0 : i32
      %dma_start3A_53 = arith.constant 0 : i32
      %dma_start3A_54 = tpu.memref_slice %arg12[%dma_start3A_52, %dma_start3A_53] : memref<128x128xf32, #tpu.memory_space<vmem>> -> memref<64x128xf32, #tpu.memory_space<vmem>>
      %dma_start3A_55 = arith.constant 0 : i32
      %dma_start3A_56 = tpu.memref_slice %arg10[%dma_start3A, %dma_start3A_55] : memref<8x128xi32, #tpu.memory_space<vmem>> -> memref<1x64xi32, #tpu.memory_space<vmem>>
      %dma_start3A_57 = tpu.memref_squeeze %dma_start3A_56 : memref<1x64xi32, #tpu.memory_space<vmem>> -> memref<64xi32, #tpu.memory_space<vmem>>
      %dma_start3A_58 = arith.constant 0 : i32
      %dma_start3A_59 = arith.constant 0 : i32
      %dma_start3A_60 = tpu.memref_slice %arg2[%dma_start3A_58, %dma_start3A_59] : memref<20480x128xf32, #tpu.memory_space<hbm>> -> memref<20480x128xf32, #tpu.memory_space<hbm>>
      tpu.enqueue_indirect_dma source(%dma_start3A_60 : memref<20480x128xf32, #tpu.memory_space<hbm>>) target(%dma_start3A_54 : memref<64x128xf32, #tpu.memory_space<vmem>>) offsets(%dma_start3A_57 : memref<64xi32, #tpu.memory_space<vmem>>) semaphore(%arg14 : memref<!tpu.dma_semaphore, #tpu.memory_space<semaphore_mem>>)
      %dma_start3A_61 = arith.constant 0 : i32
      %dma_start3A_62 = arith.constant 64 : i32
      %dma_start3A_63 = arith.constant 0 : i32
      %dma_start3A_64 = tpu.memref_slice %arg12[%dma_start3A_62, %dma_start3A_63] : memref<128x128xf32, #tpu.memory_space<vmem>> -> memref<64x128xf32, #tpu.memory_space<vmem>>
      %dma_start3A_65 = arith.constant 64 : i32
      %dma_start3A_66 = tpu.memref_slice %arg10[%dma_start3A_61, %dma_start3A_65] : memref<8x128xi32, #tpu.memory_space<vmem>> -> memref<1x64xi32, #tpu.memory_space<vmem>>
      %dma_start3A_67 = tpu.memref_squeeze %dma_start3A_66 : memref<1x64xi32, #tpu.memory_space<vmem>> -> memref<64xi32, #tpu.memory_space<vmem>>
      %dma_start3A_68 = arith.constant 0 : i32
      %dma_start3A_69 = arith.constant 0 : i32
      %dma_start3A_70 = tpu.memref_slice %arg2[%dma_start3A_68, %dma_start3A_69] : memref<20480x128xf32, #tpu.memory_space<hbm>> -> memref<20480x128xf32, #tpu.memory_space<hbm>>
      tpu.enqueue_indirect_dma source(%dma_start3A_70 : memref<20480x128xf32, #tpu.memory_space<hbm>>) target(%dma_start3A_64 : memref<64x128xf32, #tpu.memory_space<vmem>>) offsets(%dma_start3A_67 : memref<64xi32, #tpu.memory_space<vmem>>) semaphore(%arg15 : memref<!tpu.dma_semaphore, #tpu.memory_space<semaphore_mem>>)
      %dma_start3A_71 = arith.constant 1 : i32
      %dma_start3A_72 = arith.constant 0 : i32
      %dma_start3A_73 = arith.constant 0 : i32
      %dma_start3A_74 = tpu.memref_slice %arg13[%dma_start3A_72, %dma_start3A_73] : memref<128x128xf32, #tpu.memory_space<vmem>> -> memref<64x128xf32, #tpu.memory_space<vmem>>
      %dma_start3A_75 = arith.constant 0 : i32
      %dma_start3A_76 = tpu.memref_slice %arg10[%dma_start3A_71, %dma_start3A_75] : memref<8x128xi32, #tpu.memory_space<vmem>> -> memref<1x64xi32, #tpu.memory_space<vmem>>
      %dma_start3A_77 = tpu.memref_squeeze %dma_start3A_76 : memref<1x64xi32, #tpu.memory_space<vmem>> -> memref<64xi32, #tpu.memory_space<vmem>>
      %dma_start3A_78 = arith.constant 0 : i32
      %dma_start3A_79 = arith.constant 0 : i32
      %dma_start3A_80 = tpu.memref_slice %arg2[%dma_start3A_78, %dma_start3A_79] : memref<20480x128xf32, #tpu.memory_space<hbm>> -> memref<20480x128xf32, #tpu.memory_space<hbm>>
      tpu.enqueue_indirect_dma source(%dma_start3A_80 : memref<20480x128xf32, #tpu.memory_space<hbm>>) target(%dma_start3A_74 : memref<64x128xf32, #tpu.memory_space<vmem>>) offsets(%dma_start3A_77 : memref<64xi32, #tpu.memory_space<vmem>>) semaphore(%arg16 : memref<!tpu.dma_semaphore, #tpu.memory_space<semaphore_mem>>)
      %dma_start3A_81 = arith.constant 1 : i32
      %dma_start3A_82 = arith.constant 64 : i32
      %dma_start3A_83 = arith.constant 0 : i32
      %dma_start3A_84 = tpu.memref_slice %arg13[%dma_start3A_82, %dma_start3A_83] : memref<128x128xf32, #tpu.memory_space<vmem>> -> memref<64x128xf32, #tpu.memory_space<vmem>>
      %dma_start3A_85 = arith.constant 64 : i32
      %dma_start3A_86 = tpu.memref_slice %arg10[%dma_start3A_81, %dma_start3A_85] : memref<8x128xi32, #tpu.memory_space<vmem>> -> memref<1x64xi32, #tpu.memory_space<vmem>>
      %dma_start3A_87 = tpu.memref_squeeze %dma_start3A_86 : memref<1x64xi32, #tpu.memory_space<vmem>> -> memref<64xi32, #tpu.memory_space<vmem>>
      %dma_start3A_88 = arith.constant 0 : i32
      %dma_start3A_89 = arith.constant 0 : i32
      %dma_start3A_90 = tpu.memref_slice %arg2[%dma_start3A_88, %dma_start3A_89] : memref<20480x128xf32, #tpu.memory_space<hbm>> -> memref<20480x128xf32, #tpu.memory_space<hbm>>
      tpu.enqueue_indirect_dma source(%dma_start3A_90 : memref<20480x128xf32, #tpu.memory_space<hbm>>) target(%dma_start3A_84 : memref<64x128xf32, #tpu.memory_space<vmem>>) offsets(%dma_start3A_87 : memref<64xi32, #tpu.memory_space<vmem>>) semaphore(%arg17 : memref<!tpu.dma_semaphore, #tpu.memory_space<semaphore_mem>>)
      %dma_wait3A = arith.constant 0 : i32
      %dma_wait3A_91 = arith.constant 0 : i32
      %dma_wait3A_92 = arith.constant 0 : i32
      %dma_wait3A_93 = tpu.memref_slice %arg12[%dma_wait3A_91, %dma_wait3A_92] : memref<128x128xf32, #tpu.memory_space<vmem>> -> memref<64x128xf32, #tpu.memory_space<vmem>>
      %dma_wait3A_94 = arith.constant 0 : i32
      %dma_wait3A_95 = tpu.memref_slice %arg10[%dma_wait3A, %dma_wait3A_94] : memref<8x128xi32, #tpu.memory_space<vmem>> -> memref<1x64xi32, #tpu.memory_space<vmem>>
      %dma_wait3A_96 = tpu.memref_squeeze %dma_wait3A_95 : memref<1x64xi32, #tpu.memory_space<vmem>> -> memref<64xi32, #tpu.memory_space<vmem>>
      %dma_wait3A_97 = arith.constant 0 : i32
      %dma_wait3A_98 = arith.constant 0 : i32
      %dma_wait3A_99 = tpu.memref_slice %arg2[%dma_wait3A_97, %dma_wait3A_98] : memref<20480x128xf32, #tpu.memory_space<hbm>> -> memref<20480x128xf32, #tpu.memory_space<hbm>>
      tpu.wait_indirect_dma semaphore(%arg14 : memref<!tpu.dma_semaphore, #tpu.memory_space<semaphore_mem>>) src(%dma_wait3A_99 : memref<20480x128xf32, #tpu.memory_space<hbm>>) dst(%dma_wait3A_93 : memref<64x128xf32, #tpu.memory_space<vmem>>)
      %dma_wait3A_100 = arith.constant 0 : i32
      %dma_wait3A_101 = arith.constant 64 : i32
      %dma_wait3A_102 = arith.constant 0 : i32
      %dma_wait3A_103 = tpu.memref_slice %arg12[%dma_wait3A_101, %dma_wait3A_102] : memref<128x128xf32, #tpu.memory_space<vmem>> -> memref<64x128xf32, #tpu.memory_space<vmem>>
      %dma_wait3A_104 = arith.constant 64 : i32
      %dma_wait3A_105 = tpu.memref_slice %arg10[%dma_wait3A_100, %dma_wait3A_104] : memref<8x128xi32, #tpu.memory_space<vmem>> -> memref<1x64xi32, #tpu.memory_space<vmem>>
      %dma_wait3A_106 = tpu.memref_squeeze %dma_wait3A_105 : memref<1x64xi32, #tpu.memory_space<vmem>> -> memref<64xi32, #tpu.memory_space<vmem>>
      %dma_wait3A_107 = arith.constant 0 : i32
      %dma_wait3A_108 = arith.constant 0 : i32
      %dma_wait3A_109 = tpu.memref_slice %arg2[%dma_wait3A_107, %dma_wait3A_108] : memref<20480x128xf32, #tpu.memory_space<hbm>> -> memref<20480x128xf32, #tpu.memory_space<hbm>>
      tpu.wait_indirect_dma semaphore(%arg15 : memref<!tpu.dma_semaphore, #tpu.memory_space<semaphore_mem>>) src(%dma_wait3A_109 : memref<20480x128xf32, #tpu.memory_space<hbm>>) dst(%dma_wait3A_103 : memref<64x128xf32, #tpu.memory_space<vmem>>)
      %run_scoped3A = arith.constant 0 : i32
      "tpu.region"() ({
        %run_scoped3A_377 = tpu.sem_alloc : memref<!tpu.dma_semaphore, #tpu.memory_space<semaphore_mem>>
        %dma_start3A_378 = arith.constant 0 : i32
        %dma_start3A_379 = tpu.memref_slice %arg11[%run_scoped3A, %dma_start3A_378] : memref<8x128xi32, #tpu.memory_space<vmem>> -> memref<1x128xi32, #tpu.memory_space<vmem>>
        %dma_start3A_380 = tpu.memref_squeeze %dma_start3A_379 : memref<1x128xi32, #tpu.memory_space<vmem>> -> memref<128xi32, #tpu.memory_space<vmem>>
        %dma_start3A_381 = arith.constant 0 : i32
        %dma_start3A_382 = arith.constant 0 : i32
        %dma_start3A_383 = tpu.memref_slice %arg9[%dma_start3A_381, %dma_start3A_382] : memref<10240x128xf32, #tpu.memory_space<vmem_shared>> -> memref<10240x128xf32, #tpu.memory_space<vmem_shared>>
        tpu.enqueue_indirect_dma source(%arg12 : memref<128x128xf32, #tpu.memory_space<vmem>>) target(%dma_start3A_383 : memref<10240x128xf32, #tpu.memory_space<vmem_shared>>) offsets(%dma_start3A_380 : memref<128xi32, #tpu.memory_space<vmem>>) semaphore(%run_scoped3A_377 : memref<!tpu.dma_semaphore, #tpu.memory_space<semaphore_mem>>) {add = true}
        %dma_wait3A_384 = arith.constant 0 : i32
        %dma_wait3A_385 = tpu.memref_slice %arg11[%run_scoped3A, %dma_wait3A_384] : memref<8x128xi32, #tpu.memory_space<vmem>> -> memref<1x128xi32, #tpu.memory_space<vmem>>
        %dma_wait3A_386 = tpu.memref_squeeze %dma_wait3A_385 : memref<1x128xi32, #tpu.memory_space<vmem>> -> memref<128xi32, #tpu.memory_space<vmem>>
        %dma_wait3A_387 = arith.constant 0 : i32
        %dma_wait3A_388 = arith.constant 0 : i32
        %dma_wait3A_389 = tpu.memref_slice %arg9[%dma_wait3A_387, %dma_wait3A_388] : memref<10240x128xf32, #tpu.memory_space<vmem_shared>> -> memref<10240x128xf32, #tpu.memory_space<vmem_shared>>
        tpu.wait_indirect_dma semaphore(%run_scoped3A_377 : memref<!tpu.dma_semaphore, #tpu.memory_space<semaphore_mem>>) src(%arg12 : memref<128x128xf32, #tpu.memory_space<vmem>>) dst(%dma_wait3A_389 : memref<10240x128xf32, #tpu.memory_space<vmem_shared>>)
        tpu.yield
      }) : () -> ()
      %dma_start3A_110 = arith.constant 2 : i32
      %dma_start3A_111 = arith.constant 0 : i32
      %dma_start3A_112 = arith.constant 0 : i32
      %dma_start3A_113 = tpu.memref_slice %arg12[%dma_start3A_111, %dma_start3A_112] : memref<128x128xf32, #tpu.memory_space<vmem>> -> memref<64x128xf32, #tpu.memory_space<vmem>>
      %dma_start3A_114 = arith.constant 0 : i32
      %dma_start3A_115 = tpu.memref_slice %arg10[%dma_start3A_110, %dma_start3A_114] : memref<8x128xi32, #tpu.memory_space<vmem>> -> memref<1x64xi32, #tpu.memory_space<vmem>>
      %dma_start3A_116 = tpu.memref_squeeze %dma_start3A_115 : memref<1x64xi32, #tpu.memory_space<vmem>> -> memref<64xi32, #tpu.memory_space<vmem>>
      %dma_start3A_117 = arith.constant 0 : i32
      %dma_start3A_118 = arith.constant 0 : i32
      %dma_start3A_119 = tpu.memref_slice %arg2[%dma_start3A_117, %dma_start3A_118] : memref<20480x128xf32, #tpu.memory_space<hbm>> -> memref<20480x128xf32, #tpu.memory_space<hbm>>
      tpu.enqueue_indirect_dma source(%dma_start3A_119 : memref<20480x128xf32, #tpu.memory_space<hbm>>) target(%dma_start3A_113 : memref<64x128xf32, #tpu.memory_space<vmem>>) offsets(%dma_start3A_116 : memref<64xi32, #tpu.memory_space<vmem>>) semaphore(%arg14 : memref<!tpu.dma_semaphore, #tpu.memory_space<semaphore_mem>>)
      %dma_start3A_120 = arith.constant 2 : i32
      %dma_start3A_121 = arith.constant 64 : i32
      %dma_start3A_122 = arith.constant 0 : i32
      %dma_start3A_123 = tpu.memref_slice %arg12[%dma_start3A_121, %dma_start3A_122] : memref<128x128xf32, #tpu.memory_space<vmem>> -> memref<64x128xf32, #tpu.memory_space<vmem>>
      %dma_start3A_124 = arith.constant 64 : i32
      %dma_start3A_125 = tpu.memref_slice %arg10[%dma_start3A_120, %dma_start3A_124] : memref<8x128xi32, #tpu.memory_space<vmem>> -> memref<1x64xi32, #tpu.memory_space<vmem>>
      %dma_start3A_126 = tpu.memref_squeeze %dma_start3A_125 : memref<1x64xi32, #tpu.memory_space<vmem>> -> memref<64xi32, #tpu.memory_space<vmem>>
      %dma_start3A_127 = arith.constant 0 : i32
      %dma_start3A_128 = arith.constant 0 : i32
      %dma_start3A_129 = tpu.memref_slice %arg2[%dma_start3A_127, %dma_start3A_128] : memref<20480x128xf32, #tpu.memory_space<hbm>> -> memref<20480x128xf32, #tpu.memory_space<hbm>>
      tpu.enqueue_indirect_dma source(%dma_start3A_129 : memref<20480x128xf32, #tpu.memory_space<hbm>>) target(%dma_start3A_123 : memref<64x128xf32, #tpu.memory_space<vmem>>) offsets(%dma_start3A_126 : memref<64xi32, #tpu.memory_space<vmem>>) semaphore(%arg15 : memref<!tpu.dma_semaphore, #tpu.memory_space<semaphore_mem>>)
      %dma_wait3A_130 = arith.constant 1 : i32
      %dma_wait3A_131 = arith.constant 0 : i32
      %dma_wait3A_132 = arith.constant 0 : i32
      %dma_wait3A_133 = tpu.memref_slice %arg13[%dma_wait3A_131, %dma_wait3A_132] : memref<128x128xf32, #tpu.memory_space<vmem>> -> memref<64x128xf32, #tpu.memory_space<vmem>>
      %dma_wait3A_134 = arith.constant 0 : i32
      %dma_wait3A_135 = tpu.memref_slice %arg10[%dma_wait3A_130, %dma_wait3A_134] : memref<8x128xi32, #tpu.memory_space<vmem>> -> memref<1x64xi32, #tpu.memory_space<vmem>>
      %dma_wait3A_136 = tpu.memref_squeeze %dma_wait3A_135 : memref<1x64xi32, #tpu.memory_space<vmem>> -> memref<64xi32, #tpu.memory_space<vmem>>
      %dma_wait3A_137 = arith.constant 0 : i32
      %dma_wait3A_138 = arith.constant 0 : i32
      %dma_wait3A_139 = tpu.memref_slice %arg2[%dma_wait3A_137, %dma_wait3A_138] : memref<20480x128xf32, #tpu.memory_space<hbm>> -> memref<20480x128xf32, #tpu.memory_space<hbm>>
      tpu.wait_indirect_dma semaphore(%arg16 : memref<!tpu.dma_semaphore, #tpu.memory_space<semaphore_mem>>) src(%dma_wait3A_139 : memref<20480x128xf32, #tpu.memory_space<hbm>>) dst(%dma_wait3A_133 : memref<64x128xf32, #tpu.memory_space<vmem>>)
      %dma_wait3A_140 = arith.constant 1 : i32
      %dma_wait3A_141 = arith.constant 64 : i32
      %dma_wait3A_142 = arith.constant 0 : i32
      %dma_wait3A_143 = tpu.memref_slice %arg13[%dma_wait3A_141, %dma_wait3A_142] : memref<128x128xf32, #tpu.memory_space<vmem>> -> memref<64x128xf32, #tpu.memory_space<vmem>>
      %dma_wait3A_144 = arith.constant 64 : i32
      %dma_wait3A_145 = tpu.memref_slice %arg10[%dma_wait3A_140, %dma_wait3A_144] : memref<8x128xi32, #tpu.memory_space<vmem>> -> memref<1x64xi32, #tpu.memory_space<vmem>>
      %dma_wait3A_146 = tpu.memref_squeeze %dma_wait3A_145 : memref<1x64xi32, #tpu.memory_space<vmem>> -> memref<64xi32, #tpu.memory_space<vmem>>
      %dma_wait3A_147 = arith.constant 0 : i32
      %dma_wait3A_148 = arith.constant 0 : i32
      %dma_wait3A_149 = tpu.memref_slice %arg2[%dma_wait3A_147, %dma_wait3A_148] : memref<20480x128xf32, #tpu.memory_space<hbm>> -> memref<20480x128xf32, #tpu.memory_space<hbm>>
      tpu.wait_indirect_dma semaphore(%arg17 : memref<!tpu.dma_semaphore, #tpu.memory_space<semaphore_mem>>) src(%dma_wait3A_149 : memref<20480x128xf32, #tpu.memory_space<hbm>>) dst(%dma_wait3A_143 : memref<64x128xf32, #tpu.memory_space<vmem>>)
      %run_scoped3A_150 = arith.constant 1 : i32
      "tpu.region"() ({
        %run_scoped3A_377 = tpu.sem_alloc : memref<!tpu.dma_semaphore, #tpu.memory_space<semaphore_mem>>
        %dma_start3A_378 = arith.constant 0 : i32
        %dma_start3A_379 = tpu.memref_slice %arg11[%run_scoped3A_150, %dma_start3A_378] : memref<8x128xi32, #tpu.memory_space<vmem>> -> memref<1x128xi32, #tpu.memory_space<vmem>>
        %dma_start3A_380 = tpu.memref_squeeze %dma_start3A_379 : memref<1x128xi32, #tpu.memory_space<vmem>> -> memref<128xi32, #tpu.memory_space<vmem>>
        %dma_start3A_381 = arith.constant 0 : i32
        %dma_start3A_382 = arith.constant 0 : i32
        %dma_start3A_383 = tpu.memref_slice %arg9[%dma_start3A_381, %dma_start3A_382] : memref<10240x128xf32, #tpu.memory_space<vmem_shared>> -> memref<10240x128xf32, #tpu.memory_space<vmem_shared>>
        tpu.enqueue_indirect_dma source(%arg13 : memref<128x128xf32, #tpu.memory_space<vmem>>) target(%dma_start3A_383 : memref<10240x128xf32, #tpu.memory_space<vmem_shared>>) offsets(%dma_start3A_380 : memref<128xi32, #tpu.memory_space<vmem>>) semaphore(%run_scoped3A_377 : memref<!tpu.dma_semaphore, #tpu.memory_space<semaphore_mem>>) {add = true}
        %dma_wait3A_384 = arith.constant 0 : i32
        %dma_wait3A_385 = tpu.memref_slice %arg11[%run_scoped3A_150, %dma_wait3A_384] : memref<8x128xi32, #tpu.memory_space<vmem>> -> memref<1x128xi32, #tpu.memory_space<vmem>>
        %dma_wait3A_386 = tpu.memref_squeeze %dma_wait3A_385 : memref<1x128xi32, #tpu.memory_space<vmem>> -> memref<128xi32, #tpu.memory_space<vmem>>
        %dma_wait3A_387 = arith.constant 0 : i32
        %dma_wait3A_388 = arith.constant 0 : i32
        %dma_wait3A_389 = tpu.memref_slice %arg9[%dma_wait3A_387, %dma_wait3A_388] : memref<10240x128xf32, #tpu.memory_space<vmem_shared>> -> memref<10240x128xf32, #tpu.memory_space<vmem_shared>>
        tpu.wait_indirect_dma semaphore(%run_scoped3A_377 : memref<!tpu.dma_semaphore, #tpu.memory_space<semaphore_mem>>) src(%arg13 : memref<128x128xf32, #tpu.memory_space<vmem>>) dst(%dma_wait3A_389 : memref<10240x128xf32, #tpu.memory_space<vmem_shared>>)
        tpu.yield
      }) : () -> ()
      %dma_start3A_151 = arith.constant 3 : i32
      %dma_start3A_152 = arith.constant 0 : i32
      %dma_start3A_153 = arith.constant 0 : i32
      %dma_start3A_154 = tpu.memref_slice %arg13[%dma_start3A_152, %dma_start3A_153] : memref<128x128xf32, #tpu.memory_space<vmem>> -> memref<64x128xf32, #tpu.memory_space<vmem>>
      %dma_start3A_155 = arith.constant 0 : i32
      %dma_start3A_156 = tpu.memref_slice %arg10[%dma_start3A_151, %dma_start3A_155] : memref<8x128xi32, #tpu.memory_space<vmem>> -> memref<1x64xi32, #tpu.memory_space<vmem>>
      %dma_start3A_157 = tpu.memref_squeeze %dma_start3A_156 : memref<1x64xi32, #tpu.memory_space<vmem>> -> memref<64xi32, #tpu.memory_space<vmem>>
      %dma_start3A_158 = arith.constant 0 : i32
      %dma_start3A_159 = arith.constant 0 : i32
      %dma_start3A_160 = tpu.memref_slice %arg2[%dma_start3A_158, %dma_start3A_159] : memref<20480x128xf32, #tpu.memory_space<hbm>> -> memref<20480x128xf32, #tpu.memory_space<hbm>>
      tpu.enqueue_indirect_dma source(%dma_start3A_160 : memref<20480x128xf32, #tpu.memory_space<hbm>>) target(%dma_start3A_154 : memref<64x128xf32, #tpu.memory_space<vmem>>) offsets(%dma_start3A_157 : memref<64xi32, #tpu.memory_space<vmem>>) semaphore(%arg16 : memref<!tpu.dma_semaphore, #tpu.memory_space<semaphore_mem>>)
      %dma_start3A_161 = arith.constant 3 : i32
      %dma_start3A_162 = arith.constant 64 : i32
      %dma_start3A_163 = arith.constant 0 : i32
      %dma_start3A_164 = tpu.memref_slice %arg13[%dma_start3A_162, %dma_start3A_163] : memref<128x128xf32, #tpu.memory_space<vmem>> -> memref<64x128xf32, #tpu.memory_space<vmem>>
      %dma_start3A_165 = arith.constant 64 : i32
      %dma_start3A_166 = tpu.memref_slice %arg10[%dma_start3A_161, %dma_start3A_165] : memref<8x128xi32, #tpu.memory_space<vmem>> -> memref<1x64xi32, #tpu.memory_space<vmem>>
      %dma_start3A_167 = tpu.memref_squeeze %dma_start3A_166 : memref<1x64xi32, #tpu.memory_space<vmem>> -> memref<64xi32, #tpu.memory_space<vmem>>
      %dma_start3A_168 = arith.constant 0 : i32
      %dma_start3A_169 = arith.constant 0 : i32
      %dma_start3A_170 = tpu.memref_slice %arg2[%dma_start3A_168, %dma_start3A_169] : memref<20480x128xf32, #tpu.memory_space<hbm>> -> memref<20480x128xf32, #tpu.memory_space<hbm>>
      tpu.enqueue_indirect_dma source(%dma_start3A_170 : memref<20480x128xf32, #tpu.memory_space<hbm>>) target(%dma_start3A_164 : memref<64x128xf32, #tpu.memory_space<vmem>>) offsets(%dma_start3A_167 : memref<64xi32, #tpu.memory_space<vmem>>) semaphore(%arg17 : memref<!tpu.dma_semaphore, #tpu.memory_space<semaphore_mem>>)
      %dma_wait3A_171 = arith.constant 2 : i32
      %dma_wait3A_172 = arith.constant 0 : i32
      %dma_wait3A_173 = arith.constant 0 : i32
      %dma_wait3A_174 = tpu.memref_slice %arg12[%dma_wait3A_172, %dma_wait3A_173] : memref<128x128xf32, #tpu.memory_space<vmem>> -> memref<64x128xf32, #tpu.memory_space<vmem>>
      %dma_wait3A_175 = arith.constant 0 : i32
      %dma_wait3A_176 = tpu.memref_slice %arg10[%dma_wait3A_171, %dma_wait3A_175] : memref<8x128xi32, #tpu.memory_space<vmem>> -> memref<1x64xi32, #tpu.memory_space<vmem>>
      %dma_wait3A_177 = tpu.memref_squeeze %dma_wait3A_176 : memref<1x64xi32, #tpu.memory_space<vmem>> -> memref<64xi32, #tpu.memory_space<vmem>>
      %dma_wait3A_178 = arith.constant 0 : i32
      %dma_wait3A_179 = arith.constant 0 : i32
      %dma_wait3A_180 = tpu.memref_slice %arg2[%dma_wait3A_178, %dma_wait3A_179] : memref<20480x128xf32, #tpu.memory_space<hbm>> -> memref<20480x128xf32, #tpu.memory_space<hbm>>
      tpu.wait_indirect_dma semaphore(%arg14 : memref<!tpu.dma_semaphore, #tpu.memory_space<semaphore_mem>>) src(%dma_wait3A_180 : memref<20480x128xf32, #tpu.memory_space<hbm>>) dst(%dma_wait3A_174 : memref<64x128xf32, #tpu.memory_space<vmem>>)
      %dma_wait3A_181 = arith.constant 2 : i32
      %dma_wait3A_182 = arith.constant 64 : i32
      %dma_wait3A_183 = arith.constant 0 : i32
      %dma_wait3A_184 = tpu.memref_slice %arg12[%dma_wait3A_182, %dma_wait3A_183] : memref<128x128xf32, #tpu.memory_space<vmem>> -> memref<64x128xf32, #tpu.memory_space<vmem>>
      %dma_wait3A_185 = arith.constant 64 : i32
      %dma_wait3A_186 = tpu.memref_slice %arg10[%dma_wait3A_181, %dma_wait3A_185] : memref<8x128xi32, #tpu.memory_space<vmem>> -> memref<1x64xi32, #tpu.memory_space<vmem>>
      %dma_wait3A_187 = tpu.memref_squeeze %dma_wait3A_186 : memref<1x64xi32, #tpu.memory_space<vmem>> -> memref<64xi32, #tpu.memory_space<vmem>>
      %dma_wait3A_188 = arith.constant 0 : i32
      %dma_wait3A_189 = arith.constant 0 : i32
      %dma_wait3A_190 = tpu.memref_slice %arg2[%dma_wait3A_188, %dma_wait3A_189] : memref<20480x128xf32, #tpu.memory_space<hbm>> -> memref<20480x128xf32, #tpu.memory_space<hbm>>
      tpu.wait_indirect_dma semaphore(%arg15 : memref<!tpu.dma_semaphore, #tpu.memory_space<semaphore_mem>>) src(%dma_wait3A_190 : memref<20480x128xf32, #tpu.memory_space<hbm>>) dst(%dma_wait3A_184 : memref<64x128xf32, #tpu.memory_space<vmem>>)
      %run_scoped3A_191 = arith.constant 2 : i32
      "tpu.region"() ({
        %run_scoped3A_377 = tpu.sem_alloc : memref<!tpu.dma_semaphore, #tpu.memory_space<semaphore_mem>>
        %dma_start3A_378 = arith.constant 0 : i32
        %dma_start3A_379 = tpu.memref_slice %arg11[%run_scoped3A_191, %dma_start3A_378] : memref<8x128xi32, #tpu.memory_space<vmem>> -> memref<1x128xi32, #tpu.memory_space<vmem>>
        %dma_start3A_380 = tpu.memref_squeeze %dma_start3A_379 : memref<1x128xi32, #tpu.memory_space<vmem>> -> memref<128xi32, #tpu.memory_space<vmem>>
        %dma_start3A_381 = arith.constant 0 : i32
        %dma_start3A_382 = arith.constant 0 : i32
        %dma_start3A_383 = tpu.memref_slice %arg9[%dma_start3A_381, %dma_start3A_382] : memref<10240x128xf32, #tpu.memory_space<vmem_shared>> -> memref<10240x128xf32, #tpu.memory_space<vmem_shared>>
        tpu.enqueue_indirect_dma source(%arg12 : memref<128x128xf32, #tpu.memory_space<vmem>>) target(%dma_start3A_383 : memref<10240x128xf32, #tpu.memory_space<vmem_shared>>) offsets(%dma_start3A_380 : memref<128xi32, #tpu.memory_space<vmem>>) semaphore(%run_scoped3A_377 : memref<!tpu.dma_semaphore, #tpu.memory_space<semaphore_mem>>) {add = true}
        %dma_wait3A_384 = arith.constant 0 : i32
        %dma_wait3A_385 = tpu.memref_slice %arg11[%run_scoped3A_191, %dma_wait3A_384] : memref<8x128xi32, #tpu.memory_space<vmem>> -> memref<1x128xi32, #tpu.memory_space<vmem>>
        %dma_wait3A_386 = tpu.memref_squeeze %dma_wait3A_385 : memref<1x128xi32, #tpu.memory_space<vmem>> -> memref<128xi32, #tpu.memory_space<vmem>>
        %dma_wait3A_387 = arith.constant 0 : i32
        %dma_wait3A_388 = arith.constant 0 : i32
        %dma_wait3A_389 = tpu.memref_slice %arg9[%dma_wait3A_387, %dma_wait3A_388] : memref<10240x128xf32, #tpu.memory_space<vmem_shared>> -> memref<10240x128xf32, #tpu.memory_space<vmem_shared>>
        tpu.wait_indirect_dma semaphore(%run_scoped3A_377 : memref<!tpu.dma_semaphore, #tpu.memory_space<semaphore_mem>>) src(%arg12 : memref<128x128xf32, #tpu.memory_space<vmem>>) dst(%dma_wait3A_389 : memref<10240x128xf32, #tpu.memory_space<vmem_shared>>)
        tpu.yield
      }) : () -> ()
      %dma_start3A_192 = arith.constant 4 : i32
      %dma_start3A_193 = arith.constant 0 : i32
      %dma_start3A_194 = arith.constant 0 : i32
      %dma_start3A_195 = tpu.memref_slice %arg12[%dma_start3A_193, %dma_start3A_194] : memref<128x128xf32, #tpu.memory_space<vmem>> -> memref<64x128xf32, #tpu.memory_space<vmem>>
      %dma_start3A_196 = arith.constant 0 : i32
      %dma_start3A_197 = tpu.memref_slice %arg10[%dma_start3A_192, %dma_start3A_196] : memref<8x128xi32, #tpu.memory_space<vmem>> -> memref<1x64xi32, #tpu.memory_space<vmem>>
      %dma_start3A_198 = tpu.memref_squeeze %dma_start3A_197 : memref<1x64xi32, #tpu.memory_space<vmem>> -> memref<64xi32, #tpu.memory_space<vmem>>
      %dma_start3A_199 = arith.constant 0 : i32
      %dma_start3A_200 = arith.constant 0 : i32
      %dma_start3A_201 = tpu.memref_slice %arg2[%dma_start3A_199, %dma_start3A_200] : memref<20480x128xf32, #tpu.memory_space<hbm>> -> memref<20480x128xf32, #tpu.memory_space<hbm>>
      tpu.enqueue_indirect_dma source(%dma_start3A_201 : memref<20480x128xf32, #tpu.memory_space<hbm>>) target(%dma_start3A_195 : memref<64x128xf32, #tpu.memory_space<vmem>>) offsets(%dma_start3A_198 : memref<64xi32, #tpu.memory_space<vmem>>) semaphore(%arg14 : memref<!tpu.dma_semaphore, #tpu.memory_space<semaphore_mem>>)
      %dma_start3A_202 = arith.constant 4 : i32
      %dma_start3A_203 = arith.constant 64 : i32
      %dma_start3A_204 = arith.constant 0 : i32
      %dma_start3A_205 = tpu.memref_slice %arg12[%dma_start3A_203, %dma_start3A_204] : memref<128x128xf32, #tpu.memory_space<vmem>> -> memref<64x128xf32, #tpu.memory_space<vmem>>
      %dma_start3A_206 = arith.constant 64 : i32
      %dma_start3A_207 = tpu.memref_slice %arg10[%dma_start3A_202, %dma_start3A_206] : memref<8x128xi32, #tpu.memory_space<vmem>> -> memref<1x64xi32, #tpu.memory_space<vmem>>
      %dma_start3A_208 = tpu.memref_squeeze %dma_start3A_207 : memref<1x64xi32, #tpu.memory_space<vmem>> -> memref<64xi32, #tpu.memory_space<vmem>>
      %dma_start3A_209 = arith.constant 0 : i32
      %dma_start3A_210 = arith.constant 0 : i32
      %dma_start3A_211 = tpu.memref_slice %arg2[%dma_start3A_209, %dma_start3A_210] : memref<20480x128xf32, #tpu.memory_space<hbm>> -> memref<20480x128xf32, #tpu.memory_space<hbm>>
      tpu.enqueue_indirect_dma source(%dma_start3A_211 : memref<20480x128xf32, #tpu.memory_space<hbm>>) target(%dma_start3A_205 : memref<64x128xf32, #tpu.memory_space<vmem>>) offsets(%dma_start3A_208 : memref<64xi32, #tpu.memory_space<vmem>>) semaphore(%arg15 : memref<!tpu.dma_semaphore, #tpu.memory_space<semaphore_mem>>)
      %dma_wait3A_212 = arith.constant 3 : i32
      %dma_wait3A_213 = arith.constant 0 : i32
      %dma_wait3A_214 = arith.constant 0 : i32
      %dma_wait3A_215 = tpu.memref_slice %arg13[%dma_wait3A_213, %dma_wait3A_214] : memref<128x128xf32, #tpu.memory_space<vmem>> -> memref<64x128xf32, #tpu.memory_space<vmem>>
      %dma_wait3A_216 = arith.constant 0 : i32
      %dma_wait3A_217 = tpu.memref_slice %arg10[%dma_wait3A_212, %dma_wait3A_216] : memref<8x128xi32, #tpu.memory_space<vmem>> -> memref<1x64xi32, #tpu.memory_space<vmem>>
      %dma_wait3A_218 = tpu.memref_squeeze %dma_wait3A_217 : memref<1x64xi32, #tpu.memory_space<vmem>> -> memref<64xi32, #tpu.memory_space<vmem>>
      %dma_wait3A_219 = arith.constant 0 : i32
      %dma_wait3A_220 = arith.constant 0 : i32
      %dma_wait3A_221 = tpu.memref_slice %arg2[%dma_wait3A_219, %dma_wait3A_220] : memref<20480x128xf32, #tpu.memory_space<hbm>> -> memref<20480x128xf32, #tpu.memory_space<hbm>>
      tpu.wait_indirect_dma semaphore(%arg16 : memref<!tpu.dma_semaphore, #tpu.memory_space<semaphore_mem>>) src(%dma_wait3A_221 : memref<20480x128xf32, #tpu.memory_space<hbm>>) dst(%dma_wait3A_215 : memref<64x128xf32, #tpu.memory_space<vmem>>)
      %dma_wait3A_222 = arith.constant 3 : i32
      %dma_wait3A_223 = arith.constant 64 : i32
      %dma_wait3A_224 = arith.constant 0 : i32
      %dma_wait3A_225 = tpu.memref_slice %arg13[%dma_wait3A_223, %dma_wait3A_224] : memref<128x128xf32, #tpu.memory_space<vmem>> -> memref<64x128xf32, #tpu.memory_space<vmem>>
      %dma_wait3A_226 = arith.constant 64 : i32
      %dma_wait3A_227 = tpu.memref_slice %arg10[%dma_wait3A_222, %dma_wait3A_226] : memref<8x128xi32, #tpu.memory_space<vmem>> -> memref<1x64xi32, #tpu.memory_space<vmem>>
      %dma_wait3A_228 = tpu.memref_squeeze %dma_wait3A_227 : memref<1x64xi32, #tpu.memory_space<vmem>> -> memref<64xi32, #tpu.memory_space<vmem>>
      %dma_wait3A_229 = arith.constant 0 : i32
      %dma_wait3A_230 = arith.constant 0 : i32
      %dma_wait3A_231 = tpu.memref_slice %arg2[%dma_wait3A_229, %dma_wait3A_230] : memref<20480x128xf32, #tpu.memory_space<hbm>> -> memref<20480x128xf32, #tpu.memory_space<hbm>>
      tpu.wait_indirect_dma semaphore(%arg17 : memref<!tpu.dma_semaphore, #tpu.memory_space<semaphore_mem>>) src(%dma_wait3A_231 : memref<20480x128xf32, #tpu.memory_space<hbm>>) dst(%dma_wait3A_225 : memref<64x128xf32, #tpu.memory_space<vmem>>)
      %run_scoped3A_232 = arith.constant 3 : i32
      "tpu.region"() ({
        %run_scoped3A_377 = tpu.sem_alloc : memref<!tpu.dma_semaphore, #tpu.memory_space<semaphore_mem>>
        %dma_start3A_378 = arith.constant 0 : i32
        %dma_start3A_379 = tpu.memref_slice %arg11[%run_scoped3A_232, %dma_start3A_378] : memref<8x128xi32, #tpu.memory_space<vmem>> -> memref<1x128xi32, #tpu.memory_space<vmem>>
        %dma_start3A_380 = tpu.memref_squeeze %dma_start3A_379 : memref<1x128xi32, #tpu.memory_space<vmem>> -> memref<128xi32, #tpu.memory_space<vmem>>
        %dma_start3A_381 = arith.constant 0 : i32
        %dma_start3A_382 = arith.constant 0 : i32
        %dma_start3A_383 = tpu.memref_slice %arg9[%dma_start3A_381, %dma_start3A_382] : memref<10240x128xf32, #tpu.memory_space<vmem_shared>> -> memref<10240x128xf32, #tpu.memory_space<vmem_shared>>
        tpu.enqueue_indirect_dma source(%arg13 : memref<128x128xf32, #tpu.memory_space<vmem>>) target(%dma_start3A_383 : memref<10240x128xf32, #tpu.memory_space<vmem_shared>>) offsets(%dma_start3A_380 : memref<128xi32, #tpu.memory_space<vmem>>) semaphore(%run_scoped3A_377 : memref<!tpu.dma_semaphore, #tpu.memory_space<semaphore_mem>>) {add = true}
        %dma_wait3A_384 = arith.constant 0 : i32
        %dma_wait3A_385 = tpu.memref_slice %arg11[%run_scoped3A_232, %dma_wait3A_384] : memref<8x128xi32, #tpu.memory_space<vmem>> -> memref<1x128xi32, #tpu.memory_space<vmem>>
        %dma_wait3A_386 = tpu.memref_squeeze %dma_wait3A_385 : memref<1x128xi32, #tpu.memory_space<vmem>> -> memref<128xi32, #tpu.memory_space<vmem>>
        %dma_wait3A_387 = arith.constant 0 : i32
        %dma_wait3A_388 = arith.constant 0 : i32
        %dma_wait3A_389 = tpu.memref_slice %arg9[%dma_wait3A_387, %dma_wait3A_388] : memref<10240x128xf32, #tpu.memory_space<vmem_shared>> -> memref<10240x128xf32, #tpu.memory_space<vmem_shared>>
        tpu.wait_indirect_dma semaphore(%run_scoped3A_377 : memref<!tpu.dma_semaphore, #tpu.memory_space<semaphore_mem>>) src(%arg13 : memref<128x128xf32, #tpu.memory_space<vmem>>) dst(%dma_wait3A_389 : memref<10240x128xf32, #tpu.memory_space<vmem_shared>>)
        tpu.yield
      }) : () -> ()
      %dma_start3A_233 = arith.constant 5 : i32
      %dma_start3A_234 = arith.constant 0 : i32
      %dma_start3A_235 = arith.constant 0 : i32
      %dma_start3A_236 = tpu.memref_slice %arg13[%dma_start3A_234, %dma_start3A_235] : memref<128x128xf32, #tpu.memory_space<vmem>> -> memref<64x128xf32, #tpu.memory_space<vmem>>
      %dma_start3A_237 = arith.constant 0 : i32
      %dma_start3A_238 = tpu.memref_slice %arg10[%dma_start3A_233, %dma_start3A_237] : memref<8x128xi32, #tpu.memory_space<vmem>> -> memref<1x64xi32, #tpu.memory_space<vmem>>
      %dma_start3A_239 = tpu.memref_squeeze %dma_start3A_238 : memref<1x64xi32, #tpu.memory_space<vmem>> -> memref<64xi32, #tpu.memory_space<vmem>>
      %dma_start3A_240 = arith.constant 0 : i32
      %dma_start3A_241 = arith.constant 0 : i32
      %dma_start3A_242 = tpu.memref_slice %arg2[%dma_start3A_240, %dma_start3A_241] : memref<20480x128xf32, #tpu.memory_space<hbm>> -> memref<20480x128xf32, #tpu.memory_space<hbm>>
      tpu.enqueue_indirect_dma source(%dma_start3A_242 : memref<20480x128xf32, #tpu.memory_space<hbm>>) target(%dma_start3A_236 : memref<64x128xf32, #tpu.memory_space<vmem>>) offsets(%dma_start3A_239 : memref<64xi32, #tpu.memory_space<vmem>>) semaphore(%arg16 : memref<!tpu.dma_semaphore, #tpu.memory_space<semaphore_mem>>)
      %dma_start3A_243 = arith.constant 5 : i32
      %dma_start3A_244 = arith.constant 64 : i32
      %dma_start3A_245 = arith.constant 0 : i32
      %dma_start3A_246 = tpu.memref_slice %arg13[%dma_start3A_244, %dma_start3A_245] : memref<128x128xf32, #tpu.memory_space<vmem>> -> memref<64x128xf32, #tpu.memory_space<vmem>>
      %dma_start3A_247 = arith.constant 64 : i32
      %dma_start3A_248 = tpu.memref_slice %arg10[%dma_start3A_243, %dma_start3A_247] : memref<8x128xi32, #tpu.memory_space<vmem>> -> memref<1x64xi32, #tpu.memory_space<vmem>>
      %dma_start3A_249 = tpu.memref_squeeze %dma_start3A_248 : memref<1x64xi32, #tpu.memory_space<vmem>> -> memref<64xi32, #tpu.memory_space<vmem>>
      %dma_start3A_250 = arith.constant 0 : i32
      %dma_start3A_251 = arith.constant 0 : i32
      %dma_start3A_252 = tpu.memref_slice %arg2[%dma_start3A_250, %dma_start3A_251] : memref<20480x128xf32, #tpu.memory_space<hbm>> -> memref<20480x128xf32, #tpu.memory_space<hbm>>
      tpu.enqueue_indirect_dma source(%dma_start3A_252 : memref<20480x128xf32, #tpu.memory_space<hbm>>) target(%dma_start3A_246 : memref<64x128xf32, #tpu.memory_space<vmem>>) offsets(%dma_start3A_249 : memref<64xi32, #tpu.memory_space<vmem>>) semaphore(%arg17 : memref<!tpu.dma_semaphore, #tpu.memory_space<semaphore_mem>>)
      %dma_wait3A_253 = arith.constant 4 : i32
      %dma_wait3A_254 = arith.constant 0 : i32
      %dma_wait3A_255 = arith.constant 0 : i32
      %dma_wait3A_256 = tpu.memref_slice %arg12[%dma_wait3A_254, %dma_wait3A_255] : memref<128x128xf32, #tpu.memory_space<vmem>> -> memref<64x128xf32, #tpu.memory_space<vmem>>
      %dma_wait3A_257 = arith.constant 0 : i32
      %dma_wait3A_258 = tpu.memref_slice %arg10[%dma_wait3A_253, %dma_wait3A_257] : memref<8x128xi32, #tpu.memory_space<vmem>> -> memref<1x64xi32, #tpu.memory_space<vmem>>
      %dma_wait3A_259 = tpu.memref_squeeze %dma_wait3A_258 : memref<1x64xi32, #tpu.memory_space<vmem>> -> memref<64xi32, #tpu.memory_space<vmem>>
      %dma_wait3A_260 = arith.constant 0 : i32
      %dma_wait3A_261 = arith.constant 0 : i32
      %dma_wait3A_262 = tpu.memref_slice %arg2[%dma_wait3A_260, %dma_wait3A_261] : memref<20480x128xf32, #tpu.memory_space<hbm>> -> memref<20480x128xf32, #tpu.memory_space<hbm>>
      tpu.wait_indirect_dma semaphore(%arg14 : memref<!tpu.dma_semaphore, #tpu.memory_space<semaphore_mem>>) src(%dma_wait3A_262 : memref<20480x128xf32, #tpu.memory_space<hbm>>) dst(%dma_wait3A_256 : memref<64x128xf32, #tpu.memory_space<vmem>>)
      %dma_wait3A_263 = arith.constant 4 : i32
      %dma_wait3A_264 = arith.constant 64 : i32
      %dma_wait3A_265 = arith.constant 0 : i32
      %dma_wait3A_266 = tpu.memref_slice %arg12[%dma_wait3A_264, %dma_wait3A_265] : memref<128x128xf32, #tpu.memory_space<vmem>> -> memref<64x128xf32, #tpu.memory_space<vmem>>
      %dma_wait3A_267 = arith.constant 64 : i32
      %dma_wait3A_268 = tpu.memref_slice %arg10[%dma_wait3A_263, %dma_wait3A_267] : memref<8x128xi32, #tpu.memory_space<vmem>> -> memref<1x64xi32, #tpu.memory_space<vmem>>
      %dma_wait3A_269 = tpu.memref_squeeze %dma_wait3A_268 : memref<1x64xi32, #tpu.memory_space<vmem>> -> memref<64xi32, #tpu.memory_space<vmem>>
      %dma_wait3A_270 = arith.constant 0 : i32
      %dma_wait3A_271 = arith.constant 0 : i32
      %dma_wait3A_272 = tpu.memref_slice %arg2[%dma_wait3A_270, %dma_wait3A_271] : memref<20480x128xf32, #tpu.memory_space<hbm>> -> memref<20480x128xf32, #tpu.memory_space<hbm>>
      tpu.wait_indirect_dma semaphore(%arg15 : memref<!tpu.dma_semaphore, #tpu.memory_space<semaphore_mem>>) src(%dma_wait3A_272 : memref<20480x128xf32, #tpu.memory_space<hbm>>) dst(%dma_wait3A_266 : memref<64x128xf32, #tpu.memory_space<vmem>>)
      %run_scoped3A_273 = arith.constant 4 : i32
      "tpu.region"() ({
        %run_scoped3A_377 = tpu.sem_alloc : memref<!tpu.dma_semaphore, #tpu.memory_space<semaphore_mem>>
        %dma_start3A_378 = arith.constant 0 : i32
        %dma_start3A_379 = tpu.memref_slice %arg11[%run_scoped3A_273, %dma_start3A_378] : memref<8x128xi32, #tpu.memory_space<vmem>> -> memref<1x128xi32, #tpu.memory_space<vmem>>
        %dma_start3A_380 = tpu.memref_squeeze %dma_start3A_379 : memref<1x128xi32, #tpu.memory_space<vmem>> -> memref<128xi32, #tpu.memory_space<vmem>>
        %dma_start3A_381 = arith.constant 0 : i32
        %dma_start3A_382 = arith.constant 0 : i32
        %dma_start3A_383 = tpu.memref_slice %arg9[%dma_start3A_381, %dma_start3A_382] : memref<10240x128xf32, #tpu.memory_space<vmem_shared>> -> memref<10240x128xf32, #tpu.memory_space<vmem_shared>>
        tpu.enqueue_indirect_dma source(%arg12 : memref<128x128xf32, #tpu.memory_space<vmem>>) target(%dma_start3A_383 : memref<10240x128xf32, #tpu.memory_space<vmem_shared>>) offsets(%dma_start3A_380 : memref<128xi32, #tpu.memory_space<vmem>>) semaphore(%run_scoped3A_377 : memref<!tpu.dma_semaphore, #tpu.memory_space<semaphore_mem>>) {add = true}
        %dma_wait3A_384 = arith.constant 0 : i32
        %dma_wait3A_385 = tpu.memref_slice %arg11[%run_scoped3A_273, %dma_wait3A_384] : memref<8x128xi32, #tpu.memory_space<vmem>> -> memref<1x128xi32, #tpu.memory_space<vmem>>
        %dma_wait3A_386 = tpu.memref_squeeze %dma_wait3A_385 : memref<1x128xi32, #tpu.memory_space<vmem>> -> memref<128xi32, #tpu.memory_space<vmem>>
        %dma_wait3A_387 = arith.constant 0 : i32
        %dma_wait3A_388 = arith.constant 0 : i32
        %dma_wait3A_389 = tpu.memref_slice %arg9[%dma_wait3A_387, %dma_wait3A_388] : memref<10240x128xf32, #tpu.memory_space<vmem_shared>> -> memref<10240x128xf32, #tpu.memory_space<vmem_shared>>
        tpu.wait_indirect_dma semaphore(%run_scoped3A_377 : memref<!tpu.dma_semaphore, #tpu.memory_space<semaphore_mem>>) src(%arg12 : memref<128x128xf32, #tpu.memory_space<vmem>>) dst(%dma_wait3A_389 : memref<10240x128xf32, #tpu.memory_space<vmem_shared>>)
        tpu.yield
      }) : () -> ()
      %dma_start3A_274 = arith.constant 6 : i32
      %dma_start3A_275 = arith.constant 0 : i32
      %dma_start3A_276 = arith.constant 0 : i32
      %dma_start3A_277 = tpu.memref_slice %arg12[%dma_start3A_275, %dma_start3A_276] : memref<128x128xf32, #tpu.memory_space<vmem>> -> memref<64x128xf32, #tpu.memory_space<vmem>>
      %dma_start3A_278 = arith.constant 0 : i32
      %dma_start3A_279 = tpu.memref_slice %arg10[%dma_start3A_274, %dma_start3A_278] : memref<8x128xi32, #tpu.memory_space<vmem>> -> memref<1x64xi32, #tpu.memory_space<vmem>>
      %dma_start3A_280 = tpu.memref_squeeze %dma_start3A_279 : memref<1x64xi32, #tpu.memory_space<vmem>> -> memref<64xi32, #tpu.memory_space<vmem>>
      %dma_start3A_281 = arith.constant 0 : i32
      %dma_start3A_282 = arith.constant 0 : i32
      %dma_start3A_283 = tpu.memref_slice %arg2[%dma_start3A_281, %dma_start3A_282] : memref<20480x128xf32, #tpu.memory_space<hbm>> -> memref<20480x128xf32, #tpu.memory_space<hbm>>
      tpu.enqueue_indirect_dma source(%dma_start3A_283 : memref<20480x128xf32, #tpu.memory_space<hbm>>) target(%dma_start3A_277 : memref<64x128xf32, #tpu.memory_space<vmem>>) offsets(%dma_start3A_280 : memref<64xi32, #tpu.memory_space<vmem>>) semaphore(%arg14 : memref<!tpu.dma_semaphore, #tpu.memory_space<semaphore_mem>>)
      %dma_start3A_284 = arith.constant 6 : i32
      %dma_start3A_285 = arith.constant 64 : i32
      %dma_start3A_286 = arith.constant 0 : i32
      %dma_start3A_287 = tpu.memref_slice %arg12[%dma_start3A_285, %dma_start3A_286] : memref<128x128xf32, #tpu.memory_space<vmem>> -> memref<64x128xf32, #tpu.memory_space<vmem>>
      %dma_start3A_288 = arith.constant 64 : i32
      %dma_start3A_289 = tpu.memref_slice %arg10[%dma_start3A_284, %dma_start3A_288] : memref<8x128xi32, #tpu.memory_space<vmem>> -> memref<1x64xi32, #tpu.memory_space<vmem>>
      %dma_start3A_290 = tpu.memref_squeeze %dma_start3A_289 : memref<1x64xi32, #tpu.memory_space<vmem>> -> memref<64xi32, #tpu.memory_space<vmem>>
      %dma_start3A_291 = arith.constant 0 : i32
      %dma_start3A_292 = arith.constant 0 : i32
      %dma_start3A_293 = tpu.memref_slice %arg2[%dma_start3A_291, %dma_start3A_292] : memref<20480x128xf32, #tpu.memory_space<hbm>> -> memref<20480x128xf32, #tpu.memory_space<hbm>>
      tpu.enqueue_indirect_dma source(%dma_start3A_293 : memref<20480x128xf32, #tpu.memory_space<hbm>>) target(%dma_start3A_287 : memref<64x128xf32, #tpu.memory_space<vmem>>) offsets(%dma_start3A_290 : memref<64xi32, #tpu.memory_space<vmem>>) semaphore(%arg15 : memref<!tpu.dma_semaphore, #tpu.memory_space<semaphore_mem>>)
      %dma_wait3A_294 = arith.constant 5 : i32
      %dma_wait3A_295 = arith.constant 0 : i32
      %dma_wait3A_296 = arith.constant 0 : i32
      %dma_wait3A_297 = tpu.memref_slice %arg13[%dma_wait3A_295, %dma_wait3A_296] : memref<128x128xf32, #tpu.memory_space<vmem>> -> memref<64x128xf32, #tpu.memory_space<vmem>>
      %dma_wait3A_298 = arith.constant 0 : i32
      %dma_wait3A_299 = tpu.memref_slice %arg10[%dma_wait3A_294, %dma_wait3A_298] : memref<8x128xi32, #tpu.memory_space<vmem>> -> memref<1x64xi32, #tpu.memory_space<vmem>>
      %dma_wait3A_300 = tpu.memref_squeeze %dma_wait3A_299 : memref<1x64xi32, #tpu.memory_space<vmem>> -> memref<64xi32, #tpu.memory_space<vmem>>
      %dma_wait3A_301 = arith.constant 0 : i32
      %dma_wait3A_302 = arith.constant 0 : i32
      %dma_wait3A_303 = tpu.memref_slice %arg2[%dma_wait3A_301, %dma_wait3A_302] : memref<20480x128xf32, #tpu.memory_space<hbm>> -> memref<20480x128xf32, #tpu.memory_space<hbm>>
      tpu.wait_indirect_dma semaphore(%arg16 : memref<!tpu.dma_semaphore, #tpu.memory_space<semaphore_mem>>) src(%dma_wait3A_303 : memref<20480x128xf32, #tpu.memory_space<hbm>>) dst(%dma_wait3A_297 : memref<64x128xf32, #tpu.memory_space<vmem>>)
      %dma_wait3A_304 = arith.constant 5 : i32
      %dma_wait3A_305 = arith.constant 64 : i32
      %dma_wait3A_306 = arith.constant 0 : i32
      %dma_wait3A_307 = tpu.memref_slice %arg13[%dma_wait3A_305, %dma_wait3A_306] : memref<128x128xf32, #tpu.memory_space<vmem>> -> memref<64x128xf32, #tpu.memory_space<vmem>>
      %dma_wait3A_308 = arith.constant 64 : i32
      %dma_wait3A_309 = tpu.memref_slice %arg10[%dma_wait3A_304, %dma_wait3A_308] : memref<8x128xi32, #tpu.memory_space<vmem>> -> memref<1x64xi32, #tpu.memory_space<vmem>>
      %dma_wait3A_310 = tpu.memref_squeeze %dma_wait3A_309 : memref<1x64xi32, #tpu.memory_space<vmem>> -> memref<64xi32, #tpu.memory_space<vmem>>
      %dma_wait3A_311 = arith.constant 0 : i32
      %dma_wait3A_312 = arith.constant 0 : i32
      %dma_wait3A_313 = tpu.memref_slice %arg2[%dma_wait3A_311, %dma_wait3A_312] : memref<20480x128xf32, #tpu.memory_space<hbm>> -> memref<20480x128xf32, #tpu.memory_space<hbm>>
      tpu.wait_indirect_dma semaphore(%arg17 : memref<!tpu.dma_semaphore, #tpu.memory_space<semaphore_mem>>) src(%dma_wait3A_313 : memref<20480x128xf32, #tpu.memory_space<hbm>>) dst(%dma_wait3A_307 : memref<64x128xf32, #tpu.memory_space<vmem>>)
      %run_scoped3A_314 = arith.constant 5 : i32
      "tpu.region"() ({
        %run_scoped3A_377 = tpu.sem_alloc : memref<!tpu.dma_semaphore, #tpu.memory_space<semaphore_mem>>
        %dma_start3A_378 = arith.constant 0 : i32
        %dma_start3A_379 = tpu.memref_slice %arg11[%run_scoped3A_314, %dma_start3A_378] : memref<8x128xi32, #tpu.memory_space<vmem>> -> memref<1x128xi32, #tpu.memory_space<vmem>>
        %dma_start3A_380 = tpu.memref_squeeze %dma_start3A_379 : memref<1x128xi32, #tpu.memory_space<vmem>> -> memref<128xi32, #tpu.memory_space<vmem>>
        %dma_start3A_381 = arith.constant 0 : i32
        %dma_start3A_382 = arith.constant 0 : i32
        %dma_start3A_383 = tpu.memref_slice %arg9[%dma_start3A_381, %dma_start3A_382] : memref<10240x128xf32, #tpu.memory_space<vmem_shared>> -> memref<10240x128xf32, #tpu.memory_space<vmem_shared>>
        tpu.enqueue_indirect_dma source(%arg13 : memref<128x128xf32, #tpu.memory_space<vmem>>) target(%dma_start3A_383 : memref<10240x128xf32, #tpu.memory_space<vmem_shared>>) offsets(%dma_start3A_380 : memref<128xi32, #tpu.memory_space<vmem>>) semaphore(%run_scoped3A_377 : memref<!tpu.dma_semaphore, #tpu.memory_space<semaphore_mem>>) {add = true}
        %dma_wait3A_384 = arith.constant 0 : i32
        %dma_wait3A_385 = tpu.memref_slice %arg11[%run_scoped3A_314, %dma_wait3A_384] : memref<8x128xi32, #tpu.memory_space<vmem>> -> memref<1x128xi32, #tpu.memory_space<vmem>>
        %dma_wait3A_386 = tpu.memref_squeeze %dma_wait3A_385 : memref<1x128xi32, #tpu.memory_space<vmem>> -> memref<128xi32, #tpu.memory_space<vmem>>
        %dma_wait3A_387 = arith.constant 0 : i32
        %dma_wait3A_388 = arith.constant 0 : i32
        %dma_wait3A_389 = tpu.memref_slice %arg9[%dma_wait3A_387, %dma_wait3A_388] : memref<10240x128xf32, #tpu.memory_space<vmem_shared>> -> memref<10240x128xf32, #tpu.memory_space<vmem_shared>>
        tpu.wait_indirect_dma semaphore(%run_scoped3A_377 : memref<!tpu.dma_semaphore, #tpu.memory_space<semaphore_mem>>) src(%arg13 : memref<128x128xf32, #tpu.memory_space<vmem>>) dst(%dma_wait3A_389 : memref<10240x128xf32, #tpu.memory_space<vmem_shared>>)
        tpu.yield
      }) : () -> ()
      %dma_start3A_315 = arith.constant 7 : i32
      %dma_start3A_316 = arith.constant 0 : i32
      %dma_start3A_317 = arith.constant 0 : i32
      %dma_start3A_318 = tpu.memref_slice %arg13[%dma_start3A_316, %dma_start3A_317] : memref<128x128xf32, #tpu.memory_space<vmem>> -> memref<64x128xf32, #tpu.memory_space<vmem>>
      %dma_start3A_319 = arith.constant 0 : i32
      %dma_start3A_320 = tpu.memref_slice %arg10[%dma_start3A_315, %dma_start3A_319] : memref<8x128xi32, #tpu.memory_space<vmem>> -> memref<1x64xi32, #tpu.memory_space<vmem>>
      %dma_start3A_321 = tpu.memref_squeeze %dma_start3A_320 : memref<1x64xi32, #tpu.memory_space<vmem>> -> memref<64xi32, #tpu.memory_space<vmem>>
      %dma_start3A_322 = arith.constant 0 : i32
      %dma_start3A_323 = arith.constant 0 : i32
      %dma_start3A_324 = tpu.memref_slice %arg2[%dma_start3A_322, %dma_start3A_323] : memref<20480x128xf32, #tpu.memory_space<hbm>> -> memref<20480x128xf32, #tpu.memory_space<hbm>>
      tpu.enqueue_indirect_dma source(%dma_start3A_324 : memref<20480x128xf32, #tpu.memory_space<hbm>>) target(%dma_start3A_318 : memref<64x128xf32, #tpu.memory_space<vmem>>) offsets(%dma_start3A_321 : memref<64xi32, #tpu.memory_space<vmem>>) semaphore(%arg16 : memref<!tpu.dma_semaphore, #tpu.memory_space<semaphore_mem>>)
      %dma_start3A_325 = arith.constant 7 : i32
      %dma_start3A_326 = arith.constant 64 : i32
      %dma_start3A_327 = arith.constant 0 : i32
      %dma_start3A_328 = tpu.memref_slice %arg13[%dma_start3A_326, %dma_start3A_327] : memref<128x128xf32, #tpu.memory_space<vmem>> -> memref<64x128xf32, #tpu.memory_space<vmem>>
      %dma_start3A_329 = arith.constant 64 : i32
      %dma_start3A_330 = tpu.memref_slice %arg10[%dma_start3A_325, %dma_start3A_329] : memref<8x128xi32, #tpu.memory_space<vmem>> -> memref<1x64xi32, #tpu.memory_space<vmem>>
      %dma_start3A_331 = tpu.memref_squeeze %dma_start3A_330 : memref<1x64xi32, #tpu.memory_space<vmem>> -> memref<64xi32, #tpu.memory_space<vmem>>
      %dma_start3A_332 = arith.constant 0 : i32
      %dma_start3A_333 = arith.constant 0 : i32
      %dma_start3A_334 = tpu.memref_slice %arg2[%dma_start3A_332, %dma_start3A_333] : memref<20480x128xf32, #tpu.memory_space<hbm>> -> memref<20480x128xf32, #tpu.memory_space<hbm>>
      tpu.enqueue_indirect_dma source(%dma_start3A_334 : memref<20480x128xf32, #tpu.memory_space<hbm>>) target(%dma_start3A_328 : memref<64x128xf32, #tpu.memory_space<vmem>>) offsets(%dma_start3A_331 : memref<64xi32, #tpu.memory_space<vmem>>) semaphore(%arg17 : memref<!tpu.dma_semaphore, #tpu.memory_space<semaphore_mem>>)
      %dma_wait3A_335 = arith.constant 6 : i32
      %dma_wait3A_336 = arith.constant 0 : i32
      %dma_wait3A_337 = arith.constant 0 : i32
      %dma_wait3A_338 = tpu.memref_slice %arg12[%dma_wait3A_336, %dma_wait3A_337] : memref<128x128xf32, #tpu.memory_space<vmem>> -> memref<64x128xf32, #tpu.memory_space<vmem>>
      %dma_wait3A_339 = arith.constant 0 : i32
      %dma_wait3A_340 = tpu.memref_slice %arg10[%dma_wait3A_335, %dma_wait3A_339] : memref<8x128xi32, #tpu.memory_space<vmem>> -> memref<1x64xi32, #tpu.memory_space<vmem>>
      %dma_wait3A_341 = tpu.memref_squeeze %dma_wait3A_340 : memref<1x64xi32, #tpu.memory_space<vmem>> -> memref<64xi32, #tpu.memory_space<vmem>>
      %dma_wait3A_342 = arith.constant 0 : i32
      %dma_wait3A_343 = arith.constant 0 : i32
      %dma_wait3A_344 = tpu.memref_slice %arg2[%dma_wait3A_342, %dma_wait3A_343] : memref<20480x128xf32, #tpu.memory_space<hbm>> -> memref<20480x128xf32, #tpu.memory_space<hbm>>
      tpu.wait_indirect_dma semaphore(%arg14 : memref<!tpu.dma_semaphore, #tpu.memory_space<semaphore_mem>>) src(%dma_wait3A_344 : memref<20480x128xf32, #tpu.memory_space<hbm>>) dst(%dma_wait3A_338 : memref<64x128xf32, #tpu.memory_space<vmem>>)
      %dma_wait3A_345 = arith.constant 6 : i32
      %dma_wait3A_346 = arith.constant 64 : i32
      %dma_wait3A_347 = arith.constant 0 : i32
      %dma_wait3A_348 = tpu.memref_slice %arg12[%dma_wait3A_346, %dma_wait3A_347] : memref<128x128xf32, #tpu.memory_space<vmem>> -> memref<64x128xf32, #tpu.memory_space<vmem>>
      %dma_wait3A_349 = arith.constant 64 : i32
      %dma_wait3A_350 = tpu.memref_slice %arg10[%dma_wait3A_345, %dma_wait3A_349] : memref<8x128xi32, #tpu.memory_space<vmem>> -> memref<1x64xi32, #tpu.memory_space<vmem>>
      %dma_wait3A_351 = tpu.memref_squeeze %dma_wait3A_350 : memref<1x64xi32, #tpu.memory_space<vmem>> -> memref<64xi32, #tpu.memory_space<vmem>>
      %dma_wait3A_352 = arith.constant 0 : i32
      %dma_wait3A_353 = arith.constant 0 : i32
      %dma_wait3A_354 = tpu.memref_slice %arg2[%dma_wait3A_352, %dma_wait3A_353] : memref<20480x128xf32, #tpu.memory_space<hbm>> -> memref<20480x128xf32, #tpu.memory_space<hbm>>
      tpu.wait_indirect_dma semaphore(%arg15 : memref<!tpu.dma_semaphore, #tpu.memory_space<semaphore_mem>>) src(%dma_wait3A_354 : memref<20480x128xf32, #tpu.memory_space<hbm>>) dst(%dma_wait3A_348 : memref<64x128xf32, #tpu.memory_space<vmem>>)
      %run_scoped3A_355 = arith.constant 6 : i32
      "tpu.region"() ({
        %run_scoped3A_377 = tpu.sem_alloc : memref<!tpu.dma_semaphore, #tpu.memory_space<semaphore_mem>>
        %dma_start3A_378 = arith.constant 0 : i32
        %dma_start3A_379 = tpu.memref_slice %arg11[%run_scoped3A_355, %dma_start3A_378] : memref<8x128xi32, #tpu.memory_space<vmem>> -> memref<1x128xi32, #tpu.memory_space<vmem>>
        %dma_start3A_380 = tpu.memref_squeeze %dma_start3A_379 : memref<1x128xi32, #tpu.memory_space<vmem>> -> memref<128xi32, #tpu.memory_space<vmem>>
        %dma_start3A_381 = arith.constant 0 : i32
        %dma_start3A_382 = arith.constant 0 : i32
        %dma_start3A_383 = tpu.memref_slice %arg9[%dma_start3A_381, %dma_start3A_382] : memref<10240x128xf32, #tpu.memory_space<vmem_shared>> -> memref<10240x128xf32, #tpu.memory_space<vmem_shared>>
        tpu.enqueue_indirect_dma source(%arg12 : memref<128x128xf32, #tpu.memory_space<vmem>>) target(%dma_start3A_383 : memref<10240x128xf32, #tpu.memory_space<vmem_shared>>) offsets(%dma_start3A_380 : memref<128xi32, #tpu.memory_space<vmem>>) semaphore(%run_scoped3A_377 : memref<!tpu.dma_semaphore, #tpu.memory_space<semaphore_mem>>) {add = true}
        %dma_wait3A_384 = arith.constant 0 : i32
        %dma_wait3A_385 = tpu.memref_slice %arg11[%run_scoped3A_355, %dma_wait3A_384] : memref<8x128xi32, #tpu.memory_space<vmem>> -> memref<1x128xi32, #tpu.memory_space<vmem>>
        %dma_wait3A_386 = tpu.memref_squeeze %dma_wait3A_385 : memref<1x128xi32, #tpu.memory_space<vmem>> -> memref<128xi32, #tpu.memory_space<vmem>>
        %dma_wait3A_387 = arith.constant 0 : i32
        %dma_wait3A_388 = arith.constant 0 : i32
        %dma_wait3A_389 = tpu.memref_slice %arg9[%dma_wait3A_387, %dma_wait3A_388] : memref<10240x128xf32, #tpu.memory_space<vmem_shared>> -> memref<10240x128xf32, #tpu.memory_space<vmem_shared>>
        tpu.wait_indirect_dma semaphore(%run_scoped3A_377 : memref<!tpu.dma_semaphore, #tpu.memory_space<semaphore_mem>>) src(%arg12 : memref<128x128xf32, #tpu.memory_space<vmem>>) dst(%dma_wait3A_389 : memref<10240x128xf32, #tpu.memory_space<vmem_shared>>)
        tpu.yield
      }) : () -> ()
      %dma_wait3A_356 = arith.constant 7 : i32
      %dma_wait3A_357 = arith.constant 0 : i32
      %dma_wait3A_358 = arith.constant 0 : i32
      %dma_wait3A_359 = tpu.memref_slice %arg13[%dma_wait3A_357, %dma_wait3A_358] : memref<128x128xf32, #tpu.memory_space<vmem>> -> memref<64x128xf32, #tpu.memory_space<vmem>>
      %dma_wait3A_360 = arith.constant 0 : i32
      %dma_wait3A_361 = tpu.memref_slice %arg10[%dma_wait3A_356, %dma_wait3A_360] : memref<8x128xi32, #tpu.memory_space<vmem>> -> memref<1x64xi32, #tpu.memory_space<vmem>>
      %dma_wait3A_362 = tpu.memref_squeeze %dma_wait3A_361 : memref<1x64xi32, #tpu.memory_space<vmem>> -> memref<64xi32, #tpu.memory_space<vmem>>
      %dma_wait3A_363 = arith.constant 0 : i32
      %dma_wait3A_364 = arith.constant 0 : i32
      %dma_wait3A_365 = tpu.memref_slice %arg2[%dma_wait3A_363, %dma_wait3A_364] : memref<20480x128xf32, #tpu.memory_space<hbm>> -> memref<20480x128xf32, #tpu.memory_space<hbm>>
      tpu.wait_indirect_dma semaphore(%arg16 : memref<!tpu.dma_semaphore, #tpu.memory_space<semaphore_mem>>) src(%dma_wait3A_365 : memref<20480x128xf32, #tpu.memory_space<hbm>>) dst(%dma_wait3A_359 : memref<64x128xf32, #tpu.memory_space<vmem>>)
      %dma_wait3A_366 = arith.constant 7 : i32
      %dma_wait3A_367 = arith.constant 64 : i32
      %dma_wait3A_368 = arith.constant 0 : i32
      %dma_wait3A_369 = tpu.memref_slice %arg13[%dma_wait3A_367, %dma_wait3A_368] : memref<128x128xf32, #tpu.memory_space<vmem>> -> memref<64x128xf32, #tpu.memory_space<vmem>>
      %dma_wait3A_370 = arith.constant 64 : i32
      %dma_wait3A_371 = tpu.memref_slice %arg10[%dma_wait3A_366, %dma_wait3A_370] : memref<8x128xi32, #tpu.memory_space<vmem>> -> memref<1x64xi32, #tpu.memory_space<vmem>>
      %dma_wait3A_372 = tpu.memref_squeeze %dma_wait3A_371 : memref<1x64xi32, #tpu.memory_space<vmem>> -> memref<64xi32, #tpu.memory_space<vmem>>
      %dma_wait3A_373 = arith.constant 0 : i32
      %dma_wait3A_374 = arith.constant 0 : i32
      %dma_wait3A_375 = tpu.memref_slice %arg2[%dma_wait3A_373, %dma_wait3A_374] : memref<20480x128xf32, #tpu.memory_space<hbm>> -> memref<20480x128xf32, #tpu.memory_space<hbm>>
      tpu.wait_indirect_dma semaphore(%arg17 : memref<!tpu.dma_semaphore, #tpu.memory_space<semaphore_mem>>) src(%dma_wait3A_375 : memref<20480x128xf32, #tpu.memory_space<hbm>>) dst(%dma_wait3A_369 : memref<64x128xf32, #tpu.memory_space<vmem>>)
      %run_scoped3A_376 = arith.constant 7 : i32
      "tpu.region"() ({
        %run_scoped3A_377 = tpu.sem_alloc : memref<!tpu.dma_semaphore, #tpu.memory_space<semaphore_mem>>
        %dma_start3A_378 = arith.constant 0 : i32
        %dma_start3A_379 = tpu.memref_slice %arg11[%run_scoped3A_376, %dma_start3A_378] : memref<8x128xi32, #tpu.memory_space<vmem>> -> memref<1x128xi32, #tpu.memory_space<vmem>>
        %dma_start3A_380 = tpu.memref_squeeze %dma_start3A_379 : memref<1x128xi32, #tpu.memory_space<vmem>> -> memref<128xi32, #tpu.memory_space<vmem>>
        %dma_start3A_381 = arith.constant 0 : i32
        %dma_start3A_382 = arith.constant 0 : i32
        %dma_start3A_383 = tpu.memref_slice %arg9[%dma_start3A_381, %dma_start3A_382] : memref<10240x128xf32, #tpu.memory_space<vmem_shared>> -> memref<10240x128xf32, #tpu.memory_space<vmem_shared>>
        tpu.enqueue_indirect_dma source(%arg13 : memref<128x128xf32, #tpu.memory_space<vmem>>) target(%dma_start3A_383 : memref<10240x128xf32, #tpu.memory_space<vmem_shared>>) offsets(%dma_start3A_380 : memref<128xi32, #tpu.memory_space<vmem>>) semaphore(%run_scoped3A_377 : memref<!tpu.dma_semaphore, #tpu.memory_space<semaphore_mem>>) {add = true}
        %dma_wait3A_384 = arith.constant 0 : i32
        %dma_wait3A_385 = tpu.memref_slice %arg11[%run_scoped3A_376, %dma_wait3A_384] : memref<8x128xi32, #tpu.memory_space<vmem>> -> memref<1x128xi32, #tpu.memory_space<vmem>>
        %dma_wait3A_386 = tpu.memref_squeeze %dma_wait3A_385 : memref<1x128xi32, #tpu.memory_space<vmem>> -> memref<128xi32, #tpu.memory_space<vmem>>
        %dma_wait3A_387 = arith.constant 0 : i32
        %dma_wait3A_388 = arith.constant 0 : i32
        %dma_wait3A_389 = tpu.memref_slice %arg9[%dma_wait3A_387, %dma_wait3A_388] : memref<10240x128xf32, #tpu.memory_space<vmem_shared>> -> memref<10240x128xf32, #tpu.memory_space<vmem_shared>>
        tpu.wait_indirect_dma semaphore(%run_scoped3A_377 : memref<!tpu.dma_semaphore, #tpu.memory_space<semaphore_mem>>) src(%arg13 : memref<128x128xf32, #tpu.memory_space<vmem>>) dst(%dma_wait3A_389 : memref<10240x128xf32, #tpu.memory_space<vmem_shared>>)
        tpu.yield
      }) : () -> ()
    }
    %scan3A_28 = arith.constant 5 : i32
    %mul3A_29 = arith.constant 2 : i32
    %mul3A_30 = arith.muli %mul3A_29, %arg1 : i32
    %add3A_31 = arith.constant 1 : i32
    %add3A_32 = arith.addi %mul3A_30, %add3A_31 : i32
    %scan3A_33 = arith.constant 0 : i32
    %scan3A_34 = arith.constant 0 : i32
    %scan3A_35 = arith.constant 5 : i32
    %scan3A_36 = arith.addi %scan3A_34, %scan3A_35 : i32
    %scan3A_37 = arith.constant 1 : i32
    scf.for %scan3A_47 = %scan3A_34 to %scan3A_36 step %scan3A_37  : i32 {
      %mul3A_48 = arith.constant 8 : i32
      %mul3A_49 = arith.muli %scan3A_47, %mul3A_48 : i32
      "tpu.region"() ({
        %run_scoped3A_377 = tpu.sem_alloc : memref<!tpu.dma_semaphore, #tpu.memory_space<semaphore_mem>>
        %dma_start3A_378 = arith.constant 0 : i32
        %dma_start3A_379 = tpu.memref_slice %arg3[%arg0, %add3A_32, %mul3A_49, %dma_start3A_378] : memref<2x32x40x128xi32, #tpu.memory_space<hbm>> -> memref<1x1x8x128xi32, #tpu.memory_space<hbm>>
        %dma_start3A_380 = tpu.memref_squeeze %dma_start3A_379 : memref<1x1x8x128xi32, #tpu.memory_space<hbm>> -> memref<8x128xi32, #tpu.memory_space<hbm>>
        %dma_start3A_381 = arith.constant 0 : i32
        %dma_start3A_382 = tpu.memref_slice %arg3[%arg0, %add3A_32, %mul3A_49, %dma_start3A_381] : memref<2x32x40x128xi32, #tpu.memory_space<hbm>> -> memref<1x1x8x128xi32, #tpu.memory_space<hbm>>
        %dma_start3A_383 = tpu.memref_squeeze %dma_start3A_382 : memref<1x1x8x128xi32, #tpu.memory_space<hbm>> -> memref<8x128xi32, #tpu.memory_space<hbm>>
        tpu.enqueue_dma source(%dma_start3A_383 : memref<8x128xi32, #tpu.memory_space<hbm>>) target(%arg10 : memref<8x128xi32, #tpu.memory_space<vmem>>) target_semaphore(%run_scoped3A_377 : memref<!tpu.dma_semaphore, #tpu.memory_space<semaphore_mem>>)
        %dma_wait3A_384 = arith.constant 0 : i32
        %dma_wait3A_385 = tpu.memref_slice %arg3[%arg0, %add3A_32, %mul3A_49, %dma_wait3A_384] : memref<2x32x40x128xi32, #tpu.memory_space<hbm>> -> memref<1x1x8x128xi32, #tpu.memory_space<hbm>>
        %dma_wait3A_386 = tpu.memref_squeeze %dma_wait3A_385 : memref<1x1x8x128xi32, #tpu.memory_space<hbm>> -> memref<8x128xi32, #tpu.memory_space<hbm>>
        %dma_wait3A_387 = arith.constant 0 : i32
        %dma_wait3A_388 = tpu.memref_slice %arg3[%arg0, %add3A_32, %mul3A_49, %dma_wait3A_387] : memref<2x32x40x128xi32, #tpu.memory_space<hbm>> -> memref<1x1x8x128xi32, #tpu.memory_space<hbm>>
        %dma_wait3A_389 = tpu.memref_squeeze %dma_wait3A_388 : memref<1x1x8x128xi32, #tpu.memory_space<hbm>> -> memref<8x128xi32, #tpu.memory_space<hbm>>
        tpu.wait_dma2 semaphore(%run_scoped3A_377 : memref<!tpu.dma_semaphore, #tpu.memory_space<semaphore_mem>>) src(%dma_wait3A_389 : memref<8x128xi32, #tpu.memory_space<hbm>>) dst(%arg10 : memref<8x128xi32, #tpu.memory_space<vmem>>)
        tpu.yield
      }) : () -> ()
      %mul3A_50 = arith.constant 8 : i32
      %mul3A_51 = arith.muli %scan3A_47, %mul3A_50 : i32
      "tpu.region"() ({
        %run_scoped3A_377 = tpu.sem_alloc : memref<!tpu.dma_semaphore, #tpu.memory_space<semaphore_mem>>
        %dma_start3A_378 = arith.constant 0 : i32
        %dma_start3A_379 = tpu.memref_slice %arg4[%add3A_32, %mul3A_51, %dma_start3A_378] : memref<32x40x128xi32, #tpu.memory_space<hbm>> -> memref<1x8x128xi32, #tpu.memory_space<hbm>>
        %dma_start3A_380 = tpu.memref_squeeze %dma_start3A_379 : memref<1x8x128xi32, #tpu.memory_space<hbm>> -> memref<8x128xi32, #tpu.memory_space<hbm>>
        %dma_start3A_381 = arith.constant 0 : i32
        %dma_start3A_382 = tpu.memref_slice %arg4[%add3A_32, %mul3A_51, %dma_start3A_381] : memref<32x40x128xi32, #tpu.memory_space<hbm>> -> memref<1x8x128xi32, #tpu.memory_space<hbm>>
        %dma_start3A_383 = tpu.memref_squeeze %dma_start3A_382 : memref<1x8x128xi32, #tpu.memory_space<hbm>> -> memref<8x128xi32, #tpu.memory_space<hbm>>
        tpu.enqueue_dma source(%dma_start3A_383 : memref<8x128xi32, #tpu.memory_space<hbm>>) target(%arg11 : memref<8x128xi32, #tpu.memory_space<vmem>>) target_semaphore(%run_scoped3A_377 : memref<!tpu.dma_semaphore, #tpu.memory_space<semaphore_mem>>)
        %dma_wait3A_384 = arith.constant 0 : i32
        %dma_wait3A_385 = tpu.memref_slice %arg4[%add3A_32, %mul3A_51, %dma_wait3A_384] : memref<32x40x128xi32, #tpu.memory_space<hbm>> -> memref<1x8x128xi32, #tpu.memory_space<hbm>>
        %dma_wait3A_386 = tpu.memref_squeeze %dma_wait3A_385 : memref<1x8x128xi32, #tpu.memory_space<hbm>> -> memref<8x128xi32, #tpu.memory_space<hbm>>
        %dma_wait3A_387 = arith.constant 0 : i32
        %dma_wait3A_388 = tpu.memref_slice %arg4[%add3A_32, %mul3A_51, %dma_wait3A_387] : memref<32x40x128xi32, #tpu.memory_space<hbm>> -> memref<1x8x128xi32, #tpu.memory_space<hbm>>
        %dma_wait3A_389 = tpu.memref_squeeze %dma_wait3A_388 : memref<1x8x128xi32, #tpu.memory_space<hbm>> -> memref<8x128xi32, #tpu.memory_space<hbm>>
        tpu.wait_dma2 semaphore(%run_scoped3A_377 : memref<!tpu.dma_semaphore, #tpu.memory_space<semaphore_mem>>) src(%dma_wait3A_389 : memref<8x128xi32, #tpu.memory_space<hbm>>) dst(%arg11 : memref<8x128xi32, #tpu.memory_space<vmem>>)
        tpu.yield
      }) : () -> ()
      %dma_start3A = arith.constant 0 : i32
      %dma_start3A_52 = arith.constant 0 : i32
      %dma_start3A_53 = arith.constant 0 : i32
      %dma_start3A_54 = tpu.memref_slice %arg12[%dma_start3A_52, %dma_start3A_53] : memref<128x128xf32, #tpu.memory_space<vmem>> -> memref<64x128xf32, #tpu.memory_space<vmem>>
      %dma_start3A_55 = arith.constant 0 : i32
      %dma_start3A_56 = tpu.memref_slice %arg10[%dma_start3A, %dma_start3A_55] : memref<8x128xi32, #tpu.memory_space<vmem>> -> memref<1x64xi32, #tpu.memory_space<vmem>>
      %dma_start3A_57 = tpu.memref_squeeze %dma_start3A_56 : memref<1x64xi32, #tpu.memory_space<vmem>> -> memref<64xi32, #tpu.memory_space<vmem>>
      %dma_start3A_58 = arith.constant 0 : i32
      %dma_start3A_59 = arith.constant 0 : i32
      %dma_start3A_60 = tpu.memref_slice %arg2[%dma_start3A_58, %dma_start3A_59] : memref<20480x128xf32, #tpu.memory_space<hbm>> -> memref<20480x128xf32, #tpu.memory_space<hbm>>
      tpu.enqueue_indirect_dma source(%dma_start3A_60 : memref<20480x128xf32, #tpu.memory_space<hbm>>) target(%dma_start3A_54 : memref<64x128xf32, #tpu.memory_space<vmem>>) offsets(%dma_start3A_57 : memref<64xi32, #tpu.memory_space<vmem>>) semaphore(%arg14 : memref<!tpu.dma_semaphore, #tpu.memory_space<semaphore_mem>>)
      %dma_start3A_61 = arith.constant 0 : i32
      %dma_start3A_62 = arith.constant 64 : i32
      %dma_start3A_63 = arith.constant 0 : i32
      %dma_start3A_64 = tpu.memref_slice %arg12[%dma_start3A_62, %dma_start3A_63] : memref<128x128xf32, #tpu.memory_space<vmem>> -> memref<64x128xf32, #tpu.memory_space<vmem>>
      %dma_start3A_65 = arith.constant 64 : i32
      %dma_start3A_66 = tpu.memref_slice %arg10[%dma_start3A_61, %dma_start3A_65] : memref<8x128xi32, #tpu.memory_space<vmem>> -> memref<1x64xi32, #tpu.memory_space<vmem>>
      %dma_start3A_67 = tpu.memref_squeeze %dma_start3A_66 : memref<1x64xi32, #tpu.memory_space<vmem>> -> memref<64xi32, #tpu.memory_space<vmem>>
      %dma_start3A_68 = arith.constant 0 : i32
      %dma_start3A_69 = arith.constant 0 : i32
      %dma_start3A_70 = tpu.memref_slice %arg2[%dma_start3A_68, %dma_start3A_69] : memref<20480x128xf32, #tpu.memory_space<hbm>> -> memref<20480x128xf32, #tpu.memory_space<hbm>>
      tpu.enqueue_indirect_dma source(%dma_start3A_70 : memref<20480x128xf32, #tpu.memory_space<hbm>>) target(%dma_start3A_64 : memref<64x128xf32, #tpu.memory_space<vmem>>) offsets(%dma_start3A_67 : memref<64xi32, #tpu.memory_space<vmem>>) semaphore(%arg15 : memref<!tpu.dma_semaphore, #tpu.memory_space<semaphore_mem>>)
      %dma_start3A_71 = arith.constant 1 : i32
      %dma_start3A_72 = arith.constant 0 : i32
      %dma_start3A_73 = arith.constant 0 : i32
      %dma_start3A_74 = tpu.memref_slice %arg13[%dma_start3A_72, %dma_start3A_73] : memref<128x128xf32, #tpu.memory_space<vmem>> -> memref<64x128xf32, #tpu.memory_space<vmem>>
      %dma_start3A_75 = arith.constant 0 : i32
      %dma_start3A_76 = tpu.memref_slice %arg10[%dma_start3A_71, %dma_start3A_75] : memref<8x128xi32, #tpu.memory_space<vmem>> -> memref<1x64xi32, #tpu.memory_space<vmem>>
      %dma_start3A_77 = tpu.memref_squeeze %dma_start3A_76 : memref<1x64xi32, #tpu.memory_space<vmem>> -> memref<64xi32, #tpu.memory_space<vmem>>
      %dma_start3A_78 = arith.constant 0 : i32
      %dma_start3A_79 = arith.constant 0 : i32
      %dma_start3A_80 = tpu.memref_slice %arg2[%dma_start3A_78, %dma_start3A_79] : memref<20480x128xf32, #tpu.memory_space<hbm>> -> memref<20480x128xf32, #tpu.memory_space<hbm>>
      tpu.enqueue_indirect_dma source(%dma_start3A_80 : memref<20480x128xf32, #tpu.memory_space<hbm>>) target(%dma_start3A_74 : memref<64x128xf32, #tpu.memory_space<vmem>>) offsets(%dma_start3A_77 : memref<64xi32, #tpu.memory_space<vmem>>) semaphore(%arg16 : memref<!tpu.dma_semaphore, #tpu.memory_space<semaphore_mem>>)
      %dma_start3A_81 = arith.constant 1 : i32
      %dma_start3A_82 = arith.constant 64 : i32
      %dma_start3A_83 = arith.constant 0 : i32
      %dma_start3A_84 = tpu.memref_slice %arg13[%dma_start3A_82, %dma_start3A_83] : memref<128x128xf32, #tpu.memory_space<vmem>> -> memref<64x128xf32, #tpu.memory_space<vmem>>
      %dma_start3A_85 = arith.constant 64 : i32
      %dma_start3A_86 = tpu.memref_slice %arg10[%dma_start3A_81, %dma_start3A_85] : memref<8x128xi32, #tpu.memory_space<vmem>> -> memref<1x64xi32, #tpu.memory_space<vmem>>
      %dma_start3A_87 = tpu.memref_squeeze %dma_start3A_86 : memref<1x64xi32, #tpu.memory_space<vmem>> -> memref<64xi32, #tpu.memory_space<vmem>>
      %dma_start3A_88 = arith.constant 0 : i32
      %dma_start3A_89 = arith.constant 0 : i32
      %dma_start3A_90 = tpu.memref_slice %arg2[%dma_start3A_88, %dma_start3A_89] : memref<20480x128xf32, #tpu.memory_space<hbm>> -> memref<20480x128xf32, #tpu.memory_space<hbm>>
      tpu.enqueue_indirect_dma source(%dma_start3A_90 : memref<20480x128xf32, #tpu.memory_space<hbm>>) target(%dma_start3A_84 : memref<64x128xf32, #tpu.memory_space<vmem>>) offsets(%dma_start3A_87 : memref<64xi32, #tpu.memory_space<vmem>>) semaphore(%arg17 : memref<!tpu.dma_semaphore, #tpu.memory_space<semaphore_mem>>)
      %dma_wait3A = arith.constant 0 : i32
      %dma_wait3A_91 = arith.constant 0 : i32
      %dma_wait3A_92 = arith.constant 0 : i32
      %dma_wait3A_93 = tpu.memref_slice %arg12[%dma_wait3A_91, %dma_wait3A_92] : memref<128x128xf32, #tpu.memory_space<vmem>> -> memref<64x128xf32, #tpu.memory_space<vmem>>
      %dma_wait3A_94 = arith.constant 0 : i32
      %dma_wait3A_95 = tpu.memref_slice %arg10[%dma_wait3A, %dma_wait3A_94] : memref<8x128xi32, #tpu.memory_space<vmem>> -> memref<1x64xi32, #tpu.memory_space<vmem>>
      %dma_wait3A_96 = tpu.memref_squeeze %dma_wait3A_95 : memref<1x64xi32, #tpu.memory_space<vmem>> -> memref<64xi32, #tpu.memory_space<vmem>>
      %dma_wait3A_97 = arith.constant 0 : i32
      %dma_wait3A_98 = arith.constant 0 : i32
      %dma_wait3A_99 = tpu.memref_slice %arg2[%dma_wait3A_97, %dma_wait3A_98] : memref<20480x128xf32, #tpu.memory_space<hbm>> -> memref<20480x128xf32, #tpu.memory_space<hbm>>
      tpu.wait_indirect_dma semaphore(%arg14 : memref<!tpu.dma_semaphore, #tpu.memory_space<semaphore_mem>>) src(%dma_wait3A_99 : memref<20480x128xf32, #tpu.memory_space<hbm>>) dst(%dma_wait3A_93 : memref<64x128xf32, #tpu.memory_space<vmem>>)
      %dma_wait3A_100 = arith.constant 0 : i32
      %dma_wait3A_101 = arith.constant 64 : i32
      %dma_wait3A_102 = arith.constant 0 : i32
      %dma_wait3A_103 = tpu.memref_slice %arg12[%dma_wait3A_101, %dma_wait3A_102] : memref<128x128xf32, #tpu.memory_space<vmem>> -> memref<64x128xf32, #tpu.memory_space<vmem>>
      %dma_wait3A_104 = arith.constant 64 : i32
      %dma_wait3A_105 = tpu.memref_slice %arg10[%dma_wait3A_100, %dma_wait3A_104] : memref<8x128xi32, #tpu.memory_space<vmem>> -> memref<1x64xi32, #tpu.memory_space<vmem>>
      %dma_wait3A_106 = tpu.memref_squeeze %dma_wait3A_105 : memref<1x64xi32, #tpu.memory_space<vmem>> -> memref<64xi32, #tpu.memory_space<vmem>>
      %dma_wait3A_107 = arith.constant 0 : i32
      %dma_wait3A_108 = arith.constant 0 : i32
      %dma_wait3A_109 = tpu.memref_slice %arg2[%dma_wait3A_107, %dma_wait3A_108] : memref<20480x128xf32, #tpu.memory_space<hbm>> -> memref<20480x128xf32, #tpu.memory_space<hbm>>
      tpu.wait_indirect_dma semaphore(%arg15 : memref<!tpu.dma_semaphore, #tpu.memory_space<semaphore_mem>>) src(%dma_wait3A_109 : memref<20480x128xf32, #tpu.memory_space<hbm>>) dst(%dma_wait3A_103 : memref<64x128xf32, #tpu.memory_space<vmem>>)
      %run_scoped3A = arith.constant 0 : i32
      "tpu.region"() ({
        %run_scoped3A_377 = tpu.sem_alloc : memref<!tpu.dma_semaphore, #tpu.memory_space<semaphore_mem>>
        %dma_start3A_378 = arith.constant 0 : i32
        %dma_start3A_379 = tpu.memref_slice %arg11[%run_scoped3A, %dma_start3A_378] : memref<8x128xi32, #tpu.memory_space<vmem>> -> memref<1x128xi32, #tpu.memory_space<vmem>>
        %dma_start3A_380 = tpu.memref_squeeze %dma_start3A_379 : memref<1x128xi32, #tpu.memory_space<vmem>> -> memref<128xi32, #tpu.memory_space<vmem>>
        %dma_start3A_381 = arith.constant 0 : i32
        %dma_start3A_382 = arith.constant 0 : i32
        %dma_start3A_383 = tpu.memref_slice %arg9[%dma_start3A_381, %dma_start3A_382] : memref<10240x128xf32, #tpu.memory_space<vmem_shared>> -> memref<10240x128xf32, #tpu.memory_space<vmem_shared>>
        tpu.enqueue_indirect_dma source(%arg12 : memref<128x128xf32, #tpu.memory_space<vmem>>) target(%dma_start3A_383 : memref<10240x128xf32, #tpu.memory_space<vmem_shared>>) offsets(%dma_start3A_380 : memref<128xi32, #tpu.memory_space<vmem>>) semaphore(%run_scoped3A_377 : memref<!tpu.dma_semaphore, #tpu.memory_space<semaphore_mem>>) {add = true}
        %dma_wait3A_384 = arith.constant 0 : i32
        %dma_wait3A_385 = tpu.memref_slice %arg11[%run_scoped3A, %dma_wait3A_384] : memref<8x128xi32, #tpu.memory_space<vmem>> -> memref<1x128xi32, #tpu.memory_space<vmem>>
        %dma_wait3A_386 = tpu.memref_squeeze %dma_wait3A_385 : memref<1x128xi32, #tpu.memory_space<vmem>> -> memref<128xi32, #tpu.memory_space<vmem>>
        %dma_wait3A_387 = arith.constant 0 : i32
        %dma_wait3A_388 = arith.constant 0 : i32
        %dma_wait3A_389 = tpu.memref_slice %arg9[%dma_wait3A_387, %dma_wait3A_388] : memref<10240x128xf32, #tpu.memory_space<vmem_shared>> -> memref<10240x128xf32, #tpu.memory_space<vmem_shared>>
        tpu.wait_indirect_dma semaphore(%run_scoped3A_377 : memref<!tpu.dma_semaphore, #tpu.memory_space<semaphore_mem>>) src(%arg12 : memref<128x128xf32, #tpu.memory_space<vmem>>) dst(%dma_wait3A_389 : memref<10240x128xf32, #tpu.memory_space<vmem_shared>>)
        tpu.yield
      }) : () -> ()
      %dma_start3A_110 = arith.constant 2 : i32
      %dma_start3A_111 = arith.constant 0 : i32
      %dma_start3A_112 = arith.constant 0 : i32
      %dma_start3A_113 = tpu.memref_slice %arg12[%dma_start3A_111, %dma_start3A_112] : memref<128x128xf32, #tpu.memory_space<vmem>> -> memref<64x128xf32, #tpu.memory_space<vmem>>
      %dma_start3A_114 = arith.constant 0 : i32
      %dma_start3A_115 = tpu.memref_slice %arg10[%dma_start3A_110, %dma_start3A_114] : memref<8x128xi32, #tpu.memory_space<vmem>> -> memref<1x64xi32, #tpu.memory_space<vmem>>
      %dma_start3A_116 = tpu.memref_squeeze %dma_start3A_115 : memref<1x64xi32, #tpu.memory_space<vmem>> -> memref<64xi32, #tpu.memory_space<vmem>>
      %dma_start3A_117 = arith.constant 0 : i32
      %dma_start3A_118 = arith.constant 0 : i32
      %dma_start3A_119 = tpu.memref_slice %arg2[%dma_start3A_117, %dma_start3A_118] : memref<20480x128xf32, #tpu.memory_space<hbm>> -> memref<20480x128xf32, #tpu.memory_space<hbm>>
      tpu.enqueue_indirect_dma source(%dma_start3A_119 : memref<20480x128xf32, #tpu.memory_space<hbm>>) target(%dma_start3A_113 : memref<64x128xf32, #tpu.memory_space<vmem>>) offsets(%dma_start3A_116 : memref<64xi32, #tpu.memory_space<vmem>>) semaphore(%arg14 : memref<!tpu.dma_semaphore, #tpu.memory_space<semaphore_mem>>)
      %dma_start3A_120 = arith.constant 2 : i32
      %dma_start3A_121 = arith.constant 64 : i32
      %dma_start3A_122 = arith.constant 0 : i32
      %dma_start3A_123 = tpu.memref_slice %arg12[%dma_start3A_121, %dma_start3A_122] : memref<128x128xf32, #tpu.memory_space<vmem>> -> memref<64x128xf32, #tpu.memory_space<vmem>>
      %dma_start3A_124 = arith.constant 64 : i32
      %dma_start3A_125 = tpu.memref_slice %arg10[%dma_start3A_120, %dma_start3A_124] : memref<8x128xi32, #tpu.memory_space<vmem>> -> memref<1x64xi32, #tpu.memory_space<vmem>>
      %dma_start3A_126 = tpu.memref_squeeze %dma_start3A_125 : memref<1x64xi32, #tpu.memory_space<vmem>> -> memref<64xi32, #tpu.memory_space<vmem>>
      %dma_start3A_127 = arith.constant 0 : i32
      %dma_start3A_128 = arith.constant 0 : i32
      %dma_start3A_129 = tpu.memref_slice %arg2[%dma_start3A_127, %dma_start3A_128] : memref<20480x128xf32, #tpu.memory_space<hbm>> -> memref<20480x128xf32, #tpu.memory_space<hbm>>
      tpu.enqueue_indirect_dma source(%dma_start3A_129 : memref<20480x128xf32, #tpu.memory_space<hbm>>) target(%dma_start3A_123 : memref<64x128xf32, #tpu.memory_space<vmem>>) offsets(%dma_start3A_126 : memref<64xi32, #tpu.memory_space<vmem>>) semaphore(%arg15 : memref<!tpu.dma_semaphore, #tpu.memory_space<semaphore_mem>>)
      %dma_wait3A_130 = arith.constant 1 : i32
      %dma_wait3A_131 = arith.constant 0 : i32
      %dma_wait3A_132 = arith.constant 0 : i32
      %dma_wait3A_133 = tpu.memref_slice %arg13[%dma_wait3A_131, %dma_wait3A_132] : memref<128x128xf32, #tpu.memory_space<vmem>> -> memref<64x128xf32, #tpu.memory_space<vmem>>
      %dma_wait3A_134 = arith.constant 0 : i32
      %dma_wait3A_135 = tpu.memref_slice %arg10[%dma_wait3A_130, %dma_wait3A_134] : memref<8x128xi32, #tpu.memory_space<vmem>> -> memref<1x64xi32, #tpu.memory_space<vmem>>
      %dma_wait3A_136 = tpu.memref_squeeze %dma_wait3A_135 : memref<1x64xi32, #tpu.memory_space<vmem>> -> memref<64xi32, #tpu.memory_space<vmem>>
      %dma_wait3A_137 = arith.constant 0 : i32
      %dma_wait3A_138 = arith.constant 0 : i32
      %dma_wait3A_139 = tpu.memref_slice %arg2[%dma_wait3A_137, %dma_wait3A_138] : memref<20480x128xf32, #tpu.memory_space<hbm>> -> memref<20480x128xf32, #tpu.memory_space<hbm>>
      tpu.wait_indirect_dma semaphore(%arg16 : memref<!tpu.dma_semaphore, #tpu.memory_space<semaphore_mem>>) src(%dma_wait3A_139 : memref<20480x128xf32, #tpu.memory_space<hbm>>) dst(%dma_wait3A_133 : memref<64x128xf32, #tpu.memory_space<vmem>>)
      %dma_wait3A_140 = arith.constant 1 : i32
      %dma_wait3A_141 = arith.constant 64 : i32
      %dma_wait3A_142 = arith.constant 0 : i32
      %dma_wait3A_143 = tpu.memref_slice %arg13[%dma_wait3A_141, %dma_wait3A_142] : memref<128x128xf32, #tpu.memory_space<vmem>> -> memref<64x128xf32, #tpu.memory_space<vmem>>
      %dma_wait3A_144 = arith.constant 64 : i32
      %dma_wait3A_145 = tpu.memref_slice %arg10[%dma_wait3A_140, %dma_wait3A_144] : memref<8x128xi32, #tpu.memory_space<vmem>> -> memref<1x64xi32, #tpu.memory_space<vmem>>
      %dma_wait3A_146 = tpu.memref_squeeze %dma_wait3A_145 : memref<1x64xi32, #tpu.memory_space<vmem>> -> memref<64xi32, #tpu.memory_space<vmem>>
      %dma_wait3A_147 = arith.constant 0 : i32
      %dma_wait3A_148 = arith.constant 0 : i32
      %dma_wait3A_149 = tpu.memref_slice %arg2[%dma_wait3A_147, %dma_wait3A_148] : memref<20480x128xf32, #tpu.memory_space<hbm>> -> memref<20480x128xf32, #tpu.memory_space<hbm>>
      tpu.wait_indirect_dma semaphore(%arg17 : memref<!tpu.dma_semaphore, #tpu.memory_space<semaphore_mem>>) src(%dma_wait3A_149 : memref<20480x128xf32, #tpu.memory_space<hbm>>) dst(%dma_wait3A_143 : memref<64x128xf32, #tpu.memory_space<vmem>>)
      %run_scoped3A_150 = arith.constant 1 : i32
      "tpu.region"() ({
        %run_scoped3A_377 = tpu.sem_alloc : memref<!tpu.dma_semaphore, #tpu.memory_space<semaphore_mem>>
        %dma_start3A_378 = arith.constant 0 : i32
        %dma_start3A_379 = tpu.memref_slice %arg11[%run_scoped3A_150, %dma_start3A_378] : memref<8x128xi32, #tpu.memory_space<vmem>> -> memref<1x128xi32, #tpu.memory_space<vmem>>
        %dma_start3A_380 = tpu.memref_squeeze %dma_start3A_379 : memref<1x128xi32, #tpu.memory_space<vmem>> -> memref<128xi32, #tpu.memory_space<vmem>>
        %dma_start3A_381 = arith.constant 0 : i32
        %dma_start3A_382 = arith.constant 0 : i32
        %dma_start3A_383 = tpu.memref_slice %arg9[%dma_start3A_381, %dma_start3A_382] : memref<10240x128xf32, #tpu.memory_space<vmem_shared>> -> memref<10240x128xf32, #tpu.memory_space<vmem_shared>>
        tpu.enqueue_indirect_dma source(%arg13 : memref<128x128xf32, #tpu.memory_space<vmem>>) target(%dma_start3A_383 : memref<10240x128xf32, #tpu.memory_space<vmem_shared>>) offsets(%dma_start3A_380 : memref<128xi32, #tpu.memory_space<vmem>>) semaphore(%run_scoped3A_377 : memref<!tpu.dma_semaphore, #tpu.memory_space<semaphore_mem>>) {add = true}
        %dma_wait3A_384 = arith.constant 0 : i32
        %dma_wait3A_385 = tpu.memref_slice %arg11[%run_scoped3A_150, %dma_wait3A_384] : memref<8x128xi32, #tpu.memory_space<vmem>> -> memref<1x128xi32, #tpu.memory_space<vmem>>
        %dma_wait3A_386 = tpu.memref_squeeze %dma_wait3A_385 : memref<1x128xi32, #tpu.memory_space<vmem>> -> memref<128xi32, #tpu.memory_space<vmem>>
        %dma_wait3A_387 = arith.constant 0 : i32
        %dma_wait3A_388 = arith.constant 0 : i32
        %dma_wait3A_389 = tpu.memref_slice %arg9[%dma_wait3A_387, %dma_wait3A_388] : memref<10240x128xf32, #tpu.memory_space<vmem_shared>> -> memref<10240x128xf32, #tpu.memory_space<vmem_shared>>
        tpu.wait_indirect_dma semaphore(%run_scoped3A_377 : memref<!tpu.dma_semaphore, #tpu.memory_space<semaphore_mem>>) src(%arg13 : memref<128x128xf32, #tpu.memory_space<vmem>>) dst(%dma_wait3A_389 : memref<10240x128xf32, #tpu.memory_space<vmem_shared>>)
        tpu.yield
      }) : () -> ()
      %dma_start3A_151 = arith.constant 3 : i32
      %dma_start3A_152 = arith.constant 0 : i32
      %dma_start3A_153 = arith.constant 0 : i32
      %dma_start3A_154 = tpu.memref_slice %arg13[%dma_start3A_152, %dma_start3A_153] : memref<128x128xf32, #tpu.memory_space<vmem>> -> memref<64x128xf32, #tpu.memory_space<vmem>>
      %dma_start3A_155 = arith.constant 0 : i32
      %dma_start3A_156 = tpu.memref_slice %arg10[%dma_start3A_151, %dma_start3A_155] : memref<8x128xi32, #tpu.memory_space<vmem>> -> memref<1x64xi32, #tpu.memory_space<vmem>>
      %dma_start3A_157 = tpu.memref_squeeze %dma_start3A_156 : memref<1x64xi32, #tpu.memory_space<vmem>> -> memref<64xi32, #tpu.memory_space<vmem>>
      %dma_start3A_158 = arith.constant 0 : i32
      %dma_start3A_159 = arith.constant 0 : i32
      %dma_start3A_160 = tpu.memref_slice %arg2[%dma_start3A_158, %dma_start3A_159] : memref<20480x128xf32, #tpu.memory_space<hbm>> -> memref<20480x128xf32, #tpu.memory_space<hbm>>
      tpu.enqueue_indirect_dma source(%dma_start3A_160 : memref<20480x128xf32, #tpu.memory_space<hbm>>) target(%dma_start3A_154 : memref<64x128xf32, #tpu.memory_space<vmem>>) offsets(%dma_start3A_157 : memref<64xi32, #tpu.memory_space<vmem>>) semaphore(%arg16 : memref<!tpu.dma_semaphore, #tpu.memory_space<semaphore_mem>>)
      %dma_start3A_161 = arith.constant 3 : i32
      %dma_start3A_162 = arith.constant 64 : i32
      %dma_start3A_163 = arith.constant 0 : i32
      %dma_start3A_164 = tpu.memref_slice %arg13[%dma_start3A_162, %dma_start3A_163] : memref<128x128xf32, #tpu.memory_space<vmem>> -> memref<64x128xf32, #tpu.memory_space<vmem>>
      %dma_start3A_165 = arith.constant 64 : i32
      %dma_start3A_166 = tpu.memref_slice %arg10[%dma_start3A_161, %dma_start3A_165] : memref<8x128xi32, #tpu.memory_space<vmem>> -> memref<1x64xi32, #tpu.memory_space<vmem>>
      %dma_start3A_167 = tpu.memref_squeeze %dma_start3A_166 : memref<1x64xi32, #tpu.memory_space<vmem>> -> memref<64xi32, #tpu.memory_space<vmem>>
      %dma_start3A_168 = arith.constant 0 : i32
      %dma_start3A_169 = arith.constant 0 : i32
      %dma_start3A_170 = tpu.memref_slice %arg2[%dma_start3A_168, %dma_start3A_169] : memref<20480x128xf32, #tpu.memory_space<hbm>> -> memref<20480x128xf32, #tpu.memory_space<hbm>>
      tpu.enqueue_indirect_dma source(%dma_start3A_170 : memref<20480x128xf32, #tpu.memory_space<hbm>>) target(%dma_start3A_164 : memref<64x128xf32, #tpu.memory_space<vmem>>) offsets(%dma_start3A_167 : memref<64xi32, #tpu.memory_space<vmem>>) semaphore(%arg17 : memref<!tpu.dma_semaphore, #tpu.memory_space<semaphore_mem>>)
      %dma_wait3A_171 = arith.constant 2 : i32
      %dma_wait3A_172 = arith.constant 0 : i32
      %dma_wait3A_173 = arith.constant 0 : i32
      %dma_wait3A_174 = tpu.memref_slice %arg12[%dma_wait3A_172, %dma_wait3A_173] : memref<128x128xf32, #tpu.memory_space<vmem>> -> memref<64x128xf32, #tpu.memory_space<vmem>>
      %dma_wait3A_175 = arith.constant 0 : i32
      %dma_wait3A_176 = tpu.memref_slice %arg10[%dma_wait3A_171, %dma_wait3A_175] : memref<8x128xi32, #tpu.memory_space<vmem>> -> memref<1x64xi32, #tpu.memory_space<vmem>>
      %dma_wait3A_177 = tpu.memref_squeeze %dma_wait3A_176 : memref<1x64xi32, #tpu.memory_space<vmem>> -> memref<64xi32, #tpu.memory_space<vmem>>
      %dma_wait3A_178 = arith.constant 0 : i32
      %dma_wait3A_179 = arith.constant 0 : i32
      %dma_wait3A_180 = tpu.memref_slice %arg2[%dma_wait3A_178, %dma_wait3A_179] : memref<20480x128xf32, #tpu.memory_space<hbm>> -> memref<20480x128xf32, #tpu.memory_space<hbm>>
      tpu.wait_indirect_dma semaphore(%arg14 : memref<!tpu.dma_semaphore, #tpu.memory_space<semaphore_mem>>) src(%dma_wait3A_180 : memref<20480x128xf32, #tpu.memory_space<hbm>>) dst(%dma_wait3A_174 : memref<64x128xf32, #tpu.memory_space<vmem>>)
      %dma_wait3A_181 = arith.constant 2 : i32
      %dma_wait3A_182 = arith.constant 64 : i32
      %dma_wait3A_183 = arith.constant 0 : i32
      %dma_wait3A_184 = tpu.memref_slice %arg12[%dma_wait3A_182, %dma_wait3A_183] : memref<128x128xf32, #tpu.memory_space<vmem>> -> memref<64x128xf32, #tpu.memory_space<vmem>>
      %dma_wait3A_185 = arith.constant 64 : i32
      %dma_wait3A_186 = tpu.memref_slice %arg10[%dma_wait3A_181, %dma_wait3A_185] : memref<8x128xi32, #tpu.memory_space<vmem>> -> memref<1x64xi32, #tpu.memory_space<vmem>>
      %dma_wait3A_187 = tpu.memref_squeeze %dma_wait3A_186 : memref<1x64xi32, #tpu.memory_space<vmem>> -> memref<64xi32, #tpu.memory_space<vmem>>
      %dma_wait3A_188 = arith.constant 0 : i32
      %dma_wait3A_189 = arith.constant 0 : i32
      %dma_wait3A_190 = tpu.memref_slice %arg2[%dma_wait3A_188, %dma_wait3A_189] : memref<20480x128xf32, #tpu.memory_space<hbm>> -> memref<20480x128xf32, #tpu.memory_space<hbm>>
      tpu.wait_indirect_dma semaphore(%arg15 : memref<!tpu.dma_semaphore, #tpu.memory_space<semaphore_mem>>) src(%dma_wait3A_190 : memref<20480x128xf32, #tpu.memory_space<hbm>>) dst(%dma_wait3A_184 : memref<64x128xf32, #tpu.memory_space<vmem>>)
      %run_scoped3A_191 = arith.constant 2 : i32
      "tpu.region"() ({
        %run_scoped3A_377 = tpu.sem_alloc : memref<!tpu.dma_semaphore, #tpu.memory_space<semaphore_mem>>
        %dma_start3A_378 = arith.constant 0 : i32
        %dma_start3A_379 = tpu.memref_slice %arg11[%run_scoped3A_191, %dma_start3A_378] : memref<8x128xi32, #tpu.memory_space<vmem>> -> memref<1x128xi32, #tpu.memory_space<vmem>>
        %dma_start3A_380 = tpu.memref_squeeze %dma_start3A_379 : memref<1x128xi32, #tpu.memory_space<vmem>> -> memref<128xi32, #tpu.memory_space<vmem>>
        %dma_start3A_381 = arith.constant 0 : i32
        %dma_start3A_382 = arith.constant 0 : i32
        %dma_start3A_383 = tpu.memref_slice %arg9[%dma_start3A_381, %dma_start3A_382] : memref<10240x128xf32, #tpu.memory_space<vmem_shared>> -> memref<10240x128xf32, #tpu.memory_space<vmem_shared>>
        tpu.enqueue_indirect_dma source(%arg12 : memref<128x128xf32, #tpu.memory_space<vmem>>) target(%dma_start3A_383 : memref<10240x128xf32, #tpu.memory_space<vmem_shared>>) offsets(%dma_start3A_380 : memref<128xi32, #tpu.memory_space<vmem>>) semaphore(%run_scoped3A_377 : memref<!tpu.dma_semaphore, #tpu.memory_space<semaphore_mem>>) {add = true}
        %dma_wait3A_384 = arith.constant 0 : i32
        %dma_wait3A_385 = tpu.memref_slice %arg11[%run_scoped3A_191, %dma_wait3A_384] : memref<8x128xi32, #tpu.memory_space<vmem>> -> memref<1x128xi32, #tpu.memory_space<vmem>>
        %dma_wait3A_386 = tpu.memref_squeeze %dma_wait3A_385 : memref<1x128xi32, #tpu.memory_space<vmem>> -> memref<128xi32, #tpu.memory_space<vmem>>
        %dma_wait3A_387 = arith.constant 0 : i32
        %dma_wait3A_388 = arith.constant 0 : i32
        %dma_wait3A_389 = tpu.memref_slice %arg9[%dma_wait3A_387, %dma_wait3A_388] : memref<10240x128xf32, #tpu.memory_space<vmem_shared>> -> memref<10240x128xf32, #tpu.memory_space<vmem_shared>>
        tpu.wait_indirect_dma semaphore(%run_scoped3A_377 : memref<!tpu.dma_semaphore, #tpu.memory_space<semaphore_mem>>) src(%arg12 : memref<128x128xf32, #tpu.memory_space<vmem>>) dst(%dma_wait3A_389 : memref<10240x128xf32, #tpu.memory_space<vmem_shared>>)
        tpu.yield
      }) : () -> ()
      %dma_start3A_192 = arith.constant 4 : i32
      %dma_start3A_193 = arith.constant 0 : i32
      %dma_start3A_194 = arith.constant 0 : i32
      %dma_start3A_195 = tpu.memref_slice %arg12[%dma_start3A_193, %dma_start3A_194] : memref<128x128xf32, #tpu.memory_space<vmem>> -> memref<64x128xf32, #tpu.memory_space<vmem>>
      %dma_start3A_196 = arith.constant 0 : i32
      %dma_start3A_197 = tpu.memref_slice %arg10[%dma_start3A_192, %dma_start3A_196] : memref<8x128xi32, #tpu.memory_space<vmem>> -> memref<1x64xi32, #tpu.memory_space<vmem>>
      %dma_start3A_198 = tpu.memref_squeeze %dma_start3A_197 : memref<1x64xi32, #tpu.memory_space<vmem>> -> memref<64xi32, #tpu.memory_space<vmem>>
      %dma_start3A_199 = arith.constant 0 : i32
      %dma_start3A_200 = arith.constant 0 : i32
      %dma_start3A_201 = tpu.memref_slice %arg2[%dma_start3A_199, %dma_start3A_200] : memref<20480x128xf32, #tpu.memory_space<hbm>> -> memref<20480x128xf32, #tpu.memory_space<hbm>>
      tpu.enqueue_indirect_dma source(%dma_start3A_201 : memref<20480x128xf32, #tpu.memory_space<hbm>>) target(%dma_start3A_195 : memref<64x128xf32, #tpu.memory_space<vmem>>) offsets(%dma_start3A_198 : memref<64xi32, #tpu.memory_space<vmem>>) semaphore(%arg14 : memref<!tpu.dma_semaphore, #tpu.memory_space<semaphore_mem>>)
      %dma_start3A_202 = arith.constant 4 : i32
      %dma_start3A_203 = arith.constant 64 : i32
      %dma_start3A_204 = arith.constant 0 : i32
      %dma_start3A_205 = tpu.memref_slice %arg12[%dma_start3A_203, %dma_start3A_204] : memref<128x128xf32, #tpu.memory_space<vmem>> -> memref<64x128xf32, #tpu.memory_space<vmem>>
      %dma_start3A_206 = arith.constant 64 : i32
      %dma_start3A_207 = tpu.memref_slice %arg10[%dma_start3A_202, %dma_start3A_206] : memref<8x128xi32, #tpu.memory_space<vmem>> -> memref<1x64xi32, #tpu.memory_space<vmem>>
      %dma_start3A_208 = tpu.memref_squeeze %dma_start3A_207 : memref<1x64xi32, #tpu.memory_space<vmem>> -> memref<64xi32, #tpu.memory_space<vmem>>
      %dma_start3A_209 = arith.constant 0 : i32
      %dma_start3A_210 = arith.constant 0 : i32
      %dma_start3A_211 = tpu.memref_slice %arg2[%dma_start3A_209, %dma_start3A_210] : memref<20480x128xf32, #tpu.memory_space<hbm>> -> memref<20480x128xf32, #tpu.memory_space<hbm>>
      tpu.enqueue_indirect_dma source(%dma_start3A_211 : memref<20480x128xf32, #tpu.memory_space<hbm>>) target(%dma_start3A_205 : memref<64x128xf32, #tpu.memory_space<vmem>>) offsets(%dma_start3A_208 : memref<64xi32, #tpu.memory_space<vmem>>) semaphore(%arg15 : memref<!tpu.dma_semaphore, #tpu.memory_space<semaphore_mem>>)
      %dma_wait3A_212 = arith.constant 3 : i32
      %dma_wait3A_213 = arith.constant 0 : i32
      %dma_wait3A_214 = arith.constant 0 : i32
      %dma_wait3A_215 = tpu.memref_slice %arg13[%dma_wait3A_213, %dma_wait3A_214] : memref<128x128xf32, #tpu.memory_space<vmem>> -> memref<64x128xf32, #tpu.memory_space<vmem>>
      %dma_wait3A_216 = arith.constant 0 : i32
      %dma_wait3A_217 = tpu.memref_slice %arg10[%dma_wait3A_212, %dma_wait3A_216] : memref<8x128xi32, #tpu.memory_space<vmem>> -> memref<1x64xi32, #tpu.memory_space<vmem>>
      %dma_wait3A_218 = tpu.memref_squeeze %dma_wait3A_217 : memref<1x64xi32, #tpu.memory_space<vmem>> -> memref<64xi32, #tpu.memory_space<vmem>>
      %dma_wait3A_219 = arith.constant 0 : i32
      %dma_wait3A_220 = arith.constant 0 : i32
      %dma_wait3A_221 = tpu.memref_slice %arg2[%dma_wait3A_219, %dma_wait3A_220] : memref<20480x128xf32, #tpu.memory_space<hbm>> -> memref<20480x128xf32, #tpu.memory_space<hbm>>
      tpu.wait_indirect_dma semaphore(%arg16 : memref<!tpu.dma_semaphore, #tpu.memory_space<semaphore_mem>>) src(%dma_wait3A_221 : memref<20480x128xf32, #tpu.memory_space<hbm>>) dst(%dma_wait3A_215 : memref<64x128xf32, #tpu.memory_space<vmem>>)
      %dma_wait3A_222 = arith.constant 3 : i32
      %dma_wait3A_223 = arith.constant 64 : i32
      %dma_wait3A_224 = arith.constant 0 : i32
      %dma_wait3A_225 = tpu.memref_slice %arg13[%dma_wait3A_223, %dma_wait3A_224] : memref<128x128xf32, #tpu.memory_space<vmem>> -> memref<64x128xf32, #tpu.memory_space<vmem>>
      %dma_wait3A_226 = arith.constant 64 : i32
      %dma_wait3A_227 = tpu.memref_slice %arg10[%dma_wait3A_222, %dma_wait3A_226] : memref<8x128xi32, #tpu.memory_space<vmem>> -> memref<1x64xi32, #tpu.memory_space<vmem>>
      %dma_wait3A_228 = tpu.memref_squeeze %dma_wait3A_227 : memref<1x64xi32, #tpu.memory_space<vmem>> -> memref<64xi32, #tpu.memory_space<vmem>>
      %dma_wait3A_229 = arith.constant 0 : i32
      %dma_wait3A_230 = arith.constant 0 : i32
      %dma_wait3A_231 = tpu.memref_slice %arg2[%dma_wait3A_229, %dma_wait3A_230] : memref<20480x128xf32, #tpu.memory_space<hbm>> -> memref<20480x128xf32, #tpu.memory_space<hbm>>
      tpu.wait_indirect_dma semaphore(%arg17 : memref<!tpu.dma_semaphore, #tpu.memory_space<semaphore_mem>>) src(%dma_wait3A_231 : memref<20480x128xf32, #tpu.memory_space<hbm>>) dst(%dma_wait3A_225 : memref<64x128xf32, #tpu.memory_space<vmem>>)
      %run_scoped3A_232 = arith.constant 3 : i32
      "tpu.region"() ({
        %run_scoped3A_377 = tpu.sem_alloc : memref<!tpu.dma_semaphore, #tpu.memory_space<semaphore_mem>>
        %dma_start3A_378 = arith.constant 0 : i32
        %dma_start3A_379 = tpu.memref_slice %arg11[%run_scoped3A_232, %dma_start3A_378] : memref<8x128xi32, #tpu.memory_space<vmem>> -> memref<1x128xi32, #tpu.memory_space<vmem>>
        %dma_start3A_380 = tpu.memref_squeeze %dma_start3A_379 : memref<1x128xi32, #tpu.memory_space<vmem>> -> memref<128xi32, #tpu.memory_space<vmem>>
        %dma_start3A_381 = arith.constant 0 : i32
        %dma_start3A_382 = arith.constant 0 : i32
        %dma_start3A_383 = tpu.memref_slice %arg9[%dma_start3A_381, %dma_start3A_382] : memref<10240x128xf32, #tpu.memory_space<vmem_shared>> -> memref<10240x128xf32, #tpu.memory_space<vmem_shared>>
        tpu.enqueue_indirect_dma source(%arg13 : memref<128x128xf32, #tpu.memory_space<vmem>>) target(%dma_start3A_383 : memref<10240x128xf32, #tpu.memory_space<vmem_shared>>) offsets(%dma_start3A_380 : memref<128xi32, #tpu.memory_space<vmem>>) semaphore(%run_scoped3A_377 : memref<!tpu.dma_semaphore, #tpu.memory_space<semaphore_mem>>) {add = true}
        %dma_wait3A_384 = arith.constant 0 : i32
        %dma_wait3A_385 = tpu.memref_slice %arg11[%run_scoped3A_232, %dma_wait3A_384] : memref<8x128xi32, #tpu.memory_space<vmem>> -> memref<1x128xi32, #tpu.memory_space<vmem>>
        %dma_wait3A_386 = tpu.memref_squeeze %dma_wait3A_385 : memref<1x128xi32, #tpu.memory_space<vmem>> -> memref<128xi32, #tpu.memory_space<vmem>>
        %dma_wait3A_387 = arith.constant 0 : i32
        %dma_wait3A_388 = arith.constant 0 : i32
        %dma_wait3A_389 = tpu.memref_slice %arg9[%dma_wait3A_387, %dma_wait3A_388] : memref<10240x128xf32, #tpu.memory_space<vmem_shared>> -> memref<10240x128xf32, #tpu.memory_space<vmem_shared>>
        tpu.wait_indirect_dma semaphore(%run_scoped3A_377 : memref<!tpu.dma_semaphore, #tpu.memory_space<semaphore_mem>>) src(%arg13 : memref<128x128xf32, #tpu.memory_space<vmem>>) dst(%dma_wait3A_389 : memref<10240x128xf32, #tpu.memory_space<vmem_shared>>)
        tpu.yield
      }) : () -> ()
      %dma_start3A_233 = arith.constant 5 : i32
      %dma_start3A_234 = arith.constant 0 : i32
      %dma_start3A_235 = arith.constant 0 : i32
      %dma_start3A_236 = tpu.memref_slice %arg13[%dma_start3A_234, %dma_start3A_235] : memref<128x128xf32, #tpu.memory_space<vmem>> -> memref<64x128xf32, #tpu.memory_space<vmem>>
      %dma_start3A_237 = arith.constant 0 : i32
      %dma_start3A_238 = tpu.memref_slice %arg10[%dma_start3A_233, %dma_start3A_237] : memref<8x128xi32, #tpu.memory_space<vmem>> -> memref<1x64xi32, #tpu.memory_space<vmem>>
      %dma_start3A_239 = tpu.memref_squeeze %dma_start3A_238 : memref<1x64xi32, #tpu.memory_space<vmem>> -> memref<64xi32, #tpu.memory_space<vmem>>
      %dma_start3A_240 = arith.constant 0 : i32
      %dma_start3A_241 = arith.constant 0 : i32
      %dma_start3A_242 = tpu.memref_slice %arg2[%dma_start3A_240, %dma_start3A_241] : memref<20480x128xf32, #tpu.memory_space<hbm>> -> memref<20480x128xf32, #tpu.memory_space<hbm>>
      tpu.enqueue_indirect_dma source(%dma_start3A_242 : memref<20480x128xf32, #tpu.memory_space<hbm>>) target(%dma_start3A_236 : memref<64x128xf32, #tpu.memory_space<vmem>>) offsets(%dma_start3A_239 : memref<64xi32, #tpu.memory_space<vmem>>) semaphore(%arg16 : memref<!tpu.dma_semaphore, #tpu.memory_space<semaphore_mem>>)
      %dma_start3A_243 = arith.constant 5 : i32
      %dma_start3A_244 = arith.constant 64 : i32
      %dma_start3A_245 = arith.constant 0 : i32
      %dma_start3A_246 = tpu.memref_slice %arg13[%dma_start3A_244, %dma_start3A_245] : memref<128x128xf32, #tpu.memory_space<vmem>> -> memref<64x128xf32, #tpu.memory_space<vmem>>
      %dma_start3A_247 = arith.constant 64 : i32
      %dma_start3A_248 = tpu.memref_slice %arg10[%dma_start3A_243, %dma_start3A_247] : memref<8x128xi32, #tpu.memory_space<vmem>> -> memref<1x64xi32, #tpu.memory_space<vmem>>
      %dma_start3A_249 = tpu.memref_squeeze %dma_start3A_248 : memref<1x64xi32, #tpu.memory_space<vmem>> -> memref<64xi32, #tpu.memory_space<vmem>>
      %dma_start3A_250 = arith.constant 0 : i32
      %dma_start3A_251 = arith.constant 0 : i32
      %dma_start3A_252 = tpu.memref_slice %arg2[%dma_start3A_250, %dma_start3A_251] : memref<20480x128xf32, #tpu.memory_space<hbm>> -> memref<20480x128xf32, #tpu.memory_space<hbm>>
      tpu.enqueue_indirect_dma source(%dma_start3A_252 : memref<20480x128xf32, #tpu.memory_space<hbm>>) target(%dma_start3A_246 : memref<64x128xf32, #tpu.memory_space<vmem>>) offsets(%dma_start3A_249 : memref<64xi32, #tpu.memory_space<vmem>>) semaphore(%arg17 : memref<!tpu.dma_semaphore, #tpu.memory_space<semaphore_mem>>)
      %dma_wait3A_253 = arith.constant 4 : i32
      %dma_wait3A_254 = arith.constant 0 : i32
      %dma_wait3A_255 = arith.constant 0 : i32
      %dma_wait3A_256 = tpu.memref_slice %arg12[%dma_wait3A_254, %dma_wait3A_255] : memref<128x128xf32, #tpu.memory_space<vmem>> -> memref<64x128xf32, #tpu.memory_space<vmem>>
      %dma_wait3A_257 = arith.constant 0 : i32
      %dma_wait3A_258 = tpu.memref_slice %arg10[%dma_wait3A_253, %dma_wait3A_257] : memref<8x128xi32, #tpu.memory_space<vmem>> -> memref<1x64xi32, #tpu.memory_space<vmem>>
      %dma_wait3A_259 = tpu.memref_squeeze %dma_wait3A_258 : memref<1x64xi32, #tpu.memory_space<vmem>> -> memref<64xi32, #tpu.memory_space<vmem>>
      %dma_wait3A_260 = arith.constant 0 : i32
      %dma_wait3A_261 = arith.constant 0 : i32
      %dma_wait3A_262 = tpu.memref_slice %arg2[%dma_wait3A_260, %dma_wait3A_261] : memref<20480x128xf32, #tpu.memory_space<hbm>> -> memref<20480x128xf32, #tpu.memory_space<hbm>>
      tpu.wait_indirect_dma semaphore(%arg14 : memref<!tpu.dma_semaphore, #tpu.memory_space<semaphore_mem>>) src(%dma_wait3A_262 : memref<20480x128xf32, #tpu.memory_space<hbm>>) dst(%dma_wait3A_256 : memref<64x128xf32, #tpu.memory_space<vmem>>)
      %dma_wait3A_263 = arith.constant 4 : i32
      %dma_wait3A_264 = arith.constant 64 : i32
      %dma_wait3A_265 = arith.constant 0 : i32
      %dma_wait3A_266 = tpu.memref_slice %arg12[%dma_wait3A_264, %dma_wait3A_265] : memref<128x128xf32, #tpu.memory_space<vmem>> -> memref<64x128xf32, #tpu.memory_space<vmem>>
      %dma_wait3A_267 = arith.constant 64 : i32
      %dma_wait3A_268 = tpu.memref_slice %arg10[%dma_wait3A_263, %dma_wait3A_267] : memref<8x128xi32, #tpu.memory_space<vmem>> -> memref<1x64xi32, #tpu.memory_space<vmem>>
      %dma_wait3A_269 = tpu.memref_squeeze %dma_wait3A_268 : memref<1x64xi32, #tpu.memory_space<vmem>> -> memref<64xi32, #tpu.memory_space<vmem>>
      %dma_wait3A_270 = arith.constant 0 : i32
      %dma_wait3A_271 = arith.constant 0 : i32
      %dma_wait3A_272 = tpu.memref_slice %arg2[%dma_wait3A_270, %dma_wait3A_271] : memref<20480x128xf32, #tpu.memory_space<hbm>> -> memref<20480x128xf32, #tpu.memory_space<hbm>>
      tpu.wait_indirect_dma semaphore(%arg15 : memref<!tpu.dma_semaphore, #tpu.memory_space<semaphore_mem>>) src(%dma_wait3A_272 : memref<20480x128xf32, #tpu.memory_space<hbm>>) dst(%dma_wait3A_266 : memref<64x128xf32, #tpu.memory_space<vmem>>)
      %run_scoped3A_273 = arith.constant 4 : i32
      "tpu.region"() ({
        %run_scoped3A_377 = tpu.sem_alloc : memref<!tpu.dma_semaphore, #tpu.memory_space<semaphore_mem>>
        %dma_start3A_378 = arith.constant 0 : i32
        %dma_start3A_379 = tpu.memref_slice %arg11[%run_scoped3A_273, %dma_start3A_378] : memref<8x128xi32, #tpu.memory_space<vmem>> -> memref<1x128xi32, #tpu.memory_space<vmem>>
        %dma_start3A_380 = tpu.memref_squeeze %dma_start3A_379 : memref<1x128xi32, #tpu.memory_space<vmem>> -> memref<128xi32, #tpu.memory_space<vmem>>
        %dma_start3A_381 = arith.constant 0 : i32
        %dma_start3A_382 = arith.constant 0 : i32
        %dma_start3A_383 = tpu.memref_slice %arg9[%dma_start3A_381, %dma_start3A_382] : memref<10240x128xf32, #tpu.memory_space<vmem_shared>> -> memref<10240x128xf32, #tpu.memory_space<vmem_shared>>
        tpu.enqueue_indirect_dma source(%arg12 : memref<128x128xf32, #tpu.memory_space<vmem>>) target(%dma_start3A_383 : memref<10240x128xf32, #tpu.memory_space<vmem_shared>>) offsets(%dma_start3A_380 : memref<128xi32, #tpu.memory_space<vmem>>) semaphore(%run_scoped3A_377 : memref<!tpu.dma_semaphore, #tpu.memory_space<semaphore_mem>>) {add = true}
        %dma_wait3A_384 = arith.constant 0 : i32
        %dma_wait3A_385 = tpu.memref_slice %arg11[%run_scoped3A_273, %dma_wait3A_384] : memref<8x128xi32, #tpu.memory_space<vmem>> -> memref<1x128xi32, #tpu.memory_space<vmem>>
        %dma_wait3A_386 = tpu.memref_squeeze %dma_wait3A_385 : memref<1x128xi32, #tpu.memory_space<vmem>> -> memref<128xi32, #tpu.memory_space<vmem>>
        %dma_wait3A_387 = arith.constant 0 : i32
        %dma_wait3A_388 = arith.constant 0 : i32
        %dma_wait3A_389 = tpu.memref_slice %arg9[%dma_wait3A_387, %dma_wait3A_388] : memref<10240x128xf32, #tpu.memory_space<vmem_shared>> -> memref<10240x128xf32, #tpu.memory_space<vmem_shared>>
        tpu.wait_indirect_dma semaphore(%run_scoped3A_377 : memref<!tpu.dma_semaphore, #tpu.memory_space<semaphore_mem>>) src(%arg12 : memref<128x128xf32, #tpu.memory_space<vmem>>) dst(%dma_wait3A_389 : memref<10240x128xf32, #tpu.memory_space<vmem_shared>>)
        tpu.yield
      }) : () -> ()
      %dma_start3A_274 = arith.constant 6 : i32
      %dma_start3A_275 = arith.constant 0 : i32
      %dma_start3A_276 = arith.constant 0 : i32
      %dma_start3A_277 = tpu.memref_slice %arg12[%dma_start3A_275, %dma_start3A_276] : memref<128x128xf32, #tpu.memory_space<vmem>> -> memref<64x128xf32, #tpu.memory_space<vmem>>
      %dma_start3A_278 = arith.constant 0 : i32
      %dma_start3A_279 = tpu.memref_slice %arg10[%dma_start3A_274, %dma_start3A_278] : memref<8x128xi32, #tpu.memory_space<vmem>> -> memref<1x64xi32, #tpu.memory_space<vmem>>
      %dma_start3A_280 = tpu.memref_squeeze %dma_start3A_279 : memref<1x64xi32, #tpu.memory_space<vmem>> -> memref<64xi32, #tpu.memory_space<vmem>>
      %dma_start3A_281 = arith.constant 0 : i32
      %dma_start3A_282 = arith.constant 0 : i32
      %dma_start3A_283 = tpu.memref_slice %arg2[%dma_start3A_281, %dma_start3A_282] : memref<20480x128xf32, #tpu.memory_space<hbm>> -> memref<20480x128xf32, #tpu.memory_space<hbm>>
      tpu.enqueue_indirect_dma source(%dma_start3A_283 : memref<20480x128xf32, #tpu.memory_space<hbm>>) target(%dma_start3A_277 : memref<64x128xf32, #tpu.memory_space<vmem>>) offsets(%dma_start3A_280 : memref<64xi32, #tpu.memory_space<vmem>>) semaphore(%arg14 : memref<!tpu.dma_semaphore, #tpu.memory_space<semaphore_mem>>)
      %dma_start3A_284 = arith.constant 6 : i32
      %dma_start3A_285 = arith.constant 64 : i32
      %dma_start3A_286 = arith.constant 0 : i32
      %dma_start3A_287 = tpu.memref_slice %arg12[%dma_start3A_285, %dma_start3A_286] : memref<128x128xf32, #tpu.memory_space<vmem>> -> memref<64x128xf32, #tpu.memory_space<vmem>>
      %dma_start3A_288 = arith.constant 64 : i32
      %dma_start3A_289 = tpu.memref_slice %arg10[%dma_start3A_284, %dma_start3A_288] : memref<8x128xi32, #tpu.memory_space<vmem>> -> memref<1x64xi32, #tpu.memory_space<vmem>>
      %dma_start3A_290 = tpu.memref_squeeze %dma_start3A_289 : memref<1x64xi32, #tpu.memory_space<vmem>> -> memref<64xi32, #tpu.memory_space<vmem>>
      %dma_start3A_291 = arith.constant 0 : i32
      %dma_start3A_292 = arith.constant 0 : i32
      %dma_start3A_293 = tpu.memref_slice %arg2[%dma_start3A_291, %dma_start3A_292] : memref<20480x128xf32, #tpu.memory_space<hbm>> -> memref<20480x128xf32, #tpu.memory_space<hbm>>
      tpu.enqueue_indirect_dma source(%dma_start3A_293 : memref<20480x128xf32, #tpu.memory_space<hbm>>) target(%dma_start3A_287 : memref<64x128xf32, #tpu.memory_space<vmem>>) offsets(%dma_start3A_290 : memref<64xi32, #tpu.memory_space<vmem>>) semaphore(%arg15 : memref<!tpu.dma_semaphore, #tpu.memory_space<semaphore_mem>>)
      %dma_wait3A_294 = arith.constant 5 : i32
      %dma_wait3A_295 = arith.constant 0 : i32
      %dma_wait3A_296 = arith.constant 0 : i32
      %dma_wait3A_297 = tpu.memref_slice %arg13[%dma_wait3A_295, %dma_wait3A_296] : memref<128x128xf32, #tpu.memory_space<vmem>> -> memref<64x128xf32, #tpu.memory_space<vmem>>
      %dma_wait3A_298 = arith.constant 0 : i32
      %dma_wait3A_299 = tpu.memref_slice %arg10[%dma_wait3A_294, %dma_wait3A_298] : memref<8x128xi32, #tpu.memory_space<vmem>> -> memref<1x64xi32, #tpu.memory_space<vmem>>
      %dma_wait3A_300 = tpu.memref_squeeze %dma_wait3A_299 : memref<1x64xi32, #tpu.memory_space<vmem>> -> memref<64xi32, #tpu.memory_space<vmem>>
      %dma_wait3A_301 = arith.constant 0 : i32
      %dma_wait3A_302 = arith.constant 0 : i32
      %dma_wait3A_303 = tpu.memref_slice %arg2[%dma_wait3A_301, %dma_wait3A_302] : memref<20480x128xf32, #tpu.memory_space<hbm>> -> memref<20480x128xf32, #tpu.memory_space<hbm>>
      tpu.wait_indirect_dma semaphore(%arg16 : memref<!tpu.dma_semaphore, #tpu.memory_space<semaphore_mem>>) src(%dma_wait3A_303 : memref<20480x128xf32, #tpu.memory_space<hbm>>) dst(%dma_wait3A_297 : memref<64x128xf32, #tpu.memory_space<vmem>>)
      %dma_wait3A_304 = arith.constant 5 : i32
      %dma_wait3A_305 = arith.constant 64 : i32
      %dma_wait3A_306 = arith.constant 0 : i32
      %dma_wait3A_307 = tpu.memref_slice %arg13[%dma_wait3A_305, %dma_wait3A_306] : memref<128x128xf32, #tpu.memory_space<vmem>> -> memref<64x128xf32, #tpu.memory_space<vmem>>
      %dma_wait3A_308 = arith.constant 64 : i32
      %dma_wait3A_309 = tpu.memref_slice %arg10[%dma_wait3A_304, %dma_wait3A_308] : memref<8x128xi32, #tpu.memory_space<vmem>> -> memref<1x64xi32, #tpu.memory_space<vmem>>
      %dma_wait3A_310 = tpu.memref_squeeze %dma_wait3A_309 : memref<1x64xi32, #tpu.memory_space<vmem>> -> memref<64xi32, #tpu.memory_space<vmem>>
      %dma_wait3A_311 = arith.constant 0 : i32
      %dma_wait3A_312 = arith.constant 0 : i32
      %dma_wait3A_313 = tpu.memref_slice %arg2[%dma_wait3A_311, %dma_wait3A_312] : memref<20480x128xf32, #tpu.memory_space<hbm>> -> memref<20480x128xf32, #tpu.memory_space<hbm>>
      tpu.wait_indirect_dma semaphore(%arg17 : memref<!tpu.dma_semaphore, #tpu.memory_space<semaphore_mem>>) src(%dma_wait3A_313 : memref<20480x128xf32, #tpu.memory_space<hbm>>) dst(%dma_wait3A_307 : memref<64x128xf32, #tpu.memory_space<vmem>>)
      %run_scoped3A_314 = arith.constant 5 : i32
      "tpu.region"() ({
        %run_scoped3A_377 = tpu.sem_alloc : memref<!tpu.dma_semaphore, #tpu.memory_space<semaphore_mem>>
        %dma_start3A_378 = arith.constant 0 : i32
        %dma_start3A_379 = tpu.memref_slice %arg11[%run_scoped3A_314, %dma_start3A_378] : memref<8x128xi32, #tpu.memory_space<vmem>> -> memref<1x128xi32, #tpu.memory_space<vmem>>
        %dma_start3A_380 = tpu.memref_squeeze %dma_start3A_379 : memref<1x128xi32, #tpu.memory_space<vmem>> -> memref<128xi32, #tpu.memory_space<vmem>>
        %dma_start3A_381 = arith.constant 0 : i32
        %dma_start3A_382 = arith.constant 0 : i32
        %dma_start3A_383 = tpu.memref_slice %arg9[%dma_start3A_381, %dma_start3A_382] : memref<10240x128xf32, #tpu.memory_space<vmem_shared>> -> memref<10240x128xf32, #tpu.memory_space<vmem_shared>>
        tpu.enqueue_indirect_dma source(%arg13 : memref<128x128xf32, #tpu.memory_space<vmem>>) target(%dma_start3A_383 : memref<10240x128xf32, #tpu.memory_space<vmem_shared>>) offsets(%dma_start3A_380 : memref<128xi32, #tpu.memory_space<vmem>>) semaphore(%run_scoped3A_377 : memref<!tpu.dma_semaphore, #tpu.memory_space<semaphore_mem>>) {add = true}
        %dma_wait3A_384 = arith.constant 0 : i32
        %dma_wait3A_385 = tpu.memref_slice %arg11[%run_scoped3A_314, %dma_wait3A_384] : memref<8x128xi32, #tpu.memory_space<vmem>> -> memref<1x128xi32, #tpu.memory_space<vmem>>
        %dma_wait3A_386 = tpu.memref_squeeze %dma_wait3A_385 : memref<1x128xi32, #tpu.memory_space<vmem>> -> memref<128xi32, #tpu.memory_space<vmem>>
        %dma_wait3A_387 = arith.constant 0 : i32
        %dma_wait3A_388 = arith.constant 0 : i32
        %dma_wait3A_389 = tpu.memref_slice %arg9[%dma_wait3A_387, %dma_wait3A_388] : memref<10240x128xf32, #tpu.memory_space<vmem_shared>> -> memref<10240x128xf32, #tpu.memory_space<vmem_shared>>
        tpu.wait_indirect_dma semaphore(%run_scoped3A_377 : memref<!tpu.dma_semaphore, #tpu.memory_space<semaphore_mem>>) src(%arg13 : memref<128x128xf32, #tpu.memory_space<vmem>>) dst(%dma_wait3A_389 : memref<10240x128xf32, #tpu.memory_space<vmem_shared>>)
        tpu.yield
      }) : () -> ()
      %dma_start3A_315 = arith.constant 7 : i32
      %dma_start3A_316 = arith.constant 0 : i32
      %dma_start3A_317 = arith.constant 0 : i32
      %dma_start3A_318 = tpu.memref_slice %arg13[%dma_start3A_316, %dma_start3A_317] : memref<128x128xf32, #tpu.memory_space<vmem>> -> memref<64x128xf32, #tpu.memory_space<vmem>>
      %dma_start3A_319 = arith.constant 0 : i32
      %dma_start3A_320 = tpu.memref_slice %arg10[%dma_start3A_315, %dma_start3A_319] : memref<8x128xi32, #tpu.memory_space<vmem>> -> memref<1x64xi32, #tpu.memory_space<vmem>>
      %dma_start3A_321 = tpu.memref_squeeze %dma_start3A_320 : memref<1x64xi32, #tpu.memory_space<vmem>> -> memref<64xi32, #tpu.memory_space<vmem>>
      %dma_start3A_322 = arith.constant 0 : i32
      %dma_start3A_323 = arith.constant 0 : i32
      %dma_start3A_324 = tpu.memref_slice %arg2[%dma_start3A_322, %dma_start3A_323] : memref<20480x128xf32, #tpu.memory_space<hbm>> -> memref<20480x128xf32, #tpu.memory_space<hbm>>
      tpu.enqueue_indirect_dma source(%dma_start3A_324 : memref<20480x128xf32, #tpu.memory_space<hbm>>) target(%dma_start3A_318 : memref<64x128xf32, #tpu.memory_space<vmem>>) offsets(%dma_start3A_321 : memref<64xi32, #tpu.memory_space<vmem>>) semaphore(%arg16 : memref<!tpu.dma_semaphore, #tpu.memory_space<semaphore_mem>>)
      %dma_start3A_325 = arith.constant 7 : i32
      %dma_start3A_326 = arith.constant 64 : i32
      %dma_start3A_327 = arith.constant 0 : i32
      %dma_start3A_328 = tpu.memref_slice %arg13[%dma_start3A_326, %dma_start3A_327] : memref<128x128xf32, #tpu.memory_space<vmem>> -> memref<64x128xf32, #tpu.memory_space<vmem>>
      %dma_start3A_329 = arith.constant 64 : i32
      %dma_start3A_330 = tpu.memref_slice %arg10[%dma_start3A_325, %dma_start3A_329] : memref<8x128xi32, #tpu.memory_space<vmem>> -> memref<1x64xi32, #tpu.memory_space<vmem>>
      %dma_start3A_331 = tpu.memref_squeeze %dma_start3A_330 : memref<1x64xi32, #tpu.memory_space<vmem>> -> memref<64xi32, #tpu.memory_space<vmem>>
      %dma_start3A_332 = arith.constant 0 : i32
      %dma_start3A_333 = arith.constant 0 : i32
      %dma_start3A_334 = tpu.memref_slice %arg2[%dma_start3A_332, %dma_start3A_333] : memref<20480x128xf32, #tpu.memory_space<hbm>> -> memref<20480x128xf32, #tpu.memory_space<hbm>>
      tpu.enqueue_indirect_dma source(%dma_start3A_334 : memref<20480x128xf32, #tpu.memory_space<hbm>>) target(%dma_start3A_328 : memref<64x128xf32, #tpu.memory_space<vmem>>) offsets(%dma_start3A_331 : memref<64xi32, #tpu.memory_space<vmem>>) semaphore(%arg17 : memref<!tpu.dma_semaphore, #tpu.memory_space<semaphore_mem>>)
      %dma_wait3A_335 = arith.constant 6 : i32
      %dma_wait3A_336 = arith.constant 0 : i32
      %dma_wait3A_337 = arith.constant 0 : i32
      %dma_wait3A_338 = tpu.memref_slice %arg12[%dma_wait3A_336, %dma_wait3A_337] : memref<128x128xf32, #tpu.memory_space<vmem>> -> memref<64x128xf32, #tpu.memory_space<vmem>>
      %dma_wait3A_339 = arith.constant 0 : i32
      %dma_wait3A_340 = tpu.memref_slice %arg10[%dma_wait3A_335, %dma_wait3A_339] : memref<8x128xi32, #tpu.memory_space<vmem>> -> memref<1x64xi32, #tpu.memory_space<vmem>>
      %dma_wait3A_341 = tpu.memref_squeeze %dma_wait3A_340 : memref<1x64xi32, #tpu.memory_space<vmem>> -> memref<64xi32, #tpu.memory_space<vmem>>
      %dma_wait3A_342 = arith.constant 0 : i32
      %dma_wait3A_343 = arith.constant 0 : i32
      %dma_wait3A_344 = tpu.memref_slice %arg2[%dma_wait3A_342, %dma_wait3A_343] : memref<20480x128xf32, #tpu.memory_space<hbm>> -> memref<20480x128xf32, #tpu.memory_space<hbm>>
      tpu.wait_indirect_dma semaphore(%arg14 : memref<!tpu.dma_semaphore, #tpu.memory_space<semaphore_mem>>) src(%dma_wait3A_344 : memref<20480x128xf32, #tpu.memory_space<hbm>>) dst(%dma_wait3A_338 : memref<64x128xf32, #tpu.memory_space<vmem>>)
      %dma_wait3A_345 = arith.constant 6 : i32
      %dma_wait3A_346 = arith.constant 64 : i32
      %dma_wait3A_347 = arith.constant 0 : i32
      %dma_wait3A_348 = tpu.memref_slice %arg12[%dma_wait3A_346, %dma_wait3A_347] : memref<128x128xf32, #tpu.memory_space<vmem>> -> memref<64x128xf32, #tpu.memory_space<vmem>>
      %dma_wait3A_349 = arith.constant 64 : i32
      %dma_wait3A_350 = tpu.memref_slice %arg10[%dma_wait3A_345, %dma_wait3A_349] : memref<8x128xi32, #tpu.memory_space<vmem>> -> memref<1x64xi32, #tpu.memory_space<vmem>>
      %dma_wait3A_351 = tpu.memref_squeeze %dma_wait3A_350 : memref<1x64xi32, #tpu.memory_space<vmem>> -> memref<64xi32, #tpu.memory_space<vmem>>
      %dma_wait3A_352 = arith.constant 0 : i32
      %dma_wait3A_353 = arith.constant 0 : i32
      %dma_wait3A_354 = tpu.memref_slice %arg2[%dma_wait3A_352, %dma_wait3A_353] : memref<20480x128xf32, #tpu.memory_space<hbm>> -> memref<20480x128xf32, #tpu.memory_space<hbm>>
      tpu.wait_indirect_dma semaphore(%arg15 : memref<!tpu.dma_semaphore, #tpu.memory_space<semaphore_mem>>) src(%dma_wait3A_354 : memref<20480x128xf32, #tpu.memory_space<hbm>>) dst(%dma_wait3A_348 : memref<64x128xf32, #tpu.memory_space<vmem>>)
      %run_scoped3A_355 = arith.constant 6 : i32
      "tpu.region"() ({
        %run_scoped3A_377 = tpu.sem_alloc : memref<!tpu.dma_semaphore, #tpu.memory_space<semaphore_mem>>
        %dma_start3A_378 = arith.constant 0 : i32
        %dma_start3A_379 = tpu.memref_slice %arg11[%run_scoped3A_355, %dma_start3A_378] : memref<8x128xi32, #tpu.memory_space<vmem>> -> memref<1x128xi32, #tpu.memory_space<vmem>>
        %dma_start3A_380 = tpu.memref_squeeze %dma_start3A_379 : memref<1x128xi32, #tpu.memory_space<vmem>> -> memref<128xi32, #tpu.memory_space<vmem>>
        %dma_start3A_381 = arith.constant 0 : i32
        %dma_start3A_382 = arith.constant 0 : i32
        %dma_start3A_383 = tpu.memref_slice %arg9[%dma_start3A_381, %dma_start3A_382] : memref<10240x128xf32, #tpu.memory_space<vmem_shared>> -> memref<10240x128xf32, #tpu.memory_space<vmem_shared>>
        tpu.enqueue_indirect_dma source(%arg12 : memref<128x128xf32, #tpu.memory_space<vmem>>) target(%dma_start3A_383 : memref<10240x128xf32, #tpu.memory_space<vmem_shared>>) offsets(%dma_start3A_380 : memref<128xi32, #tpu.memory_space<vmem>>) semaphore(%run_scoped3A_377 : memref<!tpu.dma_semaphore, #tpu.memory_space<semaphore_mem>>) {add = true}
        %dma_wait3A_384 = arith.constant 0 : i32
        %dma_wait3A_385 = tpu.memref_slice %arg11[%run_scoped3A_355, %dma_wait3A_384] : memref<8x128xi32, #tpu.memory_space<vmem>> -> memref<1x128xi32, #tpu.memory_space<vmem>>
        %dma_wait3A_386 = tpu.memref_squeeze %dma_wait3A_385 : memref<1x128xi32, #tpu.memory_space<vmem>> -> memref<128xi32, #tpu.memory_space<vmem>>
        %dma_wait3A_387 = arith.constant 0 : i32
        %dma_wait3A_388 = arith.constant 0 : i32
        %dma_wait3A_389 = tpu.memref_slice %arg9[%dma_wait3A_387, %dma_wait3A_388] : memref<10240x128xf32, #tpu.memory_space<vmem_shared>> -> memref<10240x128xf32, #tpu.memory_space<vmem_shared>>
        tpu.wait_indirect_dma semaphore(%run_scoped3A_377 : memref<!tpu.dma_semaphore, #tpu.memory_space<semaphore_mem>>) src(%arg12 : memref<128x128xf32, #tpu.memory_space<vmem>>) dst(%dma_wait3A_389 : memref<10240x128xf32, #tpu.memory_space<vmem_shared>>)
        tpu.yield
      }) : () -> ()
      %dma_wait3A_356 = arith.constant 7 : i32
      %dma_wait3A_357 = arith.constant 0 : i32
      %dma_wait3A_358 = arith.constant 0 : i32
      %dma_wait3A_359 = tpu.memref_slice %arg13[%dma_wait3A_357, %dma_wait3A_358] : memref<128x128xf32, #tpu.memory_space<vmem>> -> memref<64x128xf32, #tpu.memory_space<vmem>>
      %dma_wait3A_360 = arith.constant 0 : i32
      %dma_wait3A_361 = tpu.memref_slice %arg10[%dma_wait3A_356, %dma_wait3A_360] : memref<8x128xi32, #tpu.memory_space<vmem>> -> memref<1x64xi32, #tpu.memory_space<vmem>>
      %dma_wait3A_362 = tpu.memref_squeeze %dma_wait3A_361 : memref<1x64xi32, #tpu.memory_space<vmem>> -> memref<64xi32, #tpu.memory_space<vmem>>
      %dma_wait3A_363 = arith.constant 0 : i32
      %dma_wait3A_364 = arith.constant 0 : i32
      %dma_wait3A_365 = tpu.memref_slice %arg2[%dma_wait3A_363, %dma_wait3A_364] : memref<20480x128xf32, #tpu.memory_space<hbm>> -> memref<20480x128xf32, #tpu.memory_space<hbm>>
      tpu.wait_indirect_dma semaphore(%arg16 : memref<!tpu.dma_semaphore, #tpu.memory_space<semaphore_mem>>) src(%dma_wait3A_365 : memref<20480x128xf32, #tpu.memory_space<hbm>>) dst(%dma_wait3A_359 : memref<64x128xf32, #tpu.memory_space<vmem>>)
      %dma_wait3A_366 = arith.constant 7 : i32
      %dma_wait3A_367 = arith.constant 64 : i32
      %dma_wait3A_368 = arith.constant 0 : i32
      %dma_wait3A_369 = tpu.memref_slice %arg13[%dma_wait3A_367, %dma_wait3A_368] : memref<128x128xf32, #tpu.memory_space<vmem>> -> memref<64x128xf32, #tpu.memory_space<vmem>>
      %dma_wait3A_370 = arith.constant 64 : i32
      %dma_wait3A_371 = tpu.memref_slice %arg10[%dma_wait3A_366, %dma_wait3A_370] : memref<8x128xi32, #tpu.memory_space<vmem>> -> memref<1x64xi32, #tpu.memory_space<vmem>>
      %dma_wait3A_372 = tpu.memref_squeeze %dma_wait3A_371 : memref<1x64xi32, #tpu.memory_space<vmem>> -> memref<64xi32, #tpu.memory_space<vmem>>
      %dma_wait3A_373 = arith.constant 0 : i32
      %dma_wait3A_374 = arith.constant 0 : i32
      %dma_wait3A_375 = tpu.memref_slice %arg2[%dma_wait3A_373, %dma_wait3A_374] : memref<20480x128xf32, #tpu.memory_space<hbm>> -> memref<20480x128xf32, #tpu.memory_space<hbm>>
      tpu.wait_indirect_dma semaphore(%arg17 : memref<!tpu.dma_semaphore, #tpu.memory_space<semaphore_mem>>) src(%dma_wait3A_375 : memref<20480x128xf32, #tpu.memory_space<hbm>>) dst(%dma_wait3A_369 : memref<64x128xf32, #tpu.memory_space<vmem>>)
      %run_scoped3A_376 = arith.constant 7 : i32
      "tpu.region"() ({
        %run_scoped3A_377 = tpu.sem_alloc : memref<!tpu.dma_semaphore, #tpu.memory_space<semaphore_mem>>
        %dma_start3A_378 = arith.constant 0 : i32
        %dma_start3A_379 = tpu.memref_slice %arg11[%run_scoped3A_376, %dma_start3A_378] : memref<8x128xi32, #tpu.memory_space<vmem>> -> memref<1x128xi32, #tpu.memory_space<vmem>>
        %dma_start3A_380 = tpu.memref_squeeze %dma_start3A_379 : memref<1x128xi32, #tpu.memory_space<vmem>> -> memref<128xi32, #tpu.memory_space<vmem>>
        %dma_start3A_381 = arith.constant 0 : i32
        %dma_start3A_382 = arith.constant 0 : i32
        %dma_start3A_383 = tpu.memref_slice %arg9[%dma_start3A_381, %dma_start3A_382] : memref<10240x128xf32, #tpu.memory_space<vmem_shared>> -> memref<10240x128xf32, #tpu.memory_space<vmem_shared>>
        tpu.enqueue_indirect_dma source(%arg13 : memref<128x128xf32, #tpu.memory_space<vmem>>) target(%dma_start3A_383 : memref<10240x128xf32, #tpu.memory_space<vmem_shared>>) offsets(%dma_start3A_380 : memref<128xi32, #tpu.memory_space<vmem>>) semaphore(%run_scoped3A_377 : memref<!tpu.dma_semaphore, #tpu.memory_space<semaphore_mem>>) {add = true}
        %dma_wait3A_384 = arith.constant 0 : i32
        %dma_wait3A_385 = tpu.memref_slice %arg11[%run_scoped3A_376, %dma_wait3A_384] : memref<8x128xi32, #tpu.memory_space<vmem>> -> memref<1x128xi32, #tpu.memory_space<vmem>>
        %dma_wait3A_386 = tpu.memref_squeeze %dma_wait3A_385 : memref<1x128xi32, #tpu.memory_space<vmem>> -> memref<128xi32, #tpu.memory_space<vmem>>
        %dma_wait3A_387 = arith.constant 0 : i32
        %dma_wait3A_388 = arith.constant 0 : i32
        %dma_wait3A_389 = tpu.memref_slice %arg9[%dma_wait3A_387, %dma_wait3A_388] : memref<10240x128xf32, #tpu.memory_space<vmem_shared>> -> memref<10240x128xf32, #tpu.memory_space<vmem_shared>>
        tpu.wait_indirect_dma semaphore(%run_scoped3A_377 : memref<!tpu.dma_semaphore, #tpu.memory_space<semaphore_mem>>) src(%arg13 : memref<128x128xf32, #tpu.memory_space<vmem>>) dst(%dma_wait3A_389 : memref<10240x128xf32, #tpu.memory_space<vmem_shared>>)
        tpu.yield
      }) : () -> ()
    }
    %scan3A_38 = arith.constant 5 : i32
    %barrier3A_39 = arith.constant 0 : index
    tpu.barrier barrier_id(%barrier3A_39)
    %mul3A_40 = arith.constant 640 : i32
    %mul3A_41 = arith.muli %arg1, %mul3A_40 : i32
    %mul3A_42 = arith.constant 10240 : i32
    %mul3A_43 = arith.muli %arg0, %mul3A_42 : i32
    %mul3A_44 = arith.constant 640 : i32
    %mul3A_45 = arith.muli %arg1, %mul3A_44 : i32
    %add3A_46 = arith.addi %mul3A_43, %mul3A_45 : i32
    "tpu.region"() ({
      %run_scoped3A = tpu.sem_alloc : memref<!tpu.dma_semaphore, #tpu.memory_space<semaphore_mem>>
      %dma_start3A = arith.constant 0 : i32
      %dma_start3A_47 = tpu.memref_slice %arg7[%add3A_46, %dma_start3A] : memref<20480x128xf32, #tpu.memory_space<hbm>> -> memref<640x128xf32, #tpu.memory_space<hbm>>
      %dma_start3A_48 = arith.constant 0 : i32
      %dma_start3A_49 = tpu.memref_slice %arg9[%mul3A_41, %dma_start3A_48] : memref<10240x128xf32, #tpu.memory_space<vmem_shared>> -> memref<640x128xf32, #tpu.memory_space<vmem_shared>>
      tpu.enqueue_dma source(%dma_start3A_49 : memref<640x128xf32, #tpu.memory_space<vmem_shared>>) target(%dma_start3A_47 : memref<640x128xf32, #tpu.memory_space<hbm>>) target_semaphore(%run_scoped3A : memref<!tpu.dma_semaphore, #tpu.memory_space<semaphore_mem>>)
      %dma_wait3A = arith.constant 0 : i32
      %dma_wait3A_50 = tpu.memref_slice %arg7[%add3A_46, %dma_wait3A] : memref<20480x128xf32, #tpu.memory_space<hbm>> -> memref<640x128xf32, #tpu.memory_space<hbm>>
      %dma_wait3A_51 = arith.constant 0 : i32
      %dma_wait3A_52 = tpu.memref_slice %arg9[%mul3A_41, %dma_wait3A_51] : memref<10240x128xf32, #tpu.memory_space<vmem_shared>> -> memref<640x128xf32, #tpu.memory_space<vmem_shared>>
      tpu.wait_dma2 semaphore(%run_scoped3A : memref<!tpu.dma_semaphore, #tpu.memory_space<semaphore_mem>>) src(%dma_wait3A_52 : memref<640x128xf32, #tpu.memory_space<vmem_shared>>) dst(%dma_wait3A_50 : memref<640x128xf32, #tpu.memory_space<hbm>>)
      tpu.yield
    }) : () -> ()
    return
  }
}

module attributes {stable_mosaic.version = 14 : i64} {
  func.func @_tc_mid_body(%arg0: i32, %arg1: memref<1024x128xf32, #tpu.memory_space<vmem>>, %arg2: memref<1024x128xf32, #tpu.memory_space<vmem>>, %arg3: memref<1024x128xf32, #tpu.memory_space<vmem>>, %arg4: memref<1024x128xf32, #tpu.memory_space<vmem>>, %arg5: memref<1024x256xf32, #tpu.memory_space<vmem>>, %arg6: memref<256x256xf32, #tpu.memory_space<vmem>>, %arg7: memref<256x128xf32, #tpu.memory_space<vmem>>, %arg8: memref<256x128xf32, #tpu.memory_space<vmem>>, %arg9: memref<1x128xf32, #tpu.memory_space<vmem>>, %arg10: memref<1024x128xf32, #tpu.memory_space<vmem>>, %arg11: memref<1024x128xf32, #tpu.memory_space<vmem>>) attributes {dimension_semantics = [#tpu.dimension_semantics<arbitrary>], iteration_bounds = array<i64: 10>, scalar_prefetch = 0 : i64, scratch_operands = 0 : i64, tpu.core_type = #tpu.core_type<tc>, window_params = [{transform_indices = @transform_0, window_bounds = array<i64: 1024, 128>}, {transform_indices = @transform_1, window_bounds = array<i64: 1024, 128>}, {transform_indices = @transform_2, window_bounds = array<i64: 1024, 128>}, {transform_indices = @transform_3, window_bounds = array<i64: 1024, 128>}, {transform_indices = @transform_4, window_bounds = array<i64: 1024, 256>}, {pipeline_mode = #tpu.pipeline_mode<synchronous>, transform_indices = @transform_5, window_bounds = array<i64: 256, 256>}, {pipeline_mode = #tpu.pipeline_mode<synchronous>, transform_indices = @transform_6, window_bounds = array<i64: 256, 128>}, {pipeline_mode = #tpu.pipeline_mode<synchronous>, transform_indices = @transform_7, window_bounds = array<i64: 256, 128>}, {pipeline_mode = #tpu.pipeline_mode<synchronous>, transform_indices = @transform_8, window_bounds = array<i64: 1, 128>}, {transform_indices = @transform_9, window_bounds = array<i64: 1024, 128>}, {transform_indices = @transform_10, window_bounds = array<i64: 1024, 128>}]} {
    %get3A = arith.constant 0 : index
    %get3A_0 = arith.constant 0 : index
    %get3A_1 = vector.load %arg3[%get3A, %get3A_0] : memref<1024x128xf32, #tpu.memory_space<vmem>>, vector<1024x128xf32>
    %reduce_max3A = arith.constant dense<0xFF800000> : vector<1024xf32>
    %reduce_max3A_2 = vector.multi_reduction <maximumf>, %get3A_1, %reduce_max3A [1] : vector<1024x128xf32> to vector<1024xf32>
    %broadcast_in_dim3A = vector.shape_cast %reduce_max3A_2 : vector<1024xf32> to vector<1024x1xf32>
    %get3A_3 = arith.constant 0 : index
    %get3A_4 = arith.constant 0 : index
    %get3A_5 = vector.load %arg4[%get3A_3, %get3A_4] : memref<1024x128xf32, #tpu.memory_space<vmem>>, vector<1024x128xf32>
    %reduce_max3A_6 = arith.constant dense<0xFF800000> : vector<1024xf32>
    %reduce_max3A_7 = vector.multi_reduction <maximumf>, %get3A_5, %reduce_max3A_6 [1] : vector<1024x128xf32> to vector<1024xf32>
    %broadcast_in_dim3A_8 = vector.shape_cast %reduce_max3A_7 : vector<1024xf32> to vector<1024x1xf32>
    %add3A = arith.addf %broadcast_in_dim3A, %broadcast_in_dim3A_8 : vector<1024x1xf32>
    %max3A = arith.constant 1.000000e+00 : f32
    %max3A_9 = vector.broadcast %max3A : f32 to vector<1024x1xf32>
    %max3A_10 = arith.maximumf %add3A, %max3A_9 : vector<1024x1xf32>
    %div3A = arith.constant 1.000000e+00 : f32
    %div3A_11 = vector.broadcast %div3A : f32 to vector<1024x1xf32>
    %div3A_12 = arith.divf %div3A_11, %max3A_10 : vector<1024x1xf32>
    %get3A_13 = arith.constant 0 : index
    %get3A_14 = arith.constant 0 : index
    %get3A_15 = vector.load %arg1[%get3A_13, %get3A_14] : memref<1024x128xf32, #tpu.memory_space<vmem>>, vector<1024x128xf32>
    %mul3A = vector.broadcast %div3A_12 : vector<1024x1xf32> to vector<1024x128xf32>
    %mul3A_16 = arith.mulf %get3A_15, %mul3A : vector<1024x128xf32>
    %get3A_17 = arith.constant 0 : index
    %get3A_18 = arith.constant 0 : index
    %get3A_19 = vector.load %arg6[%get3A_17, %get3A_18] : memref<256x256xf32, #tpu.memory_space<vmem>>, vector<128x256xf32>
    %dot_general3A = arith.constant dense<0.000000e+00> : vector<1024x256xf32>
    %dot_general3A_20 = tpu.matmul %mul3A_16, %get3A_19, %dot_general3A {dimension_numbers = #tpu.dot_dimension_numbers<[1], [0], [0], [1], [0, 0, 1, 1], [], []>, transpose_lhs_hint = false} : vector<1024x128xf32>, vector<128x256xf32>, vector<1024x256xf32> -> vector<1024x256xf32>
    %get3A_21 = arith.constant 0 : index
    %get3A_22 = arith.constant 0 : index
    %get3A_23 = vector.load %arg2[%get3A_21, %get3A_22] : memref<1024x128xf32, #tpu.memory_space<vmem>>, vector<1024x128xf32>
    %mul3A_24 = vector.broadcast %div3A_12 : vector<1024x1xf32> to vector<1024x128xf32>
    %mul3A_25 = arith.mulf %get3A_23, %mul3A_24 : vector<1024x128xf32>
    %get3A_26 = arith.constant 128 : index
    %get3A_27 = arith.constant 0 : index
    %get3A_28 = vector.load %arg6[%get3A_26, %get3A_27] : memref<256x256xf32, #tpu.memory_space<vmem>>, vector<128x256xf32>
    %dot_general3A_29 = arith.constant dense<0.000000e+00> : vector<1024x256xf32>
    %dot_general3A_30 = tpu.matmul %mul3A_25, %get3A_28, %dot_general3A_29 {dimension_numbers = #tpu.dot_dimension_numbers<[1], [0], [0], [1], [0, 0, 1, 1], [], []>, transpose_lhs_hint = false} : vector<1024x128xf32>, vector<128x256xf32>, vector<1024x256xf32> -> vector<1024x256xf32>
    %add3A_31 = arith.addf %dot_general3A_20, %dot_general3A_30 : vector<1024x256xf32>
    %get3A_32 = arith.constant 0 : index
    %get3A_33 = arith.constant 0 : index
    %get3A_34 = vector.load %arg5[%get3A_32, %get3A_33] : memref<1024x256xf32, #tpu.memory_space<vmem>>, vector<1024x256xf32>
    %add3A_35 = arith.addf %add3A_31, %get3A_34 : vector<1024x256xf32>
    %max3A_36 = arith.constant 0.000000e+00 : f32
    %max3A_37 = vector.broadcast %max3A_36 : f32 to vector<1024x256xf32>
    %max3A_38 = arith.maximumf %add3A_35, %max3A_37 : vector<1024x256xf32>
    %get3A_39 = arith.constant 0 : index
    %get3A_40 = arith.constant 0 : index
    %get3A_41 = vector.load %arg7[%get3A_39, %get3A_40] : memref<256x128xf32, #tpu.memory_space<vmem>>, vector<256x128xf32>
    %dot_general3A_42 = arith.constant dense<0.000000e+00> : vector<1024x128xf32>
    %dot_general3A_43 = tpu.matmul %max3A_38, %get3A_41, %dot_general3A_42 {dimension_numbers = #tpu.dot_dimension_numbers<[1], [0], [0], [1], [0, 0, 1, 1], [], []>, transpose_lhs_hint = false} : vector<1024x256xf32>, vector<256x128xf32>, vector<1024x128xf32> -> vector<1024x128xf32>
    %swap3A = arith.constant 0 : index
    %swap3A_44 = arith.constant 0 : index
    %swap3A_45 = vector.load %arg10[%swap3A, %swap3A_44] : memref<1024x128xf32, #tpu.memory_space<vmem>>, vector<1024x128xf32>
    tpu.vector_store %arg10[%swap3A, %swap3A_44], %dot_general3A_43 {strides = array<i32>} : memref<1024x128xf32, #tpu.memory_space<vmem>>, vector<1024x128xf32>,
    %get3A_46 = arith.constant 0 : index
    %get3A_47 = arith.constant 0 : index
    %get3A_48 = vector.load %arg8[%get3A_46, %get3A_47] : memref<256x128xf32, #tpu.memory_space<vmem>>, vector<256x128xf32>
    %dot_general3A_49 = arith.constant dense<0.000000e+00> : vector<1024x128xf32>
    %dot_general3A_50 = tpu.matmul %max3A_38, %get3A_48, %dot_general3A_49 {dimension_numbers = #tpu.dot_dimension_numbers<[1], [0], [0], [1], [0, 0, 1, 1], [], []>, transpose_lhs_hint = false} : vector<1024x256xf32>, vector<256x128xf32>, vector<1024x128xf32> -> vector<1024x128xf32>
    %get3A_51 = arith.constant 0 : index
    %get3A_52 = arith.constant 0 : index
    %get3A_53 = vector.load %arg9[%get3A_51, %get3A_52] : memref<1x128xf32, #tpu.memory_space<vmem>>, vector<1x128xf32>
    %add3A_54 = vector.broadcast %get3A_53 : vector<1x128xf32> to vector<1024x128xf32>
    %add3A_55 = arith.addf %dot_general3A_50, %add3A_54 : vector<1024x128xf32>
    %swap3A_56 = arith.constant 0 : index
    %swap3A_57 = arith.constant 0 : index
    %swap3A_58 = vector.load %arg11[%swap3A_56, %swap3A_57] : memref<1024x128xf32, #tpu.memory_space<vmem>>, vector<1024x128xf32>
    tpu.vector_store %arg11[%swap3A_56, %swap3A_57], %add3A_55 {strides = array<i32>} : memref<1024x128xf32, #tpu.memory_space<vmem>>, vector<1024x128xf32>,
    return
  }
  func.func @transform_0(%arg0: i32) -> (i32, i32) {
    %add3A = arith.constant 0 : i32
    %add3A_0 = arith.addi %arg0, %add3A : i32
    %c0_i32 = arith.constant 0 : i32
    %c0_i32_1 = arith.constant 0 : i32
    return %add3A_0, %c0_i32 : i32, i32
  }
  func.func @transform_1(%arg0: i32) -> (i32, i32) {
    %add3A = arith.constant 10 : i32
    %add3A_0 = arith.addi %arg0, %add3A : i32
    %c0_i32 = arith.constant 0 : i32
    %c0_i32_1 = arith.constant 0 : i32
    return %add3A_0, %c0_i32 : i32, i32
  }
  func.func @transform_2(%arg0: i32) -> (i32, i32) {
    %add3A = arith.constant 0 : i32
    %add3A_0 = arith.addi %arg0, %add3A : i32
    %c0_i32 = arith.constant 0 : i32
    %c0_i32_1 = arith.constant 0 : i32
    return %add3A_0, %c0_i32 : i32, i32
  }
  func.func @transform_3(%arg0: i32) -> (i32, i32) {
    %add3A = arith.constant 10 : i32
    %add3A_0 = arith.addi %arg0, %add3A : i32
    %c0_i32 = arith.constant 0 : i32
    %c0_i32_1 = arith.constant 0 : i32
    return %add3A_0, %c0_i32 : i32, i32
  }
  func.func @transform_4(%arg0: i32) -> (i32, i32) {
    %add3A = arith.constant 0 : i32
    %add3A_0 = arith.addi %arg0, %add3A : i32
    %c0_i32 = arith.constant 0 : i32
    %c0_i32_1 = arith.constant 0 : i32
    return %add3A_0, %c0_i32 : i32, i32
  }
  func.func @transform_5(%arg0: i32) -> (i32, i32) {
    %c0_i32 = arith.constant 0 : i32
    %c0_i32_0 = arith.constant 0 : i32
    %c0_i32_1 = arith.constant 0 : i32
    return %c0_i32, %c0_i32_0 : i32, i32
  }
  func.func @transform_6(%arg0: i32) -> (i32, i32) {
    %c0_i32 = arith.constant 0 : i32
    %c0_i32_0 = arith.constant 0 : i32
    %c0_i32_1 = arith.constant 0 : i32
    return %c0_i32, %c0_i32_0 : i32, i32
  }
  func.func @transform_7(%arg0: i32) -> (i32, i32) {
    %c0_i32 = arith.constant 0 : i32
    %c0_i32_0 = arith.constant 0 : i32
    %c0_i32_1 = arith.constant 0 : i32
    return %c0_i32, %c0_i32_0 : i32, i32
  }
  func.func @transform_8(%arg0: i32) -> (i32, i32) {
    %c0_i32 = arith.constant 0 : i32
    %c0_i32_0 = arith.constant 0 : i32
    %c0_i32_1 = arith.constant 0 : i32
    return %c0_i32, %c0_i32_0 : i32, i32
  }
  func.func @transform_9(%arg0: i32) -> (i32, i32) {
    %add3A = arith.constant 0 : i32
    %add3A_0 = arith.addi %arg0, %add3A : i32
    %c0_i32 = arith.constant 0 : i32
    %c0_i32_1 = arith.constant 0 : i32
    return %add3A_0, %c0_i32 : i32, i32
  }
  func.func @transform_10(%arg0: i32) -> (i32, i32) {
    %add3A = arith.constant 0 : i32
    %add3A_0 = arith.addi %arg0, %add3A : i32
    %c0_i32 = arith.constant 0 : i32
    %c0_i32_1 = arith.constant 0 : i32
    return %add3A_0, %c0_i32 : i32, i32
  }
}

module attributes {stable_mosaic.version = 14 : i64} {
  func.func @_tc_pre_body(%arg0: i32, %arg1: memref<1024x256xf32, #tpu.memory_space<vmem>>, %arg2: memref<256x256xf32, #tpu.memory_space<vmem>>, %arg3: memref<1x256xf32, #tpu.memory_space<vmem>>, %arg4: memref<256x256xf32, #tpu.memory_space<vmem>>, %arg5: memref<256x256xf32, #tpu.memory_space<vmem>>, %arg6: memref<256x128xf32, #tpu.memory_space<vmem>>, %arg7: memref<1x256xf32, #tpu.memory_space<vmem>>, %arg8: memref<1x128xf32, #tpu.memory_space<vmem>>, %arg9: memref<1024x256xf32, #tpu.memory_space<vmem>>, %arg10: memref<256x128xf32, #tpu.memory_space<vmem>>, %arg11: memref<256x128xf32, #tpu.memory_space<vmem>>, %arg12: memref<1x128xf32, #tpu.memory_space<vmem>>) attributes {dimension_semantics = [#tpu.dimension_semantics<arbitrary>], iteration_bounds = array<i64: 10>, scalar_prefetch = 0 : i64, scratch_operands = 0 : i64, tpu.core_type = #tpu.core_type<tc>, window_params = [{transform_indices = @transform_0, window_bounds = array<i64: 1024, 256>}, {pipeline_mode = #tpu.pipeline_mode<synchronous>, transform_indices = @transform_1, window_bounds = array<i64: 256, 256>}, {pipeline_mode = #tpu.pipeline_mode<synchronous>, transform_indices = @transform_2, window_bounds = array<i64: 1, 256>}, {pipeline_mode = #tpu.pipeline_mode<synchronous>, transform_indices = @transform_3, window_bounds = array<i64: 256, 256>}, {pipeline_mode = #tpu.pipeline_mode<synchronous>, transform_indices = @transform_4, window_bounds = array<i64: 256, 256>}, {pipeline_mode = #tpu.pipeline_mode<synchronous>, transform_indices = @transform_5, window_bounds = array<i64: 256, 128>}, {pipeline_mode = #tpu.pipeline_mode<synchronous>, transform_indices = @transform_6, window_bounds = array<i64: 1, 256>}, {pipeline_mode = #tpu.pipeline_mode<synchronous>, transform_indices = @transform_7, window_bounds = array<i64: 1, 128>}, {transform_indices = @transform_8, window_bounds = array<i64: 1024, 256>}, {pipeline_mode = #tpu.pipeline_mode<synchronous>, transform_indices = @transform_9, window_bounds = array<i64: 256, 128>}, {pipeline_mode = #tpu.pipeline_mode<synchronous>, transform_indices = @transform_10, window_bounds = array<i64: 256, 128>}, {pipeline_mode = #tpu.pipeline_mode<synchronous>, transform_indices = @transform_11, window_bounds = array<i64: 1, 128>}]} {
    %get3A = arith.constant 0 : index
    %get3A_0 = arith.constant 0 : index
    %get3A_1 = vector.load %arg1[%get3A, %get3A_0] : memref<1024x256xf32, #tpu.memory_space<vmem>>, vector<1024x256xf32>
    %get3A_2 = arith.constant 0 : index
    %get3A_3 = arith.constant 0 : index
    %get3A_4 = vector.load %arg2[%get3A_2, %get3A_3] : memref<256x256xf32, #tpu.memory_space<vmem>>, vector<256x256xf32>
    %dot_general3A = arith.constant dense<0.000000e+00> : vector<1024x256xf32>
    %dot_general3A_5 = tpu.matmul %get3A_1, %get3A_4, %dot_general3A {dimension_numbers = #tpu.dot_dimension_numbers<[1], [0], [0], [1], [0, 0, 1, 1], [], []>, transpose_lhs_hint = false} : vector<1024x256xf32>, vector<256x256xf32>, vector<1024x256xf32> -> vector<1024x256xf32>
    %get3A_6 = arith.constant 0 : index
    %get3A_7 = arith.constant 0 : index
    %get3A_8 = vector.load %arg3[%get3A_6, %get3A_7] : memref<1x256xf32, #tpu.memory_space<vmem>>, vector<1x256xf32>
    %add3A = vector.broadcast %get3A_8 : vector<1x256xf32> to vector<1024x256xf32>
    %add3A_9 = arith.addf %dot_general3A_5, %add3A : vector<1024x256xf32>
    %swap3A = arith.constant 0 : index
    %swap3A_10 = arith.constant 0 : index
    %swap3A_11 = vector.load %arg9[%swap3A, %swap3A_10] : memref<1024x256xf32, #tpu.memory_space<vmem>>, vector<1024x256xf32>
    tpu.vector_store %arg9[%swap3A, %swap3A_10], %add3A_9 {strides = array<i32>} : memref<1024x256xf32, #tpu.memory_space<vmem>>, vector<1024x256xf32>,
    %eq3A = arith.constant 0 : i32
    %eq3A_12 = arith.cmpi eq, %arg0, %eq3A : i32
    %convert_element_type3A = arith.extui %eq3A_12 : i1 to i32
    %cond3A = arith.constant 0 : i32
    %cond3A_13 = arith.cmpi ne, %convert_element_type3A, %cond3A : i32
    scf.if %cond3A_13 {
      %get3A_14 = arith.constant 0 : index
      %get3A_15 = arith.constant 0 : index
      %get3A_16 = vector.load %arg4[%get3A_14, %get3A_15] : memref<256x256xf32, #tpu.memory_space<vmem>>, vector<256x256xf32>
      %get3A_17 = arith.constant 0 : index
      %get3A_18 = arith.constant 0 : index
      %get3A_19 = vector.load %arg6[%get3A_17, %get3A_18] : memref<256x128xf32, #tpu.memory_space<vmem>>, vector<256x128xf32>
      %dot_general3A_20 = arith.constant dense<0.000000e+00> : vector<256x128xf32>
      %dot_general3A_21 = tpu.matmul %get3A_16, %get3A_19, %dot_general3A_20 {dimension_numbers = #tpu.dot_dimension_numbers<[1], [0], [0], [1], [0, 0, 1, 1], [], []>, transpose_lhs_hint = false} : vector<256x256xf32>, vector<256x128xf32>, vector<256x128xf32> -> vector<256x128xf32>
      %swap3A_22 = arith.constant 0 : index
      %swap3A_23 = arith.constant 0 : index
      %swap3A_24 = vector.load %arg10[%swap3A_22, %swap3A_23] : memref<256x128xf32, #tpu.memory_space<vmem>>, vector<256x128xf32>
      tpu.vector_store %arg10[%swap3A_22, %swap3A_23], %dot_general3A_21 {strides = array<i32>} : memref<256x128xf32, #tpu.memory_space<vmem>>, vector<256x128xf32>,
      %get3A_25 = arith.constant 0 : index
      %get3A_26 = arith.constant 0 : index
      %get3A_27 = vector.load %arg5[%get3A_25, %get3A_26] : memref<256x256xf32, #tpu.memory_space<vmem>>, vector<256x256xf32>
      %get3A_28 = arith.constant 0 : index
      %get3A_29 = arith.constant 0 : index
      %get3A_30 = vector.load %arg6[%get3A_28, %get3A_29] : memref<256x128xf32, #tpu.memory_space<vmem>>, vector<256x128xf32>
      %dot_general3A_31 = arith.constant dense<0.000000e+00> : vector<256x128xf32>
      %dot_general3A_32 = tpu.matmul %get3A_27, %get3A_30, %dot_general3A_31 {dimension_numbers = #tpu.dot_dimension_numbers<[1], [0], [0], [1], [0, 0, 1, 1], [], []>, transpose_lhs_hint = false} : vector<256x256xf32>, vector<256x128xf32>, vector<256x128xf32> -> vector<256x128xf32>
      %swap3A_33 = arith.constant 0 : index
      %swap3A_34 = arith.constant 0 : index
      %swap3A_35 = vector.load %arg11[%swap3A_33, %swap3A_34] : memref<256x128xf32, #tpu.memory_space<vmem>>, vector<256x128xf32>
      tpu.vector_store %arg11[%swap3A_33, %swap3A_34], %dot_general3A_32 {strides = array<i32>} : memref<256x128xf32, #tpu.memory_space<vmem>>, vector<256x128xf32>,
      %get3A_36 = arith.constant 0 : index
      %get3A_37 = arith.constant 0 : index
      %get3A_38 = vector.load %arg7[%get3A_36, %get3A_37] : memref<1x256xf32, #tpu.memory_space<vmem>>, vector<1x256xf32>
      %get3A_39 = arith.constant 0 : index
      %get3A_40 = arith.constant 0 : index
      %get3A_41 = vector.load %arg6[%get3A_39, %get3A_40] : memref<256x128xf32, #tpu.memory_space<vmem>>, vector<256x128xf32>
      %dot_general3A_42 = arith.constant dense<0.000000e+00> : vector<1x128xf32>
      %dot_general3A_43 = tpu.matmul %get3A_38, %get3A_41, %dot_general3A_42 {dimension_numbers = #tpu.dot_dimension_numbers<[1], [0], [0], [1], [0, 0, 1, 1], [], []>, transpose_lhs_hint = false} : vector<1x256xf32>, vector<256x128xf32>, vector<1x128xf32> -> vector<1x128xf32>
      %get3A_44 = arith.constant 0 : index
      %get3A_45 = arith.constant 0 : index
      %get3A_46 = vector.load %arg8[%get3A_44, %get3A_45] : memref<1x128xf32, #tpu.memory_space<vmem>>, vector<1x128xf32>
      %add3A_47 = arith.addf %dot_general3A_43, %get3A_46 : vector<1x128xf32>
      %swap3A_48 = arith.constant 0 : index
      %swap3A_49 = arith.constant 0 : index
      %swap3A_50 = vector.load %arg12[%swap3A_48, %swap3A_49] : memref<1x128xf32, #tpu.memory_space<vmem>>, vector<1x128xf32>
      tpu.vector_store %arg12[%swap3A_48, %swap3A_49], %add3A_47 {strides = array<i32>} : memref<1x128xf32, #tpu.memory_space<vmem>>, vector<1x128xf32>,
    } else {
    }
    return
  }
  func.func @transform_0(%arg0: i32) -> (i32, i32) {
    %add3A = arith.constant 0 : i32
    %add3A_0 = arith.addi %arg0, %add3A : i32
    %c0_i32 = arith.constant 0 : i32
    %c0_i32_1 = arith.constant 0 : i32
    return %add3A_0, %c0_i32 : i32, i32
  }
  func.func @transform_1(%arg0: i32) -> (i32, i32) {
    %c0_i32 = arith.constant 0 : i32
    %c0_i32_0 = arith.constant 0 : i32
    %c0_i32_1 = arith.constant 0 : i32
    return %c0_i32, %c0_i32_0 : i32, i32
  }
  func.func @transform_2(%arg0: i32) -> (i32, i32) {
    %c0_i32 = arith.constant 0 : i32
    %c0_i32_0 = arith.constant 0 : i32
    %c0_i32_1 = arith.constant 0 : i32
    return %c0_i32, %c0_i32_0 : i32, i32
  }
  func.func @transform_3(%arg0: i32) -> (i32, i32) {
    %c0_i32 = arith.constant 0 : i32
    %c0_i32_0 = arith.constant 0 : i32
    %c0_i32_1 = arith.constant 0 : i32
    return %c0_i32, %c0_i32_0 : i32, i32
  }
  func.func @transform_4(%arg0: i32) -> (i32, i32) {
    %c0_i32 = arith.constant 0 : i32
    %c0_i32_0 = arith.constant 0 : i32
    %c0_i32_1 = arith.constant 0 : i32
    return %c0_i32, %c0_i32_0 : i32, i32
  }
  func.func @transform_5(%arg0: i32) -> (i32, i32) {
    %c0_i32 = arith.constant 0 : i32
    %c0_i32_0 = arith.constant 0 : i32
    %c0_i32_1 = arith.constant 0 : i32
    return %c0_i32, %c0_i32_0 : i32, i32
  }
  func.func @transform_6(%arg0: i32) -> (i32, i32) {
    %c0_i32 = arith.constant 0 : i32
    %c0_i32_0 = arith.constant 0 : i32
    %c0_i32_1 = arith.constant 0 : i32
    return %c0_i32, %c0_i32_0 : i32, i32
  }
  func.func @transform_7(%arg0: i32) -> (i32, i32) {
    %c0_i32 = arith.constant 0 : i32
    %c0_i32_0 = arith.constant 0 : i32
    %c0_i32_1 = arith.constant 0 : i32
    return %c0_i32, %c0_i32_0 : i32, i32
  }
  func.func @transform_8(%arg0: i32) -> (i32, i32) {
    %add3A = arith.constant 0 : i32
    %add3A_0 = arith.addi %arg0, %add3A : i32
    %c0_i32 = arith.constant 0 : i32
    %c0_i32_1 = arith.constant 0 : i32
    return %add3A_0, %c0_i32 : i32, i32
  }
  func.func @transform_9(%arg0: i32) -> (i32, i32) {
    %c0_i32 = arith.constant 0 : i32
    %c0_i32_0 = arith.constant 0 : i32
    %c0_i32_1 = arith.constant 0 : i32
    return %c0_i32, %c0_i32_0 : i32, i32
  }
  func.func @transform_10(%arg0: i32) -> (i32, i32) {
    %c0_i32 = arith.constant 0 : i32
    %c0_i32_0 = arith.constant 0 : i32
    %c0_i32_1 = arith.constant 0 : i32
    return %c0_i32, %c0_i32_0 : i32, i32
  }
  func.func @transform_11(%arg0: i32) -> (i32, i32) {
    %c0_i32 = arith.constant 0 : i32
    %c0_i32_0 = arith.constant 0 : i32
    %c0_i32_1 = arith.constant 0 : i32
    return %c0_i32, %c0_i32_0 : i32, i32
  }
}

module attributes {stable_mosaic.version = 14 : i64} {
  func.func @_tc_fin_body(%arg0: i32, %arg1: memref<1024x128xf32, #tpu.memory_space<vmem>>, %arg2: memref<1024x128xf32, #tpu.memory_space<vmem>>, %arg3: memref<1024x128xf32, #tpu.memory_space<vmem>>, %arg4: memref<1024x128xf32, #tpu.memory_space<vmem>>, %arg5: memref<1024x128xf32, #tpu.memory_space<vmem>>, %arg6: memref<1024x128xf32, #tpu.memory_space<vmem>>) attributes {dimension_semantics = [#tpu.dimension_semantics<arbitrary>], iteration_bounds = array<i64: 10>, scalar_prefetch = 0 : i64, scratch_operands = 0 : i64, tpu.core_type = #tpu.core_type<tc>, window_params = [{transform_indices = @transform_0, window_bounds = array<i64: 1024, 128>}, {transform_indices = @transform_1, window_bounds = array<i64: 1024, 128>}, {transform_indices = @transform_2, window_bounds = array<i64: 1024, 128>}, {transform_indices = @transform_3, window_bounds = array<i64: 1024, 128>}, {transform_indices = @transform_4, window_bounds = array<i64: 1024, 128>}, {transform_indices = @transform_5, window_bounds = array<i64: 1024, 128>}]} {
    %get3A = arith.constant 0 : index
    %get3A_0 = arith.constant 0 : index
    %get3A_1 = vector.load %arg3[%get3A, %get3A_0] : memref<1024x128xf32, #tpu.memory_space<vmem>>, vector<1024x128xf32>
    %reduce_max3A = arith.constant dense<0xFF800000> : vector<1024xf32>
    %reduce_max3A_2 = vector.multi_reduction <maximumf>, %get3A_1, %reduce_max3A [1] : vector<1024x128xf32> to vector<1024xf32>
    %broadcast_in_dim3A = vector.shape_cast %reduce_max3A_2 : vector<1024xf32> to vector<1024x1xf32>
    %get3A_3 = arith.constant 0 : index
    %get3A_4 = arith.constant 0 : index
    %get3A_5 = vector.load %arg4[%get3A_3, %get3A_4] : memref<1024x128xf32, #tpu.memory_space<vmem>>, vector<1024x128xf32>
    %reduce_max3A_6 = arith.constant dense<0xFF800000> : vector<1024xf32>
    %reduce_max3A_7 = vector.multi_reduction <maximumf>, %get3A_5, %reduce_max3A_6 [1] : vector<1024x128xf32> to vector<1024xf32>
    %broadcast_in_dim3A_8 = vector.shape_cast %reduce_max3A_7 : vector<1024xf32> to vector<1024x1xf32>
    %add3A = arith.addf %broadcast_in_dim3A, %broadcast_in_dim3A_8 : vector<1024x1xf32>
    %max3A = arith.constant 1.000000e+00 : f32
    %max3A_9 = vector.broadcast %max3A : f32 to vector<1024x1xf32>
    %max3A_10 = arith.maximumf %add3A, %max3A_9 : vector<1024x1xf32>
    %div3A = arith.constant 1.000000e+00 : f32
    %div3A_11 = vector.broadcast %div3A : f32 to vector<1024x1xf32>
    %div3A_12 = arith.divf %div3A_11, %max3A_10 : vector<1024x1xf32>
    %get3A_13 = arith.constant 0 : index
    %get3A_14 = arith.constant 0 : index
    %get3A_15 = vector.load %arg1[%get3A_13, %get3A_14] : memref<1024x128xf32, #tpu.memory_space<vmem>>, vector<1024x128xf32>
    %get3A_16 = arith.constant 0 : index
    %get3A_17 = arith.constant 0 : index
    %get3A_18 = vector.load %arg2[%get3A_16, %get3A_17] : memref<1024x128xf32, #tpu.memory_space<vmem>>, vector<1024x128xf32>
    %add3A_19 = arith.addf %get3A_15, %get3A_18 : vector<1024x128xf32>
    %mul3A = vector.broadcast %div3A_12 : vector<1024x1xf32> to vector<1024x128xf32>
    %mul3A_20 = arith.mulf %add3A_19, %mul3A : vector<1024x128xf32>
    %get3A_21 = arith.constant 0 : index
    %get3A_22 = arith.constant 0 : index
    %get3A_23 = vector.load %arg5[%get3A_21, %get3A_22] : memref<1024x128xf32, #tpu.memory_space<vmem>>, vector<1024x128xf32>
    %add3A_24 = arith.addf %mul3A_20, %get3A_23 : vector<1024x128xf32>
    %swap3A = arith.constant 0 : index
    %swap3A_25 = arith.constant 0 : index
    %swap3A_26 = vector.load %arg6[%swap3A, %swap3A_25] : memref<1024x128xf32, #tpu.memory_space<vmem>>, vector<1024x128xf32>
    tpu.vector_store %arg6[%swap3A, %swap3A_25], %add3A_24 {strides = array<i32>} : memref<1024x128xf32, #tpu.memory_space<vmem>>, vector<1024x128xf32>,
    return
  }
  func.func @transform_0(%arg0: i32) -> (i32, i32) {
    %add3A = arith.constant 0 : i32
    %add3A_0 = arith.addi %arg0, %add3A : i32
    %c0_i32 = arith.constant 0 : i32
    %c0_i32_1 = arith.constant 0 : i32
    return %add3A_0, %c0_i32 : i32, i32
  }
  func.func @transform_1(%arg0: i32) -> (i32, i32) {
    %add3A = arith.constant 10 : i32
    %add3A_0 = arith.addi %arg0, %add3A : i32
    %c0_i32 = arith.constant 0 : i32
    %c0_i32_1 = arith.constant 0 : i32
    return %add3A_0, %c0_i32 : i32, i32
  }
  func.func @transform_2(%arg0: i32) -> (i32, i32) {
    %add3A = arith.constant 0 : i32
    %add3A_0 = arith.addi %arg0, %add3A : i32
    %c0_i32 = arith.constant 0 : i32
    %c0_i32_1 = arith.constant 0 : i32
    return %add3A_0, %c0_i32 : i32, i32
  }
  func.func @transform_3(%arg0: i32) -> (i32, i32) {
    %add3A = arith.constant 10 : i32
    %add3A_0 = arith.addi %arg0, %add3A : i32
    %c0_i32 = arith.constant 0 : i32
    %c0_i32_1 = arith.constant 0 : i32
    return %add3A_0, %c0_i32 : i32, i32
  }
  func.func @transform_4(%arg0: i32) -> (i32, i32) {
    %add3A = arith.constant 0 : i32
    %add3A_0 = arith.addi %arg0, %add3A : i32
    %c0_i32 = arith.constant 0 : i32
    %c0_i32_1 = arith.constant 0 : i32
    return %add3A_0, %c0_i32 : i32, i32
  }
  func.func @transform_5(%arg0: i32) -> (i32, i32) {
    %add3A = arith.constant 0 : i32
    %add3A_0 = arith.addi %arg0, %add3A : i32
    %c0_i32 = arith.constant 0 : i32
    %c0_i32_1 = arith.constant 0 : i32
    return %add3A_0, %c0_i32 : i32, i32
  }
}

</mosaic_0001>

<sc_bundles>
// kernel: kernel.10.cloned.1.call-start
scs
__scs_entry_jumppad:
0x0: {  	(pc) =	sbr.rel $0x88, $3  }
0x1: {  	(tag) =	ssettag $0x0;
	lr =	simm.s32 $0x1  }
0x2: {  	[smem:$0x3F97] =	sst lr;
	_ =	strace $0xD0000000  }
0x3: {  	_ = 	snop  }
0x4: {  	_ = 	snop  }
0x5: {  	_ = 	snop  }
0x6: {  	_ = 	snop  }
0x7: {  	_ = 	snop  }
__scs_overlays_trampoline_lowered:
0x8: {  	[smem:$0x3FA6] =	sst s0  }
0x9: {  	[smem:$0x3FA7] =	sst s1  }
0xa: {  	[smem:$0x3FA8] =	sst s2  }
0xb: {  	[smem:$0x3FA9] =	sst s3  }
0xc: {  	[smem:$0x3FAA] =	sst s4  }
0xd: {  	[smem:$0x3FAB] =	sst s5  }
0xe: {  	[smem:$0x3FAC] =	sst s6  }
0xf: {  	[smem:$0x3FAD] =	sst s7  }
0x10: {  	[smem:$0x3FAE] =	sst s8  }
0x11: {  	[smem:$0x3FAF] =	sst s9;
	s0 =	simm.s32 @!p0 $0x0  }
0x12: {  	s1 =	sld [smem:$0x3F95];
	s0 =	simm.s32 @p0 $0x1  }
0x13: {  	[smem:$0x3FB0] =	sst s0;
	s0 =	simm.s32 @!p1 $0x0  }
0x14: {  	s2 =	sld [smem:$0x3F94];
	s0 =	simm.s32 @p1 $0x1  }
0x15: {  	[smem:$0x3FB1] =	sst s0;
	s0 =	simm.s32 @!p2 $0x0  }
0x16: {  	s3 =	sld [smem:$0x3FDB];
	s0 =	simm.s32 @p2 $0x1  }
0x17: {  	s4 =	simm.s32 $0x1BF5;
	[smem:$0x3FB3] =	sst s0  }
0x18: {  	s0 =	sld [smem:$0x3F96];
	_ =	swait.ge [sflag:s4], $0x0  }
0x19: {  	s7 =	sld [smem:$0x3F97]  }
0x1a: {  	s8 =	sadd.s32 $0xFFFFE003, lr  }
0x1b: {  	s9 =	sadd.s32 $0xFFFFFEF7, lr;
	s5 =	simm.s32 $0xFFFFFFFF;
	p2 =	slt.u32 s8, $0xFFFFF086  }
0x1c: {  	p1 =	slt.u32 s9, $0xF7A;
	s5 =	simm.s32 @!p2 $0x0  }
0x1d: {  	s5 =	simm.s32 @p1 $0x1;
	p0 =	seq.s32 s7, s2  }
0x1e: {  	s7 =	smul.u32 @!p0 $0xF7A, s2;
	p2 =	seq.s32 @!p0 s5, $0x0  }
0x1f: {  	s9 =	smul.u32 $0xF7A, s1;
	s8 =	simm.s32 @!p0 $0x1BF5;
	p2 =	por !p2, p0  }
0x20: {  	[sflag:s8] =	ssyncset.s32 @!p0 $0xFFFFF086;
	s6 =	sadd.s32 @!p0 s3, s7;
	s7 =	simm.s32 @!p0 $0x108  }
0x21: {  	s3 =	sadd.s32 s3, s9;
	s6 =	sadd.s32 @!p0 $0x88, s6;
	s7 =	simm.s32 @p2 $0x1082  }
0x22: {  	[simem:s7], [sflag:s8] =	dma.local @!p0 [hbm:s6], $0xF7A  }
0x23: {  	s9 =	sor.u32 $0xD0000000, s2;
	s6 =	simm.s32 $0x108;
	_ =	swait.ge @!p0 [sflag:s8], $0x0  }
0x24: {  	s3 =	sadd.s32 $0x88, s3;
	s6 =	simm.s32 @!p1 $0x1082;
	[sflag:s4] =	ssyncset.s32 $0xFFFFF086  }
0x25: {  	[simem:s6], [sflag:s4] =	dma.local [hbm:s3], $0xF7A  }
0x26: {  	[smem:$0x3F97] =	sst s1;
	(tag) =	ssettag s2;
	_ =	strace s9  }
0x27: {  	s1 =	sld [smem:$0x3FA7]  }
0x28: {  	s2 =	sld [smem:$0x3FA8]  }
0x29: {  	s4 =	sld [smem:$0x3FAA]  }
0x2a: {  	p0 =	seq.s32 s5, $0x0;
	s5 =	sld [smem:$0x3FAB]  }
0x2b: {  	s6 =	sld [smem:$0x3FAC]  }
0x2c: {  	s7 =	sld [smem:$0x3FAD]  }
0x2d: {  	s3 =	simm.s32 $0x108;
	s8 =	sld [smem:$0x3FAE]  }
0x2e: {  	s3 =	simm.s32 @!p0 $0x1082;
	s9 =	sld [smem:$0x3FAF]  }
0x2f: {  	lr =	sadd.s32 s0, s3;
	s0 =	sld [smem:$0x3FA6]  }
0x30: {  	s3 =	sld [smem:$0x3FA9]  }
0x31: {  	[smem:$0x3FB2] =	sst s10  }
0x32: {  	s10 =	sld [smem:$0x3FB0];
	_ =	sdelay $0x3  }
0x33: {  	p0 =	seq.s32 s10, $0x1;
	s10 =	sld [smem:$0x3FB2];
	_ =	sdelay $0x3  }
0x34: {  	[smem:$0x3FB2] =	sst s10  }
0x35: {  	s10 =	sld [smem:$0x3FB1];
	_ =	sdelay $0x3  }
0x36: {  	p1 =	seq.s32 s10, $0x1;
	s10 =	sld [smem:$0x3FB2];
	_ =	sdelay $0x3  }
0x37: {  	[smem:$0x3FB2] =	sst s10  }
0x38: {  	s10 =	sld [smem:$0x3FB3]  }
0x39: {  	_ = 	snop;
	(pc) =	sbr.ind lr, $3  }
0x3a: {  	_ = 	snop  }
0x3b: {  	_ = 	snop  }
0x3c: {  	p2 =	seq.s32 s10, $0x1;
	s10 =	sld [smem:$0x3FB2]  }
0x3d: {  	_ =	shalt  }
0x3e: {  	_ =	shalt  }
0x3f: {  	_ =	shalt  }
0x40: {  	_ =	shalt  }
0x41: {  	_ =	shalt  }
0x42: {  	_ =	shalt  }
0x43: {  	_ =	shalt  }
0x44: {  	_ =	shalt  }
0x45: {  	_ =	shalt  }
0x46: {  	_ =	shalt  }
0x47: {  	_ =	shalt  }
0x48: {  	_ =	shalt  }
0x49: {  	_ =	shalt  }
0x4a: {  	_ =	shalt  }
0x4b: {  	_ =	shalt  }
0x4c: {  	_ =	shalt  }
0x4d: {  	_ =	shalt  }
0x4e: {  	_ =	shalt  }
0x4f: {  	_ =	shalt  }
0x50: {  	_ =	shalt  }
0x51: {  	_ =	shalt  }
0x52: {  	_ =	shalt  }
0x53: {  	_ =	shalt  }
0x54: {  	_ =	shalt  }
0x55: {  	_ =	shalt  }
0x56: {  	_ =	shalt  }
0x57: {  	_ =	shalt  }
0x58: {  	_ =	shalt  }
0x59: {  	_ =	shalt  }
0x5a: {  	_ =	shalt  }
0x5b: {  	_ =	shalt  }
0x5c: {  	_ =	shalt  }
0x5d: {  	_ =	shalt  }
0x5e: {  	_ =	shalt  }
0x5f: {  	_ =	shalt  }
0x60: {  	_ =	shalt  }
0x61: {  	_ =	shalt  }
0x62: {  	_ =	shalt  }
0x63: {  	_ =	shalt  }
0x64: {  	_ =	shalt  }
0x65: {  	_ =	shalt  }
0x66: {  	_ =	shalt  }
0x67: {  	_ =	shalt  }
0x68: {  	_ =	shalt  }
0x69: {  	_ =	shalt  }
0x6a: {  	_ =	shalt  }
0x6b: {  	_ =	shalt  }
0x6c: {  	_ =	shalt  }
0x6d: {  	_ =	shalt  }
0x6e: {  	_ =	shalt  }
0x6f: {  	_ =	shalt  }
0x70: {  	_ =	shalt  }
0x71: {  	_ =	shalt  }
0x72: {  	_ =	shalt  }
0x73: {  	_ =	shalt  }
0x74: {  	_ =	shalt  }
0x75: {  	_ =	shalt  }
0x76: {  	_ =	shalt  }
0x77: {  	_ =	shalt  }
0x78: {  	_ =	shalt  }
0x79: {  	_ =	shalt  }
0x7a: {  	_ =	shalt  }
0x7b: {  	_ =	shalt  }
0x7c: {  	_ =	shalt  }
0x7d: {  	_ =	shalt  }
0x7e: {  	_ =	shalt  }
0x7f: {  	_ =	shalt  }
0x80: {  	_ =	shalt  }
0x81: {  	_ =	shalt  }
0x82: {  	_ =	shalt  }
0x83: {  	_ =	shalt  }
0x84: {  	_ =	shalt  }
0x85: {  	_ =	shalt  }
0x86: {  	_ =	shalt  }
0x87: {  	_ =	shalt  }
.Lfunc_end0:
.L_simem_size_0:
called_computation.1_lowered:
.L_overlay_start_0:
0x88: {  	s2 =	sld [smem:$0x3FD9]  }
0x89: {  	s3 =	sld [smem:$0x3FFE];
	_ =	sdelay $0x1  }
0x8a: {  	s1 =	srdreg.scid  }
0x8b: {  	s0 =	sand.u32 $0x1, s1  }
0x8c: {  	s16 =	sshll.u32 s0, $0xA;
	s2 =	sadd.s32 s3, s2  }
0x8d: {  	s2 =	sadd.s32 s2, s16  }
0x8e: {  	[smem:$0x3FBE] =	sst s2  }
0x8f: {  	_ = 	snop  }
0x90: {  	(tm) =	ssettm $0x1  }
0x91: {  	s17 =	sld [smem:$0x3FFB];
	_ =	sdelay $0x3  }
0x92: {  	_ =	strace s17  }
0x93: {  	s2 =	sld [smem:$0x3FFC];
	_ =	sdelay $0x3  }
0x94: {  	_ =	strace s2  }
0x95: {  	s2 =	sld [smem:$0x3FFD];
	_ =	sdelay $0x3  }
0x96: {  	_ =	strace s2  }
0x97: {  	_ =	strace $0x8FFFFFFF  }
0x98: {  	s18 =	sld [smem:$0x3FDB];
	_ =	sdelay $0x1  }
0x99: {  	s19 =	simm.s32 $_scs_section_size  }
0x9a: {  	s4 =	simm.s32 $_size__tile_overlayer_lowered;
	s5 =	simm.s32 $_tile_overlayer_lowered  }
0x9b: {  	s22 =	simm.s32 $0x1BFF;
	s21 =	sshll.u32 s5, $0x1;
	s2 =	sadd.s32 s19, s18  }
0x9c: {  	s6 =	simm.s32 $0x0;
	s20 =	sshll.u32 s4, $0x1;
	s4 =	sadd.s32 s21, s2  }
0x9d: {  	[timem:s6], [sflag:s22] =	dma.local [hbm:s4], s20  }
0x9e: {  	_ =	swait.ge [sflag:s22], s20  }
0x9f: {  	s3 =	ssub.s32 $0x0, s20;
	[sflag:s22] =	ssyncset.done $0x0  }
0xa0: {  	[sflag:s22] =	ssyncadd.s32 s3;
	_ =	sdelay $0x1  }
0xa1: {  	s23 =	simm.s32 $0x1B8B  }
0xa2: {  	_ =	swait.ge [sflag:s23], $0x1  }
0xa3: {  	[sflag:s23] =	ssyncset.done $0x0  }
0xa4: {  	s25 =	simm.s32 $0x1B8E;
	s24 =	sld [smem:$0x3FFE];
	[sflag:s23] =	ssyncadd.s32 $0xFFFFFFFF  }
0xa5: {  	s26 =	simm.s32 $execute0_lowered;
	[smem:$0x3FD2] =	sst s25  }
0xa6: {  	s4 =	sshll.u32 s26, $0x1;
	_ =	strace $0x80000049;
	[dreg:$0x1] =	wrdreg $0xFFFFFFFF  }
0xa7: {  	s28 =	simm.s32 $_size_execute0_lowered;
	s2 =	sadd.s32 s2, s4;
	[dreg:$0x0] =	wrdreg $0x0  }
0xa8: {  	s4 =	sshll.u32 s28, $0x1;
	[dreg:$0x2] =	wrdreg s2  }
0xa9: {  	[dreg:$0x3] =	wrdreg s4  }
0xaa: {  	[dreg:$0x4] =	wrdreg $0xC0  }
0xab: {  	_ =	task [dreg:s6], $0x5FFFF  }
0xac: {  	[dreg:$0x1] =	wrdreg $0xFFFFFFFF  }
0xad: {  	[dreg:$0x0] =	wrdreg $0x60  }
0xae: {  	[dreg:$0x2] =	wrdreg s24  }
0xaf: {  	[dreg:$0x3] =	wrdreg $0x0  }
0xb0: {  	[dreg:$0x4] =	wrdreg $0x9  }
0xb1: {  	_ =	task.clear_ibuf [dreg:s6], $0x5FFFF;
	_ =	strace $0x90000049  }
0xb2: {  	s29 =	simm.s32 $0x9;
	_ =	strace $0x8000004B  }
0xb3: {  	_ =	swait.ge [sflag:s29], $0x1  }
0xb4: {  	[sflag:s29] =	ssyncadd.s32 $0xFFFFFFFF  }
0xb5: {  	_ =	strace $0x9000004B  }
0xb6: {  	_ =	sfence  }
0xb7: {  	s30 =	sld [smem:$0x0];
	_ =	sdelay $0x2  }
0xb8: {  	s31 =	sshll.u32 s1, $0xD;
	s1 =	sshrl.u32 s1, $0x2  }
0xb9: {  	s3 =	sand.u32 $0x4000, s31;
	s1 =	sadd.s32 s1, s30  }
0xba: {  	s0 =	sor.u32 s3, s0;
	s1 =	sshll.u32 s1, $0x11  }
0xbb: {  	s0 =	sor.u32 s1, s0  }
0xbc: {  	s0 =	sadd.s32 $0x8F2B, s0  }
0xbd: {  	[sflag:s0] =	ssyncadd.remote.s32 $0x1  }
0xbe: {  	_ =	sfence.sel $0xFFFF  }
0xbf: {  	[dreg:$0x0] =	wrdreg $0xFFFFFFFF;
	(pc) =	sbr.abs _section_cstart, $3  }
0xc0: {  	[dreg:$0x1] =	wrdreg $0xFFFFFFFF  }
0xc1: {  	_ =	task.clear_ibuf [dreg:s6], $0x2FFFF;
	_ =	strace $0x9FFFFFFF  }
0xc2: {  	(tm) =	ssettm $0x7FFFFFFF  }
0xc3: {  	_ =	shalt  }
tec
execute0_lowered:
.L_overlay_start_1:
0x0: {  	(tag) =	ssettag $0x1  }
0x1: {  	s0 =	rddreg [dreg:$0x0];
	s1 =	srdreg.scid  }
0x2: {  	s2 =	rddreg [dreg:$0x1];
	s9 =	stileid.u32;
	s3 =	simm.s32 $0x0  }
0x3: {  	s16 =	simm.s32 $0x14040;
	s17 =	simm.s32 $0x14080;
	s18 =	simm.s32 $0x140C0  }
0x4: {  	s19 =	simm.s32 $0x14100;
	s20 =	simm.s32 $0x14140;
	s21 =	simm.s32 $0x14480  }
0x5: {  	s22 =	simm.s32 $0x14180;
	s23 =	simm.s32 $0x141C0;
	s24 =	simm.s32 $0x14500  }
0x6: {  	s25 =	simm.s32 $0x14200;
	[smem:$0x7FF] =	sst s3;
	s10 =	sadd.s32 $0x5C200, s0  }
0x7: {  	s26 =	simm.s32 $0x14240;
	_ =	strace $0x8000004A;
	[dreg:$0x10] =	wrdreg s10  }
0x8: {  	s28 =	simm.s32 $0x14300;
	s29 =	simm.s32 $0x14340;
	[dreg:$0x5] =	wrdreg s16  }
0x9: {  	s30 =	simm.s32 $0x14680;
	s5 =	smul.u32 $0x1400, s9;
	[dreg:$0x6] =	wrdreg s17  }
0xa: {  	s31 =	simm.s32 $0x14380;
	s6 =	smul.u32 $0x2800, s9;
	[dreg:$0x7] =	wrdreg s18  }
0xb: {  	s1 =	sand.u32 $0x1, s1;
	s8 =	smul.u32 $0x50000, s9;
	[dreg:$0x8] =	wrdreg s19  }
0xc: {  	s13 =	sshll.u32 s9, $0x6;
	s4 =	smul.u32 $0x14000, s1;
	[dreg:$0x9] =	wrdreg s20  }
0xd: {  	s9 =	simm.s32 $0x0;
	s7 =	smul.u32 $0x28000, s1;
	[dreg:$0xa] =	wrdreg s21  }
0xe: {  	s1 =	ssub.s32 $0x2, s1;
	s10 =	simm.s32 $0x5;
	[dreg:$0xb] =	wrdreg s22  }
0xf: {  	s16 =	simm.s32 $0x18800;
	s17 =	simm.s32 $0x1A800;
	[dreg:$0xc] =	wrdreg s23  }
0x10: {  	s18 =	simm.s32 $0x1;
	s19 =	simm.s32 $0x2;
	[dreg:$0xd] =	wrdreg s24  }
0x11: {  	s20 =	simm.s32 $0x80;
	[dreg:$0xe] =	wrdreg s25;
	s21 =	simm.s32 $0x3  }
0x12: {  	s22 =	simm.s32 $0x4;
	[dreg:$0xf] =	wrdreg s26;
	s23 =	simm.s32 $0x14580  }
0x13: {  	s24 =	simm.s32 $0x14280;
	s25 =	simm.s32 $0x142C0;
	s26 =	simm.s32 $0x14600  }
0x14: {  	s11 =	sshrl.u32 s1, $0x1;
	s12 =	sshrl.u32 s8, $0x2;
	s5 =	sadd.s32 s5, s4  }
0x15: {  	s4 =	sadd.s32 $0x7200, s0;
	s6 =	sadd.s32 s6, s7;
	s1 =	ssub.s32 s1, s11  }
0x16: {  	s7 =	sor.u32 $0x1C05, s13;
	s11 =	simm.s32 $0x14000;
	s13 =	simm.s32 $0x40  }
0x17: {  	s5 =	sshrl.u32 s5, $0x3;
	s15 =	smax.u32 s1, $0x1;
	s1 =	simm.s32 $0x14700  }
0x18: {  	[dreg:$0x11] =	wrdreg s7;
	s5 =	sadd.s32 s5, s0;
	s0 =	sadd.s32 s6, s0  }
0x19: {  	s6 =	sadd.s32 s12, s2;
	[dreg:$0x13] =	wrdreg s15;
	s14 =	sadd.s32 $0x57200, s5  }
0x1a: {  	s12 =	simm.s32 $0x14400;
	s0 =	sadd.s32 $0x5EA00, s0;
	[dreg:$0x3] =	wrdreg s14  }
0x1b: {  	s15 =	simm.s32 $0x16800;
	s5 =	sadd.s32 $0x2200, s5;
	[dreg:$0x12] =	wrdreg s0  }
0x1c: {  	s8 =	sshrl.u32 s6, $0x3;
	[dreg:$0x4] =	wrdreg s5;
	s14 =	simm.s32 $0x14800  }
0x1d: {  	s0 =	simm.s32 $0x143C0;
	s5 =	simm.s32 $0x14780;
	[dreg:$0x14] =	wrdreg s8  }
.LBB2_1:
0x1e: {  	[dreg:$0x15] =	wrdreg s9  }
0x1f: {  	s6 =	rddreg [dreg:$0x10]  }
0x20: {  	[spmem:s8], [sflag:s7] =	dma.local [hbm:s6], $0x2800  }
0x21: {  	_ =	swait.ge [sflag:s10], $0x2800  }
0x22: {  	[sflag:s10] =	ssyncset.done $0x0  }
0x23: {  	[sflag:s10] =	ssyncadd.s32 $0xFFFFD800  }
0x24: {  	[bflag:$0x0] =	sbarrier.arrive $0xFFFF  }
0x25: {  	s9 =	rddreg [dreg:$0x4]  }
0x26: {  	s6 =	sadd.s32 $0x0, s9  }
0x27: {  	[tilespmem:s11], [sflag:$0x5] =	stream.linear.gather [hbm4b:s6+s3], $0x400, $0x38;
	[tilespmem:$0x1C800] =	vst v63  }
0x28: {  	_ =	swait.ge [sflag:s10], $0x400  }
0x29: {  	s7 =	rddreg [dreg:$0x3];
	[sflag:s10] =	ssyncset.done $0x0  }
0x2a: {  	[sflag:s10] =	ssyncadd.s32 $0xFFFFFC00;
	s6 =	sadd.s32 $0x0, s7  }
0x2b: {  	[tilespmem:s12], [sflag:$0x5] =	stream.linear.gather [hbm4b:s6+s3], $0x400, $0x38;
	[tilespmem:$0x1C800] =	vst v63  }
0x2c: {  	_ =	swait.ge [sflag:s10], $0x400  }
0x2d: {  	[sflag:s10] =	ssyncset.done $0x0  }
0x2e: {  	[sflag:s10] =	ssyncadd.s32 $0xFFFFFC00  }
0x2f: {  	[tilespmem:s14], [sflag:$0x1] =	stream.indirect.gather [hbm4b:s4+s13], $0x80, s11, s13, $0xb8;
	[tilespmem:$0x1C800] =	vst v63  }
0x30: {  	s8 =	rddreg [dreg:$0x5]  }
0x31: {  	[tilespmem:s15], [sflag:$0x2] =	stream.indirect.gather [hbm4b:s4+s13], $0x80, s8, s13, $0xb8;
	[tilespmem:$0x1C800] =	vst v63  }
0x32: {  	s9 =	rddreg [dreg:$0x6]  }
0x33: {  	[tilespmem:s16], [sflag:$0x3] =	stream.indirect.gather [hbm4b:s4+s13], $0x80, s9, s13, $0xb8;
	[tilespmem:$0x1C800] =	vst v63  }
0x34: {  	s7 =	rddreg [dreg:$0x7]  }
0x35: {  	[tilespmem:s17], [sflag:$0x4] =	stream.indirect.gather [hbm4b:s4+s13], $0x80, s7, s13, $0xb8;
	[tilespmem:$0x1C800] =	vst v63  }
0x36: {  	_ =	swait.ge [sflag:s18], $0x2000  }
0x37: {  	[sflag:s18] =	ssyncset.done $0x0  }
0x38: {  	[sflag:s18] =	ssyncadd.s32 $0xFFFFE000  }
0x39: {  	_ =	swait.ge [sflag:s19], $0x2000  }
0x3a: {  	[sflag:s19] =	ssyncset.done $0x0  }
0x3b: {  	[sflag:s19] =	ssyncadd.s32 $0xFFFFE000  }
0x3c: {  	[spmem:s2] =	stream.indirect.scatter.add.f32 [tilespmem:s14], [sflag:$0x5], $0x80, s12, s20, $0xb8;
	[tilespmem:$0x1C800] =	vst v63  }
0x3d: {  	_ =	swait.ge [sflag:s10], $0x4000  }
0x3e: {  	[sflag:s10] =	ssyncset.done $0x0  }
0x3f: {  	s8 =	rddreg [dreg:$0x8];
	[sflag:s10] =	ssyncadd.s32 $0xFFFFC000  }
0x40: {  	[tilespmem:s14], [sflag:$0x1] =	stream.indirect.gather [hbm4b:s4+s13], $0x80, s8, s13, $0xb8;
	[tilespmem:$0x1C800] =	vst v63  }
0x41: {  	s9 =	rddreg [dreg:$0x9]  }
0x42: {  	[tilespmem:s15], [sflag:$0x2] =	stream.indirect.gather [hbm4b:s4+s13], $0x80, s9, s13, $0xb8;
	[tilespmem:$0x1C800] =	vst v63  }
0x43: {  	_ =	swait.ge [sflag:s21], $0x2000  }
0x44: {  	[sflag:s21] =	ssyncset.done $0x0  }
0x45: {  	[sflag:s21] =	ssyncadd.s32 $0xFFFFE000  }
0x46: {  	_ =	swait.ge [sflag:s22], $0x2000  }
0x47: {  	[sflag:s22] =	ssyncset.done $0x0  }
0x48: {  	s7 =	rddreg [dreg:$0xa];
	[sflag:s22] =	ssyncadd.s32 $0xFFFFE000  }
0x49: {  	[spmem:s2] =	stream.indirect.scatter.add.f32 [tilespmem:s16], [sflag:$0x5], $0x80, s7, s20, $0xb8;
	[tilespmem:$0x1C800] =	vst v63  }
0x4a: {  	_ =	swait.ge [sflag:s10], $0x4000  }
0x4b: {  	[sflag:s10] =	ssyncset.done $0x0  }
0x4c: {  	s8 =	rddreg [dreg:$0xb];
	[sflag:s10] =	ssyncadd.s32 $0xFFFFC000  }
0x4d: {  	[tilespmem:s16], [sflag:$0x3] =	stream.indirect.gather [hbm4b:s4+s13], $0x80, s8, s13, $0xb8;
	[tilespmem:$0x1C800] =	vst v63  }
0x4e: {  	s9 =	rddreg [dreg:$0xc]  }
0x4f: {  	[tilespmem:s17], [sflag:$0x4] =	stream.indirect.gather [hbm4b:s4+s13], $0x80, s9, s13, $0xb8;
	[tilespmem:$0x1C800] =	vst v63  }
0x50: {  	_ =	swait.ge [sflag:s18], $0x2000  }
0x51: {  	[sflag:s18] =	ssyncset.done $0x0  }
0x52: {  	[sflag:s18] =	ssyncadd.s32 $0xFFFFE000  }
0x53: {  	_ =	swait.ge [sflag:s19], $0x2000  }
0x54: {  	[sflag:s19] =	ssyncset.done $0x0  }
0x55: {  	s7 =	rddreg [dreg:$0xd];
	[sflag:s19] =	ssyncadd.s32 $0xFFFFE000  }
0x56: {  	[spmem:s2] =	stream.indirect.scatter.add.f32 [tilespmem:s14], [sflag:$0x5], $0x80, s7, s20, $0xb8;
	[tilespmem:$0x1C800] =	vst v63  }
0x57: {  	_ =	swait.ge [sflag:s10], $0x4000  }
0x58: {  	[sflag:s10] =	ssyncset.done $0x0  }
0x59: {  	s8 =	rddreg [dreg:$0xe];
	[sflag:s10] =	ssyncadd.s32 $0xFFFFC000  }
0x5a: {  	[tilespmem:s14], [sflag:$0x1] =	stream.indirect.gather [hbm4b:s4+s13], $0x80, s8, s13, $0xb8;
	[tilespmem:$0x1C800] =	vst v63  }
0x5b: {  	s9 =	rddreg [dreg:$0xf]  }
0x5c: {  	[tilespmem:s15], [sflag:$0x2] =	stream.indirect.gather [hbm4b:s4+s13], $0x80, s9, s13, $0xb8;
	[tilespmem:$0x1C800] =	vst v63  }
0x5d: {  	_ =	swait.ge [sflag:s21], $0x2000  }
0x5e: {  	[sflag:s21] =	ssyncset.done $0x0  }
0x5f: {  	[sflag:s21] =	ssyncadd.s32 $0xFFFFE000  }
0x60: {  	_ =	swait.ge [sflag:s22], $0x2000  }
0x61: {  	[sflag:s22] =	ssyncset.done $0x0  }
0x62: {  	[sflag:s22] =	ssyncadd.s32 $0xFFFFE000  }
0x63: {  	[spmem:s2] =	stream.indirect.scatter.add.f32 [tilespmem:s16], [sflag:$0x5], $0x80, s23, s20, $0xb8;
	[tilespmem:$0x1C800] =	vst v63  }
0x64: {  	_ =	swait.ge [sflag:s10], $0x4000  }
0x65: {  	[sflag:s10] =	ssyncset.done $0x0  }
0x66: {  	[sflag:s10] =	ssyncadd.s32 $0xFFFFC000  }
0x67: {  	[tilespmem:s16], [sflag:$0x3] =	stream.indirect.gather [hbm4b:s4+s13], $0x80, s24, s13, $0xb8;
	[tilespmem:$0x1C800] =	vst v63  }
0x68: {  	_ = 	snop  }
0x69: {  	[tilespmem:s17], [sflag:$0x4] =	stream.indirect.gather [hbm4b:s4+s13], $0x80, s25, s13, $0xb8;
	[tilespmem:$0x1C800] =	vst v63  }
0x6a: {  	_ =	swait.ge [sflag:s18], $0x2000  }
0x6b: {  	[sflag:s18] =	ssyncset.done $0x0  }
0x6c: {  	[sflag:s18] =	ssyncadd.s32 $0xFFFFE000  }
0x6d: {  	_ =	swait.ge [sflag:s19], $0x2000  }
0x6e: {  	[sflag:s19] =	ssyncset.done $0x0  }
0x6f: {  	[sflag:s19] =	ssyncadd.s32 $0xFFFFE000  }
0x70: {  	[spmem:s2] =	stream.indirect.scatter.add.f32 [tilespmem:s14], [sflag:$0x5], $0x80, s26, s20, $0xb8;
	[tilespmem:$0x1C800] =	vst v63  }
0x71: {  	_ =	swait.ge [sflag:s10], $0x4000  }
0x72: {  	[sflag:s10] =	ssyncset.done $0x0  }
0x73: {  	[sflag:s10] =	ssyncadd.s32 $0xFFFFC000  }
0x74: {  	[tilespmem:s14], [sflag:$0x1] =	stream.indirect.gather [hbm4b:s4+s13], $0x80, s28, s13, $0xb8;
	[tilespmem:$0x1C800] =	vst v63  }
0x75: {  	_ = 	snop  }
0x76: {  	[tilespmem:s15], [sflag:$0x2] =	stream.indirect.gather [hbm4b:s4+s13], $0x80, s29, s13, $0xb8;
	[tilespmem:$0x1C800] =	vst v63  }
0x77: {  	_ =	swait.ge [sflag:s21], $0x2000  }
0x78: {  	[sflag:s21] =	ssyncset.done $0x0  }
0x79: {  	[sflag:s21] =	ssyncadd.s32 $0xFFFFE000  }
0x7a: {  	_ =	swait.ge [sflag:s22], $0x2000  }
0x7b: {  	[sflag:s22] =	ssyncset.done $0x0  }
0x7c: {  	[sflag:s22] =	ssyncadd.s32 $0xFFFFE000  }
0x7d: {  	[spmem:s2] =	stream.indirect.scatter.add.f32 [tilespmem:s16], [sflag:$0x5], $0x80, s30, s20, $0xb8;
	[tilespmem:$0x1C800] =	vst v63  }
0x7e: {  	_ =	swait.ge [sflag:s10], $0x4000  }
0x7f: {  	[sflag:s10] =	ssyncset.done $0x0  }
0x80: {  	[sflag:s10] =	ssyncadd.s32 $0xFFFFC000  }
0x81: {  	[tilespmem:s16], [sflag:$0x3] =	stream.indirect.gather [hbm4b:s4+s13], $0x80, s31, s13, $0xb8;
	[tilespmem:$0x1C800] =	vst v63  }
0x82: {  	_ = 	snop  }
0x83: {  	[tilespmem:s17], [sflag:$0x4] =	stream.indirect.gather [hbm4b:s4+s13], $0x80, s0, s13, $0xb8;
	[tilespmem:$0x1C800] =	vst v63  }
0x84: {  	_ =	swait.ge [sflag:s18], $0x2000  }
0x85: {  	[sflag:s18] =	ssyncset.done $0x0  }
0x86: {  	[sflag:s18] =	ssyncadd.s32 $0xFFFFE000  }
0x87: {  	_ =	swait.ge [sflag:s19], $0x2000  }
0x88: {  	[sflag:s19] =	ssyncset.done $0x0  }
0x89: {  	[sflag:s19] =	ssyncadd.s32 $0xFFFFE000  }
0x8a: {  	[spmem:s2] =	stream.indirect.scatter.add.f32 [tilespmem:s14], [sflag:$0x5], $0x80, s1, s20, $0xb8;
	[tilespmem:$0x1C800] =	vst v63  }
0x8b: {  	_ =	swait.ge [sflag:s10], $0x4000  }
0x8c: {  	[sflag:s10] =	ssyncset.done $0x0  }
0x8d: {  	[sflag:s10] =	ssyncadd.s32 $0xFFFFC000  }
0x8e: {  	_ =	swait.ge [sflag:s21], $0x2000  }
0x8f: {  	[sflag:s21] =	ssyncset.done $0x0  }
0x90: {  	[sflag:s21] =	ssyncadd.s32 $0xFFFFE000  }
0x91: {  	_ =	swait.ge [sflag:s22], $0x2000  }
0x92: {  	[sflag:s22] =	ssyncset.done $0x0  }
0x93: {  	[sflag:s22] =	ssyncadd.s32 $0xFFFFE000  }
0x94: {  	[spmem:s2] =	stream.indirect.scatter.add.f32 [tilespmem:s16], [sflag:$0x5], $0x80, s5, s20, $0xb8;
	[tilespmem:$0x1C800] =	vst v63  }
0x95: {  	s6 =	simm.s32 $0x100;
	_ =	swait.ge [sflag:s10], $0x4000  }
0x96: {  	s8 =	simm.s32 $0x80;
	s9 =	rddreg [dreg:$0x4];
	[sflag:s10] =	ssyncset.done $0x0  }
.LBB2_2:
0x97: {  	[sflag:s10] =	ssyncadd.s32 $0xFFFFC000;
	s9 =	sadd.s32 s8, s9  }
0x98: {  	[tilespmem:s11], [sflag:$0x5] =	stream.linear.gather [hbm4b:s9+s3], $0x400, $0x38;
	[tilespmem:$0x1C800] =	vst v63  }
0x99: {  	_ =	swait.ge [sflag:s10], $0x400  }
0x9a: {  	s9 =	rddreg [dreg:$0x3];
	[sflag:s10] =	ssyncset.done $0x0  }
0x9b: {  	[sflag:s10] =	ssyncadd.s32 $0xFFFFFC00;
	s9 =	sadd.s32 s8, s9  }
0x9c: {  	[tilespmem:s12], [sflag:$0x5] =	stream.linear.gather [hbm4b:s9+s3], $0x400, $0x38;
	[tilespmem:$0x1C800] =	vst v63  }
0x9d: {  	_ =	swait.ge [sflag:s10], $0x400  }
0x9e: {  	[sflag:s10] =	ssyncset.done $0x0  }
0x9f: {  	s7 =	smov.u32 s6;
	[sflag:s10] =	ssyncadd.s32 $0xFFFFFC00  }
0xa0: {  	[tilespmem:s14], [sflag:$0x1] =	stream.indirect.gather [hbm4b:s4+s13], $0x80, s11, s13, $0xb8;
	[tilespmem:$0x1C800] =	vst v63  }
0xa1: {  	s8 =	smov.u32 s7;
	s7 =	rddreg [dreg:$0x5]  }
0xa2: {  	[tilespmem:s15], [sflag:$0x2] =	stream.indirect.gather [hbm4b:s4+s13], $0x80, s7, s13, $0xb8;
	[tilespmem:$0x1C800] =	vst v63  }
0xa3: {  	s9 =	rddreg [dreg:$0x6]  }
0xa4: {  	[tilespmem:s16], [sflag:$0x3] =	stream.indirect.gather [hbm4b:s4+s13], $0x80, s9, s13, $0xb8;
	[tilespmem:$0x1C800] =	vst v63  }
0xa5: {  	s7 =	rddreg [dreg:$0x7]  }
0xa6: {  	[tilespmem:s17], [sflag:$0x4] =	stream.indirect.gather [hbm4b:s4+s13], $0x80, s7, s13, $0xb8;
	[tilespmem:$0x1C800] =	vst v63  }
0xa7: {  	_ =	swait.ge [sflag:s18], $0x2000  }
0xa8: {  	[sflag:s18] =	ssyncset.done $0x0  }
0xa9: {  	[sflag:s18] =	ssyncadd.s32 $0xFFFFE000  }
0xaa: {  	_ =	swait.ge [sflag:s19], $0x2000  }
0xab: {  	[sflag:s19] =	ssyncset.done $0x0  }
0xac: {  	[sflag:s19] =	ssyncadd.s32 $0xFFFFE000  }
0xad: {  	[spmem:s2] =	stream.indirect.scatter.add.f32 [tilespmem:s14], [sflag:$0x5], $0x80, s12, s20, $0xb8;
	[tilespmem:$0x1C800] =	vst v63  }
0xae: {  	_ =	swait.ge [sflag:s10], $0x4000  }
0xaf: {  	[sflag:s10] =	ssyncset.done $0x0  }
0xb0: {  	s7 =	rddreg [dreg:$0x8];
	[sflag:s10] =	ssyncadd.s32 $0xFFFFC000  }
0xb1: {  	[tilespmem:s14], [sflag:$0x1] =	stream.indirect.gather [hbm4b:s4+s13], $0x80, s7, s13, $0xb8;
	[tilespmem:$0x1C800] =	vst v63  }
0xb2: {  	s9 =	rddreg [dreg:$0x9]  }
0xb3: {  	[tilespmem:s15], [sflag:$0x2] =	stream.indirect.gather [hbm4b:s4+s13], $0x80, s9, s13, $0xb8;
	[tilespmem:$0x1C800] =	vst v63  }
0xb4: {  	_ =	swait.ge [sflag:s21], $0x2000  }
0xb5: {  	[sflag:s21] =	ssyncset.done $0x0  }
0xb6: {  	[sflag:s21] =	ssyncadd.s32 $0xFFFFE000  }
0xb7: {  	_ =	swait.ge [sflag:s22], $0x2000  }
0xb8: {  	[sflag:s22] =	ssyncset.done $0x0  }
0xb9: {  	s9 =	rddreg [dreg:$0xa];
	[sflag:s22] =	ssyncadd.s32 $0xFFFFE000  }
0xba: {  	[spmem:s2] =	stream.indirect.scatter.add.f32 [tilespmem:s16], [sflag:$0x5], $0x80, s9, s20, $0xb8;
	[tilespmem:$0x1C800] =	vst v63  }
0xbb: {  	_ =	swait.ge [sflag:s10], $0x4000  }
0xbc: {  	[sflag:s10] =	ssyncset.done $0x0  }
0xbd: {  	s7 =	rddreg [dreg:$0xb];
	[sflag:s10] =	ssyncadd.s32 $0xFFFFC000  }
0xbe: {  	[tilespmem:s16], [sflag:$0x3] =	stream.indirect.gather [hbm4b:s4+s13], $0x80, s7, s13, $0xb8;
	[tilespmem:$0x1C800] =	vst v63  }
0xbf: {  	s9 =	rddreg [dreg:$0xc]  }
0xc0: {  	[tilespmem:s17], [sflag:$0x4] =	stream.indirect.gather [hbm4b:s4+s13], $0x80, s9, s13, $0xb8;
	[tilespmem:$0x1C800] =	vst v63  }
0xc1: {  	_ =	swait.ge [sflag:s18], $0x2000  }
0xc2: {  	[sflag:s18] =	ssyncset.done $0x0  }
0xc3: {  	[sflag:s18] =	ssyncadd.s32 $0xFFFFE000  }
0xc4: {  	_ =	swait.ge [sflag:s19], $0x2000  }
0xc5: {  	[sflag:s19] =	ssyncset.done $0x0  }
0xc6: {  	s9 =	rddreg [dreg:$0xd];
	[sflag:s19] =	ssyncadd.s32 $0xFFFFE000  }
0xc7: {  	[spmem:s2] =	stream.indirect.scatter.add.f32 [tilespmem:s14], [sflag:$0x5], $0x80, s9, s20, $0xb8;
	[tilespmem:$0x1C800] =	vst v63  }
0xc8: {  	_ =	swait.ge [sflag:s10], $0x4000  }
0xc9: {  	[sflag:s10] =	ssyncset.done $0x0  }
0xca: {  	s7 =	rddreg [dreg:$0xe];
	[sflag:s10] =	ssyncadd.s32 $0xFFFFC000  }
0xcb: {  	[tilespmem:s14], [sflag:$0x1] =	stream.indirect.gather [hbm4b:s4+s13], $0x80, s7, s13, $0xb8;
	[tilespmem:$0x1C800] =	vst v63  }
0xcc: {  	s9 =	rddreg [dreg:$0xf]  }
0xcd: {  	[tilespmem:s15], [sflag:$0x2] =	stream.indirect.gather [hbm4b:s4+s13], $0x80, s9, s13, $0xb8;
	[tilespmem:$0x1C800] =	vst v63  }
0xce: {  	_ =	swait.ge [sflag:s21], $0x2000  }
0xcf: {  	[sflag:s21] =	ssyncset.done $0x0  }
0xd0: {  	[sflag:s21] =	ssyncadd.s32 $0xFFFFE000  }
0xd1: {  	_ =	swait.ge [sflag:s22], $0x2000  }
0xd2: {  	[sflag:s22] =	ssyncset.done $0x0  }
0xd3: {  	[sflag:s22] =	ssyncadd.s32 $0xFFFFE000  }
0xd4: {  	[spmem:s2] =	stream.indirect.scatter.add.f32 [tilespmem:s16], [sflag:$0x5], $0x80, s23, s20, $0xb8;
	[tilespmem:$0x1C800] =	vst v63  }
0xd5: {  	_ =	swait.ge [sflag:s10], $0x4000  }
0xd6: {  	[sflag:s10] =	ssyncset.done $0x0  }
0xd7: {  	[sflag:s10] =	ssyncadd.s32 $0xFFFFC000  }
0xd8: {  	[tilespmem:s16], [sflag:$0x3] =	stream.indirect.gather [hbm4b:s4+s13], $0x80, s24, s13, $0xb8;
	[tilespmem:$0x1C800] =	vst v63  }
0xd9: {  	_ = 	snop  }
0xda: {  	[tilespmem:s17], [sflag:$0x4] =	stream.indirect.gather [hbm4b:s4+s13], $0x80, s25, s13, $0xb8;
	[tilespmem:$0x1C800] =	vst v63  }
0xdb: {  	_ =	swait.ge [sflag:s18], $0x2000  }
0xdc: {  	[sflag:s18] =	ssyncset.done $0x0  }
0xdd: {  	[sflag:s18] =	ssyncadd.s32 $0xFFFFE000  }
0xde: {  	_ =	swait.ge [sflag:s19], $0x2000  }
0xdf: {  	[sflag:s19] =	ssyncset.done $0x0  }
0xe0: {  	[sflag:s19] =	ssyncadd.s32 $0xFFFFE000  }
0xe1: {  	[spmem:s2] =	stream.indirect.scatter.add.f32 [tilespmem:s14], [sflag:$0x5], $0x80, s26, s20, $0xb8;
	[tilespmem:$0x1C800] =	vst v63  }
0xe2: {  	_ =	swait.ge [sflag:s10], $0x4000  }
0xe3: {  	[sflag:s10] =	ssyncset.done $0x0  }
0xe4: {  	[sflag:s10] =	ssyncadd.s32 $0xFFFFC000  }
0xe5: {  	[tilespmem:s14], [sflag:$0x1] =	stream.indirect.gather [hbm4b:s4+s13], $0x80, s28, s13, $0xb8;
	[tilespmem:$0x1C800] =	vst v63  }
0xe6: {  	_ = 	snop  }
0xe7: {  	[tilespmem:s15], [sflag:$0x2] =	stream.indirect.gather [hbm4b:s4+s13], $0x80, s29, s13, $0xb8;
	[tilespmem:$0x1C800] =	vst v63  }
0xe8: {  	_ =	swait.ge [sflag:s21], $0x2000  }
0xe9: {  	[sflag:s21] =	ssyncset.done $0x0  }
0xea: {  	[sflag:s21] =	ssyncadd.s32 $0xFFFFE000  }
0xeb: {  	_ =	swait.ge [sflag:s22], $0x2000  }
0xec: {  	[sflag:s22] =	ssyncset.done $0x0  }
0xed: {  	[sflag:s22] =	ssyncadd.s32 $0xFFFFE000  }
0xee: {  	[spmem:s2] =	stream.indirect.scatter.add.f32 [tilespmem:s16], [sflag:$0x5], $0x80, s30, s20, $0xb8;
	[tilespmem:$0x1C800] =	vst v63  }
0xef: {  	_ =	swait.ge [sflag:s10], $0x4000  }
0xf0: {  	[sflag:s10] =	ssyncset.done $0x0  }
0xf1: {  	[sflag:s10] =	ssyncadd.s32 $0xFFFFC000  }
0xf2: {  	[tilespmem:s16], [sflag:$0x3] =	stream.indirect.gather [hbm4b:s4+s13], $0x80, s31, s13, $0xb8;
	[tilespmem:$0x1C800] =	vst v63  }
0xf3: {  	_ = 	snop  }
0xf4: {  	[tilespmem:s17], [sflag:$0x4] =	stream.indirect.gather [hbm4b:s4+s13], $0x80, s0, s13, $0xb8;
	[tilespmem:$0x1C800] =	vst v63  }
0xf5: {  	_ =	swait.ge [sflag:s18], $0x2000  }
0xf6: {  	[sflag:s18] =	ssyncset.done $0x0  }
0xf7: {  	[sflag:s18] =	ssyncadd.s32 $0xFFFFE000  }
0xf8: {  	_ =	swait.ge [sflag:s19], $0x2000  }
0xf9: {  	[sflag:s19] =	ssyncset.done $0x0  }
0xfa: {  	[sflag:s19] =	ssyncadd.s32 $0xFFFFE000  }
0xfb: {  	[spmem:s2] =	stream.indirect.scatter.add.f32 [tilespmem:s14], [sflag:$0x5], $0x80, s1, s20, $0xb8;
	[tilespmem:$0x1C800] =	vst v63  }
0xfc: {  	_ =	swait.ge [sflag:s10], $0x4000  }
0xfd: {  	[sflag:s10] =	ssyncset.done $0x0  }
0xfe: {  	[sflag:s10] =	ssyncadd.s32 $0xFFFFC000  }
0xff: {  	_ =	swait.ge [sflag:s21], $0x2000  }
0x100: {  	[sflag:s21] =	ssyncset.done $0x0  }
0x101: {  	[sflag:s21] =	ssyncadd.s32 $0xFFFFE000  }
0x102: {  	p0 =	sne.s32 s6, $0x200;
	_ =	swait.ge [sflag:s22], $0x2000  }
.Ltmp0:
0x103: {  	[sflag:s22] =	ssyncset.done $0x0;
	(pc) =	sbr.rel @p0 .LBB2_2-.Ltmp0, $4  }
0x104: {  	[sflag:s22] =	ssyncadd.s32 $0xFFFFE000  }
0x105: {  	[spmem:s2] =	stream.indirect.scatter.add.f32 [tilespmem:s16], [sflag:$0x5], $0x80, s5, s20, $0xb8;
	[tilespmem:$0x1C800] =	vst v63  }
0x106: {  	_ =	swait.ge [sflag:s10], $0x4000  }
0x107: {  	s6 =	sadd.s32 $0x80, s6;
	s9 =	rddreg [dreg:$0x4];
	[sflag:s10] =	ssyncset.done $0x0  }
0x108: {  	[sflag:s10] =	ssyncadd.s32 $0xFFFFC000;
	s6 =	sadd.s32 s8, s9  }
0x109: {  	[tilespmem:s11], [sflag:$0x5] =	stream.linear.gather [hbm4b:s6+s3], $0x400, $0x38;
	[tilespmem:$0x1C800] =	vst v63  }
0x10a: {  	_ =	swait.ge [sflag:s10], $0x400  }
0x10b: {  	s7 =	rddreg [dreg:$0x3];
	[sflag:s10] =	ssyncset.done $0x0  }
0x10c: {  	[sflag:s10] =	ssyncadd.s32 $0xFFFFFC00;
	s6 =	sadd.s32 s8, s7  }
0x10d: {  	[tilespmem:s12], [sflag:$0x5] =	stream.linear.gather [hbm4b:s6+s3], $0x400, $0x38;
	[tilespmem:$0x1C800] =	vst v63  }
0x10e: {  	_ =	swait.ge [sflag:s10], $0x400  }
0x10f: {  	[sflag:s10] =	ssyncset.done $0x0  }
0x110: {  	[sflag:s10] =	ssyncadd.s32 $0xFFFFFC00  }
0x111: {  	[tilespmem:s14], [sflag:$0x1] =	stream.indirect.gather [hbm4b:s4+s13], $0x80, s11, s13, $0xb8;
	[tilespmem:$0x1C800] =	vst v63  }
0x112: {  	s8 =	rddreg [dreg:$0x5]  }
0x113: {  	[tilespmem:s15], [sflag:$0x2] =	stream.indirect.gather [hbm4b:s4+s13], $0x80, s8, s13, $0xb8;
	[tilespmem:$0x1C800] =	vst v63  }
0x114: {  	s7 =	rddreg [dreg:$0x6]  }
0x115: {  	[tilespmem:s16], [sflag:$0x3] =	stream.indirect.gather [hbm4b:s4+s13], $0x80, s7, s13, $0xb8;
	[tilespmem:$0x1C800] =	vst v63  }
0x116: {  	s9 =	rddreg [dreg:$0x7]  }
0x117: {  	[tilespmem:s17], [sflag:$0x4] =	stream.indirect.gather [hbm4b:s4+s13], $0x80, s9, s13, $0xb8;
	[tilespmem:$0x1C800] =	vst v63  }
0x118: {  	_ =	swait.ge [sflag:s18], $0x2000  }
0x119: {  	[sflag:s18] =	ssyncset.done $0x0  }
0x11a: {  	[sflag:s18] =	ssyncadd.s32 $0xFFFFE000  }
0x11b: {  	_ =	swait.ge [sflag:s19], $0x2000  }
0x11c: {  	[sflag:s19] =	ssyncset.done $0x0  }
0x11d: {  	[sflag:s19] =	ssyncadd.s32 $0xFFFFE000  }
0x11e: {  	[spmem:s2] =	stream.indirect.scatter.add.f32 [tilespmem:s14], [sflag:$0x5], $0x80, s12, s20, $0xb8;
	[tilespmem:$0x1C800] =	vst v63  }
0x11f: {  	_ =	swait.ge [sflag:s10], $0x4000  }
0x120: {  	[sflag:s10] =	ssyncset.done $0x0  }
0x121: {  	s7 =	rddreg [dreg:$0x8];
	[sflag:s10] =	ssyncadd.s32 $0xFFFFC000  }
0x122: {  	[tilespmem:s14], [sflag:$0x1] =	stream.indirect.gather [hbm4b:s4+s13], $0x80, s7, s13, $0xb8;
	[tilespmem:$0x1C800] =	vst v63  }
0x123: {  	s8 =	rddreg [dreg:$0x9]  }
0x124: {  	[tilespmem:s15], [sflag:$0x2] =	stream.indirect.gather [hbm4b:s4+s13], $0x80, s8, s13, $0xb8;
	[tilespmem:$0x1C800] =	vst v63  }
0x125: {  	_ =	swait.ge [sflag:s21], $0x2000  }
0x126: {  	[sflag:s21] =	ssyncset.done $0x0  }
0x127: {  	[sflag:s21] =	ssyncadd.s32 $0xFFFFE000  }
0x128: {  	_ =	swait.ge [sflag:s22], $0x2000  }
0x129: {  	[sflag:s22] =	ssyncset.done $0x0  }
0x12a: {  	s9 =	rddreg [dreg:$0xa];
	[sflag:s22] =	ssyncadd.s32 $0xFFFFE000  }
0x12b: {  	[spmem:s2] =	stream.indirect.scatter.add.f32 [tilespmem:s16], [sflag:$0x5], $0x80, s9, s20, $0xb8;
	[tilespmem:$0x1C800] =	vst v63  }
0x12c: {  	_ =	swait.ge [sflag:s10], $0x4000  }
0x12d: {  	[sflag:s10] =	ssyncset.done $0x0  }
0x12e: {  	s7 =	rddreg [dreg:$0xb];
	[sflag:s10] =	ssyncadd.s32 $0xFFFFC000  }
0x12f: {  	[tilespmem:s16], [sflag:$0x3] =	stream.indirect.gather [hbm4b:s4+s13], $0x80, s7, s13, $0xb8;
	[tilespmem:$0x1C800] =	vst v63  }
0x130: {  	s8 =	rddreg [dreg:$0xc]  }
0x131: {  	[tilespmem:s17], [sflag:$0x4] =	stream.indirect.gather [hbm4b:s4+s13], $0x80, s8, s13, $0xb8;
	[tilespmem:$0x1C800] =	vst v63  }
0x132: {  	_ =	swait.ge [sflag:s18], $0x2000  }
0x133: {  	[sflag:s18] =	ssyncset.done $0x0  }
0x134: {  	[sflag:s18] =	ssyncadd.s32 $0xFFFFE000  }
0x135: {  	_ =	swait.ge [sflag:s19], $0x2000  }
0x136: {  	[sflag:s19] =	ssyncset.done $0x0  }
0x137: {  	s9 =	rddreg [dreg:$0xd];
	[sflag:s19] =	ssyncadd.s32 $0xFFFFE000  }
0x138: {  	[spmem:s2] =	stream.indirect.scatter.add.f32 [tilespmem:s14], [sflag:$0x5], $0x80, s9, s20, $0xb8;
	[tilespmem:$0x1C800] =	vst v63  }
0x139: {  	_ =	swait.ge [sflag:s10], $0x4000  }
0x13a: {  	[sflag:s10] =	ssyncset.done $0x0  }
0x13b: {  	s7 =	rddreg [dreg:$0xe];
	[sflag:s10] =	ssyncadd.s32 $0xFFFFC000  }
0x13c: {  	[tilespmem:s14], [sflag:$0x1] =	stream.indirect.gather [hbm4b:s4+s13], $0x80, s7, s13, $0xb8;
	[tilespmem:$0x1C800] =	vst v63  }
0x13d: {  	s8 =	rddreg [dreg:$0xf]  }
0x13e: {  	[tilespmem:s15], [sflag:$0x2] =	stream.indirect.gather [hbm4b:s4+s13], $0x80, s8, s13, $0xb8;
	[tilespmem:$0x1C800] =	vst v63  }
0x13f: {  	_ =	swait.ge [sflag:s21], $0x2000  }
0x140: {  	[sflag:s21] =	ssyncset.done $0x0  }
0x141: {  	[sflag:s21] =	ssyncadd.s32 $0xFFFFE000  }
0x142: {  	_ =	swait.ge [sflag:s22], $0x2000  }
0x143: {  	[sflag:s22] =	ssyncset.done $0x0  }
0x144: {  	[sflag:s22] =	ssyncadd.s32 $0xFFFFE000  }
0x145: {  	[spmem:s2] =	stream.indirect.scatter.add.f32 [tilespmem:s16], [sflag:$0x5], $0x80, s23, s20, $0xb8;
	[tilespmem:$0x1C800] =	vst v63  }
0x146: {  	_ =	swait.ge [sflag:s10], $0x4000  }
0x147: {  	[sflag:s10] =	ssyncset.done $0x0  }
0x148: {  	[sflag:s10] =	ssyncadd.s32 $0xFFFFC000  }
0x149: {  	[tilespmem:s16], [sflag:$0x3] =	stream.indirect.gather [hbm4b:s4+s13], $0x80, s24, s13, $0xb8;
	[tilespmem:$0x1C800] =	vst v63  }
0x14a: {  	_ = 	snop  }
0x14b: {  	[tilespmem:s17], [sflag:$0x4] =	stream.indirect.gather [hbm4b:s4+s13], $0x80, s25, s13, $0xb8;
	[tilespmem:$0x1C800] =	vst v63  }
0x14c: {  	_ =	swait.ge [sflag:s18], $0x2000  }
0x14d: {  	[sflag:s18] =	ssyncset.done $0x0  }
0x14e: {  	[sflag:s18] =	ssyncadd.s32 $0xFFFFE000  }
0x14f: {  	_ =	swait.ge [sflag:s19], $0x2000  }
0x150: {  	[sflag:s19] =	ssyncset.done $0x0  }
0x151: {  	[sflag:s19] =	ssyncadd.s32 $0xFFFFE000  }
0x152: {  	[spmem:s2] =	stream.indirect.scatter.add.f32 [tilespmem:s14], [sflag:$0x5], $0x80, s26, s20, $0xb8;
	[tilespmem:$0x1C800] =	vst v63  }
0x153: {  	_ =	swait.ge [sflag:s10], $0x4000  }
0x154: {  	[sflag:s10] =	ssyncset.done $0x0  }
0x155: {  	[sflag:s10] =	ssyncadd.s32 $0xFFFFC000  }
0x156: {  	[tilespmem:s14], [sflag:$0x1] =	stream.indirect.gather [hbm4b:s4+s13], $0x80, s28, s13, $0xb8;
	[tilespmem:$0x1C800] =	vst v63  }
0x157: {  	_ = 	snop  }
0x158: {  	[tilespmem:s15], [sflag:$0x2] =	stream.indirect.gather [hbm4b:s4+s13], $0x80, s29, s13, $0xb8;
	[tilespmem:$0x1C800] =	vst v63  }
0x159: {  	_ =	swait.ge [sflag:s21], $0x2000  }
0x15a: {  	[sflag:s21] =	ssyncset.done $0x0  }
0x15b: {  	[sflag:s21] =	ssyncadd.s32 $0xFFFFE000  }
0x15c: {  	_ =	swait.ge [sflag:s22], $0x2000  }
0x15d: {  	[sflag:s22] =	ssyncset.done $0x0  }
0x15e: {  	[sflag:s22] =	ssyncadd.s32 $0xFFFFE000  }
0x15f: {  	[spmem:s2] =	stream.indirect.scatter.add.f32 [tilespmem:s16], [sflag:$0x5], $0x80, s30, s20, $0xb8;
	[tilespmem:$0x1C800] =	vst v63  }
0x160: {  	_ =	swait.ge [sflag:s10], $0x4000  }
0x161: {  	[sflag:s10] =	ssyncset.done $0x0  }
0x162: {  	[sflag:s10] =	ssyncadd.s32 $0xFFFFC000  }
0x163: {  	[tilespmem:s16], [sflag:$0x3] =	stream.indirect.gather [hbm4b:s4+s13], $0x80, s31, s13, $0xb8;
	[tilespmem:$0x1C800] =	vst v63  }
0x164: {  	_ = 	snop  }
0x165: {  	[tilespmem:s17], [sflag:$0x4] =	stream.indirect.gather [hbm4b:s4+s13], $0x80, s0, s13, $0xb8;
	[tilespmem:$0x1C800] =	vst v63  }
0x166: {  	_ =	swait.ge [sflag:s18], $0x2000  }
0x167: {  	[sflag:s18] =	ssyncset.done $0x0  }
0x168: {  	[sflag:s18] =	ssyncadd.s32 $0xFFFFE000  }
0x169: {  	_ =	swait.ge [sflag:s19], $0x2000  }
0x16a: {  	[sflag:s19] =	ssyncset.done $0x0  }
0x16b: {  	[sflag:s19] =	ssyncadd.s32 $0xFFFFE000  }
0x16c: {  	[spmem:s2] =	stream.indirect.scatter.add.f32 [tilespmem:s14], [sflag:$0x5], $0x80, s1, s20, $0xb8;
	[tilespmem:$0x1C800] =	vst v63  }
0x16d: {  	_ =	swait.ge [sflag:s10], $0x4000  }
0x16e: {  	[sflag:s10] =	ssyncset.done $0x0  }
0x16f: {  	[sflag:s10] =	ssyncadd.s32 $0xFFFFC000  }
0x170: {  	_ =	swait.ge [sflag:s21], $0x2000  }
0x171: {  	[sflag:s21] =	ssyncset.done $0x0  }
0x172: {  	[sflag:s21] =	ssyncadd.s32 $0xFFFFE000  }
0x173: {  	_ =	swait.ge [sflag:s22], $0x2000  }
0x174: {  	[sflag:s22] =	ssyncset.done $0x0  }
0x175: {  	[sflag:s22] =	ssyncadd.s32 $0xFFFFE000  }
0x176: {  	[spmem:s2] =	stream.indirect.scatter.add.f32 [tilespmem:s16], [sflag:$0x5], $0x80, s5, s20, $0xb8;
	[tilespmem:$0x1C800] =	vst v63  }
0x177: {  	_ =	swait.ge [sflag:s10], $0x4000  }
0x178: {  	[sflag:s10] =	ssyncset.done $0x0  }
0x179: {  	[sflag:s10] =	ssyncadd.s32 $0xFFFFC000  }
0x17a: {  	[bflag:$0x0] =	sbarrier.arrive $0xFFFF  }
0x17b: {  	s7 =	rddreg [dreg:$0x11]  }
0x17c: {  	s9 =	rddreg [dreg:$0x12]  }
0x17d: {  	s8 =	rddreg [dreg:$0x14]  }
0x17e: {  	[hbm:s9], [sflag:s7] =	dma.local [spmem:s8], $0x2800  }
0x17f: {  	_ =	swait.ge [sflag:s10], $0x2800  }
0x180: {  	s6 =	rddreg [dreg:$0x15]  }
0x181: {  	s9 =	sadd.s32 $0x1, s6;
	s6 =	rddreg [dreg:$0x13]  }
0x182: {  	p0 =	sne.s32 s9, s6  }
.Ltmp1:
0x183: {  	_ = 	snop;
	(pc) =	sbr.rel @p0 .LBB2_1-.Ltmp1, $3  }
0x184: {  	_ =	sdelay $0x1  }
0x185: {  	[sflag:s10] =	ssyncset.done $0x0  }
0x186: {  	[sflag:s10] =	ssyncadd.s32 $0xFFFFD800  }
0x187: {  	_ =	sfence.sel $0x180000  }
0x188: {  	[bflag:$0x0] =	sbarrier.arrive $0xFFFF  }
0x189: {  	_ =	strace $0x9000004A  }
0x18a: {  	s0 =	stileid.u32;
	[bflag:$0x2] =	sbarrier.arrive $0xFFFF  }
0x18b: {  	p0 =	sne.s32 s0, $0x0;
	s0 =	rddreg [dreg:$0x2]  }
0x18c: {  	s0 =	sadd.s32 @!p0 $0x100000, s0  }
0x18d: {  	[sflag:s0] =	ssyncadd.tile.s32 @!p0 $0x1;
	_ =	shalt  }
.Lfunc_end2:
_tile_overlayer_lowered:
.L_overlay_start_2:
0x18e: {  	(tag) =	ssettag $0x2  }
0x18f: {  	s0 =	rddreg [dreg:$0x0];
	s2 =	stileid.u32  }
0x190: {  	s1 =	rddreg [dreg:$0x1];
	p0 =	sne.s32 s2, $0x0  }
0x191: {  	s3 =	rddreg [dreg:$0x2];
	[bflag:$0x3] =	sbarrier.arrive $0xFFFF;
	s2 =	simm.s32 @!p0 $0x1C05  }
0x192: {  	[timem:s3], [sflag:s2] =	dma.local @!p0 [hbm:s0], s1  }
0x193: {  	s0 =	simm.s32 @!p0 $0x5  }
0x194: {  	_ =	swait.ge @!p0 [sflag:s0], s1  }
0x195: {  	s1 =	ssub.s32 @!p0 $0x0, s1;
	[sflag:s0] =	ssyncset.done @!p0 $0x0  }
0x196: {  	[sflag:s0] =	ssyncadd.s32 @!p0 s1  }
0x197: {  	[bflag:$0x3] =	sbarrier.arrive $0xFFFF  }
0x198: {  	_ =	shalt  }

// kernel: kernel.7.cloned.1.call-start
scs
__scs_entry_jumppad:
0x0: {  	(pc) =	sbr.rel $0x88, $3  }
0x1: {  	(tag) =	ssettag $0x0;
	lr =	simm.s32 $0x1  }
0x2: {  	[smem:$0x3F97] =	sst lr;
	_ =	strace $0xD0000000  }
0x3: {  	_ = 	snop  }
0x4: {  	_ = 	snop  }
0x5: {  	_ = 	snop  }
0x6: {  	_ = 	snop  }
0x7: {  	_ = 	snop  }
__scs_overlays_trampoline_lowered:
0x8: {  	[smem:$0x3FA6] =	sst s0  }
0x9: {  	[smem:$0x3FA7] =	sst s1  }
0xa: {  	[smem:$0x3FA8] =	sst s2  }
0xb: {  	[smem:$0x3FA9] =	sst s3  }
0xc: {  	[smem:$0x3FAA] =	sst s4  }
0xd: {  	[smem:$0x3FAB] =	sst s5  }
0xe: {  	[smem:$0x3FAC] =	sst s6  }
0xf: {  	[smem:$0x3FAD] =	sst s7  }
0x10: {  	[smem:$0x3FAE] =	sst s8  }
0x11: {  	[smem:$0x3FAF] =	sst s9;
	s0 =	simm.s32 @!p0 $0x0  }
0x12: {  	s1 =	sld [smem:$0x3F95];
	s0 =	simm.s32 @p0 $0x1  }
0x13: {  	[smem:$0x3FB0] =	sst s0;
	s0 =	simm.s32 @!p1 $0x0  }
0x14: {  	s2 =	sld [smem:$0x3F94];
	s0 =	simm.s32 @p1 $0x1  }
0x15: {  	[smem:$0x3FB1] =	sst s0;
	s0 =	simm.s32 @!p2 $0x0  }
0x16: {  	s3 =	sld [smem:$0x3FDB];
	s0 =	simm.s32 @p2 $0x1  }
0x17: {  	s4 =	simm.s32 $0x1BF5;
	[smem:$0x3FB3] =	sst s0  }
0x18: {  	s0 =	sld [smem:$0x3F96];
	_ =	swait.ge [sflag:s4], $0x0  }
0x19: {  	s7 =	sld [smem:$0x3F97]  }
0x1a: {  	s8 =	sadd.s32 $0xFFFFE003, lr  }
0x1b: {  	s9 =	sadd.s32 $0xFFFFFEF7, lr;
	s5 =	simm.s32 $0xFFFFFFFF;
	p2 =	slt.u32 s8, $0xFFFFF086  }
0x1c: {  	p1 =	slt.u32 s9, $0xF7A;
	s5 =	simm.s32 @!p2 $0x0  }
0x1d: {  	s5 =	simm.s32 @p1 $0x1;
	p0 =	seq.s32 s7, s2  }
0x1e: {  	s7 =	smul.u32 @!p0 $0xF7A, s2;
	p2 =	seq.s32 @!p0 s5, $0x0  }
0x1f: {  	s9 =	smul.u32 $0xF7A, s1;
	s8 =	simm.s32 @!p0 $0x1BF5;
	p2 =	por !p2, p0  }
0x20: {  	[sflag:s8] =	ssyncset.s32 @!p0 $0xFFFFF086;
	s6 =	sadd.s32 @!p0 s3, s7;
	s7 =	simm.s32 @!p0 $0x108  }
0x21: {  	s3 =	sadd.s32 s3, s9;
	s6 =	sadd.s32 @!p0 $0x88, s6;
	s7 =	simm.s32 @p2 $0x1082  }
0x22: {  	[simem:s7], [sflag:s8] =	dma.local @!p0 [hbm:s6], $0xF7A  }
0x23: {  	s9 =	sor.u32 $0xD0000000, s2;
	s6 =	simm.s32 $0x108;
	_ =	swait.ge @!p0 [sflag:s8], $0x0  }
0x24: {  	s3 =	sadd.s32 $0x88, s3;
	s6 =	simm.s32 @!p1 $0x1082;
	[sflag:s4] =	ssyncset.s32 $0xFFFFF086  }
0x25: {  	[simem:s6], [sflag:s4] =	dma.local [hbm:s3], $0xF7A  }
0x26: {  	[smem:$0x3F97] =	sst s1;
	(tag) =	ssettag s2;
	_ =	strace s9  }
0x27: {  	s1 =	sld [smem:$0x3FA7]  }
0x28: {  	s2 =	sld [smem:$0x3FA8]  }
0x29: {  	s4 =	sld [smem:$0x3FAA]  }
0x2a: {  	p0 =	seq.s32 s5, $0x0;
	s5 =	sld [smem:$0x3FAB]  }
0x2b: {  	s6 =	sld [smem:$0x3FAC]  }
0x2c: {  	s7 =	sld [smem:$0x3FAD]  }
0x2d: {  	s3 =	simm.s32 $0x108;
	s8 =	sld [smem:$0x3FAE]  }
0x2e: {  	s3 =	simm.s32 @!p0 $0x1082;
	s9 =	sld [smem:$0x3FAF]  }
0x2f: {  	lr =	sadd.s32 s0, s3;
	s0 =	sld [smem:$0x3FA6]  }
0x30: {  	s3 =	sld [smem:$0x3FA9]  }
0x31: {  	[smem:$0x3FB2] =	sst s10  }
0x32: {  	s10 =	sld [smem:$0x3FB0];
	_ =	sdelay $0x3  }
0x33: {  	p0 =	seq.s32 s10, $0x1;
	s10 =	sld [smem:$0x3FB2];
	_ =	sdelay $0x3  }
0x34: {  	[smem:$0x3FB2] =	sst s10  }
0x35: {  	s10 =	sld [smem:$0x3FB1];
	_ =	sdelay $0x3  }
0x36: {  	p1 =	seq.s32 s10, $0x1;
	s10 =	sld [smem:$0x3FB2];
	_ =	sdelay $0x3  }
0x37: {  	[smem:$0x3FB2] =	sst s10  }
0x38: {  	s10 =	sld [smem:$0x3FB3]  }
0x39: {  	_ = 	snop;
	(pc) =	sbr.ind lr, $3  }
0x3a: {  	_ = 	snop  }
0x3b: {  	_ = 	snop  }
0x3c: {  	p2 =	seq.s32 s10, $0x1;
	s10 =	sld [smem:$0x3FB2]  }
0x3d: {  	_ =	shalt  }
0x3e: {  	_ =	shalt  }
0x3f: {  	_ =	shalt  }
0x40: {  	_ =	shalt  }
0x41: {  	_ =	shalt  }
0x42: {  	_ =	shalt  }
0x43: {  	_ =	shalt  }
0x44: {  	_ =	shalt  }
0x45: {  	_ =	shalt  }
0x46: {  	_ =	shalt  }
0x47: {  	_ =	shalt  }
0x48: {  	_ =	shalt  }
0x49: {  	_ =	shalt  }
0x4a: {  	_ =	shalt  }
0x4b: {  	_ =	shalt  }
0x4c: {  	_ =	shalt  }
0x4d: {  	_ =	shalt  }
0x4e: {  	_ =	shalt  }
0x4f: {  	_ =	shalt  }
0x50: {  	_ =	shalt  }
0x51: {  	_ =	shalt  }
0x52: {  	_ =	shalt  }
0x53: {  	_ =	shalt  }
0x54: {  	_ =	shalt  }
0x55: {  	_ =	shalt  }
0x56: {  	_ =	shalt  }
0x57: {  	_ =	shalt  }
0x58: {  	_ =	shalt  }
0x59: {  	_ =	shalt  }
0x5a: {  	_ =	shalt  }
0x5b: {  	_ =	shalt  }
0x5c: {  	_ =	shalt  }
0x5d: {  	_ =	shalt  }
0x5e: {  	_ =	shalt  }
0x5f: {  	_ =	shalt  }
0x60: {  	_ =	shalt  }
0x61: {  	_ =	shalt  }
0x62: {  	_ =	shalt  }
0x63: {  	_ =	shalt  }
0x64: {  	_ =	shalt  }
0x65: {  	_ =	shalt  }
0x66: {  	_ =	shalt  }
0x67: {  	_ =	shalt  }
0x68: {  	_ =	shalt  }
0x69: {  	_ =	shalt  }
0x6a: {  	_ =	shalt  }
0x6b: {  	_ =	shalt  }
0x6c: {  	_ =	shalt  }
0x6d: {  	_ =	shalt  }
0x6e: {  	_ =	shalt  }
0x6f: {  	_ =	shalt  }
0x70: {  	_ =	shalt  }
0x71: {  	_ =	shalt  }
0x72: {  	_ =	shalt  }
0x73: {  	_ =	shalt  }
0x74: {  	_ =	shalt  }
0x75: {  	_ =	shalt  }
0x76: {  	_ =	shalt  }
0x77: {  	_ =	shalt  }
0x78: {  	_ =	shalt  }
0x79: {  	_ =	shalt  }
0x7a: {  	_ =	shalt  }
0x7b: {  	_ =	shalt  }
0x7c: {  	_ =	shalt  }
0x7d: {  	_ =	shalt  }
0x7e: {  	_ =	shalt  }
0x7f: {  	_ =	shalt  }
0x80: {  	_ =	shalt  }
0x81: {  	_ =	shalt  }
0x82: {  	_ =	shalt  }
0x83: {  	_ =	shalt  }
0x84: {  	_ =	shalt  }
0x85: {  	_ =	shalt  }
0x86: {  	_ =	shalt  }
0x87: {  	_ =	shalt  }
.Lfunc_end0:
.L_simem_size_0:
called_computation_lowered:
.L_overlay_start_0:
0x88: {  	s2 =	sld [smem:$0x3FD9]  }
0x89: {  	s3 =	sld [smem:$0x3FFE];
	_ =	sdelay $0x1  }
0x8a: {  	s1 =	srdreg.scid  }
0x8b: {  	s0 =	sand.u32 $0x1, s1  }
0x8c: {  	s17 =	sshll.u32 s0, $0xA;
	s2 =	sadd.s32 s3, s2  }
0x8d: {  	s2 =	sadd.s32 s2, s17  }
0x8e: {  	[smem:$0x3FBE] =	sst s2  }
0x8f: {  	_ = 	snop  }
0x90: {  	s2 =	sld [smem:$0x3FD0];
	(tm) =	ssettm $0x1  }
0x91: {  	s18 =	sld [smem:$0x3FFB];
	_ =	sdelay $0x3  }
0x92: {  	_ =	strace s18  }
0x93: {  	s3 =	sld [smem:$0x3FFC];
	_ =	sdelay $0x3  }
0x94: {  	_ =	strace s3  }
0x95: {  	s3 =	sld [smem:$0x3FFD];
	_ =	sdelay $0x3  }
0x96: {  	_ =	strace s3  }
0x97: {  	_ =	strace $0x8FFFFFFF  }
0x98: {  	s19 =	sld [smem:$0x3FDB];
	_ =	sdelay $0x1  }
0x99: {  	s4 =	simm.s32 $_scs_section_size  }
0x9a: {  	s5 =	simm.s32 $_size__tile_overlayer_lowered;
	s6 =	simm.s32 $_tile_overlayer_lowered  }
0x9b: {  	s22 =	simm.s32 $0x1BFF;
	s21 =	sshll.u32 s6, $0x1;
	s3 =	sadd.s32 s4, s19  }
0x9c: {  	s7 =	simm.s32 $0x0;
	s20 =	sshll.u32 s5, $0x1;
	s5 =	sadd.s32 s21, s3  }
0x9d: {  	[timem:s7], [sflag:s22] =	dma.local [hbm:s5], s20  }
0x9e: {  	_ =	swait.ge [sflag:s22], s20  }
0x9f: {  	s4 =	ssub.s32 $0x0, s20;
	[sflag:s22] =	ssyncset.done $0x0  }
0xa0: {  	[sflag:s22] =	ssyncadd.s32 s4;
	_ =	sdelay $0x1  }
0xa1: {  	s23 =	simm.s32 $0x1B8B  }
0xa2: {  	_ =	swait.ge [sflag:s23], $0x1  }
0xa3: {  	[sflag:s23] =	ssyncset.done $0x0  }
0xa4: {  	s25 =	simm.s32 $0x1B8E;
	s24 =	sld [smem:$0x3FFE];
	[sflag:s23] =	ssyncadd.s32 $0xFFFFFFFF  }
0xa5: {  	s26 =	simm.s32 $execute0_lowered;
	[smem:$0x3FD2] =	sst s25  }
0xa6: {  	s5 =	sshll.u32 s26, $0x1;
	_ =	strace $0x80000046;
	[dreg:$0x1] =	wrdreg $0xFFFFFFFF  }
0xa7: {  	s28 =	simm.s32 $_size_execute0_lowered;
	s3 =	sadd.s32 s3, s5;
	[dreg:$0x0] =	wrdreg $0x0  }
0xa8: {  	s5 =	sshll.u32 s28, $0x1;
	[dreg:$0x2] =	wrdreg s3  }
0xa9: {  	[dreg:$0x3] =	wrdreg s5  }
0xaa: {  	[dreg:$0x4] =	wrdreg $0xC0  }
0xab: {  	_ =	task [dreg:s7], $0x5FFFF  }
0xac: {  	[dreg:$0x1] =	wrdreg $0xFFFFFFFF  }
0xad: {  	[dreg:$0x0] =	wrdreg $0x60  }
0xae: {  	[dreg:$0x2] =	wrdreg s24  }
0xaf: {  	[dreg:$0x3] =	wrdreg s2  }
0xb0: {  	[dreg:$0x4] =	wrdreg $0x0  }
0xb1: {  	[dreg:$0x5] =	wrdreg $0x9  }
0xb2: {  	_ =	task.clear_ibuf [dreg:s7], $0x6FFFF;
	_ =	strace $0x90000046  }
0xb3: {  	s29 =	simm.s32 $0x9;
	_ =	strace $0x80000048  }
0xb4: {  	_ =	swait.ge [sflag:s29], $0x1  }
0xb5: {  	[sflag:s29] =	ssyncadd.s32 $0xFFFFFFFF  }
0xb6: {  	_ =	strace $0x90000048  }
0xb7: {  	_ =	sfence  }
0xb8: {  	s30 =	sld [smem:$0x0];
	_ =	sdelay $0x2  }
0xb9: {  	s31 =	sshll.u32 s1, $0xD;
	s1 =	sshrl.u32 s1, $0x2  }
0xba: {  	s3 =	sand.u32 $0x4000, s31;
	s1 =	sadd.s32 s1, s30  }
0xbb: {  	s0 =	sor.u32 s3, s0;
	s1 =	sshll.u32 s1, $0x11  }
0xbc: {  	s0 =	sor.u32 s1, s0  }
0xbd: {  	s0 =	sadd.s32 $0x8F2B, s0  }
0xbe: {  	[sflag:s0] =	ssyncadd.remote.s32 $0x1  }
0xbf: {  	_ =	sfence.sel $0xFFFF  }
0xc0: {  	[dreg:$0x0] =	wrdreg $0xFFFFFFFF;
	(pc) =	sbr.abs _section_cstart, $3  }
0xc1: {  	[dreg:$0x1] =	wrdreg $0xFFFFFFFF  }
0xc2: {  	_ =	task.clear_ibuf [dreg:s7], $0x2FFFF;
	_ =	strace $0x9FFFFFFF  }
0xc3: {  	(tm) =	ssettm $0x7FFFFFFF  }
tec
execute0_lowered:
.L_overlay_start_1:
0x0: {  	(tag) =	ssettag $0x1  }
0x1: {  	s0 =	rddreg [dreg:$0x0]  }
0x2: {  	s1 =	rddreg [dreg:$0x1]  }
0x3: {  	s2 =	rddreg [dreg:$0x2];
	s13 =	stileid.u32  }
0x4: {  	s4 =	srdreg.scid;
	s3 =	simm.s32 $0x0;
	s6 =	smul.u32 $0x280, s13  }
0x5: {  	s28 =	simm.s32 $0x40;
	s30 =	simm.s32 $0x16800;
	s16 =	smul.u32 $0x50000, s13  }
0x6: {  	s5 =	sand.u32 $0x1, s4;
	[smem:$0x7FF] =	sst s3;
	s12 =	smul.u32 $0x2800, s13  }
0x7: {  	s4 =	sadd.s32 $0x7200, s0;
	s8 =	sadd.s32 $0x57200, s0;
	s21 =	smul.u32 $0x1400, s13  }
0x8: {  	s9 =	sadd.s32 $0x5C200, s0;
	s14 =	sadd.s32 $0x5EA00, s0;
	s23 =	smul.u32 $0x500, s13  }
0x9: {  	s7 =	smul.u32 $0x2800, s5;
	_ =	strace $0x80000047;
	[dreg:$0x7] =	wrdreg s9  }
0xa: {  	s11 =	sshll.u32 s13, $0x6;
	[dreg:$0x8] =	wrdreg s14;
	s10 =	smul.u32 $0x28000, s5  }
0xb: {  	s15 =	ssub.s32 $0x2, s5;
	s29 =	sor.u32 $0x1C05, s11;
	s5 =	smul.u32 $0x14000, s5  }
0xc: {  	s14 =	simm.s32 $0x5;
	s17 =	sshrl.u32 s15, $0x1;
	s9 =	sshrl.u32 s16, $0x2  }
0xd: {  	s26 =	sadd.s32 s23, s8;
	s16 =	simm.s32 $0x14400;
	s23 =	simm.s32 $0x14700  }
0xe: {  	[dreg:$0x9] =	wrdreg s29;
	s6 =	sadd.s32 s6, s7;
	s18 =	sadd.s32 s9, s2  }
0xf: {  	s20 =	sadd.s32 s10, s12;
	[dreg:$0xd] =	wrdreg s26;
	s31 =	sadd.s32 $0x280, s26  }
0x10: {  	s26 =	simm.s32 $0x14000;
	s7 =	simm.s32 $0x4;
	s6 =	sshll.u32 s6, $0x4  }
0x11: {  	s10 =	sadd.s32 $0x1400, s20;
	s22 =	sshrl.u32 s20, $0x3;
	[dreg:$0x6] =	wrdreg s31  }
0x12: {  	s12 =	sshrl.u32 s18, $0x3;
	s18 =	simm.s32 $0x14480;
	s20 =	simm.s32 $0x14580  }
0x13: {  	s0 =	sadd.s32 s6, s0;
	s6 =	ssub.s32 s15, s17;
	s24 =	sadd.s32 s22, s1  }
0x14: {  	s25 =	sshrl.u32 s10, $0x3;
	s15 =	simm.s32 $0x14800;
	[dreg:$0xf] =	wrdreg s12  }
0x15: {  	s17 =	simm.s32 $0x80;
	s19 =	sadd.s32 $0xAF200, s0;
	[dreg:$0x4] =	wrdreg s24  }
0x16: {  	s22 =	simm.s32 $0x14680;
	s0 =	sadd.s32 $0x5F200, s0;
	[dreg:$0xa] =	wrdreg s19  }
0x17: {  	s10 =	simm.s32 $0x0;
	s6 =	smax.u32 s6, $0x1;
	[dreg:$0xb] =	wrdreg s0  }
0x18: {  	s1 =	sadd.s32 s25, s1;
	s24 =	simm.s32 $0x14780;
	[dreg:$0xc] =	wrdreg s6  }
0x19: {  	s25 =	simm.s32 $0x1;
	s0 =	sadd.s32 s21, s5;
	[dreg:$0x5] =	wrdreg s1  }
0x1a: {  	s19 =	simm.s32 $0x14500;
	s21 =	simm.s32 $0x14600;
	s0 =	sshrl.u32 s0, $0x3  }
0x1b: {  	s6 =	simm.s32 $0x1A800;
	s5 =	simm.s32 $0x3;
	s9 =	sadd.s32 s0, s8  }
0x1c: {  	s0 =	simm.s32 $0x18800;
	s8 =	simm.s32 $0x2;
	[dreg:$0xe] =	wrdreg s9  }
.LBB2_1:
0x1d: {  	[dreg:$0x10] =	wrdreg s10  }
0x1e: {  	s1 =	rddreg [dreg:$0x7]  }
0x1f: {  	[spmem:s12], [sflag:s29] =	dma.local [hbm:s1], $0x2800  }
0x20: {  	_ =	swait.ge [sflag:s14], $0x2800  }
0x21: {  	[sflag:s14] =	ssyncset.done $0x0  }
0x22: {  	s13 =	rddreg [dreg:$0x8];
	[sflag:s14] =	ssyncadd.s32 $0xFFFFD800  }
0x23: {  	[tilespmem:s15], [sflag:$0x5] =	stream.linear.gather [hbm4b:s13+s3], $0x4000, $0x38;
	[tilespmem:$0x1C800] =	vst v63  }
0x24: {  	_ =	swait.ge [sflag:s14], $0x4000  }
0x25: {  	[sflag:s14] =	ssyncset.done $0x0  }
0x26: {  	[sflag:s14] =	ssyncadd.s32 $0xFFFFC000  }
0x27: {  	s29 =	sadd.s32 $0x0, s9;
	[bflag:$0x0] =	sbarrier.arrive $0xFFFF  }
0x28: {  	[tilespmem:s16], [sflag:$0x5] =	stream.linear.gather [hbm4b:s29+s3], $0x400, $0x38;
	[tilespmem:$0x1C800] =	vst v63  }
0x29: {  	_ =	swait.ge [sflag:s14], $0x400  }
0x2a: {  	[sflag:s14] =	ssyncset.done $0x0  }
0x2b: {  	[sflag:s14] =	ssyncadd.s32 $0xFFFFFC00  }
0x2c: {  	[spmem:s2] =	stream.indirect.scatter.add.f32 [tilespmem:s15], [sflag:$0x1], $0x80, s16, s17, $0xb8;
	[tilespmem:$0x1C800] =	vst v63  }
0x2d: {  	_ = 	snop  }
0x2e: {  	[spmem:s2] =	stream.indirect.scatter.add.f32 [tilespmem:s15], [sflag:$0x1], $0x80, s18, s17, $0xb8;
	[tilespmem:$0x1C800] =	vst v63  }
0x2f: {  	_ = 	snop  }
0x30: {  	[spmem:s2] =	stream.indirect.scatter.add.f32 [tilespmem:s15], [sflag:$0x1], $0x80, s19, s17, $0xb8;
	[tilespmem:$0x1C800] =	vst v63  }
0x31: {  	_ = 	snop  }
0x32: {  	[spmem:s2] =	stream.indirect.scatter.add.f32 [tilespmem:s15], [sflag:$0x1], $0x80, s20, s17, $0xb8;
	[tilespmem:$0x1C800] =	vst v63  }
0x33: {  	_ = 	snop  }
0x34: {  	[spmem:s2] =	stream.indirect.scatter.add.f32 [tilespmem:s15], [sflag:$0x1], $0x80, s21, s17, $0xb8;
	[tilespmem:$0x1C800] =	vst v63  }
0x35: {  	_ = 	snop  }
0x36: {  	[spmem:s2] =	stream.indirect.scatter.add.f32 [tilespmem:s15], [sflag:$0x1], $0x80, s22, s17, $0xb8;
	[tilespmem:$0x1C800] =	vst v63  }
0x37: {  	_ = 	snop  }
0x38: {  	[spmem:s2] =	stream.indirect.scatter.add.f32 [tilespmem:s15], [sflag:$0x1], $0x80, s23, s17, $0xb8;
	[tilespmem:$0x1C800] =	vst v63  }
0x39: {  	_ = 	snop  }
0x3a: {  	[spmem:s2] =	stream.indirect.scatter.add.f32 [tilespmem:s15], [sflag:$0x1], $0x80, s24, s17, $0xb8;
	[tilespmem:$0x1C800] =	vst v63  }
0x3b: {  	_ =	swait.ge [sflag:s25], $0x4000  }
0x3c: {  	[sflag:s25] =	ssyncset.done $0x0  }
0x3d: {  	[sflag:s25] =	ssyncadd.s32 $0xFFFFC000  }
0x3e: {  	_ =	swait.ge [sflag:s25], $0x4000  }
0x3f: {  	[sflag:s25] =	ssyncset.done $0x0  }
0x40: {  	[sflag:s25] =	ssyncadd.s32 $0xFFFFC000  }
0x41: {  	_ =	swait.ge [sflag:s25], $0x4000  }
0x42: {  	[sflag:s25] =	ssyncset.done $0x0  }
0x43: {  	[sflag:s25] =	ssyncadd.s32 $0xFFFFC000  }
0x44: {  	_ =	swait.ge [sflag:s25], $0x4000  }
0x45: {  	[sflag:s25] =	ssyncset.done $0x0  }
0x46: {  	[sflag:s25] =	ssyncadd.s32 $0xFFFFC000  }
0x47: {  	_ =	swait.ge [sflag:s25], $0x4000  }
0x48: {  	[sflag:s25] =	ssyncset.done $0x0  }
0x49: {  	[sflag:s25] =	ssyncadd.s32 $0xFFFFC000  }
0x4a: {  	_ =	swait.ge [sflag:s25], $0x4000  }
0x4b: {  	[sflag:s25] =	ssyncset.done $0x0  }
0x4c: {  	[sflag:s25] =	ssyncadd.s32 $0xFFFFC000  }
0x4d: {  	_ =	swait.ge [sflag:s25], $0x4000  }
0x4e: {  	[sflag:s25] =	ssyncset.done $0x0  }
0x4f: {  	[sflag:s25] =	ssyncadd.s32 $0xFFFFC000  }
0x50: {  	_ =	swait.ge [sflag:s25], $0x4000  }
0x51: {  	s31 =	simm.s32 $0x100;
	s12 =	simm.s32 $0x80;
	[sflag:s25] =	ssyncset.done $0x0  }
.LBB2_2:
0x52: {  	s1 =	sadd.s32 s12, s9  }
0x53: {  	[sflag:s25] =	ssyncadd.s32 $0xFFFFC000;
	s12 =	smov.u32 s31;
	s29 =	sadd.s32 $0x80, s31  }
0x54: {  	[tilespmem:s16], [sflag:$0x5] =	stream.linear.gather [hbm4b:s1+s3], $0x400, $0x38;
	[tilespmem:$0x1C800] =	vst v63  }
0x55: {  	p0 =	sne.s32 s31, $0x200;
	_ =	swait.ge [sflag:s14], $0x400  }
0x56: {  	[sflag:s14] =	ssyncset.done $0x0  }
0x57: {  	[sflag:s14] =	ssyncadd.s32 $0xFFFFFC00  }
0x58: {  	[spmem:s2] =	stream.indirect.scatter.add.f32 [tilespmem:s15], [sflag:$0x1], $0x80, s16, s17, $0xb8;
	[tilespmem:$0x1C800] =	vst v63  }
0x59: {  	_ = 	snop  }
0x5a: {  	[spmem:s2] =	stream.indirect.scatter.add.f32 [tilespmem:s15], [sflag:$0x1], $0x80, s18, s17, $0xb8;
	[tilespmem:$0x1C800] =	vst v63  }
0x5b: {  	_ = 	snop  }
0x5c: {  	[spmem:s2] =	stream.indirect.scatter.add.f32 [tilespmem:s15], [sflag:$0x1], $0x80, s19, s17, $0xb8;
	[tilespmem:$0x1C800] =	vst v63  }
0x5d: {  	_ = 	snop  }
0x5e: {  	[spmem:s2] =	stream.indirect.scatter.add.f32 [tilespmem:s15], [sflag:$0x1], $0x80, s20, s17, $0xb8;
	[tilespmem:$0x1C800] =	vst v63  }
0x5f: {  	_ = 	snop  }
0x60: {  	[spmem:s2] =	stream.indirect.scatter.add.f32 [tilespmem:s15], [sflag:$0x1], $0x80, s21, s17, $0xb8;
	[tilespmem:$0x1C800] =	vst v63  }
0x61: {  	_ = 	snop  }
0x62: {  	[spmem:s2] =	stream.indirect.scatter.add.f32 [tilespmem:s15], [sflag:$0x1], $0x80, s22, s17, $0xb8;
	[tilespmem:$0x1C800] =	vst v63  }
0x63: {  	_ = 	snop  }
0x64: {  	[spmem:s2] =	stream.indirect.scatter.add.f32 [tilespmem:s15], [sflag:$0x1], $0x80, s23, s17, $0xb8;
	[tilespmem:$0x1C800] =	vst v63  }
0x65: {  	_ = 	snop  }
0x66: {  	[spmem:s2] =	stream.indirect.scatter.add.f32 [tilespmem:s15], [sflag:$0x1], $0x80, s24, s17, $0xb8;
	[tilespmem:$0x1C800] =	vst v63  }
0x67: {  	_ =	swait.ge [sflag:s25], $0x4000  }
0x68: {  	[sflag:s25] =	ssyncset.done $0x0  }
0x69: {  	[sflag:s25] =	ssyncadd.s32 $0xFFFFC000  }
0x6a: {  	_ =	swait.ge [sflag:s25], $0x4000  }
0x6b: {  	[sflag:s25] =	ssyncset.done $0x0  }
0x6c: {  	[sflag:s25] =	ssyncadd.s32 $0xFFFFC000  }
0x6d: {  	_ =	swait.ge [sflag:s25], $0x4000  }
0x6e: {  	[sflag:s25] =	ssyncset.done $0x0  }
0x6f: {  	[sflag:s25] =	ssyncadd.s32 $0xFFFFC000  }
0x70: {  	_ =	swait.ge [sflag:s25], $0x4000  }
0x71: {  	[sflag:s25] =	ssyncset.done $0x0  }
0x72: {  	[sflag:s25] =	ssyncadd.s32 $0xFFFFC000  }
0x73: {  	_ =	swait.ge [sflag:s25], $0x4000  }
0x74: {  	[sflag:s25] =	ssyncset.done $0x0  }
0x75: {  	[sflag:s25] =	ssyncadd.s32 $0xFFFFC000  }
0x76: {  	_ =	swait.ge [sflag:s25], $0x4000  }
0x77: {  	[sflag:s25] =	ssyncset.done $0x0  }
0x78: {  	[sflag:s25] =	ssyncadd.s32 $0xFFFFC000  }
.Ltmp0:
0x79: {  	_ =	swait.ge [sflag:s25], $0x4000;
	(pc) =	sbr.rel @p0 .LBB2_2-.Ltmp0, $4  }
0x7a: {  	[sflag:s25] =	ssyncset.done $0x0  }
0x7b: {  	[sflag:s25] =	ssyncadd.s32 $0xFFFFC000  }
0x7c: {  	_ =	swait.ge [sflag:s25], $0x4000  }
0x7d: {  	s31 =	smov.u32 s29;
	[sflag:s25] =	ssyncset.done $0x0  }
0x7e: {  	s1 =	sadd.s32 s12, s9;
	[sflag:s25] =	ssyncadd.s32 $0xFFFFC000  }
0x7f: {  	[tilespmem:s16], [sflag:$0x5] =	stream.linear.gather [hbm4b:s1+s3], $0x400, $0x38;
	[tilespmem:$0x1C800] =	vst v63  }
0x80: {  	_ =	swait.ge [sflag:s14], $0x400  }
0x81: {  	[sflag:s14] =	ssyncset.done $0x0  }
0x82: {  	[sflag:s14] =	ssyncadd.s32 $0xFFFFFC00  }
0x83: {  	[spmem:s2] =	stream.indirect.scatter.add.f32 [tilespmem:s15], [sflag:$0x1], $0x80, s16, s17, $0xb8;
	[tilespmem:$0x1C800] =	vst v63  }
0x84: {  	_ = 	snop  }
0x85: {  	[spmem:s2] =	stream.indirect.scatter.add.f32 [tilespmem:s15], [sflag:$0x1], $0x80, s18, s17, $0xb8;
	[tilespmem:$0x1C800] =	vst v63  }
0x86: {  	_ = 	snop  }
0x87: {  	[spmem:s2] =	stream.indirect.scatter.add.f32 [tilespmem:s15], [sflag:$0x1], $0x80, s19, s17, $0xb8;
	[tilespmem:$0x1C800] =	vst v63  }
0x88: {  	_ = 	snop  }
0x89: {  	[spmem:s2] =	stream.indirect.scatter.add.f32 [tilespmem:s15], [sflag:$0x1], $0x80, s20, s17, $0xb8;
	[tilespmem:$0x1C800] =	vst v63  }
0x8a: {  	_ = 	snop  }
0x8b: {  	[spmem:s2] =	stream.indirect.scatter.add.f32 [tilespmem:s15], [sflag:$0x1], $0x80, s21, s17, $0xb8;
	[tilespmem:$0x1C800] =	vst v63  }
0x8c: {  	_ = 	snop  }
0x8d: {  	[spmem:s2] =	stream.indirect.scatter.add.f32 [tilespmem:s15], [sflag:$0x1], $0x80, s22, s17, $0xb8;
	[tilespmem:$0x1C800] =	vst v63  }
0x8e: {  	_ = 	snop  }
0x8f: {  	[spmem:s2] =	stream.indirect.scatter.add.f32 [tilespmem:s15], [sflag:$0x1], $0x80, s23, s17, $0xb8;
	[tilespmem:$0x1C800] =	vst v63  }
0x90: {  	_ = 	snop  }
0x91: {  	[spmem:s2] =	stream.indirect.scatter.add.f32 [tilespmem:s15], [sflag:$0x1], $0x80, s24, s17, $0xb8;
	[tilespmem:$0x1C800] =	vst v63  }
0x92: {  	_ =	swait.ge [sflag:s25], $0x4000  }
0x93: {  	[sflag:s25] =	ssyncset.done $0x0  }
0x94: {  	[sflag:s25] =	ssyncadd.s32 $0xFFFFC000  }
0x95: {  	_ =	swait.ge [sflag:s25], $0x4000  }
0x96: {  	[sflag:s25] =	ssyncset.done $0x0  }
0x97: {  	[sflag:s25] =	ssyncadd.s32 $0xFFFFC000  }
0x98: {  	_ =	swait.ge [sflag:s25], $0x4000  }
0x99: {  	[sflag:s25] =	ssyncset.done $0x0  }
0x9a: {  	[sflag:s25] =	ssyncadd.s32 $0xFFFFC000  }
0x9b: {  	_ =	swait.ge [sflag:s25], $0x4000  }
0x9c: {  	[sflag:s25] =	ssyncset.done $0x0  }
0x9d: {  	[sflag:s25] =	ssyncadd.s32 $0xFFFFC000  }
0x9e: {  	_ =	swait.ge [sflag:s25], $0x4000  }
0x9f: {  	[sflag:s25] =	ssyncset.done $0x0  }
0xa0: {  	[sflag:s25] =	ssyncadd.s32 $0xFFFFC000  }
0xa1: {  	_ =	swait.ge [sflag:s25], $0x4000  }
0xa2: {  	[sflag:s25] =	ssyncset.done $0x0  }
0xa3: {  	[sflag:s25] =	ssyncadd.s32 $0xFFFFC000  }
0xa4: {  	_ =	swait.ge [sflag:s25], $0x4000  }
0xa5: {  	[sflag:s25] =	ssyncset.done $0x0  }
0xa6: {  	[sflag:s25] =	ssyncadd.s32 $0xFFFFC000  }
0xa7: {  	_ =	swait.ge [sflag:s25], $0x4000  }
0xa8: {  	[sflag:s25] =	ssyncset.done $0x0  }
0xa9: {  	[sflag:s25] =	ssyncadd.s32 $0xFFFFC000  }
0xaa: {  	[bflag:$0x0] =	sbarrier.arrive $0xFFFF  }
0xab: {  	s3 =	rddreg [dreg:$0x9]  }
0xac: {  	s9 =	rddreg [dreg:$0xa]  }
0xad: {  	s10 =	rddreg [dreg:$0xf]  }
0xae: {  	[hbm:s9], [sflag:s3] =	dma.local [spmem:s10], $0x2800  }
0xaf: {  	_ =	swait.ge [sflag:s14], $0x2800  }
0xb0: {  	[sflag:s14] =	ssyncset.done $0x0  }
0xb1: {  	s11 =	rddreg [dreg:$0x7];
	[sflag:s14] =	ssyncadd.s32 $0xFFFFD800  }
0xb2: {  	[spmem:s10], [sflag:s3] =	dma.local [hbm:s11], $0x2800  }
0xb3: {  	_ =	swait.ge [sflag:s14], $0x2800  }
0xb4: {  	[sflag:s14] =	ssyncset.done $0x0  }
0xb5: {  	[sflag:s14] =	ssyncadd.s32 $0xFFFFD800  }
0xb6: {  	[bflag:$0x0] =	sbarrier.arrive $0xFFFF  }
0xb7: {  	s13 =	rddreg [dreg:$0x4]  }
0xb8: {  	s12 =	simm.s32 $0x0;
	s1 =	sadd.s32 $0x0, s13  }
0xb9: {  	[tilespmem:s26], [sflag:$0x5] =	stream.linear.gather [hbm4b:s1+s12], $0x400, $0x38;
	[tilespmem:$0x1C800] =	vst v63  }
0xba: {  	_ =	swait.ge [sflag:s14], $0x400  }
0xbb: {  	[sflag:s14] =	ssyncset.done $0x0;
	s9 =	rddreg [dreg:$0xd]  }
0xbc: {  	[sflag:s14] =	ssyncadd.s32 $0xFFFFFC00;
	s31 =	sadd.s32 $0x0, s9  }
0xbd: {  	[tilespmem:s16], [sflag:$0x5] =	stream.linear.gather [hbm4b:s31+s12], $0x400, $0x38;
	[tilespmem:$0x1C800] =	vst v63  }
0xbe: {  	_ =	swait.ge [sflag:s14], $0x400  }
0xbf: {  	[sflag:s14] =	ssyncset.done $0x0  }
0xc0: {  	[sflag:s14] =	ssyncadd.s32 $0xFFFFFC00  }
0xc1: {  	[tilespmem:s15], [sflag:$0x1] =	stream.indirect.gather [hbm4b:s4+s28], $0x80, s26, s28, $0xb8;
	[tilespmem:$0x1C800] =	vst v63  }
0xc2: {  	s10 =	simm.s32 $0x14040  }
0xc3: {  	[tilespmem:s30], [sflag:$0x2] =	stream.indirect.gather [hbm4b:s4+s28], $0x80, s10, s28, $0xb8;
	[tilespmem:$0x1C800] =	vst v63  }
0xc4: {  	s13 =	simm.s32 $0x14080  }
0xc5: {  	[tilespmem:s0], [sflag:$0x3] =	stream.indirect.gather [hbm4b:s4+s28], $0x80, s13, s28, $0xb8;
	[tilespmem:$0x1C800] =	vst v63  }
0xc6: {  	s11 =	simm.s32 $0x140C0  }
0xc7: {  	[tilespmem:s6], [sflag:$0x4] =	stream.indirect.gather [hbm4b:s4+s28], $0x80, s11, s28, $0xb8;
	[tilespmem:$0x1C800] =	vst v63  }
0xc8: {  	_ =	swait.ge [sflag:s25], $0x2000  }
0xc9: {  	[sflag:s25] =	ssyncset.done $0x0  }
0xca: {  	[sflag:s25] =	ssyncadd.s32 $0xFFFFE000  }
0xcb: {  	_ =	swait.ge [sflag:s8], $0x2000  }
0xcc: {  	[sflag:s8] =	ssyncset.done $0x0  }
0xcd: {  	[sflag:s8] =	ssyncadd.s32 $0xFFFFE000  }
0xce: {  	[spmem:s2] =	stream.indirect.scatter.add.f32 [tilespmem:s15], [sflag:$0x5], $0x80, s16, s17, $0xb8;
	[tilespmem:$0x1C800] =	vst v63  }
0xcf: {  	_ =	swait.ge [sflag:s14], $0x4000  }
0xd0: {  	[sflag:s14] =	ssyncset.done $0x0  }
0xd1: {  	s3 =	simm.s32 $0x14100;
	[sflag:s14] =	ssyncadd.s32 $0xFFFFC000  }
0xd2: {  	[tilespmem:s15], [sflag:$0x1] =	stream.indirect.gather [hbm4b:s4+s28], $0x80, s3, s28, $0xb8;
	[tilespmem:$0x1C800] =	vst v63  }
0xd3: {  	s31 =	simm.s32 $0x14140  }
0xd4: {  	[tilespmem:s30], [sflag:$0x2] =	stream.indirect.gather [hbm4b:s4+s28], $0x80, s31, s28, $0xb8;
	[tilespmem:$0x1C800] =	vst v63  }
0xd5: {  	_ =	swait.ge [sflag:s5], $0x2000  }
0xd6: {  	[sflag:s5] =	ssyncset.done $0x0  }
0xd7: {  	[sflag:s5] =	ssyncadd.s32 $0xFFFFE000  }
0xd8: {  	_ =	swait.ge [sflag:s7], $0x2000  }
0xd9: {  	[sflag:s7] =	ssyncset.done $0x0  }
0xda: {  	[sflag:s7] =	ssyncadd.s32 $0xFFFFE000  }
0xdb: {  	[spmem:s2] =	stream.indirect.scatter.add.f32 [tilespmem:s0], [sflag:$0x5], $0x80, s18, s17, $0xb8;
	[tilespmem:$0x1C800] =	vst v63  }
0xdc: {  	_ =	swait.ge [sflag:s14], $0x4000  }
0xdd: {  	[sflag:s14] =	ssyncset.done $0x0  }
0xde: {  	s3 =	simm.s32 $0x14180;
	[sflag:s14] =	ssyncadd.s32 $0xFFFFC000  }
0xdf: {  	[tilespmem:s0], [sflag:$0x3] =	stream.indirect.gather [hbm4b:s4+s28], $0x80, s3, s28, $0xb8;
	[tilespmem:$0x1C800] =	vst v63  }
0xe0: {  	s31 =	simm.s32 $0x141C0  }
0xe1: {  	[tilespmem:s6], [sflag:$0x4] =	stream.indirect.gather [hbm4b:s4+s28], $0x80, s31, s28, $0xb8;
	[tilespmem:$0x1C800] =	vst v63  }
0xe2: {  	_ =	swait.ge [sflag:s25], $0x2000  }
0xe3: {  	[sflag:s25] =	ssyncset.done $0x0  }
0xe4: {  	[sflag:s25] =	ssyncadd.s32 $0xFFFFE000  }
0xe5: {  	_ =	swait.ge [sflag:s8], $0x2000  }
0xe6: {  	[sflag:s8] =	ssyncset.done $0x0  }
0xe7: {  	[sflag:s8] =	ssyncadd.s32 $0xFFFFE000  }
0xe8: {  	[spmem:s2] =	stream.indirect.scatter.add.f32 [tilespmem:s15], [sflag:$0x5], $0x80, s19, s17, $0xb8;
	[tilespmem:$0x1C800] =	vst v63  }
0xe9: {  	_ =	swait.ge [sflag:s14], $0x4000  }
0xea: {  	[sflag:s14] =	ssyncset.done $0x0  }
0xeb: {  	s3 =	simm.s32 $0x14200;
	[sflag:s14] =	ssyncadd.s32 $0xFFFFC000  }
0xec: {  	[tilespmem:s15], [sflag:$0x1] =	stream.indirect.gather [hbm4b:s4+s28], $0x80, s3, s28, $0xb8;
	[tilespmem:$0x1C800] =	vst v63  }
0xed: {  	s31 =	simm.s32 $0x14240  }
0xee: {  	[tilespmem:s30], [sflag:$0x2] =	stream.indirect.gather [hbm4b:s4+s28], $0x80, s31, s28, $0xb8;
	[tilespmem:$0x1C800] =	vst v63  }
0xef: {  	_ =	swait.ge [sflag:s5], $0x2000  }
0xf0: {  	[sflag:s5] =	ssyncset.done $0x0  }
0xf1: {  	[sflag:s5] =	ssyncadd.s32 $0xFFFFE000  }
0xf2: {  	_ =	swait.ge [sflag:s7], $0x2000  }
0xf3: {  	[sflag:s7] =	ssyncset.done $0x0  }
0xf4: {  	[sflag:s7] =	ssyncadd.s32 $0xFFFFE000  }
0xf5: {  	[spmem:s2] =	stream.indirect.scatter.add.f32 [tilespmem:s0], [sflag:$0x5], $0x80, s20, s17, $0xb8;
	[tilespmem:$0x1C800] =	vst v63  }
0xf6: {  	_ =	swait.ge [sflag:s14], $0x4000  }
0xf7: {  	[sflag:s14] =	ssyncset.done $0x0  }
0xf8: {  	s3 =	simm.s32 $0x14280;
	[sflag:s14] =	ssyncadd.s32 $0xFFFFC000  }
0xf9: {  	[tilespmem:s0], [sflag:$0x3] =	stream.indirect.gather [hbm4b:s4+s28], $0x80, s3, s28, $0xb8;
	[tilespmem:$0x1C800] =	vst v63  }
0xfa: {  	s31 =	simm.s32 $0x142C0  }
0xfb: {  	[tilespmem:s6], [sflag:$0x4] =	stream.indirect.gather [hbm4b:s4+s28], $0x80, s31, s28, $0xb8;
	[tilespmem:$0x1C800] =	vst v63  }
0xfc: {  	_ =	swait.ge [sflag:s25], $0x2000  }
0xfd: {  	[sflag:s25] =	ssyncset.done $0x0  }
0xfe: {  	[sflag:s25] =	ssyncadd.s32 $0xFFFFE000  }
0xff: {  	_ =	swait.ge [sflag:s8], $0x2000  }
0x100: {  	[sflag:s8] =	ssyncset.done $0x0  }
0x101: {  	[sflag:s8] =	ssyncadd.s32 $0xFFFFE000  }
0x102: {  	[spmem:s2] =	stream.indirect.scatter.add.f32 [tilespmem:s15], [sflag:$0x5], $0x80, s21, s17, $0xb8;
	[tilespmem:$0x1C800] =	vst v63  }
0x103: {  	_ =	swait.ge [sflag:s14], $0x4000  }
0x104: {  	[sflag:s14] =	ssyncset.done $0x0  }
0x105: {  	s3 =	simm.s32 $0x14300;
	[sflag:s14] =	ssyncadd.s32 $0xFFFFC000  }
0x106: {  	[tilespmem:s15], [sflag:$0x1] =	stream.indirect.gather [hbm4b:s4+s28], $0x80, s3, s28, $0xb8;
	[tilespmem:$0x1C800] =	vst v63  }
0x107: {  	s31 =	simm.s32 $0x14340  }
0x108: {  	[tilespmem:s30], [sflag:$0x2] =	stream.indirect.gather [hbm4b:s4+s28], $0x80, s31, s28, $0xb8;
	[tilespmem:$0x1C800] =	vst v63  }
0x109: {  	_ =	swait.ge [sflag:s5], $0x2000  }
0x10a: {  	[sflag:s5] =	ssyncset.done $0x0  }
0x10b: {  	[sflag:s5] =	ssyncadd.s32 $0xFFFFE000  }
0x10c: {  	_ =	swait.ge [sflag:s7], $0x2000  }
0x10d: {  	[sflag:s7] =	ssyncset.done $0x0  }
0x10e: {  	[sflag:s7] =	ssyncadd.s32 $0xFFFFE000  }
0x10f: {  	[spmem:s2] =	stream.indirect.scatter.add.f32 [tilespmem:s0], [sflag:$0x5], $0x80, s22, s17, $0xb8;
	[tilespmem:$0x1C800] =	vst v63  }
0x110: {  	_ =	swait.ge [sflag:s14], $0x4000  }
0x111: {  	[sflag:s14] =	ssyncset.done $0x0  }
0x112: {  	s3 =	simm.s32 $0x14380;
	[sflag:s14] =	ssyncadd.s32 $0xFFFFC000  }
0x113: {  	[tilespmem:s0], [sflag:$0x3] =	stream.indirect.gather [hbm4b:s4+s28], $0x80, s3, s28, $0xb8;
	[tilespmem:$0x1C800] =	vst v63  }
0x114: {  	s31 =	simm.s32 $0x143C0  }
0x115: {  	[tilespmem:s6], [sflag:$0x4] =	stream.indirect.gather [hbm4b:s4+s28], $0x80, s31, s28, $0xb8;
	[tilespmem:$0x1C800] =	vst v63  }
0x116: {  	_ =	swait.ge [sflag:s25], $0x2000  }
0x117: {  	[sflag:s25] =	ssyncset.done $0x0  }
0x118: {  	[sflag:s25] =	ssyncadd.s32 $0xFFFFE000  }
0x119: {  	_ =	swait.ge [sflag:s8], $0x2000  }
0x11a: {  	[sflag:s8] =	ssyncset.done $0x0  }
0x11b: {  	[sflag:s8] =	ssyncadd.s32 $0xFFFFE000  }
0x11c: {  	[spmem:s2] =	stream.indirect.scatter.add.f32 [tilespmem:s15], [sflag:$0x5], $0x80, s23, s17, $0xb8;
	[tilespmem:$0x1C800] =	vst v63  }
0x11d: {  	_ =	swait.ge [sflag:s14], $0x4000  }
0x11e: {  	[sflag:s14] =	ssyncset.done $0x0  }
0x11f: {  	[sflag:s14] =	ssyncadd.s32 $0xFFFFC000  }
0x120: {  	_ =	swait.ge [sflag:s5], $0x2000  }
0x121: {  	[sflag:s5] =	ssyncset.done $0x0  }
0x122: {  	[sflag:s5] =	ssyncadd.s32 $0xFFFFE000  }
0x123: {  	_ =	swait.ge [sflag:s7], $0x2000  }
0x124: {  	[sflag:s7] =	ssyncset.done $0x0  }
0x125: {  	[sflag:s7] =	ssyncadd.s32 $0xFFFFE000  }
0x126: {  	[spmem:s2] =	stream.indirect.scatter.add.f32 [tilespmem:s0], [sflag:$0x5], $0x80, s24, s17, $0xb8;
	[tilespmem:$0x1C800] =	vst v63  }
0x127: {  	s29 =	simm.s32 $0x80;
	_ =	swait.ge [sflag:s14], $0x4000  }
.LBB2_4:
0x128: {  	s1 =	rddreg [dreg:$0x4];
	s31 =	smov.u32 s29;
	[sflag:s14] =	ssyncset.done $0x0  }
0x129: {  	s1 =	sadd.s32 s31, s1;
	[sflag:s14] =	ssyncadd.s32 $0xFFFFC000  }
0x12a: {  	[tilespmem:s26], [sflag:$0x5] =	stream.linear.gather [hbm4b:s1+s12], $0x400, $0x38;
	[tilespmem:$0x1C800] =	vst v63  }
0x12b: {  	_ =	swait.ge [sflag:s14], $0x400  }
0x12c: {  	[sflag:s14] =	ssyncset.done $0x0  }
0x12d: {  	s1 =	sadd.s32 s31, s9;
	[sflag:s14] =	ssyncadd.s32 $0xFFFFFC00  }
0x12e: {  	[tilespmem:s16], [sflag:$0x5] =	stream.linear.gather [hbm4b:s1+s12], $0x400, $0x38;
	[tilespmem:$0x1C800] =	vst v63  }
0x12f: {  	_ =	swait.ge [sflag:s14], $0x400  }
0x130: {  	[sflag:s14] =	ssyncset.done $0x0  }
0x131: {  	[sflag:s14] =	ssyncadd.s32 $0xFFFFFC00  }
0x132: {  	[tilespmem:s15], [sflag:$0x1] =	stream.indirect.gather [hbm4b:s4+s28], $0x80, s26, s28, $0xb8;
	[tilespmem:$0x1C800] =	vst v63  }
0x133: {  	_ = 	snop  }
0x134: {  	[tilespmem:s30], [sflag:$0x2] =	stream.indirect.gather [hbm4b:s4+s28], $0x80, s10, s28, $0xb8;
	[tilespmem:$0x1C800] =	vst v63  }
0x135: {  	_ = 	snop  }
0x136: {  	[tilespmem:s0], [sflag:$0x3] =	stream.indirect.gather [hbm4b:s4+s28], $0x80, s13, s28, $0xb8;
	[tilespmem:$0x1C800] =	vst v63  }
0x137: {  	_ = 	snop  }
0x138: {  	[tilespmem:s6], [sflag:$0x4] =	stream.indirect.gather [hbm4b:s4+s28], $0x80, s11, s28, $0xb8;
	[tilespmem:$0x1C800] =	vst v63  }
0x139: {  	_ =	swait.ge [sflag:s25], $0x2000  }
0x13a: {  	[sflag:s25] =	ssyncset.done $0x0  }
0x13b: {  	[sflag:s25] =	ssyncadd.s32 $0xFFFFE000  }
0x13c: {  	_ =	swait.ge [sflag:s8], $0x2000  }
0x13d: {  	[sflag:s8] =	ssyncset.done $0x0  }
0x13e: {  	[sflag:s8] =	ssyncadd.s32 $0xFFFFE000  }
0x13f: {  	[spmem:s2] =	stream.indirect.scatter.add.f32 [tilespmem:s15], [sflag:$0x5], $0x80, s16, s17, $0xb8;
	[tilespmem:$0x1C800] =	vst v63  }
0x140: {  	_ =	swait.ge [sflag:s14], $0x4000  }
0x141: {  	[sflag:s14] =	ssyncset.done $0x0  }
0x142: {  	s1 =	simm.s32 $0x14100;
	[sflag:s14] =	ssyncadd.s32 $0xFFFFC000  }
0x143: {  	[tilespmem:s15], [sflag:$0x1] =	stream.indirect.gather [hbm4b:s4+s28], $0x80, s1, s28, $0xb8;
	[tilespmem:$0x1C800] =	vst v63  }
0x144: {  	s3 =	simm.s32 $0x14140  }
0x145: {  	[tilespmem:s30], [sflag:$0x2] =	stream.indirect.gather [hbm4b:s4+s28], $0x80, s3, s28, $0xb8;
	[tilespmem:$0x1C800] =	vst v63  }
0x146: {  	_ =	swait.ge [sflag:s5], $0x2000  }
0x147: {  	[sflag:s5] =	ssyncset.done $0x0  }
0x148: {  	[sflag:s5] =	ssyncadd.s32 $0xFFFFE000  }
0x149: {  	_ =	swait.ge [sflag:s7], $0x2000  }
0x14a: {  	[sflag:s7] =	ssyncset.done $0x0  }
0x14b: {  	[sflag:s7] =	ssyncadd.s32 $0xFFFFE000  }
0x14c: {  	[spmem:s2] =	stream.indirect.scatter.add.f32 [tilespmem:s0], [sflag:$0x5], $0x80, s18, s17, $0xb8;
	[tilespmem:$0x1C800] =	vst v63  }
0x14d: {  	_ =	swait.ge [sflag:s14], $0x4000  }
0x14e: {  	[sflag:s14] =	ssyncset.done $0x0  }
0x14f: {  	s31 =	simm.s32 $0x14180;
	[sflag:s14] =	ssyncadd.s32 $0xFFFFC000  }
0x150: {  	[tilespmem:s0], [sflag:$0x3] =	stream.indirect.gather [hbm4b:s4+s28], $0x80, s31, s28, $0xb8;
	[tilespmem:$0x1C800] =	vst v63  }
0x151: {  	s1 =	simm.s32 $0x141C0  }
0x152: {  	[tilespmem:s6], [sflag:$0x4] =	stream.indirect.gather [hbm4b:s4+s28], $0x80, s1, s28, $0xb8;
	[tilespmem:$0x1C800] =	vst v63  }
0x153: {  	_ =	swait.ge [sflag:s25], $0x2000  }
0x154: {  	[sflag:s25] =	ssyncset.done $0x0  }
0x155: {  	[sflag:s25] =	ssyncadd.s32 $0xFFFFE000  }
0x156: {  	_ =	swait.ge [sflag:s8], $0x2000  }
0x157: {  	[sflag:s8] =	ssyncset.done $0x0  }
0x158: {  	[sflag:s8] =	ssyncadd.s32 $0xFFFFE000  }
0x159: {  	[spmem:s2] =	stream.indirect.scatter.add.f32 [tilespmem:s15], [sflag:$0x5], $0x80, s19, s17, $0xb8;
	[tilespmem:$0x1C800] =	vst v63  }
0x15a: {  	_ =	swait.ge [sflag:s14], $0x4000  }
0x15b: {  	[sflag:s14] =	ssyncset.done $0x0  }
0x15c: {  	s1 =	simm.s32 $0x14200;
	[sflag:s14] =	ssyncadd.s32 $0xFFFFC000  }
0x15d: {  	[tilespmem:s15], [sflag:$0x1] =	stream.indirect.gather [hbm4b:s4+s28], $0x80, s1, s28, $0xb8;
	[tilespmem:$0x1C800] =	vst v63  }
0x15e: {  	s1 =	simm.s32 $0x14240  }
0x15f: {  	[tilespmem:s30], [sflag:$0x2] =	stream.indirect.gather [hbm4b:s4+s28], $0x80, s1, s28, $0xb8;
	[tilespmem:$0x1C800] =	vst v63  }
0x160: {  	_ =	swait.ge [sflag:s5], $0x2000  }
0x161: {  	[sflag:s5] =	ssyncset.done $0x0  }
0x162: {  	[sflag:s5] =	ssyncadd.s32 $0xFFFFE000  }
0x163: {  	_ =	swait.ge [sflag:s7], $0x2000  }
0x164: {  	[sflag:s7] =	ssyncset.done $0x0  }
0x165: {  	[sflag:s7] =	ssyncadd.s32 $0xFFFFE000  }
0x166: {  	[spmem:s2] =	stream.indirect.scatter.add.f32 [tilespmem:s0], [sflag:$0x5], $0x80, s20, s17, $0xb8;
	[tilespmem:$0x1C800] =	vst v63  }
0x167: {  	_ =	swait.ge [sflag:s14], $0x4000  }
0x168: {  	[sflag:s14] =	ssyncset.done $0x0  }
0x169: {  	s1 =	simm.s32 $0x14280;
	[sflag:s14] =	ssyncadd.s32 $0xFFFFC000  }
0x16a: {  	[tilespmem:s0], [sflag:$0x3] =	stream.indirect.gather [hbm4b:s4+s28], $0x80, s1, s28, $0xb8;
	[tilespmem:$0x1C800] =	vst v63  }
0x16b: {  	s1 =	simm.s32 $0x142C0  }
0x16c: {  	[tilespmem:s6], [sflag:$0x4] =	stream.indirect.gather [hbm4b:s4+s28], $0x80, s1, s28, $0xb8;
	[tilespmem:$0x1C800] =	vst v63  }
0x16d: {  	_ =	swait.ge [sflag:s25], $0x2000  }
0x16e: {  	[sflag:s25] =	ssyncset.done $0x0  }
0x16f: {  	[sflag:s25] =	ssyncadd.s32 $0xFFFFE000  }
0x170: {  	_ =	swait.ge [sflag:s8], $0x2000  }
0x171: {  	[sflag:s8] =	ssyncset.done $0x0  }
0x172: {  	[sflag:s8] =	ssyncadd.s32 $0xFFFFE000  }
0x173: {  	[spmem:s2] =	stream.indirect.scatter.add.f32 [tilespmem:s15], [sflag:$0x5], $0x80, s21, s17, $0xb8;
	[tilespmem:$0x1C800] =	vst v63  }
0x174: {  	_ =	swait.ge [sflag:s14], $0x4000  }
0x175: {  	[sflag:s14] =	ssyncset.done $0x0  }
0x176: {  	s1 =	simm.s32 $0x14300;
	[sflag:s14] =	ssyncadd.s32 $0xFFFFC000  }
0x177: {  	[tilespmem:s15], [sflag:$0x1] =	stream.indirect.gather [hbm4b:s4+s28], $0x80, s1, s28, $0xb8;
	[tilespmem:$0x1C800] =	vst v63  }
0x178: {  	s1 =	simm.s32 $0x14340  }
0x179: {  	[tilespmem:s30], [sflag:$0x2] =	stream.indirect.gather [hbm4b:s4+s28], $0x80, s1, s28, $0xb8;
	[tilespmem:$0x1C800] =	vst v63  }
0x17a: {  	_ =	swait.ge [sflag:s5], $0x2000  }
0x17b: {  	[sflag:s5] =	ssyncset.done $0x0  }
0x17c: {  	[sflag:s5] =	ssyncadd.s32 $0xFFFFE000  }
0x17d: {  	_ =	swait.ge [sflag:s7], $0x2000  }
0x17e: {  	[sflag:s7] =	ssyncset.done $0x0  }
0x17f: {  	[sflag:s7] =	ssyncadd.s32 $0xFFFFE000  }
0x180: {  	[spmem:s2] =	stream.indirect.scatter.add.f32 [tilespmem:s0], [sflag:$0x5], $0x80, s22, s17, $0xb8;
	[tilespmem:$0x1C800] =	vst v63  }
0x181: {  	_ =	swait.ge [sflag:s14], $0x4000  }
0x182: {  	[sflag:s14] =	ssyncset.done $0x0  }
0x183: {  	s1 =	simm.s32 $0x14380;
	[sflag:s14] =	ssyncadd.s32 $0xFFFFC000  }
0x184: {  	[tilespmem:s0], [sflag:$0x3] =	stream.indirect.gather [hbm4b:s4+s28], $0x80, s1, s28, $0xb8;
	[tilespmem:$0x1C800] =	vst v63  }
0x185: {  	s1 =	simm.s32 $0x143C0  }
0x186: {  	[tilespmem:s6], [sflag:$0x4] =	stream.indirect.gather [hbm4b:s4+s28], $0x80, s1, s28, $0xb8;
	[tilespmem:$0x1C800] =	vst v63  }
0x187: {  	_ =	swait.ge [sflag:s25], $0x2000  }
0x188: {  	[sflag:s25] =	ssyncset.done $0x0  }
0x189: {  	[sflag:s25] =	ssyncadd.s32 $0xFFFFE000  }
0x18a: {  	_ =	swait.ge [sflag:s8], $0x2000  }
0x18b: {  	[sflag:s8] =	ssyncset.done $0x0  }
0x18c: {  	[sflag:s8] =	ssyncadd.s32 $0xFFFFE000  }
0x18d: {  	[spmem:s2] =	stream.indirect.scatter.add.f32 [tilespmem:s15], [sflag:$0x5], $0x80, s23, s17, $0xb8;
	[tilespmem:$0x1C800] =	vst v63  }
0x18e: {  	_ =	swait.ge [sflag:s14], $0x4000  }
0x18f: {  	[sflag:s14] =	ssyncset.done $0x0  }
0x190: {  	[sflag:s14] =	ssyncadd.s32 $0xFFFFC000  }
0x191: {  	_ =	swait.ge [sflag:s5], $0x2000  }
0x192: {  	[sflag:s5] =	ssyncset.done $0x0  }
0x193: {  	p0 =	sne.s32 s29, $0x200;
	[sflag:s5] =	ssyncadd.s32 $0xFFFFE000  }
.Ltmp1:
0x194: {  	_ =	swait.ge [sflag:s7], $0x2000;
	(pc) =	sbr.rel @p0 .LBB2_4-.Ltmp1, $4  }
0x195: {  	[sflag:s7] =	ssyncset.done $0x0  }
0x196: {  	[sflag:s7] =	ssyncadd.s32 $0xFFFFE000  }
0x197: {  	[spmem:s2] =	stream.indirect.scatter.add.f32 [tilespmem:s0], [sflag:$0x5], $0x80, s24, s17, $0xb8;
	[tilespmem:$0x1C800] =	vst v63  }
0x198: {  	s29 =	sadd.s32 $0x80, s29;
	_ =	swait.ge [sflag:s14], $0x4000  }
0x199: {  	s1 =	rddreg [dreg:$0x5];
	[sflag:s14] =	ssyncset.done $0x0  }
0x19a: {  	s18 =	simm.s32 $0x0;
	[sflag:s14] =	ssyncadd.s32 $0xFFFFC000;
	s1 =	sadd.s32 $0x0, s1  }
0x19b: {  	[tilespmem:s26], [sflag:$0x5] =	stream.linear.gather [hbm4b:s1+s18], $0x400, $0x38;
	[tilespmem:$0x1C800] =	vst v63  }
0x19c: {  	_ =	swait.ge [sflag:s14], $0x400  }
0x19d: {  	s23 =	rddreg [dreg:$0x6];
	[sflag:s14] =	ssyncset.done $0x0  }
0x19e: {  	[sflag:s14] =	ssyncadd.s32 $0xFFFFFC00;
	s1 =	sadd.s32 $0x0, s23  }
0x19f: {  	[tilespmem:s16], [sflag:$0x5] =	stream.linear.gather [hbm4b:s1+s18], $0x400, $0x38;
	[tilespmem:$0x1C800] =	vst v63  }
0x1a0: {  	_ =	swait.ge [sflag:s14], $0x400  }
0x1a1: {  	[sflag:s14] =	ssyncset.done $0x0  }
0x1a2: {  	[sflag:s14] =	ssyncadd.s32 $0xFFFFFC00  }
0x1a3: {  	[tilespmem:s15], [sflag:$0x1] =	stream.indirect.gather [hbm4b:s4+s28], $0x80, s26, s28, $0xb8;
	[tilespmem:$0x1C800] =	vst v63  }
0x1a4: {  	_ = 	snop  }
0x1a5: {  	[tilespmem:s30], [sflag:$0x2] =	stream.indirect.gather [hbm4b:s4+s28], $0x80, s10, s28, $0xb8;
	[tilespmem:$0x1C800] =	vst v63  }
0x1a6: {  	_ = 	snop  }
0x1a7: {  	[tilespmem:s0], [sflag:$0x3] =	stream.indirect.gather [hbm4b:s4+s28], $0x80, s13, s28, $0xb8;
	[tilespmem:$0x1C800] =	vst v63  }
0x1a8: {  	_ = 	snop  }
0x1a9: {  	[tilespmem:s6], [sflag:$0x4] =	stream.indirect.gather [hbm4b:s4+s28], $0x80, s11, s28, $0xb8;
	[tilespmem:$0x1C800] =	vst v63  }
0x1aa: {  	_ =	swait.ge [sflag:s25], $0x2000  }
0x1ab: {  	[sflag:s25] =	ssyncset.done $0x0  }
0x1ac: {  	[sflag:s25] =	ssyncadd.s32 $0xFFFFE000  }
0x1ad: {  	_ =	swait.ge [sflag:s8], $0x2000  }
0x1ae: {  	[sflag:s8] =	ssyncset.done $0x0  }
0x1af: {  	[sflag:s8] =	ssyncadd.s32 $0xFFFFE000  }
0x1b0: {  	[spmem:s2] =	stream.indirect.scatter.add.f32 [tilespmem:s15], [sflag:$0x5], $0x80, s16, s17, $0xb8;
	[tilespmem:$0x1C800] =	vst v63  }
0x1b1: {  	_ =	swait.ge [sflag:s14], $0x4000  }
0x1b2: {  	[sflag:s14] =	ssyncset.done $0x0  }
0x1b3: {  	s24 =	simm.s32 $0x14100;
	[sflag:s14] =	ssyncadd.s32 $0xFFFFC000  }
0x1b4: {  	[tilespmem:s15], [sflag:$0x1] =	stream.indirect.gather [hbm4b:s4+s28], $0x80, s24, s28, $0xb8;
	[tilespmem:$0x1C800] =	vst v63  }
0x1b5: {  	_ = 	snop  }
0x1b6: {  	[tilespmem:s30], [sflag:$0x2] =	stream.indirect.gather [hbm4b:s4+s28], $0x80, s3, s28, $0xb8;
	[tilespmem:$0x1C800] =	vst v63  }
0x1b7: {  	_ =	swait.ge [sflag:s5], $0x2000  }
0x1b8: {  	[sflag:s5] =	ssyncset.done $0x0  }
0x1b9: {  	[sflag:s5] =	ssyncadd.s32 $0xFFFFE000  }
0x1ba: {  	_ =	swait.ge [sflag:s7], $0x2000  }
0x1bb: {  	[sflag:s7] =	ssyncset.done $0x0  }
0x1bc: {  	s9 =	simm.s32 $0x14480;
	[sflag:s7] =	ssyncadd.s32 $0xFFFFE000  }
0x1bd: {  	[spmem:s2] =	stream.indirect.scatter.add.f32 [tilespmem:s0], [sflag:$0x5], $0x80, s9, s17, $0xb8;
	[tilespmem:$0x1C800] =	vst v63  }
0x1be: {  	_ =	swait.ge [sflag:s14], $0x4000  }
0x1bf: {  	[sflag:s14] =	ssyncset.done $0x0  }
0x1c0: {  	[sflag:s14] =	ssyncadd.s32 $0xFFFFC000  }
0x1c1: {  	[tilespmem:s0], [sflag:$0x3] =	stream.indirect.gather [hbm4b:s4+s28], $0x80, s31, s28, $0xb8;
	[tilespmem:$0x1C800] =	vst v63  }
0x1c2: {  	s11 =	simm.s32 $0x141C0  }
0x1c3: {  	[tilespmem:s6], [sflag:$0x4] =	stream.indirect.gather [hbm4b:s4+s28], $0x80, s11, s28, $0xb8;
	[tilespmem:$0x1C800] =	vst v63  }
0x1c4: {  	_ =	swait.ge [sflag:s25], $0x2000  }
0x1c5: {  	[sflag:s25] =	ssyncset.done $0x0  }
0x1c6: {  	[sflag:s25] =	ssyncadd.s32 $0xFFFFE000  }
0x1c7: {  	_ =	swait.ge [sflag:s8], $0x2000  }
0x1c8: {  	[sflag:s8] =	ssyncset.done $0x0  }
0x1c9: {  	s10 =	simm.s32 $0x14500;
	[sflag:s8] =	ssyncadd.s32 $0xFFFFE000  }
0x1ca: {  	[spmem:s2] =	stream.indirect.scatter.add.f32 [tilespmem:s15], [sflag:$0x5], $0x80, s10, s17, $0xb8;
	[tilespmem:$0x1C800] =	vst v63  }
0x1cb: {  	_ =	swait.ge [sflag:s14], $0x4000  }
0x1cc: {  	[sflag:s14] =	ssyncset.done $0x0  }
0x1cd: {  	s13 =	simm.s32 $0x14200;
	[sflag:s14] =	ssyncadd.s32 $0xFFFFC000  }
0x1ce: {  	[tilespmem:s15], [sflag:$0x1] =	stream.indirect.gather [hbm4b:s4+s28], $0x80, s13, s28, $0xb8;
	[tilespmem:$0x1C800] =	vst v63  }
0x1cf: {  	s19 =	simm.s32 $0x14240  }
0x1d0: {  	[tilespmem:s30], [sflag:$0x2] =	stream.indirect.gather [hbm4b:s4+s28], $0x80, s19, s28, $0xb8;
	[tilespmem:$0x1C800] =	vst v63  }
0x1d1: {  	_ =	swait.ge [sflag:s5], $0x2000  }
0x1d2: {  	[sflag:s5] =	ssyncset.done $0x0  }
0x1d3: {  	[sflag:s5] =	ssyncadd.s32 $0xFFFFE000  }
0x1d4: {  	_ =	swait.ge [sflag:s7], $0x2000  }
0x1d5: {  	[sflag:s7] =	ssyncset.done $0x0  }
0x1d6: {  	s12 =	simm.s32 $0x14580;
	[sflag:s7] =	ssyncadd.s32 $0xFFFFE000  }
0x1d7: {  	[spmem:s2] =	stream.indirect.scatter.add.f32 [tilespmem:s0], [sflag:$0x5], $0x80, s12, s17, $0xb8;
	[tilespmem:$0x1C800] =	vst v63  }
0x1d8: {  	_ =	swait.ge [sflag:s14], $0x4000  }
0x1d9: {  	[sflag:s14] =	ssyncset.done $0x0  }
0x1da: {  	s23 =	simm.s32 $0x14280;
	[sflag:s14] =	ssyncadd.s32 $0xFFFFC000  }
0x1db: {  	[tilespmem:s0], [sflag:$0x3] =	stream.indirect.gather [hbm4b:s4+s28], $0x80, s23, s28, $0xb8;
	[tilespmem:$0x1C800] =	vst v63  }
0x1dc: {  	s24 =	simm.s32 $0x142C0  }
0x1dd: {  	[tilespmem:s6], [sflag:$0x4] =	stream.indirect.gather [hbm4b:s4+s28], $0x80, s24, s28, $0xb8;
	[tilespmem:$0x1C800] =	vst v63  }
0x1de: {  	_ =	swait.ge [sflag:s25], $0x2000  }
0x1df: {  	[sflag:s25] =	ssyncset.done $0x0  }
0x1e0: {  	[sflag:s25] =	ssyncadd.s32 $0xFFFFE000  }
0x1e1: {  	_ =	swait.ge [sflag:s8], $0x2000  }
0x1e2: {  	[sflag:s8] =	ssyncset.done $0x0  }
0x1e3: {  	s20 =	simm.s32 $0x14600;
	[sflag:s8] =	ssyncadd.s32 $0xFFFFE000  }
0x1e4: {  	[spmem:s2] =	stream.indirect.scatter.add.f32 [tilespmem:s15], [sflag:$0x5], $0x80, s20, s17, $0xb8;
	[tilespmem:$0x1C800] =	vst v63  }
0x1e5: {  	_ =	swait.ge [sflag:s14], $0x4000  }
0x1e6: {  	[sflag:s14] =	ssyncset.done $0x0  }
0x1e7: {  	s10 =	simm.s32 $0x14300;
	[sflag:s14] =	ssyncadd.s32 $0xFFFFC000  }
0x1e8: {  	[tilespmem:s15], [sflag:$0x1] =	stream.indirect.gather [hbm4b:s4+s28], $0x80, s10, s28, $0xb8;
	[tilespmem:$0x1C800] =	vst v63  }
0x1e9: {  	s11 =	simm.s32 $0x14340  }
0x1ea: {  	[tilespmem:s30], [sflag:$0x2] =	stream.indirect.gather [hbm4b:s4+s28], $0x80, s11, s28, $0xb8;
	[tilespmem:$0x1C800] =	vst v63  }
0x1eb: {  	_ =	swait.ge [sflag:s5], $0x2000  }
0x1ec: {  	[sflag:s5] =	ssyncset.done $0x0  }
0x1ed: {  	[sflag:s5] =	ssyncadd.s32 $0xFFFFE000  }
0x1ee: {  	_ =	swait.ge [sflag:s7], $0x2000  }
0x1ef: {  	[sflag:s7] =	ssyncset.done $0x0  }
0x1f0: {  	s9 =	simm.s32 $0x14680;
	[sflag:s7] =	ssyncadd.s32 $0xFFFFE000  }
0x1f1: {  	[spmem:s2] =	stream.indirect.scatter.add.f32 [tilespmem:s0], [sflag:$0x5], $0x80, s9, s17, $0xb8;
	[tilespmem:$0x1C800] =	vst v63  }
0x1f2: {  	_ =	swait.ge [sflag:s14], $0x4000  }
0x1f3: {  	[sflag:s14] =	ssyncset.done $0x0  }
0x1f4: {  	s13 =	simm.s32 $0x14380;
	[sflag:s14] =	ssyncadd.s32 $0xFFFFC000  }
0x1f5: {  	[tilespmem:s0], [sflag:$0x3] =	stream.indirect.gather [hbm4b:s4+s28], $0x80, s13, s28, $0xb8;
	[tilespmem:$0x1C800] =	vst v63  }
0x1f6: {  	s19 =	simm.s32 $0x143C0  }
0x1f7: {  	[tilespmem:s6], [sflag:$0x4] =	stream.indirect.gather [hbm4b:s4+s28], $0x80, s19, s28, $0xb8;
	[tilespmem:$0x1C800] =	vst v63  }
0x1f8: {  	_ =	swait.ge [sflag:s25], $0x2000  }
0x1f9: {  	[sflag:s25] =	ssyncset.done $0x0  }
0x1fa: {  	[sflag:s25] =	ssyncadd.s32 $0xFFFFE000  }
0x1fb: {  	_ =	swait.ge [sflag:s8], $0x2000  }
0x1fc: {  	[sflag:s8] =	ssyncset.done $0x0  }
0x1fd: {  	s12 =	simm.s32 $0x14700;
	[sflag:s8] =	ssyncadd.s32 $0xFFFFE000  }
0x1fe: {  	[spmem:s2] =	stream.indirect.scatter.add.f32 [tilespmem:s15], [sflag:$0x5], $0x80, s12, s17, $0xb8;
	[tilespmem:$0x1C800] =	vst v63  }
0x1ff: {  	_ =	swait.ge [sflag:s14], $0x4000  }
0x200: {  	[sflag:s14] =	ssyncset.done $0x0  }
0x201: {  	[sflag:s14] =	ssyncadd.s32 $0xFFFFC000  }
0x202: {  	s21 =	simm.s32 $0x14580;
	_ =	swait.ge [sflag:s5], $0x2000  }
0x203: {  	s22 =	simm.s32 $0x14600;
	s29 =	simm.s32 $0x100;
	[sflag:s5] =	ssyncset.done $0x0  }
0x204: {  	s3 =	simm.s32 $0x14140;
	s23 =	simm.s32 $0x14680;
	[sflag:s5] =	ssyncadd.s32 $0xFFFFE000  }
0x205: {  	s24 =	simm.s32 $0x14700;
	s20 =	simm.s32 $0x14780;
	_ =	swait.ge [sflag:s7], $0x2000  }
0x206: {  	s10 =	simm.s32 $0x14080;
	s11 =	simm.s32 $0x140C0;
	[sflag:s7] =	ssyncset.done $0x0  }
0x207: {  	s9 =	simm.s32 $0x14040;
	s13 =	simm.s32 $0x14100;
	[sflag:s7] =	ssyncadd.s32 $0xFFFFE000  }
0x208: {  	[spmem:s2] =	stream.indirect.scatter.add.f32 [tilespmem:s0], [sflag:$0x5], $0x80, s20, s17, $0xb8;
	[tilespmem:$0x1C800] =	vst v63  }
0x209: {  	s19 =	simm.s32 $0x14780;
	s12 =	simm.s32 $0x80;
	_ =	swait.ge [sflag:s14], $0x4000  }
0x20a: {  	s20 =	simm.s32 $0x14180;
	s31 =	rddreg [dreg:$0x5];
	[sflag:s14] =	ssyncset.done $0x0  }
.LBB2_6:
0x20b: {  	[sflag:s14] =	ssyncadd.s32 $0xFFFFC000;
	s31 =	sadd.s32 s12, s31  }
0x20c: {  	[tilespmem:s26], [sflag:$0x5] =	stream.linear.gather [hbm4b:s31+s18], $0x400, $0x38;
	[tilespmem:$0x1C800] =	vst v63  }
0x20d: {  	_ =	swait.ge [sflag:s14], $0x400  }
0x20e: {  	s31 =	rddreg [dreg:$0x6];
	[sflag:s14] =	ssyncset.done $0x0  }
0x20f: {  	[sflag:s14] =	ssyncadd.s32 $0xFFFFFC00;
	s31 =	sadd.s32 s12, s31  }
0x210: {  	[tilespmem:s16], [sflag:$0x5] =	stream.linear.gather [hbm4b:s31+s18], $0x400, $0x38;
	[tilespmem:$0x1C800] =	vst v63  }
0x211: {  	_ =	swait.ge [sflag:s14], $0x400  }
0x212: {  	[sflag:s14] =	ssyncset.done $0x0  }
0x213: {  	[sflag:s14] =	ssyncadd.s32 $0xFFFFFC00  }
0x214: {  	[tilespmem:s15], [sflag:$0x1] =	stream.indirect.gather [hbm4b:s4+s28], $0x80, s26, s28, $0xb8;
	[tilespmem:$0x1C800] =	vst v63  }
0x215: {  	_ = 	snop  }
0x216: {  	[tilespmem:s30], [sflag:$0x2] =	stream.indirect.gather [hbm4b:s4+s28], $0x80, s9, s28, $0xb8;
	[tilespmem:$0x1C800] =	vst v63  }
0x217: {  	_ = 	snop  }
0x218: {  	[tilespmem:s0], [sflag:$0x3] =	stream.indirect.gather [hbm4b:s4+s28], $0x80, s10, s28, $0xb8;
	[tilespmem:$0x1C800] =	vst v63  }
0x219: {  	_ = 	snop  }
0x21a: {  	[tilespmem:s6], [sflag:$0x4] =	stream.indirect.gather [hbm4b:s4+s28], $0x80, s11, s28, $0xb8;
	[tilespmem:$0x1C800] =	vst v63  }
0x21b: {  	_ =	swait.ge [sflag:s25], $0x2000  }
0x21c: {  	[sflag:s25] =	ssyncset.done $0x0  }
0x21d: {  	[sflag:s25] =	ssyncadd.s32 $0xFFFFE000  }
0x21e: {  	_ =	swait.ge [sflag:s8], $0x2000  }
0x21f: {  	[sflag:s8] =	ssyncset.done $0x0  }
0x220: {  	[sflag:s8] =	ssyncadd.s32 $0xFFFFE000  }
0x221: {  	[spmem:s2] =	stream.indirect.scatter.add.f32 [tilespmem:s15], [sflag:$0x5], $0x80, s16, s17, $0xb8;
	[tilespmem:$0x1C800] =	vst v63  }
0x222: {  	_ =	swait.ge [sflag:s14], $0x4000  }
0x223: {  	[sflag:s14] =	ssyncset.done $0x0  }
0x224: {  	[sflag:s14] =	ssyncadd.s32 $0xFFFFC000  }
0x225: {  	[tilespmem:s15], [sflag:$0x1] =	stream.indirect.gather [hbm4b:s4+s28], $0x80, s13, s28, $0xb8;
	[tilespmem:$0x1C800] =	vst v63  }
0x226: {  	_ = 	snop  }
0x227: {  	[tilespmem:s30], [sflag:$0x2] =	stream.indirect.gather [hbm4b:s4+s28], $0x80, s3, s28, $0xb8;
	[tilespmem:$0x1C800] =	vst v63  }
0x228: {  	_ =	swait.ge [sflag:s5], $0x2000  }
0x229: {  	[sflag:s5] =	ssyncset.done $0x0  }
0x22a: {  	[sflag:s5] =	ssyncadd.s32 $0xFFFFE000  }
0x22b: {  	_ =	swait.ge [sflag:s7], $0x2000  }
0x22c: {  	s1 =	smov.u32 s29;
	[sflag:s7] =	ssyncset.done $0x0  }
0x22d: {  	s12 =	smov.u32 s1;
	s1 =	simm.s32 $0x14480;
	[sflag:s7] =	ssyncadd.s32 $0xFFFFE000  }
0x22e: {  	[spmem:s2] =	stream.indirect.scatter.add.f32 [tilespmem:s0], [sflag:$0x5], $0x80, s1, s17, $0xb8;
	[tilespmem:$0x1C800] =	vst v63  }
0x22f: {  	_ =	swait.ge [sflag:s14], $0x4000  }
0x230: {  	[sflag:s14] =	ssyncset.done $0x0  }
0x231: {  	[sflag:s14] =	ssyncadd.s32 $0xFFFFC000  }
0x232: {  	[tilespmem:s0], [sflag:$0x3] =	stream.indirect.gather [hbm4b:s4+s28], $0x80, s20, s28, $0xb8;
	[tilespmem:$0x1C800] =	vst v63  }
0x233: {  	s1 =	simm.s32 $0x141C0  }
0x234: {  	[tilespmem:s6], [sflag:$0x4] =	stream.indirect.gather [hbm4b:s4+s28], $0x80, s1, s28, $0xb8;
	[tilespmem:$0x1C800] =	vst v63  }
0x235: {  	_ =	swait.ge [sflag:s25], $0x2000  }
0x236: {  	[sflag:s25] =	ssyncset.done $0x0  }
0x237: {  	[sflag:s25] =	ssyncadd.s32 $0xFFFFE000  }
0x238: {  	_ =	swait.ge [sflag:s8], $0x2000  }
0x239: {  	[sflag:s8] =	ssyncset.done $0x0  }
0x23a: {  	s1 =	simm.s32 $0x14500;
	[sflag:s8] =	ssyncadd.s32 $0xFFFFE000  }
0x23b: {  	[spmem:s2] =	stream.indirect.scatter.add.f32 [tilespmem:s15], [sflag:$0x5], $0x80, s1, s17, $0xb8;
	[tilespmem:$0x1C800] =	vst v63  }
0x23c: {  	_ =	swait.ge [sflag:s14], $0x4000  }
0x23d: {  	[sflag:s14] =	ssyncset.done $0x0  }
0x23e: {  	s1 =	simm.s32 $0x14200;
	[sflag:s14] =	ssyncadd.s32 $0xFFFFC000  }
0x23f: {  	[tilespmem:s15], [sflag:$0x1] =	stream.indirect.gather [hbm4b:s4+s28], $0x80, s1, s28, $0xb8;
	[tilespmem:$0x1C800] =	vst v63  }
0x240: {  	s1 =	simm.s32 $0x14240  }
0x241: {  	[tilespmem:s30], [sflag:$0x2] =	stream.indirect.gather [hbm4b:s4+s28], $0x80, s1, s28, $0xb8;
	[tilespmem:$0x1C800] =	vst v63  }
0x242: {  	_ =	swait.ge [sflag:s5], $0x2000  }
0x243: {  	[sflag:s5] =	ssyncset.done $0x0  }
0x244: {  	[sflag:s5] =	ssyncadd.s32 $0xFFFFE000  }
0x245: {  	_ =	swait.ge [sflag:s7], $0x2000  }
0x246: {  	[sflag:s7] =	ssyncset.done $0x0  }
0x247: {  	[sflag:s7] =	ssyncadd.s32 $0xFFFFE000  }
0x248: {  	[spmem:s2] =	stream.indirect.scatter.add.f32 [tilespmem:s0], [sflag:$0x5], $0x80, s21, s17, $0xb8;
	[tilespmem:$0x1C800] =	vst v63  }
0x249: {  	_ =	swait.ge [sflag:s14], $0x4000  }
0x24a: {  	[sflag:s14] =	ssyncset.done $0x0  }
0x24b: {  	s1 =	simm.s32 $0x14280;
	[sflag:s14] =	ssyncadd.s32 $0xFFFFC000  }
0x24c: {  	[tilespmem:s0], [sflag:$0x3] =	stream.indirect.gather [hbm4b:s4+s28], $0x80, s1, s28, $0xb8;
	[tilespmem:$0x1C800] =	vst v63  }
0x24d: {  	s1 =	simm.s32 $0x142C0  }
0x24e: {  	[tilespmem:s6], [sflag:$0x4] =	stream.indirect.gather [hbm4b:s4+s28], $0x80, s1, s28, $0xb8;
	[tilespmem:$0x1C800] =	vst v63  }
0x24f: {  	_ =	swait.ge [sflag:s25], $0x2000  }
0x250: {  	[sflag:s25] =	ssyncset.done $0x0  }
0x251: {  	[sflag:s25] =	ssyncadd.s32 $0xFFFFE000  }
0x252: {  	_ =	swait.ge [sflag:s8], $0x2000  }
0x253: {  	[sflag:s8] =	ssyncset.done $0x0  }
0x254: {  	[sflag:s8] =	ssyncadd.s32 $0xFFFFE000  }
0x255: {  	[spmem:s2] =	stream.indirect.scatter.add.f32 [tilespmem:s15], [sflag:$0x5], $0x80, s22, s17, $0xb8;
	[tilespmem:$0x1C800] =	vst v63  }
0x256: {  	_ =	swait.ge [sflag:s14], $0x4000  }
0x257: {  	[sflag:s14] =	ssyncset.done $0x0  }
0x258: {  	s1 =	simm.s32 $0x14300;
	[sflag:s14] =	ssyncadd.s32 $0xFFFFC000  }
0x259: {  	[tilespmem:s15], [sflag:$0x1] =	stream.indirect.gather [hbm4b:s4+s28], $0x80, s1, s28, $0xb8;
	[tilespmem:$0x1C800] =	vst v63  }
0x25a: {  	s1 =	simm.s32 $0x14340  }
0x25b: {  	[tilespmem:s30], [sflag:$0x2] =	stream.indirect.gather [hbm4b:s4+s28], $0x80, s1, s28, $0xb8;
	[tilespmem:$0x1C800] =	vst v63  }
0x25c: {  	_ =	swait.ge [sflag:s5], $0x2000  }
0x25d: {  	[sflag:s5] =	ssyncset.done $0x0  }
0x25e: {  	[sflag:s5] =	ssyncadd.s32 $0xFFFFE000  }
0x25f: {  	_ =	swait.ge [sflag:s7], $0x2000  }
0x260: {  	[sflag:s7] =	ssyncset.done $0x0  }
0x261: {  	[sflag:s7] =	ssyncadd.s32 $0xFFFFE000  }
0x262: {  	[spmem:s2] =	stream.indirect.scatter.add.f32 [tilespmem:s0], [sflag:$0x5], $0x80, s23, s17, $0xb8;
	[tilespmem:$0x1C800] =	vst v63  }
0x263: {  	_ =	swait.ge [sflag:s14], $0x4000  }
0x264: {  	[sflag:s14] =	ssyncset.done $0x0  }
0x265: {  	s1 =	simm.s32 $0x14380;
	[sflag:s14] =	ssyncadd.s32 $0xFFFFC000  }
0x266: {  	[tilespmem:s0], [sflag:$0x3] =	stream.indirect.gather [hbm4b:s4+s28], $0x80, s1, s28, $0xb8;
	[tilespmem:$0x1C800] =	vst v63  }
0x267: {  	s1 =	simm.s32 $0x143C0  }
0x268: {  	[tilespmem:s6], [sflag:$0x4] =	stream.indirect.gather [hbm4b:s4+s28], $0x80, s1, s28, $0xb8;
	[tilespmem:$0x1C800] =	vst v63  }
0x269: {  	_ =	swait.ge [sflag:s25], $0x2000  }
0x26a: {  	[sflag:s25] =	ssyncset.done $0x0  }
0x26b: {  	[sflag:s25] =	ssyncadd.s32 $0xFFFFE000  }
0x26c: {  	_ =	swait.ge [sflag:s8], $0x2000  }
0x26d: {  	[sflag:s8] =	ssyncset.done $0x0  }
0x26e: {  	[sflag:s8] =	ssyncadd.s32 $0xFFFFE000  }
0x26f: {  	[spmem:s2] =	stream.indirect.scatter.add.f32 [tilespmem:s15], [sflag:$0x5], $0x80, s24, s17, $0xb8;
	[tilespmem:$0x1C800] =	vst v63  }
0x270: {  	_ =	swait.ge [sflag:s14], $0x4000  }
0x271: {  	[sflag:s14] =	ssyncset.done $0x0  }
0x272: {  	[sflag:s14] =	ssyncadd.s32 $0xFFFFC000  }
0x273: {  	_ =	swait.ge [sflag:s5], $0x2000  }
0x274: {  	[sflag:s5] =	ssyncset.done $0x0  }
0x275: {  	[sflag:s5] =	ssyncadd.s32 $0xFFFFE000  }
0x276: {  	p0 =	sne.s32 s29, $0x200;
	_ =	swait.ge [sflag:s7], $0x2000  }
.Ltmp2:
0x277: {  	[sflag:s7] =	ssyncset.done $0x0;
	(pc) =	sbr.rel @p0 .LBB2_6-.Ltmp2, $4  }
0x278: {  	[sflag:s7] =	ssyncadd.s32 $0xFFFFE000  }
0x279: {  	[spmem:s2] =	stream.indirect.scatter.add.f32 [tilespmem:s0], [sflag:$0x5], $0x80, s19, s17, $0xb8;
	[tilespmem:$0x1C800] =	vst v63  }
0x27a: {  	_ =	swait.ge [sflag:s14], $0x4000  }
0x27b: {  	s29 =	sadd.s32 $0x80, s29;
	s31 =	rddreg [dreg:$0x5];
	[sflag:s14] =	ssyncset.done $0x0  }
0x27c: {  	[sflag:s14] =	ssyncadd.s32 $0xFFFFC000;
	s1 =	sadd.s32 s12, s31  }
0x27d: {  	[tilespmem:s26], [sflag:$0x5] =	stream.linear.gather [hbm4b:s1+s18], $0x400, $0x38;
	[tilespmem:$0x1C800] =	vst v63  }
0x27e: {  	_ =	swait.ge [sflag:s14], $0x400  }
0x27f: {  	s19 =	rddreg [dreg:$0x6];
	[sflag:s14] =	ssyncset.done $0x0  }
0x280: {  	s1 =	sadd.s32 s12, s19;
	[sflag:s14] =	ssyncadd.s32 $0xFFFFFC00  }
0x281: {  	[tilespmem:s16], [sflag:$0x5] =	stream.linear.gather [hbm4b:s1+s18], $0x400, $0x38;
	[tilespmem:$0x1C800] =	vst v63  }
0x282: {  	_ =	swait.ge [sflag:s14], $0x400  }
0x283: {  	[sflag:s14] =	ssyncset.done $0x0  }
0x284: {  	[sflag:s14] =	ssyncadd.s32 $0xFFFFFC00  }
0x285: {  	[tilespmem:s15], [sflag:$0x1] =	stream.indirect.gather [hbm4b:s4+s28], $0x80, s26, s28, $0xb8;
	[tilespmem:$0x1C800] =	vst v63  }
0x286: {  	_ = 	snop  }
0x287: {  	[tilespmem:s30], [sflag:$0x2] =	stream.indirect.gather [hbm4b:s4+s28], $0x80, s9, s28, $0xb8;
	[tilespmem:$0x1C800] =	vst v63  }
0x288: {  	_ = 	snop  }
0x289: {  	[tilespmem:s0], [sflag:$0x3] =	stream.indirect.gather [hbm4b:s4+s28], $0x80, s10, s28, $0xb8;
	[tilespmem:$0x1C800] =	vst v63  }
0x28a: {  	_ = 	snop  }
0x28b: {  	[tilespmem:s6], [sflag:$0x4] =	stream.indirect.gather [hbm4b:s4+s28], $0x80, s11, s28, $0xb8;
	[tilespmem:$0x1C800] =	vst v63  }
0x28c: {  	_ =	swait.ge [sflag:s25], $0x2000  }
0x28d: {  	[sflag:s25] =	ssyncset.done $0x0  }
0x28e: {  	[sflag:s25] =	ssyncadd.s32 $0xFFFFE000  }
0x28f: {  	_ =	swait.ge [sflag:s8], $0x2000  }
0x290: {  	[sflag:s8] =	ssyncset.done $0x0  }
0x291: {  	[sflag:s8] =	ssyncadd.s32 $0xFFFFE000  }
0x292: {  	[spmem:s2] =	stream.indirect.scatter.add.f32 [tilespmem:s15], [sflag:$0x5], $0x80, s16, s17, $0xb8;
	[tilespmem:$0x1C800] =	vst v63  }
0x293: {  	_ =	swait.ge [sflag:s14], $0x4000  }
0x294: {  	[sflag:s14] =	ssyncset.done $0x0  }
0x295: {  	[sflag:s14] =	ssyncadd.s32 $0xFFFFC000  }
0x296: {  	[tilespmem:s15], [sflag:$0x1] =	stream.indirect.gather [hbm4b:s4+s28], $0x80, s13, s28, $0xb8;
	[tilespmem:$0x1C800] =	vst v63  }
0x297: {  	_ = 	snop  }
0x298: {  	[tilespmem:s30], [sflag:$0x2] =	stream.indirect.gather [hbm4b:s4+s28], $0x80, s3, s28, $0xb8;
	[tilespmem:$0x1C800] =	vst v63  }
0x299: {  	_ =	swait.ge [sflag:s5], $0x2000  }
0x29a: {  	[sflag:s5] =	ssyncset.done $0x0  }
0x29b: {  	[sflag:s5] =	ssyncadd.s32 $0xFFFFE000  }
0x29c: {  	_ =	swait.ge [sflag:s7], $0x2000  }
0x29d: {  	[sflag:s7] =	ssyncset.done $0x0  }
0x29e: {  	s18 =	simm.s32 $0x14480;
	[sflag:s7] =	ssyncadd.s32 $0xFFFFE000  }
0x29f: {  	[spmem:s2] =	stream.indirect.scatter.add.f32 [tilespmem:s0], [sflag:$0x5], $0x80, s18, s17, $0xb8;
	[tilespmem:$0x1C800] =	vst v63  }
0x2a0: {  	_ =	swait.ge [sflag:s14], $0x4000  }
0x2a1: {  	[sflag:s14] =	ssyncset.done $0x0  }
0x2a2: {  	[sflag:s14] =	ssyncadd.s32 $0xFFFFC000  }
0x2a3: {  	[tilespmem:s0], [sflag:$0x3] =	stream.indirect.gather [hbm4b:s4+s28], $0x80, s20, s28, $0xb8;
	[tilespmem:$0x1C800] =	vst v63  }
0x2a4: {  	s20 =	simm.s32 $0x141C0  }
0x2a5: {  	[tilespmem:s6], [sflag:$0x4] =	stream.indirect.gather [hbm4b:s4+s28], $0x80, s20, s28, $0xb8;
	[tilespmem:$0x1C800] =	vst v63  }
0x2a6: {  	_ =	swait.ge [sflag:s25], $0x2000  }
0x2a7: {  	[sflag:s25] =	ssyncset.done $0x0  }
0x2a8: {  	[sflag:s25] =	ssyncadd.s32 $0xFFFFE000  }
0x2a9: {  	_ =	swait.ge [sflag:s8], $0x2000  }
0x2aa: {  	[sflag:s8] =	ssyncset.done $0x0  }
0x2ab: {  	s19 =	simm.s32 $0x14500;
	[sflag:s8] =	ssyncadd.s32 $0xFFFFE000  }
0x2ac: {  	[spmem:s2] =	stream.indirect.scatter.add.f32 [tilespmem:s15], [sflag:$0x5], $0x80, s19, s17, $0xb8;
	[tilespmem:$0x1C800] =	vst v63  }
0x2ad: {  	_ =	swait.ge [sflag:s14], $0x4000  }
0x2ae: {  	[sflag:s14] =	ssyncset.done $0x0  }
0x2af: {  	s21 =	simm.s32 $0x14200;
	[sflag:s14] =	ssyncadd.s32 $0xFFFFC000  }
0x2b0: {  	[tilespmem:s15], [sflag:$0x1] =	stream.indirect.gather [hbm4b:s4+s28], $0x80, s21, s28, $0xb8;
	[tilespmem:$0x1C800] =	vst v63  }
0x2b1: {  	s22 =	simm.s32 $0x14240  }
0x2b2: {  	[tilespmem:s30], [sflag:$0x2] =	stream.indirect.gather [hbm4b:s4+s28], $0x80, s22, s28, $0xb8;
	[tilespmem:$0x1C800] =	vst v63  }
0x2b3: {  	_ =	swait.ge [sflag:s5], $0x2000  }
0x2b4: {  	[sflag:s5] =	ssyncset.done $0x0  }
0x2b5: {  	[sflag:s5] =	ssyncadd.s32 $0xFFFFE000  }
0x2b6: {  	_ =	swait.ge [sflag:s7], $0x2000  }
0x2b7: {  	[sflag:s7] =	ssyncset.done $0x0  }
0x2b8: {  	s20 =	simm.s32 $0x14580;
	[sflag:s7] =	ssyncadd.s32 $0xFFFFE000  }
0x2b9: {  	[spmem:s2] =	stream.indirect.scatter.add.f32 [tilespmem:s0], [sflag:$0x5], $0x80, s20, s17, $0xb8;
	[tilespmem:$0x1C800] =	vst v63  }
0x2ba: {  	_ =	swait.ge [sflag:s14], $0x4000  }
0x2bb: {  	[sflag:s14] =	ssyncset.done $0x0  }
0x2bc: {  	s23 =	simm.s32 $0x14280;
	[sflag:s14] =	ssyncadd.s32 $0xFFFFC000  }
0x2bd: {  	[tilespmem:s0], [sflag:$0x3] =	stream.indirect.gather [hbm4b:s4+s28], $0x80, s23, s28, $0xb8;
	[tilespmem:$0x1C800] =	vst v63  }
0x2be: {  	s24 =	simm.s32 $0x142C0  }
0x2bf: {  	[tilespmem:s6], [sflag:$0x4] =	stream.indirect.gather [hbm4b:s4+s28], $0x80, s24, s28, $0xb8;
	[tilespmem:$0x1C800] =	vst v63  }
0x2c0: {  	_ =	swait.ge [sflag:s25], $0x2000  }
0x2c1: {  	[sflag:s25] =	ssyncset.done $0x0  }
0x2c2: {  	[sflag:s25] =	ssyncadd.s32 $0xFFFFE000  }
0x2c3: {  	_ =	swait.ge [sflag:s8], $0x2000  }
0x2c4: {  	[sflag:s8] =	ssyncset.done $0x0  }
0x2c5: {  	s21 =	simm.s32 $0x14600;
	[sflag:s8] =	ssyncadd.s32 $0xFFFFE000  }
0x2c6: {  	[spmem:s2] =	stream.indirect.scatter.add.f32 [tilespmem:s15], [sflag:$0x5], $0x80, s21, s17, $0xb8;
	[tilespmem:$0x1C800] =	vst v63  }
0x2c7: {  	_ =	swait.ge [sflag:s14], $0x4000  }
0x2c8: {  	[sflag:s14] =	ssyncset.done $0x0  }
0x2c9: {  	s31 =	simm.s32 $0x14300;
	[sflag:s14] =	ssyncadd.s32 $0xFFFFC000  }
0x2ca: {  	[tilespmem:s15], [sflag:$0x1] =	stream.indirect.gather [hbm4b:s4+s28], $0x80, s31, s28, $0xb8;
	[tilespmem:$0x1C800] =	vst v63  }
0x2cb: {  	s3 =	simm.s32 $0x14340  }
0x2cc: {  	[tilespmem:s30], [sflag:$0x2] =	stream.indirect.gather [hbm4b:s4+s28], $0x80, s3, s28, $0xb8;
	[tilespmem:$0x1C800] =	vst v63  }
0x2cd: {  	_ =	swait.ge [sflag:s5], $0x2000  }
0x2ce: {  	[sflag:s5] =	ssyncset.done $0x0  }
0x2cf: {  	[sflag:s5] =	ssyncadd.s32 $0xFFFFE000  }
0x2d0: {  	_ =	swait.ge [sflag:s7], $0x2000  }
0x2d1: {  	[sflag:s7] =	ssyncset.done $0x0  }
0x2d2: {  	s22 =	simm.s32 $0x14680;
	[sflag:s7] =	ssyncadd.s32 $0xFFFFE000  }
0x2d3: {  	[spmem:s2] =	stream.indirect.scatter.add.f32 [tilespmem:s0], [sflag:$0x5], $0x80, s22, s17, $0xb8;
	[tilespmem:$0x1C800] =	vst v63  }
0x2d4: {  	_ =	swait.ge [sflag:s14], $0x4000  }
0x2d5: {  	[sflag:s14] =	ssyncset.done $0x0  }
0x2d6: {  	s9 =	simm.s32 $0x14380;
	[sflag:s14] =	ssyncadd.s32 $0xFFFFC000  }
0x2d7: {  	[tilespmem:s0], [sflag:$0x3] =	stream.indirect.gather [hbm4b:s4+s28], $0x80, s9, s28, $0xb8;
	[tilespmem:$0x1C800] =	vst v63  }
0x2d8: {  	s10 =	simm.s32 $0x143C0  }
0x2d9: {  	[tilespmem:s6], [sflag:$0x4] =	stream.indirect.gather [hbm4b:s4+s28], $0x80, s10, s28, $0xb8;
	[tilespmem:$0x1C800] =	vst v63  }
0x2da: {  	_ =	swait.ge [sflag:s25], $0x2000  }
0x2db: {  	[sflag:s25] =	ssyncset.done $0x0  }
0x2dc: {  	[sflag:s25] =	ssyncadd.s32 $0xFFFFE000  }
0x2dd: {  	_ =	swait.ge [sflag:s8], $0x2000  }
0x2de: {  	[sflag:s8] =	ssyncset.done $0x0  }
0x2df: {  	s23 =	simm.s32 $0x14700;
	[sflag:s8] =	ssyncadd.s32 $0xFFFFE000  }
0x2e0: {  	[spmem:s2] =	stream.indirect.scatter.add.f32 [tilespmem:s15], [sflag:$0x5], $0x80, s23, s17, $0xb8;
	[tilespmem:$0x1C800] =	vst v63  }
0x2e1: {  	_ =	swait.ge [sflag:s14], $0x4000  }
0x2e2: {  	[sflag:s14] =	ssyncset.done $0x0  }
0x2e3: {  	[sflag:s14] =	ssyncadd.s32 $0xFFFFC000  }
0x2e4: {  	_ =	swait.ge [sflag:s5], $0x2000  }
0x2e5: {  	[sflag:s5] =	ssyncset.done $0x0  }
0x2e6: {  	[sflag:s5] =	ssyncadd.s32 $0xFFFFE000  }
0x2e7: {  	_ =	swait.ge [sflag:s7], $0x2000  }
0x2e8: {  	[sflag:s7] =	ssyncset.done $0x0  }
0x2e9: {  	s24 =	simm.s32 $0x14780;
	[sflag:s7] =	ssyncadd.s32 $0xFFFFE000  }
0x2ea: {  	[spmem:s2] =	stream.indirect.scatter.add.f32 [tilespmem:s0], [sflag:$0x5], $0x80, s24, s17, $0xb8;
	[tilespmem:$0x1C800] =	vst v63  }
0x2eb: {  	_ =	swait.ge [sflag:s14], $0x4000  }
0x2ec: {  	[sflag:s14] =	ssyncset.done $0x0  }
0x2ed: {  	[sflag:s14] =	ssyncadd.s32 $0xFFFFC000  }
0x2ee: {  	[bflag:$0x0] =	sbarrier.arrive $0xFFFF  }
0x2ef: {  	s29 =	rddreg [dreg:$0x9]  }
0x2f0: {  	s11 =	rddreg [dreg:$0xb]  }
0x2f1: {  	s12 =	rddreg [dreg:$0xf]  }
0x2f2: {  	[hbm:s11], [sflag:s29] =	dma.local [spmem:s12], $0x2800  }
0x2f3: {  	_ =	swait.ge [sflag:s14], $0x2800  }
0x2f4: {  	s13 =	rddreg [dreg:$0x10]  }
0x2f5: {  	s31 =	rddreg [dreg:$0xc];
	s10 =	sadd.s32 $0x1, s13  }
0x2f6: {  	p0 =	sne.s32 s10, s31  }
.Ltmp3:
0x2f7: {  	_ = 	snop;
	(pc) =	sbr.rel @p0 .LBB2_1-.Ltmp3, $3  }
0x2f8: {  	_ =	sdelay $0x1  }
0x2f9: {  	[sflag:s14] =	ssyncset.done $0x0  }
0x2fa: {  	s3 =	simm.s32 $0x0;
	s9 =	rddreg [dreg:$0xe];
	[sflag:s14] =	ssyncadd.s32 $0xFFFFD800  }
0x2fb: {  	_ =	sfence.sel $0x180000  }
0x2fc: {  	[bflag:$0x0] =	sbarrier.arrive $0xFFFF  }
0x2fd: {  	_ =	strace $0x90000047  }
0x2fe: {  	s0 =	stileid.u32;
	[bflag:$0x2] =	sbarrier.arrive $0xFFFF  }
0x2ff: {  	p0 =	sne.s32 s0, $0x0;
	s0 =	rddreg [dreg:$0x3]  }
0x300: {  	s0 =	sadd.s32 @!p0 $0x100000, s0  }
0x301: {  	[sflag:s0] =	ssyncadd.tile.s32 @!p0 $0x1;
	_ =	shalt  }
.Lfunc_end2:
_tile_overlayer_lowered:
.L_overlay_start_2:
0x302: {  	(tag) =	ssettag $0x2  }
0x303: {  	s0 =	rddreg [dreg:$0x0];
	s2 =	stileid.u32  }
0x304: {  	s1 =	rddreg [dreg:$0x1];
	p0 =	sne.s32 s2, $0x0  }
0x305: {  	s3 =	rddreg [dreg:$0x2];
	[bflag:$0x3] =	sbarrier.arrive $0xFFFF;
	s2 =	simm.s32 @!p0 $0x1C05  }
0x306: {  	[timem:s3], [sflag:s2] =	dma.local @!p0 [hbm:s0], s1  }
0x307: {  	s0 =	simm.s32 @!p0 $0x5  }
0x308: {  	_ =	swait.ge @!p0 [sflag:s0], s1  }
0x309: {  	s1 =	ssub.s32 @!p0 $0x0, s1;
	[sflag:s0] =	ssyncset.done @!p0 $0x0  }
0x30a: {  	[sflag:s0] =	ssyncadd.s32 @!p0 s1  }
0x30b: {  	[bflag:$0x3] =	sbarrier.arrive $0xFFFF  }
0x30c: {  	_ =	shalt  }

</sc_bundles>
